<compile_context>
chip_gen: v7x
topology: tpu7x:2x2x1
jax: 0.10.2.dev20260603
libtpu: 0.0.44.dev20260713+nightly
codegen_flags: <defaults>
</compile_context>

<pallas_src>
import jax
import jax.numpy as jnp
from jax import lax
from jax.experimental import pallas as pl
from jax.experimental.pallas import tpu as pltpu
from jax.experimental.pallas import tpu_sc as plsc

N = 10000
E = 320000
D = 128
H = 64
NC = 2
NS = 16
NW = NC * NS
L = 16
NPAD = 10240
EB = 40
NB_DEG = (E // NS) // EB
NB_EDGE = (E // NW) // EB
VPT = NPAD // NS
NSLOT = 5


def _sc_body(src4_hbm, dst4_hbm, x_hbm,
             aggx_out, c_out, deg_out,
             srcbuf, dst2buf, rowbuf,
             vals, ones_v, degbuf,
             sem_deg,
             sem_ga0, sem_ga1, sem_ga2, sem_ga3, sem_ga4,
             sem_sa0, sem_sa1, sem_sa2, sem_sa3, sem_sa4,
             sem_gb0, sem_gb1, sem_gb2, sem_gb3, sem_gb4,
             sem_sb0, sem_sb1, sem_sb2, sem_sb3, sem_sb4,
             deg_s, c_s, rdeg_s, aggx_s):
    cid = lax.axis_index("c")
    sid = lax.axis_index("s")
    wid = cid * NS + sid
    sem_ga = (sem_ga0, sem_ga1, sem_ga2, sem_ga3, sem_ga4)
    sem_sa = (sem_sa0, sem_sa1, sem_sa2, sem_sa3, sem_sa4)
    sem_gb = (sem_gb0, sem_gb1, sem_gb2, sem_gb3, sem_gb4)
    sem_sb = (sem_sb0, sem_sb1, sem_sb2, sem_sb3, sem_sb4)

    zero16 = jnp.zeros((L,), jnp.float32)
    one16 = jnp.ones((L,), jnp.float32)

    def _zvec_step(i, carry):
        degbuf[pl.ds(i * L, L)] = zero16
        return carry
    lax.fori_loop(0, VPT // L, _zvec_step, 0)

    def _zrow_step(i, carry):
        for ch in range(D // L):
            rowbuf[0, i, pl.ds(ch * L, L)] = zero16
        return carry
    lax.fori_loop(0, EB, _zrow_step, 0)

    for off in range(0, EB - L + 1, L):
        ones_v[pl.ds(off, L)] = one16
    if EB % L:
        ones_v[pl.ds(EB - L, L)] = one16

    pltpu.sync_copy(degbuf, deg_s.at[pl.ds(sid * VPT, VPT)])
    pltpu.sync_copy(degbuf, c_s.at[pl.ds(sid * VPT, VPT)])
    for i in range(VPT // EB):
        pltpu.sync_copy(rowbuf.at[0],
                        aggx_s.at[pl.ds(sid * VPT + i * EB, EB)])
    plsc.subcore_barrier()

    GRP = 50

    def _deg_grp(g, carry):
        def _fire(k, c2):
            pltpu.async_copy(ones_v, deg_s.at[dst2buf.at[g * GRP + k]],
                             sem_deg, add=True)
            return c2
        lax.fori_loop(0, GRP, _fire, 0)

        def _draing(k, c2):
            pltpu.make_async_copy(ones_v, deg_s.at[dst2buf.at[g * GRP + k]],
                                  sem_deg).wait()
            return c2
        lax.fori_loop(0, GRP, _draing, 0)
        return carry

    for half in range(NB_DEG // NB_EDGE):
        pltpu.sync_copy(dst4_hbm.at[sid, pl.ds(half * NB_EDGE, NB_EDGE)],
                        dst2buf)
        lax.fori_loop(0, NB_EDGE // GRP, _deg_grp, 0)
    plsc.subcore_barrier()

    pltpu.sync_copy(deg_s.at[pl.ds(sid * VPT, VPT)], degbuf)
    pltpu.sync_copy(degbuf, deg_out.at[cid, 0, pl.ds(sid * VPT, VPT)])
    for i in range(VPT // L):
        v = degbuf[pl.ds(i * L, L)]
        degbuf[pl.ds(i * L, L)] = 1.0 / jnp.maximum(v, 1.0)
    pltpu.sync_copy(degbuf, rdeg_s.at[pl.ds(sid * VPT, VPT)])
    plsc.subcore_barrier()

    erow = wid // 2
    eoff = (wid % 2) * NB_EDGE
    pltpu.sync_copy(src4_hbm.at[erow, pl.ds(eoff, NB_EDGE)], srcbuf)
    pltpu.sync_copy(dst4_hbm.at[erow, pl.ds(eoff, NB_EDGE)], dst2buf)

    def _start(j, s):
        pltpu.async_copy(rdeg_s.at[dst2buf.at[j]], vals.at[s], sem_ga[s])
        pltpu.async_copy(x_hbm.at[srcbuf.at[j]], rowbuf.at[s], sem_gb[s])

    def _finish(j, s):
        pltpu.make_async_copy(rdeg_s.at[dst2buf.at[j]], vals.at[s],
                              sem_ga[s]).wait()
        pltpu.make_async_copy(x_hbm.at[srcbuf.at[j]], rowbuf.at[s],
                              sem_gb[s]).wait()
        pltpu.async_copy(vals.at[s], c_s.at[srcbuf.at[j]], sem_sa[s],
                         add=True)
        pltpu.async_copy(rowbuf.at[s], aggx_s.at[dst2buf.at[j]], sem_sb[s],
                         add=True)

    def _drain(j, s):
        pltpu.make_async_copy(vals.at[s], c_s.at[srcbuf.at[j]],
                              sem_sa[s]).wait()
        pltpu.make_async_copy(rowbuf.at[s], aggx_s.at[dst2buf.at[j]],
                              sem_sb[s]).wait()

    for s in range(NSLOT):
        _start(s, s)

    def _pipe(g, carry):
        j0 = NSLOT * g
        for s in range(NSLOT):
            _finish(j0 + s, s)
            _drain(j0 + s, s)
            _start(j0 + s + NSLOT, s)
        return carry
    lax.fori_loop(0, NB_EDGE // NSLOT - 1, _pipe, 0)
    for s in range(NSLOT):
        _finish(NB_EDGE - NSLOT + s, s)
        _drain(NB_EDGE - NSLOT + s, s)
    plsc.subcore_barrier()

    pltpu.sync_copy(c_s.at[pl.ds(sid * VPT, VPT)], degbuf)
    pltpu.sync_copy(degbuf, c_out.at[cid, 0, pl.ds(sid * VPT, VPT)])
    for k in range(VPT // EB):
        r0 = sid * VPT + k * EB
        s = k % NSLOT
        pltpu.sync_copy(aggx_s.at[pl.ds(r0, EB)], rowbuf.at[s])
        pltpu.sync_copy(rowbuf.at[s], aggx_out.at[cid, pl.ds(r0, EB)])


_sc_call = pl.kernel(
    _sc_body,
    out_type=[
        jax.ShapeDtypeStruct((NC, NPAD, D), jnp.float32),
        jax.ShapeDtypeStruct((NC, 1, NPAD), jnp.float32),
        jax.ShapeDtypeStruct((NC, 1, NPAD), jnp.float32),
    ],
    mesh=plsc.VectorSubcoreMesh(core_axis_name="c", subcore_axis_name="s"),
    compiler_params=pltpu.CompilerParams(use_tc_tiling_on_sc=False),
    scratch_types=[
        pltpu.VMEM((NB_EDGE, EB), jnp.int32),
        pltpu.VMEM((NB_EDGE, EB), jnp.int32),
        pltpu.VMEM((NSLOT, EB, D), jnp.float32),
        pltpu.VMEM((NSLOT, EB), jnp.float32),
        pltpu.VMEM((EB,), jnp.float32),
        pltpu.VMEM((VPT,), jnp.float32),
    ] + [pltpu.SemaphoreType.DMA] * 21 + [
        pltpu.VMEM_SHARED((NPAD,), jnp.float32),
        pltpu.VMEM_SHARED((NPAD,), jnp.float32),
        pltpu.VMEM_SHARED((NPAD,), jnp.float32),
        pltpu.VMEM_SHARED((NPAD, D), jnp.float32),
    ],
)

_HI = jax.lax.Precision.HIGHEST


def _final_body(x_ref, aggx_ref, deg_ref, c_ref,
                w1s_ref, w1n_ref, b1_ref,
                w2s_ref, w2n_ref, b2_ref, wc_ref, bc_ref, out_ref):
    deg = jnp.maximum(deg_ref[0, 0, :N], 1.0)
    agg1 = (aggx_ref[0, :N] + aggx_ref[1, :N]) / deg[:, None]
    xb = x_ref[...]
    h1 = jnp.maximum(
        jnp.dot(xb.astype(jnp.bfloat16), w1s_ref[...].astype(jnp.bfloat16),
                preferred_element_type=jnp.float32)
        + jnp.dot(agg1.astype(jnp.bfloat16),
                  w1n_ref[...].astype(jnp.bfloat16),
                  preferred_element_type=jnp.float32)
        + b1_ref[...], 0.0)
    c = c_ref[0, 0, :N] + c_ref[1, 0, :N]
    s1 = jnp.sum(h1, axis=0, keepdims=True)
    s2 = jnp.dot(c[None, :], h1, precision=_HI,
                 preferred_element_type=jnp.float32)
    w2s = w2s_ref[...].astype(jnp.bfloat16).astype(jnp.float32)
    w2n = w2n_ref[...].astype(jnp.bfloat16).astype(jnp.float32)
    m = (jnp.dot(s1 / N, w2s, precision=_HI,
                 preferred_element_type=jnp.float32)
         + jnp.dot(s2 / N, w2n, precision=_HI,
                   preferred_element_type=jnp.float32)
         + b2_ref[...])
    out_ref[...] = jnp.dot(m, wc_ref[...], precision=_HI,
                           preferred_element_type=jnp.float32) + bc_ref[...]


def kernel(x, edge_index, W1_self, W1_neigh, b1, W2_self, W2_neigh, b2, Wc, bc):
    src4 = edge_index[0].reshape(NS, NB_DEG, EB)
    dst4 = edge_index[1].reshape(NS, NB_DEG, EB)

    aggx, c, deg = _sc_call(src4, dst4, x)

    pred = pl.pallas_call(
        _final_body,
        out_shape=jax.ShapeDtypeStruct((1, 1), jnp.float32),
    )(x, aggx, deg, c, W1_self, W1_neigh, b1.reshape(1, H),
      W2_self, W2_neigh, b2.reshape(1, H), Wc, bc.reshape(1, 1))
    return pred.reshape(1)

# --- scband reference (transcript-rebuilt; emitter-appended) ---
"""Pipeline reference for scband-model-47785806135926 (READ-ONLY COPY).

The authoritative reference and input builder live on the scoring server;
editing this copy changes nothing except your own understanding.
"""

import jax, jax.numpy as jnp
import numpy as np

N = 10000
E = 320000
D = 128
H = 64


def setup_inputs(seed: int = 0) -> dict:
    key = jax.random.key(seed)
    ks = jax.random.split(key, 12)
    x = jax.random.normal(ks[0], (N, D), dtype=jnp.float32)
    edge_index = jax.random.randint(ks[1], (2, E), 0, N, dtype=jnp.int32)
    s = 1.0 / np.sqrt(D)
    sh = 1.0 / np.sqrt(H)
    W1_self = jax.random.uniform(ks[2], (D, H), dtype=jnp.float32, minval=-s, maxval=s)
    W1_neigh = jax.random.uniform(ks[3], (D, H), dtype=jnp.float32, minval=-s, maxval=s)
    b1 = jnp.zeros((H,), dtype=jnp.float32)
    W2_self = jax.random.uniform(ks[4], (H, H), dtype=jnp.float32, minval=-sh, maxval=sh)
    W2_neigh = jax.random.uniform(ks[5], (H, H), dtype=jnp.float32, minval=-sh, maxval=sh)
    b2 = jnp.zeros((H,), dtype=jnp.float32)
    Wc = jax.random.uniform(ks[6], (H, 1), dtype=jnp.float32, minval=-sh, maxval=sh)
    bc = jnp.zeros((1,), dtype=jnp.float32)
    return {
        'x': x, 'edge_index': edge_index,
        'W1_self': W1_self, 'W1_neigh': W1_neigh, 'b1': b1,
        'W2_self': W2_self, 'W2_neigh': W2_neigh, 'b2': b2,
        'Wc': Wc, 'bc': bc,
    }


def reference(x, edge_index, W1_self, W1_neigh, b1, W2_self, W2_neigh, b2, Wc, bc):
    # Graph_SageMLP: two GraphSAGE (mean-aggregate) layers, then mean pool + classifier.
    src = edge_index[0]
    dst = edge_index[1]
    ones = jnp.ones(src.shape[0], dtype=jnp.float32)
    deg = jax.ops.segment_sum(ones, dst, num_segments=N)
    deg = jnp.maximum(deg, 1.0)[:, None]
    # Layer 1
    agg1 = jax.ops.segment_sum(x[src], dst, num_segments=N) / deg
    h1 = jax.nn.relu(x @ W1_self + agg1 @ W1_neigh + b1)
    # Layer 2
    agg2 = jax.ops.segment_sum(h1[src], dst, num_segments=N) / deg
    h2 = h1 @ W2_self + agg2 @ W2_neigh + b2
    # molecule embedding: mean over nodes (graph=True, use_fusion=False)
    molecule_emb = jnp.mean(h2, axis=0, keepdims=True)
    # output_layer (classifier to latent_size=1), pred = output[0]
    pred = (molecule_emb @ Wc + bc)[0]
    return pred

if __name__ == "__main__":
    import jax
    _d = setup_inputs()
    print(jax.jit(kernel)(*tuple(_d.values())))

</pallas_src>

<mosaic_0001>
#map = affine_map<(d0, d1) -> (0, 0, 0)>
#map1 = affine_map<(d0, d1) -> (0, 0)>
module attributes {stable_mosaic.version = 14 : i64} {
  func.func @_sc_body(%arg0: i32, %arg1: i32, %arg2: memref<16x500x40xi32, #tpu.memory_space<hbm>>, %arg3: memref<16x500x40xi32, #tpu.memory_space<hbm>>, %arg4: memref<10000x128xf32, #tpu.memory_space<hbm>>, %arg5: memref<2x10240x128xf32, #tpu.memory_space<hbm>>, %arg6: memref<2x1x10240xf32, #tpu.memory_space<hbm>>, %arg7: memref<2x1x10240xf32, #tpu.memory_space<hbm>>, %arg8: memref<250x40xi32, #tpu.memory_space<vmem>>, %arg9: memref<250x40xi32, #tpu.memory_space<vmem>>, %arg10: memref<5x40x128xf32, #tpu.memory_space<vmem>>, %arg11: memref<5x40xf32, #tpu.memory_space<vmem>>, %arg12: memref<40xf32, #tpu.memory_space<vmem>>, %arg13: memref<640xf32, #tpu.memory_space<vmem>>, %arg14: memref<!tpu.dma_semaphore, #tpu.memory_space<semaphore_mem>>, %arg15: memref<!tpu.dma_semaphore, #tpu.memory_space<semaphore_mem>>, %arg16: memref<!tpu.dma_semaphore, #tpu.memory_space<semaphore_mem>>, %arg17: memref<!tpu.dma_semaphore, #tpu.memory_space<semaphore_mem>>, %arg18: memref<!tpu.dma_semaphore, #tpu.memory_space<semaphore_mem>>, %arg19: memref<!tpu.dma_semaphore, #tpu.memory_space<semaphore_mem>>, %arg20: memref<!tpu.dma_semaphore, #tpu.memory_space<semaphore_mem>>, %arg21: memref<!tpu.dma_semaphore, #tpu.memory_space<semaphore_mem>>, %arg22: memref<!tpu.dma_semaphore, #tpu.memory_space<semaphore_mem>>, %arg23: memref<!tpu.dma_semaphore, #tpu.memory_space<semaphore_mem>>, %arg24: memref<!tpu.dma_semaphore, #tpu.memory_space<semaphore_mem>>, %arg25: memref<!tpu.dma_semaphore, #tpu.memory_space<semaphore_mem>>, %arg26: memref<!tpu.dma_semaphore, #tpu.memory_space<semaphore_mem>>, %arg27: memref<!tpu.dma_semaphore, #tpu.memory_space<semaphore_mem>>, %arg28: memref<!tpu.dma_semaphore, #tpu.memory_space<semaphore_mem>>, %arg29: memref<!tpu.dma_semaphore, #tpu.memory_space<semaphore_mem>>, %arg30: memref<!tpu.dma_semaphore, #tpu.memory_space<semaphore_mem>>, %arg31: memref<!tpu.dma_semaphore, #tpu.memory_space<semaphore_mem>>, %arg32: memref<!tpu.dma_semaphore, #tpu.memory_space<semaphore_mem>>, %arg33: memref<!tpu.dma_semaphore, #tpu.memory_space<semaphore_mem>>, %arg34: memref<!tpu.dma_semaphore, #tpu.memory_space<semaphore_mem>>, %arg35: memref<10240xf32, #tpu.memory_space<vmem_shared>>, %arg36: memref<10240xf32, #tpu.memory_space<vmem_shared>>, %arg37: memref<10240xf32, #tpu.memory_space<vmem_shared>>, %arg38: memref<10240x128xf32, #tpu.memory_space<vmem_shared>>) attributes {dimension_semantics = [#tpu.dimension_semantics<core_parallel>, #tpu.dimension_semantics<subcore_parallel>], iteration_bounds = array<i64: 2, 16>, scalar_prefetch = 0 : i64, scratch_operands = 31 : i64, tpu.core_type = #tpu.core_type<sc_vector_subcore>, window_params = [{transform_indices = #map}, {transform_indices = #map}, {transform_indices = #map1}, {transform_indices = #map}, {transform_indices = #map}, {transform_indices = #map}]} {
    %mul3A = arith.constant 16 : i32
    %mul3A_0 = arith.muli %arg0, %mul3A : i32
    %add3A = arith.addi %mul3A_0, %arg1 : i32
    %broadcast_in_dim3A = arith.constant 0.000000e+00 : f32
    %broadcast_in_dim3A_1 = vector.broadcast %broadcast_in_dim3A : f32 to vector<16xf32>
    %broadcast_in_dim3A_2 = arith.constant 1.000000e+00 : f32
    %broadcast_in_dim3A_3 = vector.broadcast %broadcast_in_dim3A_2 : f32 to vector<16xf32>
    %scan3A = arith.constant 0 : i32
    %scan3A_4 = arith.constant 0 : i32
    %scan3A_5 = arith.constant 40 : i32
    %scan3A_6 = arith.addi %scan3A_4, %scan3A_5 : i32
    %scan3A_7 = arith.constant 1 : i32
    scf.for %scan3A_1226 = %scan3A_4 to %scan3A_6 step %scan3A_7  : i32 {
      %mul3A_1227 = arith.constant 16 : i32
      %mul3A_1228 = arith.muli %scan3A_1226, %mul3A_1227 : i32
      %swap3A_1229 = arith.index_cast %mul3A_1228 : i32 to index
      %swap3A_1230 = tpu.vector_load %arg13[%swap3A_1229] {strides = array<i32>} : memref<640xf32, #tpu.memory_space<vmem>>, vector<16xf32>,
      %swap3A_1231 = vector.shape_cast %swap3A_1230 : vector<16xf32> to vector<16xf32>
      %swap3A_1232 = vector.shape_cast %broadcast_in_dim3A_1 : vector<16xf32> to vector<16xf32>
      tpu.vector_store %arg13[%swap3A_1229], %swap3A_1232 {strides = array<i32>} : memref<640xf32, #tpu.memory_space<vmem>>, vector<16xf32>,
    }
    %scan3A_8 = arith.constant 40 : i32
    %scan3A_9 = arith.constant 0 : i32
    %scan3A_10 = arith.constant 0 : i32
    %scan3A_11 = arith.constant 40 : i32
    %scan3A_12 = arith.addi %scan3A_10, %scan3A_11 : i32
    %scan3A_13 = arith.constant 1 : i32
    scf.for %scan3A_1226 = %scan3A_10 to %scan3A_12 step %scan3A_13  : i32 {
      %swap3A_1227 = arith.constant 0 : i32
      %swap3A_1228 = arith.index_cast %swap3A_1227 : i32 to index
      %swap3A_1229 = arith.index_cast %scan3A_1226 : i32 to index
      %swap3A_1230 = arith.constant 0 : index
      %swap3A_1231 = tpu.vector_load %arg10[%swap3A_1228, %swap3A_1229, %swap3A_1230] {strides = array<i32>} : memref<5x40x128xf32, #tpu.memory_space<vmem>>, vector<1x1x16xf32>,
      %swap3A_1232 = vector.shape_cast %swap3A_1231 : vector<1x1x16xf32> to vector<16xf32>
      %swap3A_1233 = vector.shape_cast %broadcast_in_dim3A_1 : vector<16xf32> to vector<1x1x16xf32>
      tpu.vector_store %arg10[%swap3A_1228, %swap3A_1229, %swap3A_1230], %swap3A_1233 {strides = array<i32>} : memref<5x40x128xf32, #tpu.memory_space<vmem>>, vector<1x1x16xf32>,
      %swap3A_1234 = arith.constant 0 : i32
      %swap3A_1235 = arith.index_cast %swap3A_1234 : i32 to index
      %swap3A_1236 = arith.index_cast %scan3A_1226 : i32 to index
      %swap3A_1237 = arith.constant 16 : index
      %swap3A_1238 = tpu.vector_load %arg10[%swap3A_1235, %swap3A_1236, %swap3A_1237] {strides = array<i32>} : memref<5x40x128xf32, #tpu.memory_space<vmem>>, vector<1x1x16xf32>,
      %swap3A_1239 = vector.shape_cast %swap3A_1238 : vector<1x1x16xf32> to vector<16xf32>
      %swap3A_1240 = vector.shape_cast %broadcast_in_dim3A_1 : vector<16xf32> to vector<1x1x16xf32>
      tpu.vector_store %arg10[%swap3A_1235, %swap3A_1236, %swap3A_1237], %swap3A_1240 {strides = array<i32>} : memref<5x40x128xf32, #tpu.memory_space<vmem>>, vector<1x1x16xf32>,
      %swap3A_1241 = arith.constant 0 : i32
      %swap3A_1242 = arith.index_cast %swap3A_1241 : i32 to index
      %swap3A_1243 = arith.index_cast %scan3A_1226 : i32 to index
      %swap3A_1244 = arith.constant 32 : index
      %swap3A_1245 = tpu.vector_load %arg10[%swap3A_1242, %swap3A_1243, %swap3A_1244] {strides = array<i32>} : memref<5x40x128xf32, #tpu.memory_space<vmem>>, vector<1x1x16xf32>,
      %swap3A_1246 = vector.shape_cast %swap3A_1245 : vector<1x1x16xf32> to vector<16xf32>
      %swap3A_1247 = vector.shape_cast %broadcast_in_dim3A_1 : vector<16xf32> to vector<1x1x16xf32>
      tpu.vector_store %arg10[%swap3A_1242, %swap3A_1243, %swap3A_1244], %swap3A_1247 {strides = array<i32>} : memref<5x40x128xf32, #tpu.memory_space<vmem>>, vector<1x1x16xf32>,
      %swap3A_1248 = arith.constant 0 : i32
      %swap3A_1249 = arith.index_cast %swap3A_1248 : i32 to index
      %swap3A_1250 = arith.index_cast %scan3A_1226 : i32 to index
      %swap3A_1251 = arith.constant 48 : index
      %swap3A_1252 = tpu.vector_load %arg10[%swap3A_1249, %swap3A_1250, %swap3A_1251] {strides = array<i32>} : memref<5x40x128xf32, #tpu.memory_space<vmem>>, vector<1x1x16xf32>,
      %swap3A_1253 = vector.shape_cast %swap3A_1252 : vector<1x1x16xf32> to vector<16xf32>
      %swap3A_1254 = vector.shape_cast %broadcast_in_dim3A_1 : vector<16xf32> to vector<1x1x16xf32>
      tpu.vector_store %arg10[%swap3A_1249, %swap3A_1250, %swap3A_1251], %swap3A_1254 {strides = array<i32>} : memref<5x40x128xf32, #tpu.memory_space<vmem>>, vector<1x1x16xf32>,
      %swap3A_1255 = arith.constant 0 : i32
      %swap3A_1256 = arith.index_cast %swap3A_1255 : i32 to index
      %swap3A_1257 = arith.index_cast %scan3A_1226 : i32 to index
      %swap3A_1258 = arith.constant 64 : index
      %swap3A_1259 = tpu.vector_load %arg10[%swap3A_1256, %swap3A_1257, %swap3A_1258] {strides = array<i32>} : memref<5x40x128xf32, #tpu.memory_space<vmem>>, vector<1x1x16xf32>,
      %swap3A_1260 = vector.shape_cast %swap3A_1259 : vector<1x1x16xf32> to vector<16xf32>
      %swap3A_1261 = vector.shape_cast %broadcast_in_dim3A_1 : vector<16xf32> to vector<1x1x16xf32>
      tpu.vector_store %arg10[%swap3A_1256, %swap3A_1257, %swap3A_1258], %swap3A_1261 {strides = array<i32>} : memref<5x40x128xf32, #tpu.memory_space<vmem>>, vector<1x1x16xf32>,
      %swap3A_1262 = arith.constant 0 : i32
      %swap3A_1263 = arith.index_cast %swap3A_1262 : i32 to index
      %swap3A_1264 = arith.index_cast %scan3A_1226 : i32 to index
      %swap3A_1265 = arith.constant 80 : index
      %swap3A_1266 = tpu.vector_load %arg10[%swap3A_1263, %swap3A_1264, %swap3A_1265] {strides = array<i32>} : memref<5x40x128xf32, #tpu.memory_space<vmem>>, vector<1x1x16xf32>,
      %swap3A_1267 = vector.shape_cast %swap3A_1266 : vector<1x1x16xf32> to vector<16xf32>
      %swap3A_1268 = vector.shape_cast %broadcast_in_dim3A_1 : vector<16xf32> to vector<1x1x16xf32>
      tpu.vector_store %arg10[%swap3A_1263, %swap3A_1264, %swap3A_1265], %swap3A_1268 {strides = array<i32>} : memref<5x40x128xf32, #tpu.memory_space<vmem>>, vector<1x1x16xf32>,
      %swap3A_1269 = arith.constant 0 : i32
      %swap3A_1270 = arith.index_cast %swap3A_1269 : i32 to index
      %swap3A_1271 = arith.index_cast %scan3A_1226 : i32 to index
      %swap3A_1272 = arith.constant 96 : index
      %swap3A_1273 = tpu.vector_load %arg10[%swap3A_1270, %swap3A_1271, %swap3A_1272] {strides = array<i32>} : memref<5x40x128xf32, #tpu.memory_space<vmem>>, vector<1x1x16xf32>,
      %swap3A_1274 = vector.shape_cast %swap3A_1273 : vector<1x1x16xf32> to vector<16xf32>
      %swap3A_1275 = vector.shape_cast %broadcast_in_dim3A_1 : vector<16xf32> to vector<1x1x16xf32>
      tpu.vector_store %arg10[%swap3A_1270, %swap3A_1271, %swap3A_1272], %swap3A_1275 {strides = array<i32>} : memref<5x40x128xf32, #tpu.memory_space<vmem>>, vector<1x1x16xf32>,
      %swap3A_1276 = arith.constant 0 : i32
      %swap3A_1277 = arith.index_cast %swap3A_1276 : i32 to index
      %swap3A_1278 = arith.index_cast %scan3A_1226 : i32 to index
      %swap3A_1279 = arith.constant 112 : index
      %swap3A_1280 = tpu.vector_load %arg10[%swap3A_1277, %swap3A_1278, %swap3A_1279] {strides = array<i32>} : memref<5x40x128xf32, #tpu.memory_space<vmem>>, vector<1x1x16xf32>,
      %swap3A_1281 = vector.shape_cast %swap3A_1280 : vector<1x1x16xf32> to vector<16xf32>
      %swap3A_1282 = vector.shape_cast %broadcast_in_dim3A_1 : vector<16xf32> to vector<1x1x16xf32>
      tpu.vector_store %arg10[%swap3A_1277, %swap3A_1278, %swap3A_1279], %swap3A_1282 {strides = array<i32>} : memref<5x40x128xf32, #tpu.memory_space<vmem>>, vector<1x1x16xf32>,
    }
    %scan3A_14 = arith.constant 40 : i32
    %swap3A = arith.constant 0 : index
    %swap3A_15 = tpu.vector_load %arg12[%swap3A] {strides = array<i32>} : memref<40xf32, #tpu.memory_space<vmem>>, vector<16xf32>,
    %swap3A_16 = vector.shape_cast %swap3A_15 : vector<16xf32> to vector<16xf32>
    %swap3A_17 = vector.shape_cast %broadcast_in_dim3A_3 : vector<16xf32> to vector<16xf32>
    tpu.vector_store %arg12[%swap3A], %swap3A_17 {strides = array<i32>} : memref<40xf32, #tpu.memory_space<vmem>>, vector<16xf32>,
    %swap3A_18 = arith.constant 16 : index
    %swap3A_19 = tpu.vector_load %arg12[%swap3A_18] {strides = array<i32>} : memref<40xf32, #tpu.memory_space<vmem>>, vector<16xf32>,
    %swap3A_20 = vector.shape_cast %swap3A_19 : vector<16xf32> to vector<16xf32>
    %swap3A_21 = vector.shape_cast %broadcast_in_dim3A_3 : vector<16xf32> to vector<16xf32>
    tpu.vector_store %arg12[%swap3A_18], %swap3A_21 {strides = array<i32>} : memref<40xf32, #tpu.memory_space<vmem>>, vector<16xf32>,
    %swap3A_22 = arith.constant 24 : index
    %swap3A_23 = tpu.vector_load %arg12[%swap3A_22] {strides = array<i32>} : memref<40xf32, #tpu.memory_space<vmem>>, vector<16xf32>,
    %swap3A_24 = vector.shape_cast %swap3A_23 : vector<16xf32> to vector<16xf32>
    %swap3A_25 = vector.shape_cast %broadcast_in_dim3A_3 : vector<16xf32> to vector<16xf32>
    tpu.vector_store %arg12[%swap3A_22], %swap3A_25 {strides = array<i32>} : memref<40xf32, #tpu.memory_space<vmem>>, vector<16xf32>,
    %mul3A_26 = arith.constant 640 : i32
    %mul3A_27 = arith.muli %arg1, %mul3A_26 : i32
    "tpu.region"() ({
      %run_scoped3A_1226 = tpu.sem_alloc : memref<!tpu.dma_semaphore, #tpu.memory_space<semaphore_mem>>
      %dma_start3A_1227 = tpu.memref_slice %arg35[%mul3A_27] : memref<10240xf32, #tpu.memory_space<vmem_shared>> -> memref<640xf32, #tpu.memory_space<vmem_shared>>
      %dma_start3A_1228 = tpu.memref_slice %arg35[%mul3A_27] : memref<10240xf32, #tpu.memory_space<vmem_shared>> -> memref<640xf32, #tpu.memory_space<vmem_shared>>
      tpu.enqueue_dma source(%arg13 : memref<640xf32, #tpu.memory_space<vmem>>) target(%dma_start3A_1228 : memref<640xf32, #tpu.memory_space<vmem_shared>>) target_semaphore(%run_scoped3A_1226 : memref<!tpu.dma_semaphore, #tpu.memory_space<semaphore_mem>>)
      %dma_wait3A_1229 = tpu.memref_slice %arg35[%mul3A_27] : memref<10240xf32, #tpu.memory_space<vmem_shared>> -> memref<640xf32, #tpu.memory_space<vmem_shared>>
      %dma_wait3A_1230 = tpu.memref_slice %arg35[%mul3A_27] : memref<10240xf32, #tpu.memory_space<vmem_shared>> -> memref<640xf32, #tpu.memory_space<vmem_shared>>
      tpu.wait_dma2 semaphore(%run_scoped3A_1226 : memref<!tpu.dma_semaphore, #tpu.memory_space<semaphore_mem>>) src(%arg13 : memref<640xf32, #tpu.memory_space<vmem>>) dst(%dma_wait3A_1230 : memref<640xf32, #tpu.memory_space<vmem_shared>>)
      tpu.yield
    }) : () -> ()
    %mul3A_28 = arith.constant 640 : i32
    %mul3A_29 = arith.muli %arg1, %mul3A_28 : i32
    "tpu.region"() ({
      %run_scoped3A_1226 = tpu.sem_alloc : memref<!tpu.dma_semaphore, #tpu.memory_space<semaphore_mem>>
      %dma_start3A_1227 = tpu.memref_slice %arg36[%mul3A_29] : memref<10240xf32, #tpu.memory_space<vmem_shared>> -> memref<640xf32, #tpu.memory_space<vmem_shared>>
      %dma_start3A_1228 = tpu.memref_slice %arg36[%mul3A_29] : memref<10240xf32, #tpu.memory_space<vmem_shared>> -> memref<640xf32, #tpu.memory_space<vmem_shared>>
      tpu.enqueue_dma source(%arg13 : memref<640xf32, #tpu.memory_space<vmem>>) target(%dma_start3A_1228 : memref<640xf32, #tpu.memory_space<vmem_shared>>) target_semaphore(%run_scoped3A_1226 : memref<!tpu.dma_semaphore, #tpu.memory_space<semaphore_mem>>)
      %dma_wait3A_1229 = tpu.memref_slice %arg36[%mul3A_29] : memref<10240xf32, #tpu.memory_space<vmem_shared>> -> memref<640xf32, #tpu.memory_space<vmem_shared>>
      %dma_wait3A_1230 = tpu.memref_slice %arg36[%mul3A_29] : memref<10240xf32, #tpu.memory_space<vmem_shared>> -> memref<640xf32, #tpu.memory_space<vmem_shared>>
      tpu.wait_dma2 semaphore(%run_scoped3A_1226 : memref<!tpu.dma_semaphore, #tpu.memory_space<semaphore_mem>>) src(%arg13 : memref<640xf32, #tpu.memory_space<vmem>>) dst(%dma_wait3A_1230 : memref<640xf32, #tpu.memory_space<vmem_shared>>)
      tpu.yield
    }) : () -> ()
    %mul3A_30 = arith.constant 640 : i32
    %mul3A_31 = arith.muli %arg1, %mul3A_30 : i32
    %add3A_32 = arith.constant 0 : i32
    %add3A_33 = arith.addi %mul3A_31, %add3A_32 : i32
    %run_scoped3A = arith.constant 0 : i32
    "tpu.region"() ({
      %run_scoped3A_1226 = tpu.sem_alloc : memref<!tpu.dma_semaphore, #tpu.memory_space<semaphore_mem>>
      %dma_start3A_1227 = arith.constant 0 : i32
      %dma_start3A_1228 = arith.constant 0 : i32
      %dma_start3A_1229 = tpu.memref_slice %arg10[%run_scoped3A, %dma_start3A_1227, %dma_start3A_1228] : memref<5x40x128xf32, #tpu.memory_space<vmem>> -> memref<1x40x128xf32, #tpu.memory_space<vmem>>
      %dma_start3A_1230 = tpu.memref_squeeze %dma_start3A_1229 : memref<1x40x128xf32, #tpu.memory_space<vmem>> -> memref<40x128xf32, #tpu.memory_space<vmem>>
      %dma_start3A_1231 = arith.constant 0 : i32
      %dma_start3A_1232 = tpu.memref_slice %arg38[%add3A_33, %dma_start3A_1231] : memref<10240x128xf32, #tpu.memory_space<vmem_shared>> -> memref<40x128xf32, #tpu.memory_space<vmem_shared>>
      %dma_start3A_1233 = arith.constant 0 : i32
      %dma_start3A_1234 = tpu.memref_slice %arg38[%add3A_33, %dma_start3A_1233] : memref<10240x128xf32, #tpu.memory_space<vmem_shared>> -> memref<40x128xf32, #tpu.memory_space<vmem_shared>>
      %dma_start3A_1235 = arith.constant 0 : i32
      %dma_start3A_1236 = arith.constant 0 : i32
      %dma_start3A_1237 = tpu.memref_slice %arg10[%run_scoped3A, %dma_start3A_1235, %dma_start3A_1236] : memref<5x40x128xf32, #tpu.memory_space<vmem>> -> memref<1x40x128xf32, #tpu.memory_space<vmem>>
      %dma_start3A_1238 = tpu.memref_squeeze %dma_start3A_1237 : memref<1x40x128xf32, #tpu.memory_space<vmem>> -> memref<40x128xf32, #tpu.memory_space<vmem>>
      tpu.enqueue_dma source(%dma_start3A_1238 : memref<40x128xf32, #tpu.memory_space<vmem>>) target(%dma_start3A_1234 : memref<40x128xf32, #tpu.memory_space<vmem_shared>>) target_semaphore(%run_scoped3A_1226 : memref<!tpu.dma_semaphore, #tpu.memory_space<semaphore_mem>>)
      %dma_wait3A_1239 = arith.constant 0 : i32
      %dma_wait3A_1240 = arith.constant 0 : i32
      %dma_wait3A_1241 = tpu.memref_slice %arg10[%run_scoped3A, %dma_wait3A_1239, %dma_wait3A_1240] : memref<5x40x128xf32, #tpu.memory_space<vmem>> -> memref<1x40x128xf32, #tpu.memory_space<vmem>>
      %dma_wait3A_1242 = tpu.memref_squeeze %dma_wait3A_1241 : memref<1x40x128xf32, #tpu.memory_space<vmem>> -> memref<40x128xf32, #tpu.memory_space<vmem>>
      %dma_wait3A_1243 = arith.constant 0 : i32
      %dma_wait3A_1244 = tpu.memref_slice %arg38[%add3A_33, %dma_wait3A_1243] : memref<10240x128xf32, #tpu.memory_space<vmem_shared>> -> memref<40x128xf32, #tpu.memory_space<vmem_shared>>
      %dma_wait3A_1245 = arith.constant 0 : i32
      %dma_wait3A_1246 = tpu.memref_slice %arg38[%add3A_33, %dma_wait3A_1245] : memref<10240x128xf32, #tpu.memory_space<vmem_shared>> -> memref<40x128xf32, #tpu.memory_space<vmem_shared>>
      %dma_wait3A_1247 = arith.constant 0 : i32
      %dma_wait3A_1248 = arith.constant 0 : i32
      %dma_wait3A_1249 = tpu.memref_slice %arg10[%run_scoped3A, %dma_wait3A_1247, %dma_wait3A_1248] : memref<5x40x128xf32, #tpu.memory_space<vmem>> -> memref<1x40x128xf32, #tpu.memory_space<vmem>>
      %dma_wait3A_1250 = tpu.memref_squeeze %dma_wait3A_1249 : memref<1x40x128xf32, #tpu.memory_space<vmem>> -> memref<40x128xf32, #tpu.memory_space<vmem>>
      tpu.wait_dma2 semaphore(%run_scoped3A_1226 : memref<!tpu.dma_semaphore, #tpu.memory_space<semaphore_mem>>) src(%dma_wait3A_1250 : memref<40x128xf32, #tpu.memory_space<vmem>>) dst(%dma_wait3A_1246 : memref<40x128xf32, #tpu.memory_space<vmem_shared>>)
      tpu.yield
    }) : () -> ()
    %mul3A_34 = arith.constant 640 : i32
    %mul3A_35 = arith.muli %arg1, %mul3A_34 : i32
    %add3A_36 = arith.constant 40 : i32
    %add3A_37 = arith.addi %mul3A_35, %add3A_36 : i32
    %run_scoped3A_38 = arith.constant 0 : i32
    "tpu.region"() ({
      %run_scoped3A_1226 = tpu.sem_alloc : memref<!tpu.dma_semaphore, #tpu.memory_space<semaphore_mem>>
      %dma_start3A_1227 = arith.constant 0 : i32
      %dma_start3A_1228 = arith.constant 0 : i32
      %dma_start3A_1229 = tpu.memref_slice %arg10[%run_scoped3A_38, %dma_start3A_1227, %dma_start3A_1228] : memref<5x40x128xf32, #tpu.memory_space<vmem>> -> memref<1x40x128xf32, #tpu.memory_space<vmem>>
      %dma_start3A_1230 = tpu.memref_squeeze %dma_start3A_1229 : memref<1x40x128xf32, #tpu.memory_space<vmem>> -> memref<40x128xf32, #tpu.memory_space<vmem>>
      %dma_start3A_1231 = arith.constant 0 : i32
      %dma_start3A_1232 = tpu.memref_slice %arg38[%add3A_37, %dma_start3A_1231] : memref<10240x128xf32, #tpu.memory_space<vmem_shared>> -> memref<40x128xf32, #tpu.memory_space<vmem_shared>>
      %dma_start3A_1233 = arith.constant 0 : i32
      %dma_start3A_1234 = tpu.memref_slice %arg38[%add3A_37, %dma_start3A_1233] : memref<10240x128xf32, #tpu.memory_space<vmem_shared>> -> memref<40x128xf32, #tpu.memory_space<vmem_shared>>
      %dma_start3A_1235 = arith.constant 0 : i32
      %dma_start3A_1236 = arith.constant 0 : i32
      %dma_start3A_1237 = tpu.memref_slice %arg10[%run_scoped3A_38, %dma_start3A_1235, %dma_start3A_1236] : memref<5x40x128xf32, #tpu.memory_space<vmem>> -> memref<1x40x128xf32, #tpu.memory_space<vmem>>
      %dma_start3A_1238 = tpu.memref_squeeze %dma_start3A_1237 : memref<1x40x128xf32, #tpu.memory_space<vmem>> -> memref<40x128xf32, #tpu.memory_space<vmem>>
      tpu.enqueue_dma source(%dma_start3A_1238 : memref<40x128xf32, #tpu.memory_space<vmem>>) target(%dma_start3A_1234 : memref<40x128xf32, #tpu.memory_space<vmem_shared>>) target_semaphore(%run_scoped3A_1226 : memref<!tpu.dma_semaphore, #tpu.memory_space<semaphore_mem>>)
      %dma_wait3A_1239 = arith.constant 0 : i32
      %dma_wait3A_1240 = arith.constant 0 : i32
      %dma_wait3A_1241 = tpu.memref_slice %arg10[%run_scoped3A_38, %dma_wait3A_1239, %dma_wait3A_1240] : memref<5x40x128xf32, #tpu.memory_space<vmem>> -> memref<1x40x128xf32, #tpu.memory_space<vmem>>
      %dma_wait3A_1242 = tpu.memref_squeeze %dma_wait3A_1241 : memref<1x40x128xf32, #tpu.memory_space<vmem>> -> memref<40x128xf32, #tpu.memory_space<vmem>>
      %dma_wait3A_1243 = arith.constant 0 : i32
      %dma_wait3A_1244 = tpu.memref_slice %arg38[%add3A_37, %dma_wait3A_1243] : memref<10240x128xf32, #tpu.memory_space<vmem_shared>> -> memref<40x128xf32, #tpu.memory_space<vmem_shared>>
      %dma_wait3A_1245 = arith.constant 0 : i32
      %dma_wait3A_1246 = tpu.memref_slice %arg38[%add3A_37, %dma_wait3A_1245] : memref<10240x128xf32, #tpu.memory_space<vmem_shared>> -> memref<40x128xf32, #tpu.memory_space<vmem_shared>>
      %dma_wait3A_1247 = arith.constant 0 : i32
      %dma_wait3A_1248 = arith.constant 0 : i32
      %dma_wait3A_1249 = tpu.memref_slice %arg10[%run_scoped3A_38, %dma_wait3A_1247, %dma_wait3A_1248] : memref<5x40x128xf32, #tpu.memory_space<vmem>> -> memref<1x40x128xf32, #tpu.memory_space<vmem>>
      %dma_wait3A_1250 = tpu.memref_squeeze %dma_wait3A_1249 : memref<1x40x128xf32, #tpu.memory_space<vmem>> -> memref<40x128xf32, #tpu.memory_space<vmem>>
      tpu.wait_dma2 semaphore(%run_scoped3A_1226 : memref<!tpu.dma_semaphore, #tpu.memory_space<semaphore_mem>>) src(%dma_wait3A_1250 : memref<40x128xf32, #tpu.memory_space<vmem>>) dst(%dma_wait3A_1246 : memref<40x128xf32, #tpu.memory_space<vmem_shared>>)
      tpu.yield
    }) : () -> ()
    %mul3A_39 = arith.constant 640 : i32
    %mul3A_40 = arith.muli %arg1, %mul3A_39 : i32
    %add3A_41 = arith.constant 80 : i32
    %add3A_42 = arith.addi %mul3A_40, %add3A_41 : i32
    %run_scoped3A_43 = arith.constant 0 : i32
    "tpu.region"() ({
      %run_scoped3A_1226 = tpu.sem_alloc : memref<!tpu.dma_semaphore, #tpu.memory_space<semaphore_mem>>
      %dma_start3A_1227 = arith.constant 0 : i32
      %dma_start3A_1228 = arith.constant 0 : i32
      %dma_start3A_1229 = tpu.memref_slice %arg10[%run_scoped3A_43, %dma_start3A_1227, %dma_start3A_1228] : memref<5x40x128xf32, #tpu.memory_space<vmem>> -> memref<1x40x128xf32, #tpu.memory_space<vmem>>
      %dma_start3A_1230 = tpu.memref_squeeze %dma_start3A_1229 : memref<1x40x128xf32, #tpu.memory_space<vmem>> -> memref<40x128xf32, #tpu.memory_space<vmem>>
      %dma_start3A_1231 = arith.constant 0 : i32
      %dma_start3A_1232 = tpu.memref_slice %arg38[%add3A_42, %dma_start3A_1231] : memref<10240x128xf32, #tpu.memory_space<vmem_shared>> -> memref<40x128xf32, #tpu.memory_space<vmem_shared>>
      %dma_start3A_1233 = arith.constant 0 : i32
      %dma_start3A_1234 = tpu.memref_slice %arg38[%add3A_42, %dma_start3A_1233] : memref<10240x128xf32, #tpu.memory_space<vmem_shared>> -> memref<40x128xf32, #tpu.memory_space<vmem_shared>>
      %dma_start3A_1235 = arith.constant 0 : i32
      %dma_start3A_1236 = arith.constant 0 : i32
      %dma_start3A_1237 = tpu.memref_slice %arg10[%run_scoped3A_43, %dma_start3A_1235, %dma_start3A_1236] : memref<5x40x128xf32, #tpu.memory_space<vmem>> -> memref<1x40x128xf32, #tpu.memory_space<vmem>>
      %dma_start3A_1238 = tpu.memref_squeeze %dma_start3A_1237 : memref<1x40x128xf32, #tpu.memory_space<vmem>> -> memref<40x128xf32, #tpu.memory_space<vmem>>
      tpu.enqueue_dma source(%dma_start3A_1238 : memref<40x128xf32, #tpu.memory_space<vmem>>) target(%dma_start3A_1234 : memref<40x128xf32, #tpu.memory_space<vmem_shared>>) target_semaphore(%run_scoped3A_1226 : memref<!tpu.dma_semaphore, #tpu.memory_space<semaphore_mem>>)
      %dma_wait3A_1239 = arith.constant 0 : i32
      %dma_wait3A_1240 = arith.constant 0 : i32
      %dma_wait3A_1241 = tpu.memref_slice %arg10[%run_scoped3A_43, %dma_wait3A_1239, %dma_wait3A_1240] : memref<5x40x128xf32, #tpu.memory_space<vmem>> -> memref<1x40x128xf32, #tpu.memory_space<vmem>>
      %dma_wait3A_1242 = tpu.memref_squeeze %dma_wait3A_1241 : memref<1x40x128xf32, #tpu.memory_space<vmem>> -> memref<40x128xf32, #tpu.memory_space<vmem>>
      %dma_wait3A_1243 = arith.constant 0 : i32
      %dma_wait3A_1244 = tpu.memref_slice %arg38[%add3A_42, %dma_wait3A_1243] : memref<10240x128xf32, #tpu.memory_space<vmem_shared>> -> memref<40x128xf32, #tpu.memory_space<vmem_shared>>
      %dma_wait3A_1245 = arith.constant 0 : i32
      %dma_wait3A_1246 = tpu.memref_slice %arg38[%add3A_42, %dma_wait3A_1245] : memref<10240x128xf32, #tpu.memory_space<vmem_shared>> -> memref<40x128xf32, #tpu.memory_space<vmem_shared>>
      %dma_wait3A_1247 = arith.constant 0 : i32
      %dma_wait3A_1248 = arith.constant 0 : i32
      %dma_wait3A_1249 = tpu.memref_slice %arg10[%run_scoped3A_43, %dma_wait3A_1247, %dma_wait3A_1248] : memref<5x40x128xf32, #tpu.memory_space<vmem>> -> memref<1x40x128xf32, #tpu.memory_space<vmem>>
      %dma_wait3A_1250 = tpu.memref_squeeze %dma_wait3A_1249 : memref<1x40x128xf32, #tpu.memory_space<vmem>> -> memref<40x128xf32, #tpu.memory_space<vmem>>
      tpu.wait_dma2 semaphore(%run_scoped3A_1226 : memref<!tpu.dma_semaphore, #tpu.memory_space<semaphore_mem>>) src(%dma_wait3A_1250 : memref<40x128xf32, #tpu.memory_space<vmem>>) dst(%dma_wait3A_1246 : memref<40x128xf32, #tpu.memory_space<vmem_shared>>)
      tpu.yield
    }) : () -> ()
    %mul3A_44 = arith.constant 640 : i32
    %mul3A_45 = arith.muli %arg1, %mul3A_44 : i32
    %add3A_46 = arith.constant 120 : i32
    %add3A_47 = arith.addi %mul3A_45, %add3A_46 : i32
    %run_scoped3A_48 = arith.constant 0 : i32
    "tpu.region"() ({
      %run_scoped3A_1226 = tpu.sem_alloc : memref<!tpu.dma_semaphore, #tpu.memory_space<semaphore_mem>>
      %dma_start3A_1227 = arith.constant 0 : i32
      %dma_start3A_1228 = arith.constant 0 : i32
      %dma_start3A_1229 = tpu.memref_slice %arg10[%run_scoped3A_48, %dma_start3A_1227, %dma_start3A_1228] : memref<5x40x128xf32, #tpu.memory_space<vmem>> -> memref<1x40x128xf32, #tpu.memory_space<vmem>>
      %dma_start3A_1230 = tpu.memref_squeeze %dma_start3A_1229 : memref<1x40x128xf32, #tpu.memory_space<vmem>> -> memref<40x128xf32, #tpu.memory_space<vmem>>
      %dma_start3A_1231 = arith.constant 0 : i32
      %dma_start3A_1232 = tpu.memref_slice %arg38[%add3A_47, %dma_start3A_1231] : memref<10240x128xf32, #tpu.memory_space<vmem_shared>> -> memref<40x128xf32, #tpu.memory_space<vmem_shared>>
      %dma_start3A_1233 = arith.constant 0 : i32
      %dma_start3A_1234 = tpu.memref_slice %arg38[%add3A_47, %dma_start3A_1233] : memref<10240x128xf32, #tpu.memory_space<vmem_shared>> -> memref<40x128xf32, #tpu.memory_space<vmem_shared>>
      %dma_start3A_1235 = arith.constant 0 : i32
      %dma_start3A_1236 = arith.constant 0 : i32
      %dma_start3A_1237 = tpu.memref_slice %arg10[%run_scoped3A_48, %dma_start3A_1235, %dma_start3A_1236] : memref<5x40x128xf32, #tpu.memory_space<vmem>> -> memref<1x40x128xf32, #tpu.memory_space<vmem>>
      %dma_start3A_1238 = tpu.memref_squeeze %dma_start3A_1237 : memref<1x40x128xf32, #tpu.memory_space<vmem>> -> memref<40x128xf32, #tpu.memory_space<vmem>>
      tpu.enqueue_dma source(%dma_start3A_1238 : memref<40x128xf32, #tpu.memory_space<vmem>>) target(%dma_start3A_1234 : memref<40x128xf32, #tpu.memory_space<vmem_shared>>) target_semaphore(%run_scoped3A_1226 : memref<!tpu.dma_semaphore, #tpu.memory_space<semaphore_mem>>)
      %dma_wait3A_1239 = arith.constant 0 : i32
      %dma_wait3A_1240 = arith.constant 0 : i32
      %dma_wait3A_1241 = tpu.memref_slice %arg10[%run_scoped3A_48, %dma_wait3A_1239, %dma_wait3A_1240] : memref<5x40x128xf32, #tpu.memory_space<vmem>> -> memref<1x40x128xf32, #tpu.memory_space<vmem>>
      %dma_wait3A_1242 = tpu.memref_squeeze %dma_wait3A_1241 : memref<1x40x128xf32, #tpu.memory_space<vmem>> -> memref<40x128xf32, #tpu.memory_space<vmem>>
      %dma_wait3A_1243 = arith.constant 0 : i32
      %dma_wait3A_1244 = tpu.memref_slice %arg38[%add3A_47, %dma_wait3A_1243] : memref<10240x128xf32, #tpu.memory_space<vmem_shared>> -> memref<40x128xf32, #tpu.memory_space<vmem_shared>>
      %dma_wait3A_1245 = arith.constant 0 : i32
      %dma_wait3A_1246 = tpu.memref_slice %arg38[%add3A_47, %dma_wait3A_1245] : memref<10240x128xf32, #tpu.memory_space<vmem_shared>> -> memref<40x128xf32, #tpu.memory_space<vmem_shared>>
      %dma_wait3A_1247 = arith.constant 0 : i32
      %dma_wait3A_1248 = arith.constant 0 : i32
      %dma_wait3A_1249 = tpu.memref_slice %arg10[%run_scoped3A_48, %dma_wait3A_1247, %dma_wait3A_1248] : memref<5x40x128xf32, #tpu.memory_space<vmem>> -> memref<1x40x128xf32, #tpu.memory_space<vmem>>
      %dma_wait3A_1250 = tpu.memref_squeeze %dma_wait3A_1249 : memref<1x40x128xf32, #tpu.memory_space<vmem>> -> memref<40x128xf32, #tpu.memory_space<vmem>>
      tpu.wait_dma2 semaphore(%run_scoped3A_1226 : memref<!tpu.dma_semaphore, #tpu.memory_space<semaphore_mem>>) src(%dma_wait3A_1250 : memref<40x128xf32, #tpu.memory_space<vmem>>) dst(%dma_wait3A_1246 : memref<40x128xf32, #tpu.memory_space<vmem_shared>>)
      tpu.yield
    }) : () -> ()
    %mul3A_49 = arith.constant 640 : i32
    %mul3A_50 = arith.muli %arg1, %mul3A_49 : i32
    %add3A_51 = arith.constant 160 : i32
    %add3A_52 = arith.addi %mul3A_50, %add3A_51 : i32
    %run_scoped3A_53 = arith.constant 0 : i32
    "tpu.region"() ({
      %run_scoped3A_1226 = tpu.sem_alloc : memref<!tpu.dma_semaphore, #tpu.memory_space<semaphore_mem>>
      %dma_start3A_1227 = arith.constant 0 : i32
      %dma_start3A_1228 = arith.constant 0 : i32
      %dma_start3A_1229 = tpu.memref_slice %arg10[%run_scoped3A_53, %dma_start3A_1227, %dma_start3A_1228] : memref<5x40x128xf32, #tpu.memory_space<vmem>> -> memref<1x40x128xf32, #tpu.memory_space<vmem>>
      %dma_start3A_1230 = tpu.memref_squeeze %dma_start3A_1229 : memref<1x40x128xf32, #tpu.memory_space<vmem>> -> memref<40x128xf32, #tpu.memory_space<vmem>>
      %dma_start3A_1231 = arith.constant 0 : i32
      %dma_start3A_1232 = tpu.memref_slice %arg38[%add3A_52, %dma_start3A_1231] : memref<10240x128xf32, #tpu.memory_space<vmem_shared>> -> memref<40x128xf32, #tpu.memory_space<vmem_shared>>
      %dma_start3A_1233 = arith.constant 0 : i32
      %dma_start3A_1234 = tpu.memref_slice %arg38[%add3A_52, %dma_start3A_1233] : memref<10240x128xf32, #tpu.memory_space<vmem_shared>> -> memref<40x128xf32, #tpu.memory_space<vmem_shared>>
      %dma_start3A_1235 = arith.constant 0 : i32
      %dma_start3A_1236 = arith.constant 0 : i32
      %dma_start3A_1237 = tpu.memref_slice %arg10[%run_scoped3A_53, %dma_start3A_1235, %dma_start3A_1236] : memref<5x40x128xf32, #tpu.memory_space<vmem>> -> memref<1x40x128xf32, #tpu.memory_space<vmem>>
      %dma_start3A_1238 = tpu.memref_squeeze %dma_start3A_1237 : memref<1x40x128xf32, #tpu.memory_space<vmem>> -> memref<40x128xf32, #tpu.memory_space<vmem>>
      tpu.enqueue_dma source(%dma_start3A_1238 : memref<40x128xf32, #tpu.memory_space<vmem>>) target(%dma_start3A_1234 : memref<40x128xf32, #tpu.memory_space<vmem_shared>>) target_semaphore(%run_scoped3A_1226 : memref<!tpu.dma_semaphore, #tpu.memory_space<semaphore_mem>>)
      %dma_wait3A_1239 = arith.constant 0 : i32
      %dma_wait3A_1240 = arith.constant 0 : i32
      %dma_wait3A_1241 = tpu.memref_slice %arg10[%run_scoped3A_53, %dma_wait3A_1239, %dma_wait3A_1240] : memref<5x40x128xf32, #tpu.memory_space<vmem>> -> memref<1x40x128xf32, #tpu.memory_space<vmem>>
      %dma_wait3A_1242 = tpu.memref_squeeze %dma_wait3A_1241 : memref<1x40x128xf32, #tpu.memory_space<vmem>> -> memref<40x128xf32, #tpu.memory_space<vmem>>
      %dma_wait3A_1243 = arith.constant 0 : i32
      %dma_wait3A_1244 = tpu.memref_slice %arg38[%add3A_52, %dma_wait3A_1243] : memref<10240x128xf32, #tpu.memory_space<vmem_shared>> -> memref<40x128xf32, #tpu.memory_space<vmem_shared>>
      %dma_wait3A_1245 = arith.constant 0 : i32
      %dma_wait3A_1246 = tpu.memref_slice %arg38[%add3A_52, %dma_wait3A_1245] : memref<10240x128xf32, #tpu.memory_space<vmem_shared>> -> memref<40x128xf32, #tpu.memory_space<vmem_shared>>
      %dma_wait3A_1247 = arith.constant 0 : i32
      %dma_wait3A_1248 = arith.constant 0 : i32
      %dma_wait3A_1249 = tpu.memref_slice %arg10[%run_scoped3A_53, %dma_wait3A_1247, %dma_wait3A_1248] : memref<5x40x128xf32, #tpu.memory_space<vmem>> -> memref<1x40x128xf32, #tpu.memory_space<vmem>>
      %dma_wait3A_1250 = tpu.memref_squeeze %dma_wait3A_1249 : memref<1x40x128xf32, #tpu.memory_space<vmem>> -> memref<40x128xf32, #tpu.memory_space<vmem>>
      tpu.wait_dma2 semaphore(%run_scoped3A_1226 : memref<!tpu.dma_semaphore, #tpu.memory_space<semaphore_mem>>) src(%dma_wait3A_1250 : memref<40x128xf32, #tpu.memory_space<vmem>>) dst(%dma_wait3A_1246 : memref<40x128xf32, #tpu.memory_space<vmem_shared>>)
      tpu.yield
    }) : () -> ()
    %mul3A_54 = arith.constant 640 : i32
    %mul3A_55 = arith.muli %arg1, %mul3A_54 : i32
    %add3A_56 = arith.constant 200 : i32
    %add3A_57 = arith.addi %mul3A_55, %add3A_56 : i32
    %run_scoped3A_58 = arith.constant 0 : i32
    "tpu.region"() ({
      %run_scoped3A_1226 = tpu.sem_alloc : memref<!tpu.dma_semaphore, #tpu.memory_space<semaphore_mem>>
      %dma_start3A_1227 = arith.constant 0 : i32
      %dma_start3A_1228 = arith.constant 0 : i32
      %dma_start3A_1229 = tpu.memref_slice %arg10[%run_scoped3A_58, %dma_start3A_1227, %dma_start3A_1228] : memref<5x40x128xf32, #tpu.memory_space<vmem>> -> memref<1x40x128xf32, #tpu.memory_space<vmem>>
      %dma_start3A_1230 = tpu.memref_squeeze %dma_start3A_1229 : memref<1x40x128xf32, #tpu.memory_space<vmem>> -> memref<40x128xf32, #tpu.memory_space<vmem>>
      %dma_start3A_1231 = arith.constant 0 : i32
      %dma_start3A_1232 = tpu.memref_slice %arg38[%add3A_57, %dma_start3A_1231] : memref<10240x128xf32, #tpu.memory_space<vmem_shared>> -> memref<40x128xf32, #tpu.memory_space<vmem_shared>>
      %dma_start3A_1233 = arith.constant 0 : i32
      %dma_start3A_1234 = tpu.memref_slice %arg38[%add3A_57, %dma_start3A_1233] : memref<10240x128xf32, #tpu.memory_space<vmem_shared>> -> memref<40x128xf32, #tpu.memory_space<vmem_shared>>
      %dma_start3A_1235 = arith.constant 0 : i32
      %dma_start3A_1236 = arith.constant 0 : i32
      %dma_start3A_1237 = tpu.memref_slice %arg10[%run_scoped3A_58, %dma_start3A_1235, %dma_start3A_1236] : memref<5x40x128xf32, #tpu.memory_space<vmem>> -> memref<1x40x128xf32, #tpu.memory_space<vmem>>
      %dma_start3A_1238 = tpu.memref_squeeze %dma_start3A_1237 : memref<1x40x128xf32, #tpu.memory_space<vmem>> -> memref<40x128xf32, #tpu.memory_space<vmem>>
      tpu.enqueue_dma source(%dma_start3A_1238 : memref<40x128xf32, #tpu.memory_space<vmem>>) target(%dma_start3A_1234 : memref<40x128xf32, #tpu.memory_space<vmem_shared>>) target_semaphore(%run_scoped3A_1226 : memref<!tpu.dma_semaphore, #tpu.memory_space<semaphore_mem>>)
      %dma_wait3A_1239 = arith.constant 0 : i32
      %dma_wait3A_1240 = arith.constant 0 : i32
      %dma_wait3A_1241 = tpu.memref_slice %arg10[%run_scoped3A_58, %dma_wait3A_1239, %dma_wait3A_1240] : memref<5x40x128xf32, #tpu.memory_space<vmem>> -> memref<1x40x128xf32, #tpu.memory_space<vmem>>
      %dma_wait3A_1242 = tpu.memref_squeeze %dma_wait3A_1241 : memref<1x40x128xf32, #tpu.memory_space<vmem>> -> memref<40x128xf32, #tpu.memory_space<vmem>>
      %dma_wait3A_1243 = arith.constant 0 : i32
      %dma_wait3A_1244 = tpu.memref_slice %arg38[%add3A_57, %dma_wait3A_1243] : memref<10240x128xf32, #tpu.memory_space<vmem_shared>> -> memref<40x128xf32, #tpu.memory_space<vmem_shared>>
      %dma_wait3A_1245 = arith.constant 0 : i32
      %dma_wait3A_1246 = tpu.memref_slice %arg38[%add3A_57, %dma_wait3A_1245] : memref<10240x128xf32, #tpu.memory_space<vmem_shared>> -> memref<40x128xf32, #tpu.memory_space<vmem_shared>>
      %dma_wait3A_1247 = arith.constant 0 : i32
      %dma_wait3A_1248 = arith.constant 0 : i32
      %dma_wait3A_1249 = tpu.memref_slice %arg10[%run_scoped3A_58, %dma_wait3A_1247, %dma_wait3A_1248] : memref<5x40x128xf32, #tpu.memory_space<vmem>> -> memref<1x40x128xf32, #tpu.memory_space<vmem>>
      %dma_wait3A_1250 = tpu.memref_squeeze %dma_wait3A_1249 : memref<1x40x128xf32, #tpu.memory_space<vmem>> -> memref<40x128xf32, #tpu.memory_space<vmem>>
      tpu.wait_dma2 semaphore(%run_scoped3A_1226 : memref<!tpu.dma_semaphore, #tpu.memory_space<semaphore_mem>>) src(%dma_wait3A_1250 : memref<40x128xf32, #tpu.memory_space<vmem>>) dst(%dma_wait3A_1246 : memref<40x128xf32, #tpu.memory_space<vmem_shared>>)
      tpu.yield
    }) : () -> ()
    %mul3A_59 = arith.constant 640 : i32
    %mul3A_60 = arith.muli %arg1, %mul3A_59 : i32
    %add3A_61 = arith.constant 240 : i32
    %add3A_62 = arith.addi %mul3A_60, %add3A_61 : i32
    %run_scoped3A_63 = arith.constant 0 : i32
    "tpu.region"() ({
      %run_scoped3A_1226 = tpu.sem_alloc : memref<!tpu.dma_semaphore, #tpu.memory_space<semaphore_mem>>
      %dma_start3A_1227 = arith.constant 0 : i32
      %dma_start3A_1228 = arith.constant 0 : i32
      %dma_start3A_1229 = tpu.memref_slice %arg10[%run_scoped3A_63, %dma_start3A_1227, %dma_start3A_1228] : memref<5x40x128xf32, #tpu.memory_space<vmem>> -> memref<1x40x128xf32, #tpu.memory_space<vmem>>
      %dma_start3A_1230 = tpu.memref_squeeze %dma_start3A_1229 : memref<1x40x128xf32, #tpu.memory_space<vmem>> -> memref<40x128xf32, #tpu.memory_space<vmem>>
      %dma_start3A_1231 = arith.constant 0 : i32
      %dma_start3A_1232 = tpu.memref_slice %arg38[%add3A_62, %dma_start3A_1231] : memref<10240x128xf32, #tpu.memory_space<vmem_shared>> -> memref<40x128xf32, #tpu.memory_space<vmem_shared>>
      %dma_start3A_1233 = arith.constant 0 : i32
      %dma_start3A_1234 = tpu.memref_slice %arg38[%add3A_62, %dma_start3A_1233] : memref<10240x128xf32, #tpu.memory_space<vmem_shared>> -> memref<40x128xf32, #tpu.memory_space<vmem_shared>>
      %dma_start3A_1235 = arith.constant 0 : i32
      %dma_start3A_1236 = arith.constant 0 : i32
      %dma_start3A_1237 = tpu.memref_slice %arg10[%run_scoped3A_63, %dma_start3A_1235, %dma_start3A_1236] : memref<5x40x128xf32, #tpu.memory_space<vmem>> -> memref<1x40x128xf32, #tpu.memory_space<vmem>>
      %dma_start3A_1238 = tpu.memref_squeeze %dma_start3A_1237 : memref<1x40x128xf32, #tpu.memory_space<vmem>> -> memref<40x128xf32, #tpu.memory_space<vmem>>
      tpu.enqueue_dma source(%dma_start3A_1238 : memref<40x128xf32, #tpu.memory_space<vmem>>) target(%dma_start3A_1234 : memref<40x128xf32, #tpu.memory_space<vmem_shared>>) target_semaphore(%run_scoped3A_1226 : memref<!tpu.dma_semaphore, #tpu.memory_space<semaphore_mem>>)
      %dma_wait3A_1239 = arith.constant 0 : i32
      %dma_wait3A_1240 = arith.constant 0 : i32
      %dma_wait3A_1241 = tpu.memref_slice %arg10[%run_scoped3A_63, %dma_wait3A_1239, %dma_wait3A_1240] : memref<5x40x128xf32, #tpu.memory_space<vmem>> -> memref<1x40x128xf32, #tpu.memory_space<vmem>>
      %dma_wait3A_1242 = tpu.memref_squeeze %dma_wait3A_1241 : memref<1x40x128xf32, #tpu.memory_space<vmem>> -> memref<40x128xf32, #tpu.memory_space<vmem>>
      %dma_wait3A_1243 = arith.constant 0 : i32
      %dma_wait3A_1244 = tpu.memref_slice %arg38[%add3A_62, %dma_wait3A_1243] : memref<10240x128xf32, #tpu.memory_space<vmem_shared>> -> memref<40x128xf32, #tpu.memory_space<vmem_shared>>
      %dma_wait3A_1245 = arith.constant 0 : i32
      %dma_wait3A_1246 = tpu.memref_slice %arg38[%add3A_62, %dma_wait3A_1245] : memref<10240x128xf32, #tpu.memory_space<vmem_shared>> -> memref<40x128xf32, #tpu.memory_space<vmem_shared>>
      %dma_wait3A_1247 = arith.constant 0 : i32
      %dma_wait3A_1248 = arith.constant 0 : i32
      %dma_wait3A_1249 = tpu.memref_slice %arg10[%run_scoped3A_63, %dma_wait3A_1247, %dma_wait3A_1248] : memref<5x40x128xf32, #tpu.memory_space<vmem>> -> memref<1x40x128xf32, #tpu.memory_space<vmem>>
      %dma_wait3A_1250 = tpu.memref_squeeze %dma_wait3A_1249 : memref<1x40x128xf32, #tpu.memory_space<vmem>> -> memref<40x128xf32, #tpu.memory_space<vmem>>
      tpu.wait_dma2 semaphore(%run_scoped3A_1226 : memref<!tpu.dma_semaphore, #tpu.memory_space<semaphore_mem>>) src(%dma_wait3A_1250 : memref<40x128xf32, #tpu.memory_space<vmem>>) dst(%dma_wait3A_1246 : memref<40x128xf32, #tpu.memory_space<vmem_shared>>)
      tpu.yield
    }) : () -> ()
    %mul3A_64 = arith.constant 640 : i32
    %mul3A_65 = arith.muli %arg1, %mul3A_64 : i32
    %add3A_66 = arith.constant 280 : i32
    %add3A_67 = arith.addi %mul3A_65, %add3A_66 : i32
    %run_scoped3A_68 = arith.constant 0 : i32
    "tpu.region"() ({
      %run_scoped3A_1226 = tpu.sem_alloc : memref<!tpu.dma_semaphore, #tpu.memory_space<semaphore_mem>>
      %dma_start3A_1227 = arith.constant 0 : i32
      %dma_start3A_1228 = arith.constant 0 : i32
      %dma_start3A_1229 = tpu.memref_slice %arg10[%run_scoped3A_68, %dma_start3A_1227, %dma_start3A_1228] : memref<5x40x128xf32, #tpu.memory_space<vmem>> -> memref<1x40x128xf32, #tpu.memory_space<vmem>>
      %dma_start3A_1230 = tpu.memref_squeeze %dma_start3A_1229 : memref<1x40x128xf32, #tpu.memory_space<vmem>> -> memref<40x128xf32, #tpu.memory_space<vmem>>
      %dma_start3A_1231 = arith.constant 0 : i32
      %dma_start3A_1232 = tpu.memref_slice %arg38[%add3A_67, %dma_start3A_1231] : memref<10240x128xf32, #tpu.memory_space<vmem_shared>> -> memref<40x128xf32, #tpu.memory_space<vmem_shared>>
      %dma_start3A_1233 = arith.constant 0 : i32
      %dma_start3A_1234 = tpu.memref_slice %arg38[%add3A_67, %dma_start3A_1233] : memref<10240x128xf32, #tpu.memory_space<vmem_shared>> -> memref<40x128xf32, #tpu.memory_space<vmem_shared>>
      %dma_start3A_1235 = arith.constant 0 : i32
      %dma_start3A_1236 = arith.constant 0 : i32
      %dma_start3A_1237 = tpu.memref_slice %arg10[%run_scoped3A_68, %dma_start3A_1235, %dma_start3A_1236] : memref<5x40x128xf32, #tpu.memory_space<vmem>> -> memref<1x40x128xf32, #tpu.memory_space<vmem>>
      %dma_start3A_1238 = tpu.memref_squeeze %dma_start3A_1237 : memref<1x40x128xf32, #tpu.memory_space<vmem>> -> memref<40x128xf32, #tpu.memory_space<vmem>>
      tpu.enqueue_dma source(%dma_start3A_1238 : memref<40x128xf32, #tpu.memory_space<vmem>>) target(%dma_start3A_1234 : memref<40x128xf32, #tpu.memory_space<vmem_shared>>) target_semaphore(%run_scoped3A_1226 : memref<!tpu.dma_semaphore, #tpu.memory_space<semaphore_mem>>)
      %dma_wait3A_1239 = arith.constant 0 : i32
      %dma_wait3A_1240 = arith.constant 0 : i32
      %dma_wait3A_1241 = tpu.memref_slice %arg10[%run_scoped3A_68, %dma_wait3A_1239, %dma_wait3A_1240] : memref<5x40x128xf32, #tpu.memory_space<vmem>> -> memref<1x40x128xf32, #tpu.memory_space<vmem>>
      %dma_wait3A_1242 = tpu.memref_squeeze %dma_wait3A_1241 : memref<1x40x128xf32, #tpu.memory_space<vmem>> -> memref<40x128xf32, #tpu.memory_space<vmem>>
      %dma_wait3A_1243 = arith.constant 0 : i32
      %dma_wait3A_1244 = tpu.memref_slice %arg38[%add3A_67, %dma_wait3A_1243] : memref<10240x128xf32, #tpu.memory_space<vmem_shared>> -> memref<40x128xf32, #tpu.memory_space<vmem_shared>>
      %dma_wait3A_1245 = arith.constant 0 : i32
      %dma_wait3A_1246 = tpu.memref_slice %arg38[%add3A_67, %dma_wait3A_1245] : memref<10240x128xf32, #tpu.memory_space<vmem_shared>> -> memref<40x128xf32, #tpu.memory_space<vmem_shared>>
      %dma_wait3A_1247 = arith.constant 0 : i32
      %dma_wait3A_1248 = arith.constant 0 : i32
      %dma_wait3A_1249 = tpu.memref_slice %arg10[%run_scoped3A_68, %dma_wait3A_1247, %dma_wait3A_1248] : memref<5x40x128xf32, #tpu.memory_space<vmem>> -> memref<1x40x128xf32, #tpu.memory_space<vmem>>
      %dma_wait3A_1250 = tpu.memref_squeeze %dma_wait3A_1249 : memref<1x40x128xf32, #tpu.memory_space<vmem>> -> memref<40x128xf32, #tpu.memory_space<vmem>>
      tpu.wait_dma2 semaphore(%run_scoped3A_1226 : memref<!tpu.dma_semaphore, #tpu.memory_space<semaphore_mem>>) src(%dma_wait3A_1250 : memref<40x128xf32, #tpu.memory_space<vmem>>) dst(%dma_wait3A_1246 : memref<40x128xf32, #tpu.memory_space<vmem_shared>>)
      tpu.yield
    }) : () -> ()
    %mul3A_69 = arith.constant 640 : i32
    %mul3A_70 = arith.muli %arg1, %mul3A_69 : i32
    %add3A_71 = arith.constant 320 : i32
    %add3A_72 = arith.addi %mul3A_70, %add3A_71 : i32
    %run_scoped3A_73 = arith.constant 0 : i32
    "tpu.region"() ({
      %run_scoped3A_1226 = tpu.sem_alloc : memref<!tpu.dma_semaphore, #tpu.memory_space<semaphore_mem>>
      %dma_start3A_1227 = arith.constant 0 : i32
      %dma_start3A_1228 = arith.constant 0 : i32
      %dma_start3A_1229 = tpu.memref_slice %arg10[%run_scoped3A_73, %dma_start3A_1227, %dma_start3A_1228] : memref<5x40x128xf32, #tpu.memory_space<vmem>> -> memref<1x40x128xf32, #tpu.memory_space<vmem>>
      %dma_start3A_1230 = tpu.memref_squeeze %dma_start3A_1229 : memref<1x40x128xf32, #tpu.memory_space<vmem>> -> memref<40x128xf32, #tpu.memory_space<vmem>>
      %dma_start3A_1231 = arith.constant 0 : i32
      %dma_start3A_1232 = tpu.memref_slice %arg38[%add3A_72, %dma_start3A_1231] : memref<10240x128xf32, #tpu.memory_space<vmem_shared>> -> memref<40x128xf32, #tpu.memory_space<vmem_shared>>
      %dma_start3A_1233 = arith.constant 0 : i32
      %dma_start3A_1234 = tpu.memref_slice %arg38[%add3A_72, %dma_start3A_1233] : memref<10240x128xf32, #tpu.memory_space<vmem_shared>> -> memref<40x128xf32, #tpu.memory_space<vmem_shared>>
      %dma_start3A_1235 = arith.constant 0 : i32
      %dma_start3A_1236 = arith.constant 0 : i32
      %dma_start3A_1237 = tpu.memref_slice %arg10[%run_scoped3A_73, %dma_start3A_1235, %dma_start3A_1236] : memref<5x40x128xf32, #tpu.memory_space<vmem>> -> memref<1x40x128xf32, #tpu.memory_space<vmem>>
      %dma_start3A_1238 = tpu.memref_squeeze %dma_start3A_1237 : memref<1x40x128xf32, #tpu.memory_space<vmem>> -> memref<40x128xf32, #tpu.memory_space<vmem>>
      tpu.enqueue_dma source(%dma_start3A_1238 : memref<40x128xf32, #tpu.memory_space<vmem>>) target(%dma_start3A_1234 : memref<40x128xf32, #tpu.memory_space<vmem_shared>>) target_semaphore(%run_scoped3A_1226 : memref<!tpu.dma_semaphore, #tpu.memory_space<semaphore_mem>>)
      %dma_wait3A_1239 = arith.constant 0 : i32
      %dma_wait3A_1240 = arith.constant 0 : i32
      %dma_wait3A_1241 = tpu.memref_slice %arg10[%run_scoped3A_73, %dma_wait3A_1239, %dma_wait3A_1240] : memref<5x40x128xf32, #tpu.memory_space<vmem>> -> memref<1x40x128xf32, #tpu.memory_space<vmem>>
      %dma_wait3A_1242 = tpu.memref_squeeze %dma_wait3A_1241 : memref<1x40x128xf32, #tpu.memory_space<vmem>> -> memref<40x128xf32, #tpu.memory_space<vmem>>
      %dma_wait3A_1243 = arith.constant 0 : i32
      %dma_wait3A_1244 = tpu.memref_slice %arg38[%add3A_72, %dma_wait3A_1243] : memref<10240x128xf32, #tpu.memory_space<vmem_shared>> -> memref<40x128xf32, #tpu.memory_space<vmem_shared>>
      %dma_wait3A_1245 = arith.constant 0 : i32
      %dma_wait3A_1246 = tpu.memref_slice %arg38[%add3A_72, %dma_wait3A_1245] : memref<10240x128xf32, #tpu.memory_space<vmem_shared>> -> memref<40x128xf32, #tpu.memory_space<vmem_shared>>
      %dma_wait3A_1247 = arith.constant 0 : i32
      %dma_wait3A_1248 = arith.constant 0 : i32
      %dma_wait3A_1249 = tpu.memref_slice %arg10[%run_scoped3A_73, %dma_wait3A_1247, %dma_wait3A_1248] : memref<5x40x128xf32, #tpu.memory_space<vmem>> -> memref<1x40x128xf32, #tpu.memory_space<vmem>>
      %dma_wait3A_1250 = tpu.memref_squeeze %dma_wait3A_1249 : memref<1x40x128xf32, #tpu.memory_space<vmem>> -> memref<40x128xf32, #tpu.memory_space<vmem>>
      tpu.wait_dma2 semaphore(%run_scoped3A_1226 : memref<!tpu.dma_semaphore, #tpu.memory_space<semaphore_mem>>) src(%dma_wait3A_1250 : memref<40x128xf32, #tpu.memory_space<vmem>>) dst(%dma_wait3A_1246 : memref<40x128xf32, #tpu.memory_space<vmem_shared>>)
      tpu.yield
    }) : () -> ()
    %mul3A_74 = arith.constant 640 : i32
    %mul3A_75 = arith.muli %arg1, %mul3A_74 : i32
    %add3A_76 = arith.constant 360 : i32
    %add3A_77 = arith.addi %mul3A_75, %add3A_76 : i32
    %run_scoped3A_78 = arith.constant 0 : i32
    "tpu.region"() ({
      %run_scoped3A_1226 = tpu.sem_alloc : memref<!tpu.dma_semaphore, #tpu.memory_space<semaphore_mem>>
      %dma_start3A_1227 = arith.constant 0 : i32
      %dma_start3A_1228 = arith.constant 0 : i32
      %dma_start3A_1229 = tpu.memref_slice %arg10[%run_scoped3A_78, %dma_start3A_1227, %dma_start3A_1228] : memref<5x40x128xf32, #tpu.memory_space<vmem>> -> memref<1x40x128xf32, #tpu.memory_space<vmem>>
      %dma_start3A_1230 = tpu.memref_squeeze %dma_start3A_1229 : memref<1x40x128xf32, #tpu.memory_space<vmem>> -> memref<40x128xf32, #tpu.memory_space<vmem>>
      %dma_start3A_1231 = arith.constant 0 : i32
      %dma_start3A_1232 = tpu.memref_slice %arg38[%add3A_77, %dma_start3A_1231] : memref<10240x128xf32, #tpu.memory_space<vmem_shared>> -> memref<40x128xf32, #tpu.memory_space<vmem_shared>>
      %dma_start3A_1233 = arith.constant 0 : i32
      %dma_start3A_1234 = tpu.memref_slice %arg38[%add3A_77, %dma_start3A_1233] : memref<10240x128xf32, #tpu.memory_space<vmem_shared>> -> memref<40x128xf32, #tpu.memory_space<vmem_shared>>
      %dma_start3A_1235 = arith.constant 0 : i32
      %dma_start3A_1236 = arith.constant 0 : i32
      %dma_start3A_1237 = tpu.memref_slice %arg10[%run_scoped3A_78, %dma_start3A_1235, %dma_start3A_1236] : memref<5x40x128xf32, #tpu.memory_space<vmem>> -> memref<1x40x128xf32, #tpu.memory_space<vmem>>
      %dma_start3A_1238 = tpu.memref_squeeze %dma_start3A_1237 : memref<1x40x128xf32, #tpu.memory_space<vmem>> -> memref<40x128xf32, #tpu.memory_space<vmem>>
      tpu.enqueue_dma source(%dma_start3A_1238 : memref<40x128xf32, #tpu.memory_space<vmem>>) target(%dma_start3A_1234 : memref<40x128xf32, #tpu.memory_space<vmem_shared>>) target_semaphore(%run_scoped3A_1226 : memref<!tpu.dma_semaphore, #tpu.memory_space<semaphore_mem>>)
      %dma_wait3A_1239 = arith.constant 0 : i32
      %dma_wait3A_1240 = arith.constant 0 : i32
      %dma_wait3A_1241 = tpu.memref_slice %arg10[%run_scoped3A_78, %dma_wait3A_1239, %dma_wait3A_1240] : memref<5x40x128xf32, #tpu.memory_space<vmem>> -> memref<1x40x128xf32, #tpu.memory_space<vmem>>
      %dma_wait3A_1242 = tpu.memref_squeeze %dma_wait3A_1241 : memref<1x40x128xf32, #tpu.memory_space<vmem>> -> memref<40x128xf32, #tpu.memory_space<vmem>>
      %dma_wait3A_1243 = arith.constant 0 : i32
      %dma_wait3A_1244 = tpu.memref_slice %arg38[%add3A_77, %dma_wait3A_1243] : memref<10240x128xf32, #tpu.memory_space<vmem_shared>> -> memref<40x128xf32, #tpu.memory_space<vmem_shared>>
      %dma_wait3A_1245 = arith.constant 0 : i32
      %dma_wait3A_1246 = tpu.memref_slice %arg38[%add3A_77, %dma_wait3A_1245] : memref<10240x128xf32, #tpu.memory_space<vmem_shared>> -> memref<40x128xf32, #tpu.memory_space<vmem_shared>>
      %dma_wait3A_1247 = arith.constant 0 : i32
      %dma_wait3A_1248 = arith.constant 0 : i32
      %dma_wait3A_1249 = tpu.memref_slice %arg10[%run_scoped3A_78, %dma_wait3A_1247, %dma_wait3A_1248] : memref<5x40x128xf32, #tpu.memory_space<vmem>> -> memref<1x40x128xf32, #tpu.memory_space<vmem>>
      %dma_wait3A_1250 = tpu.memref_squeeze %dma_wait3A_1249 : memref<1x40x128xf32, #tpu.memory_space<vmem>> -> memref<40x128xf32, #tpu.memory_space<vmem>>
      tpu.wait_dma2 semaphore(%run_scoped3A_1226 : memref<!tpu.dma_semaphore, #tpu.memory_space<semaphore_mem>>) src(%dma_wait3A_1250 : memref<40x128xf32, #tpu.memory_space<vmem>>) dst(%dma_wait3A_1246 : memref<40x128xf32, #tpu.memory_space<vmem_shared>>)
      tpu.yield
    }) : () -> ()
    %mul3A_79 = arith.constant 640 : i32
    %mul3A_80 = arith.muli %arg1, %mul3A_79 : i32
    %add3A_81 = arith.constant 400 : i32
    %add3A_82 = arith.addi %mul3A_80, %add3A_81 : i32
    %run_scoped3A_83 = arith.constant 0 : i32
    "tpu.region"() ({
      %run_scoped3A_1226 = tpu.sem_alloc : memref<!tpu.dma_semaphore, #tpu.memory_space<semaphore_mem>>
      %dma_start3A_1227 = arith.constant 0 : i32
      %dma_start3A_1228 = arith.constant 0 : i32
      %dma_start3A_1229 = tpu.memref_slice %arg10[%run_scoped3A_83, %dma_start3A_1227, %dma_start3A_1228] : memref<5x40x128xf32, #tpu.memory_space<vmem>> -> memref<1x40x128xf32, #tpu.memory_space<vmem>>
      %dma_start3A_1230 = tpu.memref_squeeze %dma_start3A_1229 : memref<1x40x128xf32, #tpu.memory_space<vmem>> -> memref<40x128xf32, #tpu.memory_space<vmem>>
      %dma_start3A_1231 = arith.constant 0 : i32
      %dma_start3A_1232 = tpu.memref_slice %arg38[%add3A_82, %dma_start3A_1231] : memref<10240x128xf32, #tpu.memory_space<vmem_shared>> -> memref<40x128xf32, #tpu.memory_space<vmem_shared>>
      %dma_start3A_1233 = arith.constant 0 : i32
      %dma_start3A_1234 = tpu.memref_slice %arg38[%add3A_82, %dma_start3A_1233] : memref<10240x128xf32, #tpu.memory_space<vmem_shared>> -> memref<40x128xf32, #tpu.memory_space<vmem_shared>>
      %dma_start3A_1235 = arith.constant 0 : i32
      %dma_start3A_1236 = arith.constant 0 : i32
      %dma_start3A_1237 = tpu.memref_slice %arg10[%run_scoped3A_83, %dma_start3A_1235, %dma_start3A_1236] : memref<5x40x128xf32, #tpu.memory_space<vmem>> -> memref<1x40x128xf32, #tpu.memory_space<vmem>>
      %dma_start3A_1238 = tpu.memref_squeeze %dma_start3A_1237 : memref<1x40x128xf32, #tpu.memory_space<vmem>> -> memref<40x128xf32, #tpu.memory_space<vmem>>
      tpu.enqueue_dma source(%dma_start3A_1238 : memref<40x128xf32, #tpu.memory_space<vmem>>) target(%dma_start3A_1234 : memref<40x128xf32, #tpu.memory_space<vmem_shared>>) target_semaphore(%run_scoped3A_1226 : memref<!tpu.dma_semaphore, #tpu.memory_space<semaphore_mem>>)
      %dma_wait3A_1239 = arith.constant 0 : i32
      %dma_wait3A_1240 = arith.constant 0 : i32
      %dma_wait3A_1241 = tpu.memref_slice %arg10[%run_scoped3A_83, %dma_wait3A_1239, %dma_wait3A_1240] : memref<5x40x128xf32, #tpu.memory_space<vmem>> -> memref<1x40x128xf32, #tpu.memory_space<vmem>>
      %dma_wait3A_1242 = tpu.memref_squeeze %dma_wait3A_1241 : memref<1x40x128xf32, #tpu.memory_space<vmem>> -> memref<40x128xf32, #tpu.memory_space<vmem>>
      %dma_wait3A_1243 = arith.constant 0 : i32
      %dma_wait3A_1244 = tpu.memref_slice %arg38[%add3A_82, %dma_wait3A_1243] : memref<10240x128xf32, #tpu.memory_space<vmem_shared>> -> memref<40x128xf32, #tpu.memory_space<vmem_shared>>
      %dma_wait3A_1245 = arith.constant 0 : i32
      %dma_wait3A_1246 = tpu.memref_slice %arg38[%add3A_82, %dma_wait3A_1245] : memref<10240x128xf32, #tpu.memory_space<vmem_shared>> -> memref<40x128xf32, #tpu.memory_space<vmem_shared>>
      %dma_wait3A_1247 = arith.constant 0 : i32
      %dma_wait3A_1248 = arith.constant 0 : i32
      %dma_wait3A_1249 = tpu.memref_slice %arg10[%run_scoped3A_83, %dma_wait3A_1247, %dma_wait3A_1248] : memref<5x40x128xf32, #tpu.memory_space<vmem>> -> memref<1x40x128xf32, #tpu.memory_space<vmem>>
      %dma_wait3A_1250 = tpu.memref_squeeze %dma_wait3A_1249 : memref<1x40x128xf32, #tpu.memory_space<vmem>> -> memref<40x128xf32, #tpu.memory_space<vmem>>
      tpu.wait_dma2 semaphore(%run_scoped3A_1226 : memref<!tpu.dma_semaphore, #tpu.memory_space<semaphore_mem>>) src(%dma_wait3A_1250 : memref<40x128xf32, #tpu.memory_space<vmem>>) dst(%dma_wait3A_1246 : memref<40x128xf32, #tpu.memory_space<vmem_shared>>)
      tpu.yield
    }) : () -> ()
    %mul3A_84 = arith.constant 640 : i32
    %mul3A_85 = arith.muli %arg1, %mul3A_84 : i32
    %add3A_86 = arith.constant 440 : i32
    %add3A_87 = arith.addi %mul3A_85, %add3A_86 : i32
    %run_scoped3A_88 = arith.constant 0 : i32
    "tpu.region"() ({
      %run_scoped3A_1226 = tpu.sem_alloc : memref<!tpu.dma_semaphore, #tpu.memory_space<semaphore_mem>>
      %dma_start3A_1227 = arith.constant 0 : i32
      %dma_start3A_1228 = arith.constant 0 : i32
      %dma_start3A_1229 = tpu.memref_slice %arg10[%run_scoped3A_88, %dma_start3A_1227, %dma_start3A_1228] : memref<5x40x128xf32, #tpu.memory_space<vmem>> -> memref<1x40x128xf32, #tpu.memory_space<vmem>>
      %dma_start3A_1230 = tpu.memref_squeeze %dma_start3A_1229 : memref<1x40x128xf32, #tpu.memory_space<vmem>> -> memref<40x128xf32, #tpu.memory_space<vmem>>
      %dma_start3A_1231 = arith.constant 0 : i32
      %dma_start3A_1232 = tpu.memref_slice %arg38[%add3A_87, %dma_start3A_1231] : memref<10240x128xf32, #tpu.memory_space<vmem_shared>> -> memref<40x128xf32, #tpu.memory_space<vmem_shared>>
      %dma_start3A_1233 = arith.constant 0 : i32
      %dma_start3A_1234 = tpu.memref_slice %arg38[%add3A_87, %dma_start3A_1233] : memref<10240x128xf32, #tpu.memory_space<vmem_shared>> -> memref<40x128xf32, #tpu.memory_space<vmem_shared>>
      %dma_start3A_1235 = arith.constant 0 : i32
      %dma_start3A_1236 = arith.constant 0 : i32
      %dma_start3A_1237 = tpu.memref_slice %arg10[%run_scoped3A_88, %dma_start3A_1235, %dma_start3A_1236] : memref<5x40x128xf32, #tpu.memory_space<vmem>> -> memref<1x40x128xf32, #tpu.memory_space<vmem>>
      %dma_start3A_1238 = tpu.memref_squeeze %dma_start3A_1237 : memref<1x40x128xf32, #tpu.memory_space<vmem>> -> memref<40x128xf32, #tpu.memory_space<vmem>>
      tpu.enqueue_dma source(%dma_start3A_1238 : memref<40x128xf32, #tpu.memory_space<vmem>>) target(%dma_start3A_1234 : memref<40x128xf32, #tpu.memory_space<vmem_shared>>) target_semaphore(%run_scoped3A_1226 : memref<!tpu.dma_semaphore, #tpu.memory_space<semaphore_mem>>)
      %dma_wait3A_1239 = arith.constant 0 : i32
      %dma_wait3A_1240 = arith.constant 0 : i32
      %dma_wait3A_1241 = tpu.memref_slice %arg10[%run_scoped3A_88, %dma_wait3A_1239, %dma_wait3A_1240] : memref<5x40x128xf32, #tpu.memory_space<vmem>> -> memref<1x40x128xf32, #tpu.memory_space<vmem>>
      %dma_wait3A_1242 = tpu.memref_squeeze %dma_wait3A_1241 : memref<1x40x128xf32, #tpu.memory_space<vmem>> -> memref<40x128xf32, #tpu.memory_space<vmem>>
      %dma_wait3A_1243 = arith.constant 0 : i32
      %dma_wait3A_1244 = tpu.memref_slice %arg38[%add3A_87, %dma_wait3A_1243] : memref<10240x128xf32, #tpu.memory_space<vmem_shared>> -> memref<40x128xf32, #tpu.memory_space<vmem_shared>>
      %dma_wait3A_1245 = arith.constant 0 : i32
      %dma_wait3A_1246 = tpu.memref_slice %arg38[%add3A_87, %dma_wait3A_1245] : memref<10240x128xf32, #tpu.memory_space<vmem_shared>> -> memref<40x128xf32, #tpu.memory_space<vmem_shared>>
      %dma_wait3A_1247 = arith.constant 0 : i32
      %dma_wait3A_1248 = arith.constant 0 : i32
      %dma_wait3A_1249 = tpu.memref_slice %arg10[%run_scoped3A_88, %dma_wait3A_1247, %dma_wait3A_1248] : memref<5x40x128xf32, #tpu.memory_space<vmem>> -> memref<1x40x128xf32, #tpu.memory_space<vmem>>
      %dma_wait3A_1250 = tpu.memref_squeeze %dma_wait3A_1249 : memref<1x40x128xf32, #tpu.memory_space<vmem>> -> memref<40x128xf32, #tpu.memory_space<vmem>>
      tpu.wait_dma2 semaphore(%run_scoped3A_1226 : memref<!tpu.dma_semaphore, #tpu.memory_space<semaphore_mem>>) src(%dma_wait3A_1250 : memref<40x128xf32, #tpu.memory_space<vmem>>) dst(%dma_wait3A_1246 : memref<40x128xf32, #tpu.memory_space<vmem_shared>>)
      tpu.yield
    }) : () -> ()
    %mul3A_89 = arith.constant 640 : i32
    %mul3A_90 = arith.muli %arg1, %mul3A_89 : i32
    %add3A_91 = arith.constant 480 : i32
    %add3A_92 = arith.addi %mul3A_90, %add3A_91 : i32
    %run_scoped3A_93 = arith.constant 0 : i32
    "tpu.region"() ({
      %run_scoped3A_1226 = tpu.sem_alloc : memref<!tpu.dma_semaphore, #tpu.memory_space<semaphore_mem>>
      %dma_start3A_1227 = arith.constant 0 : i32
      %dma_start3A_1228 = arith.constant 0 : i32
      %dma_start3A_1229 = tpu.memref_slice %arg10[%run_scoped3A_93, %dma_start3A_1227, %dma_start3A_1228] : memref<5x40x128xf32, #tpu.memory_space<vmem>> -> memref<1x40x128xf32, #tpu.memory_space<vmem>>
      %dma_start3A_1230 = tpu.memref_squeeze %dma_start3A_1229 : memref<1x40x128xf32, #tpu.memory_space<vmem>> -> memref<40x128xf32, #tpu.memory_space<vmem>>
      %dma_start3A_1231 = arith.constant 0 : i32
      %dma_start3A_1232 = tpu.memref_slice %arg38[%add3A_92, %dma_start3A_1231] : memref<10240x128xf32, #tpu.memory_space<vmem_shared>> -> memref<40x128xf32, #tpu.memory_space<vmem_shared>>
      %dma_start3A_1233 = arith.constant 0 : i32
      %dma_start3A_1234 = tpu.memref_slice %arg38[%add3A_92, %dma_start3A_1233] : memref<10240x128xf32, #tpu.memory_space<vmem_shared>> -> memref<40x128xf32, #tpu.memory_space<vmem_shared>>
      %dma_start3A_1235 = arith.constant 0 : i32
      %dma_start3A_1236 = arith.constant 0 : i32
      %dma_start3A_1237 = tpu.memref_slice %arg10[%run_scoped3A_93, %dma_start3A_1235, %dma_start3A_1236] : memref<5x40x128xf32, #tpu.memory_space<vmem>> -> memref<1x40x128xf32, #tpu.memory_space<vmem>>
      %dma_start3A_1238 = tpu.memref_squeeze %dma_start3A_1237 : memref<1x40x128xf32, #tpu.memory_space<vmem>> -> memref<40x128xf32, #tpu.memory_space<vmem>>
      tpu.enqueue_dma source(%dma_start3A_1238 : memref<40x128xf32, #tpu.memory_space<vmem>>) target(%dma_start3A_1234 : memref<40x128xf32, #tpu.memory_space<vmem_shared>>) target_semaphore(%run_scoped3A_1226 : memref<!tpu.dma_semaphore, #tpu.memory_space<semaphore_mem>>)
      %dma_wait3A_1239 = arith.constant 0 : i32
      %dma_wait3A_1240 = arith.constant 0 : i32
      %dma_wait3A_1241 = tpu.memref_slice %arg10[%run_scoped3A_93, %dma_wait3A_1239, %dma_wait3A_1240] : memref<5x40x128xf32, #tpu.memory_space<vmem>> -> memref<1x40x128xf32, #tpu.memory_space<vmem>>
      %dma_wait3A_1242 = tpu.memref_squeeze %dma_wait3A_1241 : memref<1x40x128xf32, #tpu.memory_space<vmem>> -> memref<40x128xf32, #tpu.memory_space<vmem>>
      %dma_wait3A_1243 = arith.constant 0 : i32
      %dma_wait3A_1244 = tpu.memref_slice %arg38[%add3A_92, %dma_wait3A_1243] : memref<10240x128xf32, #tpu.memory_space<vmem_shared>> -> memref<40x128xf32, #tpu.memory_space<vmem_shared>>
      %dma_wait3A_1245 = arith.constant 0 : i32
      %dma_wait3A_1246 = tpu.memref_slice %arg38[%add3A_92, %dma_wait3A_1245] : memref<10240x128xf32, #tpu.memory_space<vmem_shared>> -> memref<40x128xf32, #tpu.memory_space<vmem_shared>>
      %dma_wait3A_1247 = arith.constant 0 : i32
      %dma_wait3A_1248 = arith.constant 0 : i32
      %dma_wait3A_1249 = tpu.memref_slice %arg10[%run_scoped3A_93, %dma_wait3A_1247, %dma_wait3A_1248] : memref<5x40x128xf32, #tpu.memory_space<vmem>> -> memref<1x40x128xf32, #tpu.memory_space<vmem>>
      %dma_wait3A_1250 = tpu.memref_squeeze %dma_wait3A_1249 : memref<1x40x128xf32, #tpu.memory_space<vmem>> -> memref<40x128xf32, #tpu.memory_space<vmem>>
      tpu.wait_dma2 semaphore(%run_scoped3A_1226 : memref<!tpu.dma_semaphore, #tpu.memory_space<semaphore_mem>>) src(%dma_wait3A_1250 : memref<40x128xf32, #tpu.memory_space<vmem>>) dst(%dma_wait3A_1246 : memref<40x128xf32, #tpu.memory_space<vmem_shared>>)
      tpu.yield
    }) : () -> ()
    %mul3A_94 = arith.constant 640 : i32
    %mul3A_95 = arith.muli %arg1, %mul3A_94 : i32
    %add3A_96 = arith.constant 520 : i32
    %add3A_97 = arith.addi %mul3A_95, %add3A_96 : i32
    %run_scoped3A_98 = arith.constant 0 : i32
    "tpu.region"() ({
      %run_scoped3A_1226 = tpu.sem_alloc : memref<!tpu.dma_semaphore, #tpu.memory_space<semaphore_mem>>
      %dma_start3A_1227 = arith.constant 0 : i32
      %dma_start3A_1228 = arith.constant 0 : i32
      %dma_start3A_1229 = tpu.memref_slice %arg10[%run_scoped3A_98, %dma_start3A_1227, %dma_start3A_1228] : memref<5x40x128xf32, #tpu.memory_space<vmem>> -> memref<1x40x128xf32, #tpu.memory_space<vmem>>
      %dma_start3A_1230 = tpu.memref_squeeze %dma_start3A_1229 : memref<1x40x128xf32, #tpu.memory_space<vmem>> -> memref<40x128xf32, #tpu.memory_space<vmem>>
      %dma_start3A_1231 = arith.constant 0 : i32
      %dma_start3A_1232 = tpu.memref_slice %arg38[%add3A_97, %dma_start3A_1231] : memref<10240x128xf32, #tpu.memory_space<vmem_shared>> -> memref<40x128xf32, #tpu.memory_space<vmem_shared>>
      %dma_start3A_1233 = arith.constant 0 : i32
      %dma_start3A_1234 = tpu.memref_slice %arg38[%add3A_97, %dma_start3A_1233] : memref<10240x128xf32, #tpu.memory_space<vmem_shared>> -> memref<40x128xf32, #tpu.memory_space<vmem_shared>>
      %dma_start3A_1235 = arith.constant 0 : i32
      %dma_start3A_1236 = arith.constant 0 : i32
      %dma_start3A_1237 = tpu.memref_slice %arg10[%run_scoped3A_98, %dma_start3A_1235, %dma_start3A_1236] : memref<5x40x128xf32, #tpu.memory_space<vmem>> -> memref<1x40x128xf32, #tpu.memory_space<vmem>>
      %dma_start3A_1238 = tpu.memref_squeeze %dma_start3A_1237 : memref<1x40x128xf32, #tpu.memory_space<vmem>> -> memref<40x128xf32, #tpu.memory_space<vmem>>
      tpu.enqueue_dma source(%dma_start3A_1238 : memref<40x128xf32, #tpu.memory_space<vmem>>) target(%dma_start3A_1234 : memref<40x128xf32, #tpu.memory_space<vmem_shared>>) target_semaphore(%run_scoped3A_1226 : memref<!tpu.dma_semaphore, #tpu.memory_space<semaphore_mem>>)
      %dma_wait3A_1239 = arith.constant 0 : i32
      %dma_wait3A_1240 = arith.constant 0 : i32
      %dma_wait3A_1241 = tpu.memref_slice %arg10[%run_scoped3A_98, %dma_wait3A_1239, %dma_wait3A_1240] : memref<5x40x128xf32, #tpu.memory_space<vmem>> -> memref<1x40x128xf32, #tpu.memory_space<vmem>>
      %dma_wait3A_1242 = tpu.memref_squeeze %dma_wait3A_1241 : memref<1x40x128xf32, #tpu.memory_space<vmem>> -> memref<40x128xf32, #tpu.memory_space<vmem>>
      %dma_wait3A_1243 = arith.constant 0 : i32
      %dma_wait3A_1244 = tpu.memref_slice %arg38[%add3A_97, %dma_wait3A_1243] : memref<10240x128xf32, #tpu.memory_space<vmem_shared>> -> memref<40x128xf32, #tpu.memory_space<vmem_shared>>
      %dma_wait3A_1245 = arith.constant 0 : i32
      %dma_wait3A_1246 = tpu.memref_slice %arg38[%add3A_97, %dma_wait3A_1245] : memref<10240x128xf32, #tpu.memory_space<vmem_shared>> -> memref<40x128xf32, #tpu.memory_space<vmem_shared>>
      %dma_wait3A_1247 = arith.constant 0 : i32
      %dma_wait3A_1248 = arith.constant 0 : i32
      %dma_wait3A_1249 = tpu.memref_slice %arg10[%run_scoped3A_98, %dma_wait3A_1247, %dma_wait3A_1248] : memref<5x40x128xf32, #tpu.memory_space<vmem>> -> memref<1x40x128xf32, #tpu.memory_space<vmem>>
      %dma_wait3A_1250 = tpu.memref_squeeze %dma_wait3A_1249 : memref<1x40x128xf32, #tpu.memory_space<vmem>> -> memref<40x128xf32, #tpu.memory_space<vmem>>
      tpu.wait_dma2 semaphore(%run_scoped3A_1226 : memref<!tpu.dma_semaphore, #tpu.memory_space<semaphore_mem>>) src(%dma_wait3A_1250 : memref<40x128xf32, #tpu.memory_space<vmem>>) dst(%dma_wait3A_1246 : memref<40x128xf32, #tpu.memory_space<vmem_shared>>)
      tpu.yield
    }) : () -> ()
    %mul3A_99 = arith.constant 640 : i32
    %mul3A_100 = arith.muli %arg1, %mul3A_99 : i32
    %add3A_101 = arith.constant 560 : i32
    %add3A_102 = arith.addi %mul3A_100, %add3A_101 : i32
    %run_scoped3A_103 = arith.constant 0 : i32
    "tpu.region"() ({
      %run_scoped3A_1226 = tpu.sem_alloc : memref<!tpu.dma_semaphore, #tpu.memory_space<semaphore_mem>>
      %dma_start3A_1227 = arith.constant 0 : i32
      %dma_start3A_1228 = arith.constant 0 : i32
      %dma_start3A_1229 = tpu.memref_slice %arg10[%run_scoped3A_103, %dma_start3A_1227, %dma_start3A_1228] : memref<5x40x128xf32, #tpu.memory_space<vmem>> -> memref<1x40x128xf32, #tpu.memory_space<vmem>>
      %dma_start3A_1230 = tpu.memref_squeeze %dma_start3A_1229 : memref<1x40x128xf32, #tpu.memory_space<vmem>> -> memref<40x128xf32, #tpu.memory_space<vmem>>
      %dma_start3A_1231 = arith.constant 0 : i32
      %dma_start3A_1232 = tpu.memref_slice %arg38[%add3A_102, %dma_start3A_1231] : memref<10240x128xf32, #tpu.memory_space<vmem_shared>> -> memref<40x128xf32, #tpu.memory_space<vmem_shared>>
      %dma_start3A_1233 = arith.constant 0 : i32
      %dma_start3A_1234 = tpu.memref_slice %arg38[%add3A_102, %dma_start3A_1233] : memref<10240x128xf32, #tpu.memory_space<vmem_shared>> -> memref<40x128xf32, #tpu.memory_space<vmem_shared>>
      %dma_start3A_1235 = arith.constant 0 : i32
      %dma_start3A_1236 = arith.constant 0 : i32
      %dma_start3A_1237 = tpu.memref_slice %arg10[%run_scoped3A_103, %dma_start3A_1235, %dma_start3A_1236] : memref<5x40x128xf32, #tpu.memory_space<vmem>> -> memref<1x40x128xf32, #tpu.memory_space<vmem>>
      %dma_start3A_1238 = tpu.memref_squeeze %dma_start3A_1237 : memref<1x40x128xf32, #tpu.memory_space<vmem>> -> memref<40x128xf32, #tpu.memory_space<vmem>>
      tpu.enqueue_dma source(%dma_start3A_1238 : memref<40x128xf32, #tpu.memory_space<vmem>>) target(%dma_start3A_1234 : memref<40x128xf32, #tpu.memory_space<vmem_shared>>) target_semaphore(%run_scoped3A_1226 : memref<!tpu.dma_semaphore, #tpu.memory_space<semaphore_mem>>)
      %dma_wait3A_1239 = arith.constant 0 : i32
      %dma_wait3A_1240 = arith.constant 0 : i32
      %dma_wait3A_1241 = tpu.memref_slice %arg10[%run_scoped3A_103, %dma_wait3A_1239, %dma_wait3A_1240] : memref<5x40x128xf32, #tpu.memory_space<vmem>> -> memref<1x40x128xf32, #tpu.memory_space<vmem>>
      %dma_wait3A_1242 = tpu.memref_squeeze %dma_wait3A_1241 : memref<1x40x128xf32, #tpu.memory_space<vmem>> -> memref<40x128xf32, #tpu.memory_space<vmem>>
      %dma_wait3A_1243 = arith.constant 0 : i32
      %dma_wait3A_1244 = tpu.memref_slice %arg38[%add3A_102, %dma_wait3A_1243] : memref<10240x128xf32, #tpu.memory_space<vmem_shared>> -> memref<40x128xf32, #tpu.memory_space<vmem_shared>>
      %dma_wait3A_1245 = arith.constant 0 : i32
      %dma_wait3A_1246 = tpu.memref_slice %arg38[%add3A_102, %dma_wait3A_1245] : memref<10240x128xf32, #tpu.memory_space<vmem_shared>> -> memref<40x128xf32, #tpu.memory_space<vmem_shared>>
      %dma_wait3A_1247 = arith.constant 0 : i32
      %dma_wait3A_1248 = arith.constant 0 : i32
      %dma_wait3A_1249 = tpu.memref_slice %arg10[%run_scoped3A_103, %dma_wait3A_1247, %dma_wait3A_1248] : memref<5x40x128xf32, #tpu.memory_space<vmem>> -> memref<1x40x128xf32, #tpu.memory_space<vmem>>
      %dma_wait3A_1250 = tpu.memref_squeeze %dma_wait3A_1249 : memref<1x40x128xf32, #tpu.memory_space<vmem>> -> memref<40x128xf32, #tpu.memory_space<vmem>>
      tpu.wait_dma2 semaphore(%run_scoped3A_1226 : memref<!tpu.dma_semaphore, #tpu.memory_space<semaphore_mem>>) src(%dma_wait3A_1250 : memref<40x128xf32, #tpu.memory_space<vmem>>) dst(%dma_wait3A_1246 : memref<40x128xf32, #tpu.memory_space<vmem_shared>>)
      tpu.yield
    }) : () -> ()
    %mul3A_104 = arith.constant 640 : i32
    %mul3A_105 = arith.muli %arg1, %mul3A_104 : i32
    %add3A_106 = arith.constant 600 : i32
    %add3A_107 = arith.addi %mul3A_105, %add3A_106 : i32
    %run_scoped3A_108 = arith.constant 0 : i32
    "tpu.region"() ({
      %run_scoped3A_1226 = tpu.sem_alloc : memref<!tpu.dma_semaphore, #tpu.memory_space<semaphore_mem>>
      %dma_start3A_1227 = arith.constant 0 : i32
      %dma_start3A_1228 = arith.constant 0 : i32
      %dma_start3A_1229 = tpu.memref_slice %arg10[%run_scoped3A_108, %dma_start3A_1227, %dma_start3A_1228] : memref<5x40x128xf32, #tpu.memory_space<vmem>> -> memref<1x40x128xf32, #tpu.memory_space<vmem>>
      %dma_start3A_1230 = tpu.memref_squeeze %dma_start3A_1229 : memref<1x40x128xf32, #tpu.memory_space<vmem>> -> memref<40x128xf32, #tpu.memory_space<vmem>>
      %dma_start3A_1231 = arith.constant 0 : i32
      %dma_start3A_1232 = tpu.memref_slice %arg38[%add3A_107, %dma_start3A_1231] : memref<10240x128xf32, #tpu.memory_space<vmem_shared>> -> memref<40x128xf32, #tpu.memory_space<vmem_shared>>
      %dma_start3A_1233 = arith.constant 0 : i32
      %dma_start3A_1234 = tpu.memref_slice %arg38[%add3A_107, %dma_start3A_1233] : memref<10240x128xf32, #tpu.memory_space<vmem_shared>> -> memref<40x128xf32, #tpu.memory_space<vmem_shared>>
      %dma_start3A_1235 = arith.constant 0 : i32
      %dma_start3A_1236 = arith.constant 0 : i32
      %dma_start3A_1237 = tpu.memref_slice %arg10[%run_scoped3A_108, %dma_start3A_1235, %dma_start3A_1236] : memref<5x40x128xf32, #tpu.memory_space<vmem>> -> memref<1x40x128xf32, #tpu.memory_space<vmem>>
      %dma_start3A_1238 = tpu.memref_squeeze %dma_start3A_1237 : memref<1x40x128xf32, #tpu.memory_space<vmem>> -> memref<40x128xf32, #tpu.memory_space<vmem>>
      tpu.enqueue_dma source(%dma_start3A_1238 : memref<40x128xf32, #tpu.memory_space<vmem>>) target(%dma_start3A_1234 : memref<40x128xf32, #tpu.memory_space<vmem_shared>>) target_semaphore(%run_scoped3A_1226 : memref<!tpu.dma_semaphore, #tpu.memory_space<semaphore_mem>>)
      %dma_wait3A_1239 = arith.constant 0 : i32
      %dma_wait3A_1240 = arith.constant 0 : i32
      %dma_wait3A_1241 = tpu.memref_slice %arg10[%run_scoped3A_108, %dma_wait3A_1239, %dma_wait3A_1240] : memref<5x40x128xf32, #tpu.memory_space<vmem>> -> memref<1x40x128xf32, #tpu.memory_space<vmem>>
      %dma_wait3A_1242 = tpu.memref_squeeze %dma_wait3A_1241 : memref<1x40x128xf32, #tpu.memory_space<vmem>> -> memref<40x128xf32, #tpu.memory_space<vmem>>
      %dma_wait3A_1243 = arith.constant 0 : i32
      %dma_wait3A_1244 = tpu.memref_slice %arg38[%add3A_107, %dma_wait3A_1243] : memref<10240x128xf32, #tpu.memory_space<vmem_shared>> -> memref<40x128xf32, #tpu.memory_space<vmem_shared>>
      %dma_wait3A_1245 = arith.constant 0 : i32
      %dma_wait3A_1246 = tpu.memref_slice %arg38[%add3A_107, %dma_wait3A_1245] : memref<10240x128xf32, #tpu.memory_space<vmem_shared>> -> memref<40x128xf32, #tpu.memory_space<vmem_shared>>
      %dma_wait3A_1247 = arith.constant 0 : i32
      %dma_wait3A_1248 = arith.constant 0 : i32
      %dma_wait3A_1249 = tpu.memref_slice %arg10[%run_scoped3A_108, %dma_wait3A_1247, %dma_wait3A_1248] : memref<5x40x128xf32, #tpu.memory_space<vmem>> -> memref<1x40x128xf32, #tpu.memory_space<vmem>>
      %dma_wait3A_1250 = tpu.memref_squeeze %dma_wait3A_1249 : memref<1x40x128xf32, #tpu.memory_space<vmem>> -> memref<40x128xf32, #tpu.memory_space<vmem>>
      tpu.wait_dma2 semaphore(%run_scoped3A_1226 : memref<!tpu.dma_semaphore, #tpu.memory_space<semaphore_mem>>) src(%dma_wait3A_1250 : memref<40x128xf32, #tpu.memory_space<vmem>>) dst(%dma_wait3A_1246 : memref<40x128xf32, #tpu.memory_space<vmem_shared>>)
      tpu.yield
    }) : () -> ()
    %barrier3A = arith.constant 0 : index
    tpu.barrier barrier_id(%barrier3A)
    "tpu.region"() ({
      %run_scoped3A_1226 = tpu.sem_alloc : memref<!tpu.dma_semaphore, #tpu.memory_space<semaphore_mem>>
      %dma_start3A_1227 = arith.constant 0 : i32
      %dma_start3A_1228 = arith.constant 0 : i32
      %dma_start3A_1229 = tpu.memref_slice %arg3[%arg1, %dma_start3A_1227, %dma_start3A_1228] : memref<16x500x40xi32, #tpu.memory_space<hbm>> -> memref<1x250x40xi32, #tpu.memory_space<hbm>>
      %dma_start3A_1230 = tpu.memref_squeeze %dma_start3A_1229 : memref<1x250x40xi32, #tpu.memory_space<hbm>> -> memref<250x40xi32, #tpu.memory_space<hbm>>
      %dma_start3A_1231 = arith.constant 0 : i32
      %dma_start3A_1232 = arith.constant 0 : i32
      %dma_start3A_1233 = tpu.memref_slice %arg3[%arg1, %dma_start3A_1231, %dma_start3A_1232] : memref<16x500x40xi32, #tpu.memory_space<hbm>> -> memref<1x250x40xi32, #tpu.memory_space<hbm>>
      %dma_start3A_1234 = tpu.memref_squeeze %dma_start3A_1233 : memref<1x250x40xi32, #tpu.memory_space<hbm>> -> memref<250x40xi32, #tpu.memory_space<hbm>>
      tpu.enqueue_dma source(%dma_start3A_1234 : memref<250x40xi32, #tpu.memory_space<hbm>>) target(%arg9 : memref<250x40xi32, #tpu.memory_space<vmem>>) target_semaphore(%run_scoped3A_1226 : memref<!tpu.dma_semaphore, #tpu.memory_space<semaphore_mem>>)
      %dma_wait3A_1235 = arith.constant 0 : i32
      %dma_wait3A_1236 = arith.constant 0 : i32
      %dma_wait3A_1237 = tpu.memref_slice %arg3[%arg1, %dma_wait3A_1235, %dma_wait3A_1236] : memref<16x500x40xi32, #tpu.memory_space<hbm>> -> memref<1x250x40xi32, #tpu.memory_space<hbm>>
      %dma_wait3A_1238 = tpu.memref_squeeze %dma_wait3A_1237 : memref<1x250x40xi32, #tpu.memory_space<hbm>> -> memref<250x40xi32, #tpu.memory_space<hbm>>
      %dma_wait3A_1239 = arith.constant 0 : i32
      %dma_wait3A_1240 = arith.constant 0 : i32
      %dma_wait3A_1241 = tpu.memref_slice %arg3[%arg1, %dma_wait3A_1239, %dma_wait3A_1240] : memref<16x500x40xi32, #tpu.memory_space<hbm>> -> memref<1x250x40xi32, #tpu.memory_space<hbm>>
      %dma_wait3A_1242 = tpu.memref_squeeze %dma_wait3A_1241 : memref<1x250x40xi32, #tpu.memory_space<hbm>> -> memref<250x40xi32, #tpu.memory_space<hbm>>
      tpu.wait_dma2 semaphore(%run_scoped3A_1226 : memref<!tpu.dma_semaphore, #tpu.memory_space<semaphore_mem>>) src(%dma_wait3A_1242 : memref<250x40xi32, #tpu.memory_space<hbm>>) dst(%arg9 : memref<250x40xi32, #tpu.memory_space<vmem>>)
      tpu.yield
    }) : () -> ()
    %scan3A_109 = arith.constant 0 : i32
    %scan3A_110 = arith.constant 0 : i32
    %scan3A_111 = arith.constant 5 : i32
    %scan3A_112 = arith.addi %scan3A_110, %scan3A_111 : i32
    %scan3A_113 = arith.constant 1 : i32
    scf.for %scan3A_1226 = %scan3A_110 to %scan3A_112 step %scan3A_113  : i32 {
      %scan3A_1227 = arith.constant 0 : i32
      %scan3A_1228 = arith.constant 0 : i32
      %scan3A_1229 = arith.constant 50 : i32
      %scan3A_1230 = arith.addi %scan3A_1228, %scan3A_1229 : i32
      %scan3A_1231 = arith.constant 1 : i32
      scf.for %scan3A_1239 = %scan3A_1228 to %scan3A_1230 step %scan3A_1231  : i32 {
        %mul3A_1240 = arith.constant 50 : i32
        %mul3A_1241 = arith.muli %scan3A_1226, %mul3A_1240 : i32
        %add3A_1242 = arith.addi %mul3A_1241, %scan3A_1239 : i32
        %dma_start3A_1243 = arith.constant 0 : i32
        %dma_start3A_1244 = tpu.memref_slice %arg9[%add3A_1242, %dma_start3A_1243] : memref<250x40xi32, #tpu.memory_space<vmem>> -> memref<1x40xi32, #tpu.memory_space<vmem>>
        %dma_start3A_1245 = tpu.memref_squeeze %dma_start3A_1244 : memref<1x40xi32, #tpu.memory_space<vmem>> -> memref<40xi32, #tpu.memory_space<vmem>>
        %dma_start3A_1246 = arith.constant 0 : i32
        %dma_start3A_1247 = tpu.memref_slice %arg35[%dma_start3A_1246] : memref<10240xf32, #tpu.memory_space<vmem_shared>> -> memref<10240xf32, #tpu.memory_space<vmem_shared>>
        tpu.enqueue_indirect_dma source(%arg12 : memref<40xf32, #tpu.memory_space<vmem>>) target(%dma_start3A_1247 : memref<10240xf32, #tpu.memory_space<vmem_shared>>) offsets(%dma_start3A_1245 : memref<40xi32, #tpu.memory_space<vmem>>) semaphore(%arg14 : memref<!tpu.dma_semaphore, #tpu.memory_space<semaphore_mem>>) {add = true}
      }
      %scan3A_1232 = arith.constant 50 : i32
      %scan3A_1233 = arith.constant 0 : i32
      %scan3A_1234 = arith.constant 0 : i32
      %scan3A_1235 = arith.constant 50 : i32
      %scan3A_1236 = arith.addi %scan3A_1234, %scan3A_1235 : i32
      %scan3A_1237 = arith.constant 1 : i32
      scf.for %scan3A_1239 = %scan3A_1234 to %scan3A_1236 step %scan3A_1237  : i32 {
        %mul3A_1240 = arith.constant 50 : i32
        %mul3A_1241 = arith.muli %scan3A_1226, %mul3A_1240 : i32
        %add3A_1242 = arith.addi %mul3A_1241, %scan3A_1239 : i32
        %dma_wait3A_1243 = arith.constant 0 : i32
        %dma_wait3A_1244 = tpu.memref_slice %arg9[%add3A_1242, %dma_wait3A_1243] : memref<250x40xi32, #tpu.memory_space<vmem>> -> memref<1x40xi32, #tpu.memory_space<vmem>>
        %dma_wait3A_1245 = tpu.memref_squeeze %dma_wait3A_1244 : memref<1x40xi32, #tpu.memory_space<vmem>> -> memref<40xi32, #tpu.memory_space<vmem>>
        %dma_wait3A_1246 = arith.constant 0 : i32
        %dma_wait3A_1247 = tpu.memref_slice %arg35[%dma_wait3A_1246] : memref<10240xf32, #tpu.memory_space<vmem_shared>> -> memref<10240xf32, #tpu.memory_space<vmem_shared>>
        tpu.wait_indirect_dma semaphore(%arg14 : memref<!tpu.dma_semaphore, #tpu.memory_space<semaphore_mem>>) src(%arg12 : memref<40xf32, #tpu.memory_space<vmem>>) dst(%dma_wait3A_1247 : memref<10240xf32, #tpu.memory_space<vmem_shared>>)
      }
      %scan3A_1238 = arith.constant 50 : i32
    }
    %scan3A_114 = arith.constant 5 : i32
    "tpu.region"() ({
      %run_scoped3A_1226 = tpu.sem_alloc : memref<!tpu.dma_semaphore, #tpu.memory_space<semaphore_mem>>
      %dma_start3A_1227 = arith.constant 250 : i32
      %dma_start3A_1228 = arith.constant 0 : i32
      %dma_start3A_1229 = tpu.memref_slice %arg3[%arg1, %dma_start3A_1227, %dma_start3A_1228] : memref<16x500x40xi32, #tpu.memory_space<hbm>> -> memref<1x250x40xi32, #tpu.memory_space<hbm>>
      %dma_start3A_1230 = tpu.memref_squeeze %dma_start3A_1229 : memref<1x250x40xi32, #tpu.memory_space<hbm>> -> memref<250x40xi32, #tpu.memory_space<hbm>>
      %dma_start3A_1231 = arith.constant 250 : i32
      %dma_start3A_1232 = arith.constant 0 : i32
      %dma_start3A_1233 = tpu.memref_slice %arg3[%arg1, %dma_start3A_1231, %dma_start3A_1232] : memref<16x500x40xi32, #tpu.memory_space<hbm>> -> memref<1x250x40xi32, #tpu.memory_space<hbm>>
      %dma_start3A_1234 = tpu.memref_squeeze %dma_start3A_1233 : memref<1x250x40xi32, #tpu.memory_space<hbm>> -> memref<250x40xi32, #tpu.memory_space<hbm>>
      tpu.enqueue_dma source(%dma_start3A_1234 : memref<250x40xi32, #tpu.memory_space<hbm>>) target(%arg9 : memref<250x40xi32, #tpu.memory_space<vmem>>) target_semaphore(%run_scoped3A_1226 : memref<!tpu.dma_semaphore, #tpu.memory_space<semaphore_mem>>)
      %dma_wait3A_1235 = arith.constant 250 : i32
      %dma_wait3A_1236 = arith.constant 0 : i32
      %dma_wait3A_1237 = tpu.memref_slice %arg3[%arg1, %dma_wait3A_1235, %dma_wait3A_1236] : memref<16x500x40xi32, #tpu.memory_space<hbm>> -> memref<1x250x40xi32, #tpu.memory_space<hbm>>
      %dma_wait3A_1238 = tpu.memref_squeeze %dma_wait3A_1237 : memref<1x250x40xi32, #tpu.memory_space<hbm>> -> memref<250x40xi32, #tpu.memory_space<hbm>>
      %dma_wait3A_1239 = arith.constant 250 : i32
      %dma_wait3A_1240 = arith.constant 0 : i32
      %dma_wait3A_1241 = tpu.memref_slice %arg3[%arg1, %dma_wait3A_1239, %dma_wait3A_1240] : memref<16x500x40xi32, #tpu.memory_space<hbm>> -> memref<1x250x40xi32, #tpu.memory_space<hbm>>
      %dma_wait3A_1242 = tpu.memref_squeeze %dma_wait3A_1241 : memref<1x250x40xi32, #tpu.memory_space<hbm>> -> memref<250x40xi32, #tpu.memory_space<hbm>>
      tpu.wait_dma2 semaphore(%run_scoped3A_1226 : memref<!tpu.dma_semaphore, #tpu.memory_space<semaphore_mem>>) src(%dma_wait3A_1242 : memref<250x40xi32, #tpu.memory_space<hbm>>) dst(%arg9 : memref<250x40xi32, #tpu.memory_space<vmem>>)
      tpu.yield
    }) : () -> ()
    %scan3A_115 = arith.constant 0 : i32
    %scan3A_116 = arith.constant 0 : i32
    %scan3A_117 = arith.constant 5 : i32
    %scan3A_118 = arith.addi %scan3A_116, %scan3A_117 : i32
    %scan3A_119 = arith.constant 1 : i32
    scf.for %scan3A_1226 = %scan3A_116 to %scan3A_118 step %scan3A_119  : i32 {
      %scan3A_1227 = arith.constant 0 : i32
      %scan3A_1228 = arith.constant 0 : i32
      %scan3A_1229 = arith.constant 50 : i32
      %scan3A_1230 = arith.addi %scan3A_1228, %scan3A_1229 : i32
      %scan3A_1231 = arith.constant 1 : i32
      scf.for %scan3A_1239 = %scan3A_1228 to %scan3A_1230 step %scan3A_1231  : i32 {
        %mul3A_1240 = arith.constant 50 : i32
        %mul3A_1241 = arith.muli %scan3A_1226, %mul3A_1240 : i32
        %add3A_1242 = arith.addi %mul3A_1241, %scan3A_1239 : i32
        %dma_start3A_1243 = arith.constant 0 : i32
        %dma_start3A_1244 = tpu.memref_slice %arg9[%add3A_1242, %dma_start3A_1243] : memref<250x40xi32, #tpu.memory_space<vmem>> -> memref<1x40xi32, #tpu.memory_space<vmem>>
        %dma_start3A_1245 = tpu.memref_squeeze %dma_start3A_1244 : memref<1x40xi32, #tpu.memory_space<vmem>> -> memref<40xi32, #tpu.memory_space<vmem>>
        %dma_start3A_1246 = arith.constant 0 : i32
        %dma_start3A_1247 = tpu.memref_slice %arg35[%dma_start3A_1246] : memref<10240xf32, #tpu.memory_space<vmem_shared>> -> memref<10240xf32, #tpu.memory_space<vmem_shared>>
        tpu.enqueue_indirect_dma source(%arg12 : memref<40xf32, #tpu.memory_space<vmem>>) target(%dma_start3A_1247 : memref<10240xf32, #tpu.memory_space<vmem_shared>>) offsets(%dma_start3A_1245 : memref<40xi32, #tpu.memory_space<vmem>>) semaphore(%arg14 : memref<!tpu.dma_semaphore, #tpu.memory_space<semaphore_mem>>) {add = true}
      }
      %scan3A_1232 = arith.constant 50 : i32
      %scan3A_1233 = arith.constant 0 : i32
      %scan3A_1234 = arith.constant 0 : i32
      %scan3A_1235 = arith.constant 50 : i32
      %scan3A_1236 = arith.addi %scan3A_1234, %scan3A_1235 : i32
      %scan3A_1237 = arith.constant 1 : i32
      scf.for %scan3A_1239 = %scan3A_1234 to %scan3A_1236 step %scan3A_1237  : i32 {
        %mul3A_1240 = arith.constant 50 : i32
        %mul3A_1241 = arith.muli %scan3A_1226, %mul3A_1240 : i32
        %add3A_1242 = arith.addi %mul3A_1241, %scan3A_1239 : i32
        %dma_wait3A_1243 = arith.constant 0 : i32
        %dma_wait3A_1244 = tpu.memref_slice %arg9[%add3A_1242, %dma_wait3A_1243] : memref<250x40xi32, #tpu.memory_space<vmem>> -> memref<1x40xi32, #tpu.memory_space<vmem>>
        %dma_wait3A_1245 = tpu.memref_squeeze %dma_wait3A_1244 : memref<1x40xi32, #tpu.memory_space<vmem>> -> memref<40xi32, #tpu.memory_space<vmem>>
        %dma_wait3A_1246 = arith.constant 0 : i32
        %dma_wait3A_1247 = tpu.memref_slice %arg35[%dma_wait3A_1246] : memref<10240xf32, #tpu.memory_space<vmem_shared>> -> memref<10240xf32, #tpu.memory_space<vmem_shared>>
        tpu.wait_indirect_dma semaphore(%arg14 : memref<!tpu.dma_semaphore, #tpu.memory_space<semaphore_mem>>) src(%arg12 : memref<40xf32, #tpu.memory_space<vmem>>) dst(%dma_wait3A_1247 : memref<10240xf32, #tpu.memory_space<vmem_shared>>)
      }
      %scan3A_1238 = arith.constant 50 : i32
    }
    %scan3A_120 = arith.constant 5 : i32
    %barrier3A_121 = arith.constant 0 : index
    tpu.barrier barrier_id(%barrier3A_121)
    %mul3A_122 = arith.constant 640 : i32
    %mul3A_123 = arith.muli %arg1, %mul3A_122 : i32
    "tpu.region"() ({
      %run_scoped3A_1226 = tpu.sem_alloc : memref<!tpu.dma_semaphore, #tpu.memory_space<semaphore_mem>>
      %dma_start3A_1227 = tpu.memref_slice %arg35[%mul3A_123] : memref<10240xf32, #tpu.memory_space<vmem_shared>> -> memref<640xf32, #tpu.memory_space<vmem_shared>>
      %dma_start3A_1228 = tpu.memref_slice %arg35[%mul3A_123] : memref<10240xf32, #tpu.memory_space<vmem_shared>> -> memref<640xf32, #tpu.memory_space<vmem_shared>>
      tpu.enqueue_dma source(%dma_start3A_1228 : memref<640xf32, #tpu.memory_space<vmem_shared>>) target(%arg13 : memref<640xf32, #tpu.memory_space<vmem>>) target_semaphore(%run_scoped3A_1226 : memref<!tpu.dma_semaphore, #tpu.memory_space<semaphore_mem>>)
      %dma_wait3A_1229 = tpu.memref_slice %arg35[%mul3A_123] : memref<10240xf32, #tpu.memory_space<vmem_shared>> -> memref<640xf32, #tpu.memory_space<vmem_shared>>
      %dma_wait3A_1230 = tpu.memref_slice %arg35[%mul3A_123] : memref<10240xf32, #tpu.memory_space<vmem_shared>> -> memref<640xf32, #tpu.memory_space<vmem_shared>>
      tpu.wait_dma2 semaphore(%run_scoped3A_1226 : memref<!tpu.dma_semaphore, #tpu.memory_space<semaphore_mem>>) src(%dma_wait3A_1230 : memref<640xf32, #tpu.memory_space<vmem_shared>>) dst(%arg13 : memref<640xf32, #tpu.memory_space<vmem>>)
      tpu.yield
    }) : () -> ()
    %mul3A_124 = arith.constant 640 : i32
    %mul3A_125 = arith.muli %arg1, %mul3A_124 : i32
    %run_scoped3A_126 = arith.constant 0 : i32
    "tpu.region"() ({
      %run_scoped3A_1226 = tpu.sem_alloc : memref<!tpu.dma_semaphore, #tpu.memory_space<semaphore_mem>>
      %dma_start3A_1227 = tpu.memref_slice %arg7[%arg0, %run_scoped3A_126, %mul3A_125] : memref<2x1x10240xf32, #tpu.memory_space<hbm>> -> memref<1x1x640xf32, #tpu.memory_space<hbm>>
      %dma_start3A_1228 = tpu.memref_squeeze %dma_start3A_1227 : memref<1x1x640xf32, #tpu.memory_space<hbm>> -> memref<640xf32, #tpu.memory_space<hbm>>
      %dma_start3A_1229 = tpu.memref_slice %arg7[%arg0, %run_scoped3A_126, %mul3A_125] : memref<2x1x10240xf32, #tpu.memory_space<hbm>> -> memref<1x1x640xf32, #tpu.memory_space<hbm>>
      %dma_start3A_1230 = tpu.memref_squeeze %dma_start3A_1229 : memref<1x1x640xf32, #tpu.memory_space<hbm>> -> memref<640xf32, #tpu.memory_space<hbm>>
      tpu.enqueue_dma source(%arg13 : memref<640xf32, #tpu.memory_space<vmem>>) target(%dma_start3A_1230 : memref<640xf32, #tpu.memory_space<hbm>>) target_semaphore(%run_scoped3A_1226 : memref<!tpu.dma_semaphore, #tpu.memory_space<semaphore_mem>>)
      %dma_wait3A_1231 = tpu.memref_slice %arg7[%arg0, %run_scoped3A_126, %mul3A_125] : memref<2x1x10240xf32, #tpu.memory_space<hbm>> -> memref<1x1x640xf32, #tpu.memory_space<hbm>>
      %dma_wait3A_1232 = tpu.memref_squeeze %dma_wait3A_1231 : memref<1x1x640xf32, #tpu.memory_space<hbm>> -> memref<640xf32, #tpu.memory_space<hbm>>
      %dma_wait3A_1233 = tpu.memref_slice %arg7[%arg0, %run_scoped3A_126, %mul3A_125] : memref<2x1x10240xf32, #tpu.memory_space<hbm>> -> memref<1x1x640xf32, #tpu.memory_space<hbm>>
      %dma_wait3A_1234 = tpu.memref_squeeze %dma_wait3A_1233 : memref<1x1x640xf32, #tpu.memory_space<hbm>> -> memref<640xf32, #tpu.memory_space<hbm>>
      tpu.wait_dma2 semaphore(%run_scoped3A_1226 : memref<!tpu.dma_semaphore, #tpu.memory_space<semaphore_mem>>) src(%arg13 : memref<640xf32, #tpu.memory_space<vmem>>) dst(%dma_wait3A_1234 : memref<640xf32, #tpu.memory_space<hbm>>)
      tpu.yield
    }) : () -> ()
    %get3A = arith.constant 0 : index
    %get3A_127 = tpu.vector_load %arg13[%get3A] {strides = array<i32>} : memref<640xf32, #tpu.memory_space<vmem>>, vector<16xf32>,
    %get3A_128 = vector.shape_cast %get3A_127 : vector<16xf32> to vector<16xf32>
    %max3A = arith.constant 1.000000e+00 : f32
    %max3A_129 = vector.broadcast %max3A : f32 to vector<16xf32>
    %max3A_130 = arith.maximumf %get3A_128, %max3A_129 : vector<16xf32>
    %div3A = arith.constant 1.000000e+00 : f32
    %div3A_131 = vector.broadcast %div3A : f32 to vector<16xf32>
    %div3A_132 = arith.divf %div3A_131, %max3A_130 : vector<16xf32>
    %swap3A_133 = arith.constant 0 : index
    %swap3A_134 = tpu.vector_load %arg13[%swap3A_133] {strides = array<i32>} : memref<640xf32, #tpu.memory_space<vmem>>, vector<16xf32>,
    %swap3A_135 = vector.shape_cast %swap3A_134 : vector<16xf32> to vector<16xf32>
    %swap3A_136 = vector.shape_cast %div3A_132 : vector<16xf32> to vector<16xf32>
    tpu.vector_store %arg13[%swap3A_133], %swap3A_136 {strides = array<i32>} : memref<640xf32, #tpu.memory_space<vmem>>, vector<16xf32>,
    %get3A_137 = arith.constant 16 : index
    %get3A_138 = tpu.vector_load %arg13[%get3A_137] {strides = array<i32>} : memref<640xf32, #tpu.memory_space<vmem>>, vector<16xf32>,
    %get3A_139 = vector.shape_cast %get3A_138 : vector<16xf32> to vector<16xf32>
    %max3A_140 = arith.constant 1.000000e+00 : f32
    %max3A_141 = vector.broadcast %max3A_140 : f32 to vector<16xf32>
    %max3A_142 = arith.maximumf %get3A_139, %max3A_141 : vector<16xf32>
    %div3A_143 = arith.constant 1.000000e+00 : f32
    %div3A_144 = vector.broadcast %div3A_143 : f32 to vector<16xf32>
    %div3A_145 = arith.divf %div3A_144, %max3A_142 : vector<16xf32>
    %swap3A_146 = arith.constant 16 : index
    %swap3A_147 = tpu.vector_load %arg13[%swap3A_146] {strides = array<i32>} : memref<640xf32, #tpu.memory_space<vmem>>, vector<16xf32>,
    %swap3A_148 = vector.shape_cast %swap3A_147 : vector<16xf32> to vector<16xf32>
    %swap3A_149 = vector.shape_cast %div3A_145 : vector<16xf32> to vector<16xf32>
    tpu.vector_store %arg13[%swap3A_146], %swap3A_149 {strides = array<i32>} : memref<640xf32, #tpu.memory_space<vmem>>, vector<16xf32>,
    %get3A_150 = arith.constant 32 : index
    %get3A_151 = tpu.vector_load %arg13[%get3A_150] {strides = array<i32>} : memref<640xf32, #tpu.memory_space<vmem>>, vector<16xf32>,
    %get3A_152 = vector.shape_cast %get3A_151 : vector<16xf32> to vector<16xf32>
    %max3A_153 = arith.constant 1.000000e+00 : f32
    %max3A_154 = vector.broadcast %max3A_153 : f32 to vector<16xf32>
    %max3A_155 = arith.maximumf %get3A_152, %max3A_154 : vector<16xf32>
    %div3A_156 = arith.constant 1.000000e+00 : f32
    %div3A_157 = vector.broadcast %div3A_156 : f32 to vector<16xf32>
    %div3A_158 = arith.divf %div3A_157, %max3A_155 : vector<16xf32>
    %swap3A_159 = arith.constant 32 : index
    %swap3A_160 = tpu.vector_load %arg13[%swap3A_159] {strides = array<i32>} : memref<640xf32, #tpu.memory_space<vmem>>, vector<16xf32>,
    %swap3A_161 = vector.shape_cast %swap3A_160 : vector<16xf32> to vector<16xf32>
    %swap3A_162 = vector.shape_cast %div3A_158 : vector<16xf32> to vector<16xf32>
    tpu.vector_store %arg13[%swap3A_159], %swap3A_162 {strides = array<i32>} : memref<640xf32, #tpu.memory_space<vmem>>, vector<16xf32>,
    %get3A_163 = arith.constant 48 : index
    %get3A_164 = tpu.vector_load %arg13[%get3A_163] {strides = array<i32>} : memref<640xf32, #tpu.memory_space<vmem>>, vector<16xf32>,
    %get3A_165 = vector.shape_cast %get3A_164 : vector<16xf32> to vector<16xf32>
    %max3A_166 = arith.constant 1.000000e+00 : f32
    %max3A_167 = vector.broadcast %max3A_166 : f32 to vector<16xf32>
    %max3A_168 = arith.maximumf %get3A_165, %max3A_167 : vector<16xf32>
    %div3A_169 = arith.constant 1.000000e+00 : f32
    %div3A_170 = vector.broadcast %div3A_169 : f32 to vector<16xf32>
    %div3A_171 = arith.divf %div3A_170, %max3A_168 : vector<16xf32>
    %swap3A_172 = arith.constant 48 : index
    %swap3A_173 = tpu.vector_load %arg13[%swap3A_172] {strides = array<i32>} : memref<640xf32, #tpu.memory_space<vmem>>, vector<16xf32>,
    %swap3A_174 = vector.shape_cast %swap3A_173 : vector<16xf32> to vector<16xf32>
    %swap3A_175 = vector.shape_cast %div3A_171 : vector<16xf32> to vector<16xf32>
    tpu.vector_store %arg13[%swap3A_172], %swap3A_175 {strides = array<i32>} : memref<640xf32, #tpu.memory_space<vmem>>, vector<16xf32>,
    %get3A_176 = arith.constant 64 : index
    %get3A_177 = tpu.vector_load %arg13[%get3A_176] {strides = array<i32>} : memref<640xf32, #tpu.memory_space<vmem>>, vector<16xf32>,
    %get3A_178 = vector.shape_cast %get3A_177 : vector<16xf32> to vector<16xf32>
    %max3A_179 = arith.constant 1.000000e+00 : f32
    %max3A_180 = vector.broadcast %max3A_179 : f32 to vector<16xf32>
    %max3A_181 = arith.maximumf %get3A_178, %max3A_180 : vector<16xf32>
    %div3A_182 = arith.constant 1.000000e+00 : f32
    %div3A_183 = vector.broadcast %div3A_182 : f32 to vector<16xf32>
    %div3A_184 = arith.divf %div3A_183, %max3A_181 : vector<16xf32>
    %swap3A_185 = arith.constant 64 : index
    %swap3A_186 = tpu.vector_load %arg13[%swap3A_185] {strides = array<i32>} : memref<640xf32, #tpu.memory_space<vmem>>, vector<16xf32>,
    %swap3A_187 = vector.shape_cast %swap3A_186 : vector<16xf32> to vector<16xf32>
    %swap3A_188 = vector.shape_cast %div3A_184 : vector<16xf32> to vector<16xf32>
    tpu.vector_store %arg13[%swap3A_185], %swap3A_188 {strides = array<i32>} : memref<640xf32, #tpu.memory_space<vmem>>, vector<16xf32>,
    %get3A_189 = arith.constant 80 : index
    %get3A_190 = tpu.vector_load %arg13[%get3A_189] {strides = array<i32>} : memref<640xf32, #tpu.memory_space<vmem>>, vector<16xf32>,
    %get3A_191 = vector.shape_cast %get3A_190 : vector<16xf32> to vector<16xf32>
    %max3A_192 = arith.constant 1.000000e+00 : f32
    %max3A_193 = vector.broadcast %max3A_192 : f32 to vector<16xf32>
    %max3A_194 = arith.maximumf %get3A_191, %max3A_193 : vector<16xf32>
    %div3A_195 = arith.constant 1.000000e+00 : f32
    %div3A_196 = vector.broadcast %div3A_195 : f32 to vector<16xf32>
    %div3A_197 = arith.divf %div3A_196, %max3A_194 : vector<16xf32>
    %swap3A_198 = arith.constant 80 : index
    %swap3A_199 = tpu.vector_load %arg13[%swap3A_198] {strides = array<i32>} : memref<640xf32, #tpu.memory_space<vmem>>, vector<16xf32>,
    %swap3A_200 = vector.shape_cast %swap3A_199 : vector<16xf32> to vector<16xf32>
    %swap3A_201 = vector.shape_cast %div3A_197 : vector<16xf32> to vector<16xf32>
    tpu.vector_store %arg13[%swap3A_198], %swap3A_201 {strides = array<i32>} : memref<640xf32, #tpu.memory_space<vmem>>, vector<16xf32>,
    %get3A_202 = arith.constant 96 : index
    %get3A_203 = tpu.vector_load %arg13[%get3A_202] {strides = array<i32>} : memref<640xf32, #tpu.memory_space<vmem>>, vector<16xf32>,
    %get3A_204 = vector.shape_cast %get3A_203 : vector<16xf32> to vector<16xf32>
    %max3A_205 = arith.constant 1.000000e+00 : f32
    %max3A_206 = vector.broadcast %max3A_205 : f32 to vector<16xf32>
    %max3A_207 = arith.maximumf %get3A_204, %max3A_206 : vector<16xf32>
    %div3A_208 = arith.constant 1.000000e+00 : f32
    %div3A_209 = vector.broadcast %div3A_208 : f32 to vector<16xf32>
    %div3A_210 = arith.divf %div3A_209, %max3A_207 : vector<16xf32>
    %swap3A_211 = arith.constant 96 : index
    %swap3A_212 = tpu.vector_load %arg13[%swap3A_211] {strides = array<i32>} : memref<640xf32, #tpu.memory_space<vmem>>, vector<16xf32>,
    %swap3A_213 = vector.shape_cast %swap3A_212 : vector<16xf32> to vector<16xf32>
    %swap3A_214 = vector.shape_cast %div3A_210 : vector<16xf32> to vector<16xf32>
    tpu.vector_store %arg13[%swap3A_211], %swap3A_214 {strides = array<i32>} : memref<640xf32, #tpu.memory_space<vmem>>, vector<16xf32>,
    %get3A_215 = arith.constant 112 : index
    %get3A_216 = tpu.vector_load %arg13[%get3A_215] {strides = array<i32>} : memref<640xf32, #tpu.memory_space<vmem>>, vector<16xf32>,
    %get3A_217 = vector.shape_cast %get3A_216 : vector<16xf32> to vector<16xf32>
    %max3A_218 = arith.constant 1.000000e+00 : f32
    %max3A_219 = vector.broadcast %max3A_218 : f32 to vector<16xf32>
    %max3A_220 = arith.maximumf %get3A_217, %max3A_219 : vector<16xf32>
    %div3A_221 = arith.constant 1.000000e+00 : f32
    %div3A_222 = vector.broadcast %div3A_221 : f32 to vector<16xf32>
    %div3A_223 = arith.divf %div3A_222, %max3A_220 : vector<16xf32>
    %swap3A_224 = arith.constant 112 : index
    %swap3A_225 = tpu.vector_load %arg13[%swap3A_224] {strides = array<i32>} : memref<640xf32, #tpu.memory_space<vmem>>, vector<16xf32>,
    %swap3A_226 = vector.shape_cast %swap3A_225 : vector<16xf32> to vector<16xf32>
    %swap3A_227 = vector.shape_cast %div3A_223 : vector<16xf32> to vector<16xf32>
    tpu.vector_store %arg13[%swap3A_224], %swap3A_227 {strides = array<i32>} : memref<640xf32, #tpu.memory_space<vmem>>, vector<16xf32>,
    %get3A_228 = arith.constant 128 : index
    %get3A_229 = tpu.vector_load %arg13[%get3A_228] {strides = array<i32>} : memref<640xf32, #tpu.memory_space<vmem>>, vector<16xf32>,
    %get3A_230 = vector.shape_cast %get3A_229 : vector<16xf32> to vector<16xf32>
    %max3A_231 = arith.constant 1.000000e+00 : f32
    %max3A_232 = vector.broadcast %max3A_231 : f32 to vector<16xf32>
    %max3A_233 = arith.maximumf %get3A_230, %max3A_232 : vector<16xf32>
    %div3A_234 = arith.constant 1.000000e+00 : f32
    %div3A_235 = vector.broadcast %div3A_234 : f32 to vector<16xf32>
    %div3A_236 = arith.divf %div3A_235, %max3A_233 : vector<16xf32>
    %swap3A_237 = arith.constant 128 : index
    %swap3A_238 = tpu.vector_load %arg13[%swap3A_237] {strides = array<i32>} : memref<640xf32, #tpu.memory_space<vmem>>, vector<16xf32>,
    %swap3A_239 = vector.shape_cast %swap3A_238 : vector<16xf32> to vector<16xf32>
    %swap3A_240 = vector.shape_cast %div3A_236 : vector<16xf32> to vector<16xf32>
    tpu.vector_store %arg13[%swap3A_237], %swap3A_240 {strides = array<i32>} : memref<640xf32, #tpu.memory_space<vmem>>, vector<16xf32>,
    %get3A_241 = arith.constant 144 : index
    %get3A_242 = tpu.vector_load %arg13[%get3A_241] {strides = array<i32>} : memref<640xf32, #tpu.memory_space<vmem>>, vector<16xf32>,
    %get3A_243 = vector.shape_cast %get3A_242 : vector<16xf32> to vector<16xf32>
    %max3A_244 = arith.constant 1.000000e+00 : f32
    %max3A_245 = vector.broadcast %max3A_244 : f32 to vector<16xf32>
    %max3A_246 = arith.maximumf %get3A_243, %max3A_245 : vector<16xf32>
    %div3A_247 = arith.constant 1.000000e+00 : f32
    %div3A_248 = vector.broadcast %div3A_247 : f32 to vector<16xf32>
    %div3A_249 = arith.divf %div3A_248, %max3A_246 : vector<16xf32>
    %swap3A_250 = arith.constant 144 : index
    %swap3A_251 = tpu.vector_load %arg13[%swap3A_250] {strides = array<i32>} : memref<640xf32, #tpu.memory_space<vmem>>, vector<16xf32>,
    %swap3A_252 = vector.shape_cast %swap3A_251 : vector<16xf32> to vector<16xf32>
    %swap3A_253 = vector.shape_cast %div3A_249 : vector<16xf32> to vector<16xf32>
    tpu.vector_store %arg13[%swap3A_250], %swap3A_253 {strides = array<i32>} : memref<640xf32, #tpu.memory_space<vmem>>, vector<16xf32>,
    %get3A_254 = arith.constant 160 : index
    %get3A_255 = tpu.vector_load %arg13[%get3A_254] {strides = array<i32>} : memref<640xf32, #tpu.memory_space<vmem>>, vector<16xf32>,
    %get3A_256 = vector.shape_cast %get3A_255 : vector<16xf32> to vector<16xf32>
    %max3A_257 = arith.constant 1.000000e+00 : f32
    %max3A_258 = vector.broadcast %max3A_257 : f32 to vector<16xf32>
    %max3A_259 = arith.maximumf %get3A_256, %max3A_258 : vector<16xf32>
    %div3A_260 = arith.constant 1.000000e+00 : f32
    %div3A_261 = vector.broadcast %div3A_260 : f32 to vector<16xf32>
    %div3A_262 = arith.divf %div3A_261, %max3A_259 : vector<16xf32>
    %swap3A_263 = arith.constant 160 : index
    %swap3A_264 = tpu.vector_load %arg13[%swap3A_263] {strides = array<i32>} : memref<640xf32, #tpu.memory_space<vmem>>, vector<16xf32>,
    %swap3A_265 = vector.shape_cast %swap3A_264 : vector<16xf32> to vector<16xf32>
    %swap3A_266 = vector.shape_cast %div3A_262 : vector<16xf32> to vector<16xf32>
    tpu.vector_store %arg13[%swap3A_263], %swap3A_266 {strides = array<i32>} : memref<640xf32, #tpu.memory_space<vmem>>, vector<16xf32>,
    %get3A_267 = arith.constant 176 : index
    %get3A_268 = tpu.vector_load %arg13[%get3A_267] {strides = array<i32>} : memref<640xf32, #tpu.memory_space<vmem>>, vector<16xf32>,
    %get3A_269 = vector.shape_cast %get3A_268 : vector<16xf32> to vector<16xf32>
    %max3A_270 = arith.constant 1.000000e+00 : f32
    %max3A_271 = vector.broadcast %max3A_270 : f32 to vector<16xf32>
    %max3A_272 = arith.maximumf %get3A_269, %max3A_271 : vector<16xf32>
    %div3A_273 = arith.constant 1.000000e+00 : f32
    %div3A_274 = vector.broadcast %div3A_273 : f32 to vector<16xf32>
    %div3A_275 = arith.divf %div3A_274, %max3A_272 : vector<16xf32>
    %swap3A_276 = arith.constant 176 : index
    %swap3A_277 = tpu.vector_load %arg13[%swap3A_276] {strides = array<i32>} : memref<640xf32, #tpu.memory_space<vmem>>, vector<16xf32>,
    %swap3A_278 = vector.shape_cast %swap3A_277 : vector<16xf32> to vector<16xf32>
    %swap3A_279 = vector.shape_cast %div3A_275 : vector<16xf32> to vector<16xf32>
    tpu.vector_store %arg13[%swap3A_276], %swap3A_279 {strides = array<i32>} : memref<640xf32, #tpu.memory_space<vmem>>, vector<16xf32>,
    %get3A_280 = arith.constant 192 : index
    %get3A_281 = tpu.vector_load %arg13[%get3A_280] {strides = array<i32>} : memref<640xf32, #tpu.memory_space<vmem>>, vector<16xf32>,
    %get3A_282 = vector.shape_cast %get3A_281 : vector<16xf32> to vector<16xf32>
    %max3A_283 = arith.constant 1.000000e+00 : f32
    %max3A_284 = vector.broadcast %max3A_283 : f32 to vector<16xf32>
    %max3A_285 = arith.maximumf %get3A_282, %max3A_284 : vector<16xf32>
    %div3A_286 = arith.constant 1.000000e+00 : f32
    %div3A_287 = vector.broadcast %div3A_286 : f32 to vector<16xf32>
    %div3A_288 = arith.divf %div3A_287, %max3A_285 : vector<16xf32>
    %swap3A_289 = arith.constant 192 : index
    %swap3A_290 = tpu.vector_load %arg13[%swap3A_289] {strides = array<i32>} : memref<640xf32, #tpu.memory_space<vmem>>, vector<16xf32>,
    %swap3A_291 = vector.shape_cast %swap3A_290 : vector<16xf32> to vector<16xf32>
    %swap3A_292 = vector.shape_cast %div3A_288 : vector<16xf32> to vector<16xf32>
    tpu.vector_store %arg13[%swap3A_289], %swap3A_292 {strides = array<i32>} : memref<640xf32, #tpu.memory_space<vmem>>, vector<16xf32>,
    %get3A_293 = arith.constant 208 : index
    %get3A_294 = tpu.vector_load %arg13[%get3A_293] {strides = array<i32>} : memref<640xf32, #tpu.memory_space<vmem>>, vector<16xf32>,
    %get3A_295 = vector.shape_cast %get3A_294 : vector<16xf32> to vector<16xf32>
    %max3A_296 = arith.constant 1.000000e+00 : f32
    %max3A_297 = vector.broadcast %max3A_296 : f32 to vector<16xf32>
    %max3A_298 = arith.maximumf %get3A_295, %max3A_297 : vector<16xf32>
    %div3A_299 = arith.constant 1.000000e+00 : f32
    %div3A_300 = vector.broadcast %div3A_299 : f32 to vector<16xf32>
    %div3A_301 = arith.divf %div3A_300, %max3A_298 : vector<16xf32>
    %swap3A_302 = arith.constant 208 : index
    %swap3A_303 = tpu.vector_load %arg13[%swap3A_302] {strides = array<i32>} : memref<640xf32, #tpu.memory_space<vmem>>, vector<16xf32>,
    %swap3A_304 = vector.shape_cast %swap3A_303 : vector<16xf32> to vector<16xf32>
    %swap3A_305 = vector.shape_cast %div3A_301 : vector<16xf32> to vector<16xf32>
    tpu.vector_store %arg13[%swap3A_302], %swap3A_305 {strides = array<i32>} : memref<640xf32, #tpu.memory_space<vmem>>, vector<16xf32>,
    %get3A_306 = arith.constant 224 : index
    %get3A_307 = tpu.vector_load %arg13[%get3A_306] {strides = array<i32>} : memref<640xf32, #tpu.memory_space<vmem>>, vector<16xf32>,
    %get3A_308 = vector.shape_cast %get3A_307 : vector<16xf32> to vector<16xf32>
    %max3A_309 = arith.constant 1.000000e+00 : f32
    %max3A_310 = vector.broadcast %max3A_309 : f32 to vector<16xf32>
    %max3A_311 = arith.maximumf %get3A_308, %max3A_310 : vector<16xf32>
    %div3A_312 = arith.constant 1.000000e+00 : f32
    %div3A_313 = vector.broadcast %div3A_312 : f32 to vector<16xf32>
    %div3A_314 = arith.divf %div3A_313, %max3A_311 : vector<16xf32>
    %swap3A_315 = arith.constant 224 : index
    %swap3A_316 = tpu.vector_load %arg13[%swap3A_315] {strides = array<i32>} : memref<640xf32, #tpu.memory_space<vmem>>, vector<16xf32>,
    %swap3A_317 = vector.shape_cast %swap3A_316 : vector<16xf32> to vector<16xf32>
    %swap3A_318 = vector.shape_cast %div3A_314 : vector<16xf32> to vector<16xf32>
    tpu.vector_store %arg13[%swap3A_315], %swap3A_318 {strides = array<i32>} : memref<640xf32, #tpu.memory_space<vmem>>, vector<16xf32>,
    %get3A_319 = arith.constant 240 : index
    %get3A_320 = tpu.vector_load %arg13[%get3A_319] {strides = array<i32>} : memref<640xf32, #tpu.memory_space<vmem>>, vector<16xf32>,
    %get3A_321 = vector.shape_cast %get3A_320 : vector<16xf32> to vector<16xf32>
    %max3A_322 = arith.constant 1.000000e+00 : f32
    %max3A_323 = vector.broadcast %max3A_322 : f32 to vector<16xf32>
    %max3A_324 = arith.maximumf %get3A_321, %max3A_323 : vector<16xf32>
    %div3A_325 = arith.constant 1.000000e+00 : f32
    %div3A_326 = vector.broadcast %div3A_325 : f32 to vector<16xf32>
    %div3A_327 = arith.divf %div3A_326, %max3A_324 : vector<16xf32>
    %swap3A_328 = arith.constant 240 : index
    %swap3A_329 = tpu.vector_load %arg13[%swap3A_328] {strides = array<i32>} : memref<640xf32, #tpu.memory_space<vmem>>, vector<16xf32>,
    %swap3A_330 = vector.shape_cast %swap3A_329 : vector<16xf32> to vector<16xf32>
    %swap3A_331 = vector.shape_cast %div3A_327 : vector<16xf32> to vector<16xf32>
    tpu.vector_store %arg13[%swap3A_328], %swap3A_331 {strides = array<i32>} : memref<640xf32, #tpu.memory_space<vmem>>, vector<16xf32>,
    %get3A_332 = arith.constant 256 : index
    %get3A_333 = tpu.vector_load %arg13[%get3A_332] {strides = array<i32>} : memref<640xf32, #tpu.memory_space<vmem>>, vector<16xf32>,
    %get3A_334 = vector.shape_cast %get3A_333 : vector<16xf32> to vector<16xf32>
    %max3A_335 = arith.constant 1.000000e+00 : f32
    %max3A_336 = vector.broadcast %max3A_335 : f32 to vector<16xf32>
    %max3A_337 = arith.maximumf %get3A_334, %max3A_336 : vector<16xf32>
    %div3A_338 = arith.constant 1.000000e+00 : f32
    %div3A_339 = vector.broadcast %div3A_338 : f32 to vector<16xf32>
    %div3A_340 = arith.divf %div3A_339, %max3A_337 : vector<16xf32>
    %swap3A_341 = arith.constant 256 : index
    %swap3A_342 = tpu.vector_load %arg13[%swap3A_341] {strides = array<i32>} : memref<640xf32, #tpu.memory_space<vmem>>, vector<16xf32>,
    %swap3A_343 = vector.shape_cast %swap3A_342 : vector<16xf32> to vector<16xf32>
    %swap3A_344 = vector.shape_cast %div3A_340 : vector<16xf32> to vector<16xf32>
    tpu.vector_store %arg13[%swap3A_341], %swap3A_344 {strides = array<i32>} : memref<640xf32, #tpu.memory_space<vmem>>, vector<16xf32>,
    %get3A_345 = arith.constant 272 : index
    %get3A_346 = tpu.vector_load %arg13[%get3A_345] {strides = array<i32>} : memref<640xf32, #tpu.memory_space<vmem>>, vector<16xf32>,
    %get3A_347 = vector.shape_cast %get3A_346 : vector<16xf32> to vector<16xf32>
    %max3A_348 = arith.constant 1.000000e+00 : f32
    %max3A_349 = vector.broadcast %max3A_348 : f32 to vector<16xf32>
    %max3A_350 = arith.maximumf %get3A_347, %max3A_349 : vector<16xf32>
    %div3A_351 = arith.constant 1.000000e+00 : f32
    %div3A_352 = vector.broadcast %div3A_351 : f32 to vector<16xf32>
    %div3A_353 = arith.divf %div3A_352, %max3A_350 : vector<16xf32>
    %swap3A_354 = arith.constant 272 : index
    %swap3A_355 = tpu.vector_load %arg13[%swap3A_354] {strides = array<i32>} : memref<640xf32, #tpu.memory_space<vmem>>, vector<16xf32>,
    %swap3A_356 = vector.shape_cast %swap3A_355 : vector<16xf32> to vector<16xf32>
    %swap3A_357 = vector.shape_cast %div3A_353 : vector<16xf32> to vector<16xf32>
    tpu.vector_store %arg13[%swap3A_354], %swap3A_357 {strides = array<i32>} : memref<640xf32, #tpu.memory_space<vmem>>, vector<16xf32>,
    %get3A_358 = arith.constant 288 : index
    %get3A_359 = tpu.vector_load %arg13[%get3A_358] {strides = array<i32>} : memref<640xf32, #tpu.memory_space<vmem>>, vector<16xf32>,
    %get3A_360 = vector.shape_cast %get3A_359 : vector<16xf32> to vector<16xf32>
    %max3A_361 = arith.constant 1.000000e+00 : f32
    %max3A_362 = vector.broadcast %max3A_361 : f32 to vector<16xf32>
    %max3A_363 = arith.maximumf %get3A_360, %max3A_362 : vector<16xf32>
    %div3A_364 = arith.constant 1.000000e+00 : f32
    %div3A_365 = vector.broadcast %div3A_364 : f32 to vector<16xf32>
    %div3A_366 = arith.divf %div3A_365, %max3A_363 : vector<16xf32>
    %swap3A_367 = arith.constant 288 : index
    %swap3A_368 = tpu.vector_load %arg13[%swap3A_367] {strides = array<i32>} : memref<640xf32, #tpu.memory_space<vmem>>, vector<16xf32>,
    %swap3A_369 = vector.shape_cast %swap3A_368 : vector<16xf32> to vector<16xf32>
    %swap3A_370 = vector.shape_cast %div3A_366 : vector<16xf32> to vector<16xf32>
    tpu.vector_store %arg13[%swap3A_367], %swap3A_370 {strides = array<i32>} : memref<640xf32, #tpu.memory_space<vmem>>, vector<16xf32>,
    %get3A_371 = arith.constant 304 : index
    %get3A_372 = tpu.vector_load %arg13[%get3A_371] {strides = array<i32>} : memref<640xf32, #tpu.memory_space<vmem>>, vector<16xf32>,
    %get3A_373 = vector.shape_cast %get3A_372 : vector<16xf32> to vector<16xf32>
    %max3A_374 = arith.constant 1.000000e+00 : f32
    %max3A_375 = vector.broadcast %max3A_374 : f32 to vector<16xf32>
    %max3A_376 = arith.maximumf %get3A_373, %max3A_375 : vector<16xf32>
    %div3A_377 = arith.constant 1.000000e+00 : f32
    %div3A_378 = vector.broadcast %div3A_377 : f32 to vector<16xf32>
    %div3A_379 = arith.divf %div3A_378, %max3A_376 : vector<16xf32>
    %swap3A_380 = arith.constant 304 : index
    %swap3A_381 = tpu.vector_load %arg13[%swap3A_380] {strides = array<i32>} : memref<640xf32, #tpu.memory_space<vmem>>, vector<16xf32>,
    %swap3A_382 = vector.shape_cast %swap3A_381 : vector<16xf32> to vector<16xf32>
    %swap3A_383 = vector.shape_cast %div3A_379 : vector<16xf32> to vector<16xf32>
    tpu.vector_store %arg13[%swap3A_380], %swap3A_383 {strides = array<i32>} : memref<640xf32, #tpu.memory_space<vmem>>, vector<16xf32>,
    %get3A_384 = arith.constant 320 : index
    %get3A_385 = tpu.vector_load %arg13[%get3A_384] {strides = array<i32>} : memref<640xf32, #tpu.memory_space<vmem>>, vector<16xf32>,
    %get3A_386 = vector.shape_cast %get3A_385 : vector<16xf32> to vector<16xf32>
    %max3A_387 = arith.constant 1.000000e+00 : f32
    %max3A_388 = vector.broadcast %max3A_387 : f32 to vector<16xf32>
    %max3A_389 = arith.maximumf %get3A_386, %max3A_388 : vector<16xf32>
    %div3A_390 = arith.constant 1.000000e+00 : f32
    %div3A_391 = vector.broadcast %div3A_390 : f32 to vector<16xf32>
    %div3A_392 = arith.divf %div3A_391, %max3A_389 : vector<16xf32>
    %swap3A_393 = arith.constant 320 : index
    %swap3A_394 = tpu.vector_load %arg13[%swap3A_393] {strides = array<i32>} : memref<640xf32, #tpu.memory_space<vmem>>, vector<16xf32>,
    %swap3A_395 = vector.shape_cast %swap3A_394 : vector<16xf32> to vector<16xf32>
    %swap3A_396 = vector.shape_cast %div3A_392 : vector<16xf32> to vector<16xf32>
    tpu.vector_store %arg13[%swap3A_393], %swap3A_396 {strides = array<i32>} : memref<640xf32, #tpu.memory_space<vmem>>, vector<16xf32>,
    %get3A_397 = arith.constant 336 : index
    %get3A_398 = tpu.vector_load %arg13[%get3A_397] {strides = array<i32>} : memref<640xf32, #tpu.memory_space<vmem>>, vector<16xf32>,
    %get3A_399 = vector.shape_cast %get3A_398 : vector<16xf32> to vector<16xf32>
    %max3A_400 = arith.constant 1.000000e+00 : f32
    %max3A_401 = vector.broadcast %max3A_400 : f32 to vector<16xf32>
    %max3A_402 = arith.maximumf %get3A_399, %max3A_401 : vector<16xf32>
    %div3A_403 = arith.constant 1.000000e+00 : f32
    %div3A_404 = vector.broadcast %div3A_403 : f32 to vector<16xf32>
    %div3A_405 = arith.divf %div3A_404, %max3A_402 : vector<16xf32>
    %swap3A_406 = arith.constant 336 : index
    %swap3A_407 = tpu.vector_load %arg13[%swap3A_406] {strides = array<i32>} : memref<640xf32, #tpu.memory_space<vmem>>, vector<16xf32>,
    %swap3A_408 = vector.shape_cast %swap3A_407 : vector<16xf32> to vector<16xf32>
    %swap3A_409 = vector.shape_cast %div3A_405 : vector<16xf32> to vector<16xf32>
    tpu.vector_store %arg13[%swap3A_406], %swap3A_409 {strides = array<i32>} : memref<640xf32, #tpu.memory_space<vmem>>, vector<16xf32>,
    %get3A_410 = arith.constant 352 : index
    %get3A_411 = tpu.vector_load %arg13[%get3A_410] {strides = array<i32>} : memref<640xf32, #tpu.memory_space<vmem>>, vector<16xf32>,
    %get3A_412 = vector.shape_cast %get3A_411 : vector<16xf32> to vector<16xf32>
    %max3A_413 = arith.constant 1.000000e+00 : f32
    %max3A_414 = vector.broadcast %max3A_413 : f32 to vector<16xf32>
    %max3A_415 = arith.maximumf %get3A_412, %max3A_414 : vector<16xf32>
    %div3A_416 = arith.constant 1.000000e+00 : f32
    %div3A_417 = vector.broadcast %div3A_416 : f32 to vector<16xf32>
    %div3A_418 = arith.divf %div3A_417, %max3A_415 : vector<16xf32>
    %swap3A_419 = arith.constant 352 : index
    %swap3A_420 = tpu.vector_load %arg13[%swap3A_419] {strides = array<i32>} : memref<640xf32, #tpu.memory_space<vmem>>, vector<16xf32>,
    %swap3A_421 = vector.shape_cast %swap3A_420 : vector<16xf32> to vector<16xf32>
    %swap3A_422 = vector.shape_cast %div3A_418 : vector<16xf32> to vector<16xf32>
    tpu.vector_store %arg13[%swap3A_419], %swap3A_422 {strides = array<i32>} : memref<640xf32, #tpu.memory_space<vmem>>, vector<16xf32>,
    %get3A_423 = arith.constant 368 : index
    %get3A_424 = tpu.vector_load %arg13[%get3A_423] {strides = array<i32>} : memref<640xf32, #tpu.memory_space<vmem>>, vector<16xf32>,
    %get3A_425 = vector.shape_cast %get3A_424 : vector<16xf32> to vector<16xf32>
    %max3A_426 = arith.constant 1.000000e+00 : f32
    %max3A_427 = vector.broadcast %max3A_426 : f32 to vector<16xf32>
    %max3A_428 = arith.maximumf %get3A_425, %max3A_427 : vector<16xf32>
    %div3A_429 = arith.constant 1.000000e+00 : f32
    %div3A_430 = vector.broadcast %div3A_429 : f32 to vector<16xf32>
    %div3A_431 = arith.divf %div3A_430, %max3A_428 : vector<16xf32>
    %swap3A_432 = arith.constant 368 : index
    %swap3A_433 = tpu.vector_load %arg13[%swap3A_432] {strides = array<i32>} : memref<640xf32, #tpu.memory_space<vmem>>, vector<16xf32>,
    %swap3A_434 = vector.shape_cast %swap3A_433 : vector<16xf32> to vector<16xf32>
    %swap3A_435 = vector.shape_cast %div3A_431 : vector<16xf32> to vector<16xf32>
    tpu.vector_store %arg13[%swap3A_432], %swap3A_435 {strides = array<i32>} : memref<640xf32, #tpu.memory_space<vmem>>, vector<16xf32>,
    %get3A_436 = arith.constant 384 : index
    %get3A_437 = tpu.vector_load %arg13[%get3A_436] {strides = array<i32>} : memref<640xf32, #tpu.memory_space<vmem>>, vector<16xf32>,
    %get3A_438 = vector.shape_cast %get3A_437 : vector<16xf32> to vector<16xf32>
    %max3A_439 = arith.constant 1.000000e+00 : f32
    %max3A_440 = vector.broadcast %max3A_439 : f32 to vector<16xf32>
    %max3A_441 = arith.maximumf %get3A_438, %max3A_440 : vector<16xf32>
    %div3A_442 = arith.constant 1.000000e+00 : f32
    %div3A_443 = vector.broadcast %div3A_442 : f32 to vector<16xf32>
    %div3A_444 = arith.divf %div3A_443, %max3A_441 : vector<16xf32>
    %swap3A_445 = arith.constant 384 : index
    %swap3A_446 = tpu.vector_load %arg13[%swap3A_445] {strides = array<i32>} : memref<640xf32, #tpu.memory_space<vmem>>, vector<16xf32>,
    %swap3A_447 = vector.shape_cast %swap3A_446 : vector<16xf32> to vector<16xf32>
    %swap3A_448 = vector.shape_cast %div3A_444 : vector<16xf32> to vector<16xf32>
    tpu.vector_store %arg13[%swap3A_445], %swap3A_448 {strides = array<i32>} : memref<640xf32, #tpu.memory_space<vmem>>, vector<16xf32>,
    %get3A_449 = arith.constant 400 : index
    %get3A_450 = tpu.vector_load %arg13[%get3A_449] {strides = array<i32>} : memref<640xf32, #tpu.memory_space<vmem>>, vector<16xf32>,
    %get3A_451 = vector.shape_cast %get3A_450 : vector<16xf32> to vector<16xf32>
    %max3A_452 = arith.constant 1.000000e+00 : f32
    %max3A_453 = vector.broadcast %max3A_452 : f32 to vector<16xf32>
    %max3A_454 = arith.maximumf %get3A_451, %max3A_453 : vector<16xf32>
    %div3A_455 = arith.constant 1.000000e+00 : f32
    %div3A_456 = vector.broadcast %div3A_455 : f32 to vector<16xf32>
    %div3A_457 = arith.divf %div3A_456, %max3A_454 : vector<16xf32>
    %swap3A_458 = arith.constant 400 : index
    %swap3A_459 = tpu.vector_load %arg13[%swap3A_458] {strides = array<i32>} : memref<640xf32, #tpu.memory_space<vmem>>, vector<16xf32>,
    %swap3A_460 = vector.shape_cast %swap3A_459 : vector<16xf32> to vector<16xf32>
    %swap3A_461 = vector.shape_cast %div3A_457 : vector<16xf32> to vector<16xf32>
    tpu.vector_store %arg13[%swap3A_458], %swap3A_461 {strides = array<i32>} : memref<640xf32, #tpu.memory_space<vmem>>, vector<16xf32>,
    %get3A_462 = arith.constant 416 : index
    %get3A_463 = tpu.vector_load %arg13[%get3A_462] {strides = array<i32>} : memref<640xf32, #tpu.memory_space<vmem>>, vector<16xf32>,
    %get3A_464 = vector.shape_cast %get3A_463 : vector<16xf32> to vector<16xf32>
    %max3A_465 = arith.constant 1.000000e+00 : f32
    %max3A_466 = vector.broadcast %max3A_465 : f32 to vector<16xf32>
    %max3A_467 = arith.maximumf %get3A_464, %max3A_466 : vector<16xf32>
    %div3A_468 = arith.constant 1.000000e+00 : f32
    %div3A_469 = vector.broadcast %div3A_468 : f32 to vector<16xf32>
    %div3A_470 = arith.divf %div3A_469, %max3A_467 : vector<16xf32>
    %swap3A_471 = arith.constant 416 : index
    %swap3A_472 = tpu.vector_load %arg13[%swap3A_471] {strides = array<i32>} : memref<640xf32, #tpu.memory_space<vmem>>, vector<16xf32>,
    %swap3A_473 = vector.shape_cast %swap3A_472 : vector<16xf32> to vector<16xf32>
    %swap3A_474 = vector.shape_cast %div3A_470 : vector<16xf32> to vector<16xf32>
    tpu.vector_store %arg13[%swap3A_471], %swap3A_474 {strides = array<i32>} : memref<640xf32, #tpu.memory_space<vmem>>, vector<16xf32>,
    %get3A_475 = arith.constant 432 : index
    %get3A_476 = tpu.vector_load %arg13[%get3A_475] {strides = array<i32>} : memref<640xf32, #tpu.memory_space<vmem>>, vector<16xf32>,
    %get3A_477 = vector.shape_cast %get3A_476 : vector<16xf32> to vector<16xf32>
    %max3A_478 = arith.constant 1.000000e+00 : f32
    %max3A_479 = vector.broadcast %max3A_478 : f32 to vector<16xf32>
    %max3A_480 = arith.maximumf %get3A_477, %max3A_479 : vector<16xf32>
    %div3A_481 = arith.constant 1.000000e+00 : f32
    %div3A_482 = vector.broadcast %div3A_481 : f32 to vector<16xf32>
    %div3A_483 = arith.divf %div3A_482, %max3A_480 : vector<16xf32>
    %swap3A_484 = arith.constant 432 : index
    %swap3A_485 = tpu.vector_load %arg13[%swap3A_484] {strides = array<i32>} : memref<640xf32, #tpu.memory_space<vmem>>, vector<16xf32>,
    %swap3A_486 = vector.shape_cast %swap3A_485 : vector<16xf32> to vector<16xf32>
    %swap3A_487 = vector.shape_cast %div3A_483 : vector<16xf32> to vector<16xf32>
    tpu.vector_store %arg13[%swap3A_484], %swap3A_487 {strides = array<i32>} : memref<640xf32, #tpu.memory_space<vmem>>, vector<16xf32>,
    %get3A_488 = arith.constant 448 : index
    %get3A_489 = tpu.vector_load %arg13[%get3A_488] {strides = array<i32>} : memref<640xf32, #tpu.memory_space<vmem>>, vector<16xf32>,
    %get3A_490 = vector.shape_cast %get3A_489 : vector<16xf32> to vector<16xf32>
    %max3A_491 = arith.constant 1.000000e+00 : f32
    %max3A_492 = vector.broadcast %max3A_491 : f32 to vector<16xf32>
    %max3A_493 = arith.maximumf %get3A_490, %max3A_492 : vector<16xf32>
    %div3A_494 = arith.constant 1.000000e+00 : f32
    %div3A_495 = vector.broadcast %div3A_494 : f32 to vector<16xf32>
    %div3A_496 = arith.divf %div3A_495, %max3A_493 : vector<16xf32>
    %swap3A_497 = arith.constant 448 : index
    %swap3A_498 = tpu.vector_load %arg13[%swap3A_497] {strides = array<i32>} : memref<640xf32, #tpu.memory_space<vmem>>, vector<16xf32>,
    %swap3A_499 = vector.shape_cast %swap3A_498 : vector<16xf32> to vector<16xf32>
    %swap3A_500 = vector.shape_cast %div3A_496 : vector<16xf32> to vector<16xf32>
    tpu.vector_store %arg13[%swap3A_497], %swap3A_500 {strides = array<i32>} : memref<640xf32, #tpu.memory_space<vmem>>, vector<16xf32>,
    %get3A_501 = arith.constant 464 : index
    %get3A_502 = tpu.vector_load %arg13[%get3A_501] {strides = array<i32>} : memref<640xf32, #tpu.memory_space<vmem>>, vector<16xf32>,
    %get3A_503 = vector.shape_cast %get3A_502 : vector<16xf32> to vector<16xf32>
    %max3A_504 = arith.constant 1.000000e+00 : f32
    %max3A_505 = vector.broadcast %max3A_504 : f32 to vector<16xf32>
    %max3A_506 = arith.maximumf %get3A_503, %max3A_505 : vector<16xf32>
    %div3A_507 = arith.constant 1.000000e+00 : f32
    %div3A_508 = vector.broadcast %div3A_507 : f32 to vector<16xf32>
    %div3A_509 = arith.divf %div3A_508, %max3A_506 : vector<16xf32>
    %swap3A_510 = arith.constant 464 : index
    %swap3A_511 = tpu.vector_load %arg13[%swap3A_510] {strides = array<i32>} : memref<640xf32, #tpu.memory_space<vmem>>, vector<16xf32>,
    %swap3A_512 = vector.shape_cast %swap3A_511 : vector<16xf32> to vector<16xf32>
    %swap3A_513 = vector.shape_cast %div3A_509 : vector<16xf32> to vector<16xf32>
    tpu.vector_store %arg13[%swap3A_510], %swap3A_513 {strides = array<i32>} : memref<640xf32, #tpu.memory_space<vmem>>, vector<16xf32>,
    %get3A_514 = arith.constant 480 : index
    %get3A_515 = tpu.vector_load %arg13[%get3A_514] {strides = array<i32>} : memref<640xf32, #tpu.memory_space<vmem>>, vector<16xf32>,
    %get3A_516 = vector.shape_cast %get3A_515 : vector<16xf32> to vector<16xf32>
    %max3A_517 = arith.constant 1.000000e+00 : f32
    %max3A_518 = vector.broadcast %max3A_517 : f32 to vector<16xf32>
    %max3A_519 = arith.maximumf %get3A_516, %max3A_518 : vector<16xf32>
    %div3A_520 = arith.constant 1.000000e+00 : f32
    %div3A_521 = vector.broadcast %div3A_520 : f32 to vector<16xf32>
    %div3A_522 = arith.divf %div3A_521, %max3A_519 : vector<16xf32>
    %swap3A_523 = arith.constant 480 : index
    %swap3A_524 = tpu.vector_load %arg13[%swap3A_523] {strides = array<i32>} : memref<640xf32, #tpu.memory_space<vmem>>, vector<16xf32>,
    %swap3A_525 = vector.shape_cast %swap3A_524 : vector<16xf32> to vector<16xf32>
    %swap3A_526 = vector.shape_cast %div3A_522 : vector<16xf32> to vector<16xf32>
    tpu.vector_store %arg13[%swap3A_523], %swap3A_526 {strides = array<i32>} : memref<640xf32, #tpu.memory_space<vmem>>, vector<16xf32>,
    %get3A_527 = arith.constant 496 : index
    %get3A_528 = tpu.vector_load %arg13[%get3A_527] {strides = array<i32>} : memref<640xf32, #tpu.memory_space<vmem>>, vector<16xf32>,
    %get3A_529 = vector.shape_cast %get3A_528 : vector<16xf32> to vector<16xf32>
    %max3A_530 = arith.constant 1.000000e+00 : f32
    %max3A_531 = vector.broadcast %max3A_530 : f32 to vector<16xf32>
    %max3A_532 = arith.maximumf %get3A_529, %max3A_531 : vector<16xf32>
    %div3A_533 = arith.constant 1.000000e+00 : f32
    %div3A_534 = vector.broadcast %div3A_533 : f32 to vector<16xf32>
    %div3A_535 = arith.divf %div3A_534, %max3A_532 : vector<16xf32>
    %swap3A_536 = arith.constant 496 : index
    %swap3A_537 = tpu.vector_load %arg13[%swap3A_536] {strides = array<i32>} : memref<640xf32, #tpu.memory_space<vmem>>, vector<16xf32>,
    %swap3A_538 = vector.shape_cast %swap3A_537 : vector<16xf32> to vector<16xf32>
    %swap3A_539 = vector.shape_cast %div3A_535 : vector<16xf32> to vector<16xf32>
    tpu.vector_store %arg13[%swap3A_536], %swap3A_539 {strides = array<i32>} : memref<640xf32, #tpu.memory_space<vmem>>, vector<16xf32>,
    %get3A_540 = arith.constant 512 : index
    %get3A_541 = tpu.vector_load %arg13[%get3A_540] {strides = array<i32>} : memref<640xf32, #tpu.memory_space<vmem>>, vector<16xf32>,
    %get3A_542 = vector.shape_cast %get3A_541 : vector<16xf32> to vector<16xf32>
    %max3A_543 = arith.constant 1.000000e+00 : f32
    %max3A_544 = vector.broadcast %max3A_543 : f32 to vector<16xf32>
    %max3A_545 = arith.maximumf %get3A_542, %max3A_544 : vector<16xf32>
    %div3A_546 = arith.constant 1.000000e+00 : f32
    %div3A_547 = vector.broadcast %div3A_546 : f32 to vector<16xf32>
    %div3A_548 = arith.divf %div3A_547, %max3A_545 : vector<16xf32>
    %swap3A_549 = arith.constant 512 : index
    %swap3A_550 = tpu.vector_load %arg13[%swap3A_549] {strides = array<i32>} : memref<640xf32, #tpu.memory_space<vmem>>, vector<16xf32>,
    %swap3A_551 = vector.shape_cast %swap3A_550 : vector<16xf32> to vector<16xf32>
    %swap3A_552 = vector.shape_cast %div3A_548 : vector<16xf32> to vector<16xf32>
    tpu.vector_store %arg13[%swap3A_549], %swap3A_552 {strides = array<i32>} : memref<640xf32, #tpu.memory_space<vmem>>, vector<16xf32>,
    %get3A_553 = arith.constant 528 : index
    %get3A_554 = tpu.vector_load %arg13[%get3A_553] {strides = array<i32>} : memref<640xf32, #tpu.memory_space<vmem>>, vector<16xf32>,
    %get3A_555 = vector.shape_cast %get3A_554 : vector<16xf32> to vector<16xf32>
    %max3A_556 = arith.constant 1.000000e+00 : f32
    %max3A_557 = vector.broadcast %max3A_556 : f32 to vector<16xf32>
    %max3A_558 = arith.maximumf %get3A_555, %max3A_557 : vector<16xf32>
    %div3A_559 = arith.constant 1.000000e+00 : f32
    %div3A_560 = vector.broadcast %div3A_559 : f32 to vector<16xf32>
    %div3A_561 = arith.divf %div3A_560, %max3A_558 : vector<16xf32>
    %swap3A_562 = arith.constant 528 : index
    %swap3A_563 = tpu.vector_load %arg13[%swap3A_562] {strides = array<i32>} : memref<640xf32, #tpu.memory_space<vmem>>, vector<16xf32>,
    %swap3A_564 = vector.shape_cast %swap3A_563 : vector<16xf32> to vector<16xf32>
    %swap3A_565 = vector.shape_cast %div3A_561 : vector<16xf32> to vector<16xf32>
    tpu.vector_store %arg13[%swap3A_562], %swap3A_565 {strides = array<i32>} : memref<640xf32, #tpu.memory_space<vmem>>, vector<16xf32>,
    %get3A_566 = arith.constant 544 : index
    %get3A_567 = tpu.vector_load %arg13[%get3A_566] {strides = array<i32>} : memref<640xf32, #tpu.memory_space<vmem>>, vector<16xf32>,
    %get3A_568 = vector.shape_cast %get3A_567 : vector<16xf32> to vector<16xf32>
    %max3A_569 = arith.constant 1.000000e+00 : f32
    %max3A_570 = vector.broadcast %max3A_569 : f32 to vector<16xf32>
    %max3A_571 = arith.maximumf %get3A_568, %max3A_570 : vector<16xf32>
    %div3A_572 = arith.constant 1.000000e+00 : f32
    %div3A_573 = vector.broadcast %div3A_572 : f32 to vector<16xf32>
    %div3A_574 = arith.divf %div3A_573, %max3A_571 : vector<16xf32>
    %swap3A_575 = arith.constant 544 : index
    %swap3A_576 = tpu.vector_load %arg13[%swap3A_575] {strides = array<i32>} : memref<640xf32, #tpu.memory_space<vmem>>, vector<16xf32>,
    %swap3A_577 = vector.shape_cast %swap3A_576 : vector<16xf32> to vector<16xf32>
    %swap3A_578 = vector.shape_cast %div3A_574 : vector<16xf32> to vector<16xf32>
    tpu.vector_store %arg13[%swap3A_575], %swap3A_578 {strides = array<i32>} : memref<640xf32, #tpu.memory_space<vmem>>, vector<16xf32>,
    %get3A_579 = arith.constant 560 : index
    %get3A_580 = tpu.vector_load %arg13[%get3A_579] {strides = array<i32>} : memref<640xf32, #tpu.memory_space<vmem>>, vector<16xf32>,
    %get3A_581 = vector.shape_cast %get3A_580 : vector<16xf32> to vector<16xf32>
    %max3A_582 = arith.constant 1.000000e+00 : f32
    %max3A_583 = vector.broadcast %max3A_582 : f32 to vector<16xf32>
    %max3A_584 = arith.maximumf %get3A_581, %max3A_583 : vector<16xf32>
    %div3A_585 = arith.constant 1.000000e+00 : f32
    %div3A_586 = vector.broadcast %div3A_585 : f32 to vector<16xf32>
    %div3A_587 = arith.divf %div3A_586, %max3A_584 : vector<16xf32>
    %swap3A_588 = arith.constant 560 : index
    %swap3A_589 = tpu.vector_load %arg13[%swap3A_588] {strides = array<i32>} : memref<640xf32, #tpu.memory_space<vmem>>, vector<16xf32>,
    %swap3A_590 = vector.shape_cast %swap3A_589 : vector<16xf32> to vector<16xf32>
    %swap3A_591 = vector.shape_cast %div3A_587 : vector<16xf32> to vector<16xf32>
    tpu.vector_store %arg13[%swap3A_588], %swap3A_591 {strides = array<i32>} : memref<640xf32, #tpu.memory_space<vmem>>, vector<16xf32>,
    %get3A_592 = arith.constant 576 : index
    %get3A_593 = tpu.vector_load %arg13[%get3A_592] {strides = array<i32>} : memref<640xf32, #tpu.memory_space<vmem>>, vector<16xf32>,
    %get3A_594 = vector.shape_cast %get3A_593 : vector<16xf32> to vector<16xf32>
    %max3A_595 = arith.constant 1.000000e+00 : f32
    %max3A_596 = vector.broadcast %max3A_595 : f32 to vector<16xf32>
    %max3A_597 = arith.maximumf %get3A_594, %max3A_596 : vector<16xf32>
    %div3A_598 = arith.constant 1.000000e+00 : f32
    %div3A_599 = vector.broadcast %div3A_598 : f32 to vector<16xf32>
    %div3A_600 = arith.divf %div3A_599, %max3A_597 : vector<16xf32>
    %swap3A_601 = arith.constant 576 : index
    %swap3A_602 = tpu.vector_load %arg13[%swap3A_601] {strides = array<i32>} : memref<640xf32, #tpu.memory_space<vmem>>, vector<16xf32>,
    %swap3A_603 = vector.shape_cast %swap3A_602 : vector<16xf32> to vector<16xf32>
    %swap3A_604 = vector.shape_cast %div3A_600 : vector<16xf32> to vector<16xf32>
    tpu.vector_store %arg13[%swap3A_601], %swap3A_604 {strides = array<i32>} : memref<640xf32, #tpu.memory_space<vmem>>, vector<16xf32>,
    %get3A_605 = arith.constant 592 : index
    %get3A_606 = tpu.vector_load %arg13[%get3A_605] {strides = array<i32>} : memref<640xf32, #tpu.memory_space<vmem>>, vector<16xf32>,
    %get3A_607 = vector.shape_cast %get3A_606 : vector<16xf32> to vector<16xf32>
    %max3A_608 = arith.constant 1.000000e+00 : f32
    %max3A_609 = vector.broadcast %max3A_608 : f32 to vector<16xf32>
    %max3A_610 = arith.maximumf %get3A_607, %max3A_609 : vector<16xf32>
    %div3A_611 = arith.constant 1.000000e+00 : f32
    %div3A_612 = vector.broadcast %div3A_611 : f32 to vector<16xf32>
    %div3A_613 = arith.divf %div3A_612, %max3A_610 : vector<16xf32>
    %swap3A_614 = arith.constant 592 : index
    %swap3A_615 = tpu.vector_load %arg13[%swap3A_614] {strides = array<i32>} : memref<640xf32, #tpu.memory_space<vmem>>, vector<16xf32>,
    %swap3A_616 = vector.shape_cast %swap3A_615 : vector<16xf32> to vector<16xf32>
    %swap3A_617 = vector.shape_cast %div3A_613 : vector<16xf32> to vector<16xf32>
    tpu.vector_store %arg13[%swap3A_614], %swap3A_617 {strides = array<i32>} : memref<640xf32, #tpu.memory_space<vmem>>, vector<16xf32>,
    %get3A_618 = arith.constant 608 : index
    %get3A_619 = tpu.vector_load %arg13[%get3A_618] {strides = array<i32>} : memref<640xf32, #tpu.memory_space<vmem>>, vector<16xf32>,
    %get3A_620 = vector.shape_cast %get3A_619 : vector<16xf32> to vector<16xf32>
    %max3A_621 = arith.constant 1.000000e+00 : f32
    %max3A_622 = vector.broadcast %max3A_621 : f32 to vector<16xf32>
    %max3A_623 = arith.maximumf %get3A_620, %max3A_622 : vector<16xf32>
    %div3A_624 = arith.constant 1.000000e+00 : f32
    %div3A_625 = vector.broadcast %div3A_624 : f32 to vector<16xf32>
    %div3A_626 = arith.divf %div3A_625, %max3A_623 : vector<16xf32>
    %swap3A_627 = arith.constant 608 : index
    %swap3A_628 = tpu.vector_load %arg13[%swap3A_627] {strides = array<i32>} : memref<640xf32, #tpu.memory_space<vmem>>, vector<16xf32>,
    %swap3A_629 = vector.shape_cast %swap3A_628 : vector<16xf32> to vector<16xf32>
    %swap3A_630 = vector.shape_cast %div3A_626 : vector<16xf32> to vector<16xf32>
    tpu.vector_store %arg13[%swap3A_627], %swap3A_630 {strides = array<i32>} : memref<640xf32, #tpu.memory_space<vmem>>, vector<16xf32>,
    %get3A_631 = arith.constant 624 : index
    %get3A_632 = tpu.vector_load %arg13[%get3A_631] {strides = array<i32>} : memref<640xf32, #tpu.memory_space<vmem>>, vector<16xf32>,
    %get3A_633 = vector.shape_cast %get3A_632 : vector<16xf32> to vector<16xf32>
    %max3A_634 = arith.constant 1.000000e+00 : f32
    %max3A_635 = vector.broadcast %max3A_634 : f32 to vector<16xf32>
    %max3A_636 = arith.maximumf %get3A_633, %max3A_635 : vector<16xf32>
    %div3A_637 = arith.constant 1.000000e+00 : f32
    %div3A_638 = vector.broadcast %div3A_637 : f32 to vector<16xf32>
    %div3A_639 = arith.divf %div3A_638, %max3A_636 : vector<16xf32>
    %swap3A_640 = arith.constant 624 : index
    %swap3A_641 = tpu.vector_load %arg13[%swap3A_640] {strides = array<i32>} : memref<640xf32, #tpu.memory_space<vmem>>, vector<16xf32>,
    %swap3A_642 = vector.shape_cast %swap3A_641 : vector<16xf32> to vector<16xf32>
    %swap3A_643 = vector.shape_cast %div3A_639 : vector<16xf32> to vector<16xf32>
    tpu.vector_store %arg13[%swap3A_640], %swap3A_643 {strides = array<i32>} : memref<640xf32, #tpu.memory_space<vmem>>, vector<16xf32>,
    %mul3A_644 = arith.constant 640 : i32
    %mul3A_645 = arith.muli %arg1, %mul3A_644 : i32
    "tpu.region"() ({
      %run_scoped3A_1226 = tpu.sem_alloc : memref<!tpu.dma_semaphore, #tpu.memory_space<semaphore_mem>>
      %dma_start3A_1227 = tpu.memref_slice %arg37[%mul3A_645] : memref<10240xf32, #tpu.memory_space<vmem_shared>> -> memref<640xf32, #tpu.memory_space<vmem_shared>>
      %dma_start3A_1228 = tpu.memref_slice %arg37[%mul3A_645] : memref<10240xf32, #tpu.memory_space<vmem_shared>> -> memref<640xf32, #tpu.memory_space<vmem_shared>>
      tpu.enqueue_dma source(%arg13 : memref<640xf32, #tpu.memory_space<vmem>>) target(%dma_start3A_1228 : memref<640xf32, #tpu.memory_space<vmem_shared>>) target_semaphore(%run_scoped3A_1226 : memref<!tpu.dma_semaphore, #tpu.memory_space<semaphore_mem>>)
      %dma_wait3A_1229 = tpu.memref_slice %arg37[%mul3A_645] : memref<10240xf32, #tpu.memory_space<vmem_shared>> -> memref<640xf32, #tpu.memory_space<vmem_shared>>
      %dma_wait3A_1230 = tpu.memref_slice %arg37[%mul3A_645] : memref<10240xf32, #tpu.memory_space<vmem_shared>> -> memref<640xf32, #tpu.memory_space<vmem_shared>>
      tpu.wait_dma2 semaphore(%run_scoped3A_1226 : memref<!tpu.dma_semaphore, #tpu.memory_space<semaphore_mem>>) src(%arg13 : memref<640xf32, #tpu.memory_space<vmem>>) dst(%dma_wait3A_1230 : memref<640xf32, #tpu.memory_space<vmem_shared>>)
      tpu.yield
    }) : () -> ()
    %barrier3A_646 = arith.constant 0 : index
    tpu.barrier barrier_id(%barrier3A_646)
    %jit3A = arith.constant 2 : i32
    %div3A_647 = arith.divsi %add3A, %jit3A : i32
    %sign3A = arith.constant 0 : i32
    %sign3A_648 = arith.cmpi sgt, %add3A, %sign3A : i32
    %sign3A_649 = arith.extui %sign3A_648 : i1 to i32
    %sign3A_650 = arith.constant 0 : i32
    %sign3A_651 = arith.cmpi slt, %add3A, %sign3A_650 : i32
    %sign3A_652 = arith.extui %sign3A_651 : i1 to i32
    %sign3A_653 = arith.subi %sign3A_649, %sign3A_652 : i32
    %sign3A_654 = arith.constant 0 : i32
    %sign3A_655 = arith.cmpi sgt, %jit3A, %sign3A_654 : i32
    %sign3A_656 = arith.extui %sign3A_655 : i1 to i32
    %sign3A_657 = arith.constant 0 : i32
    %sign3A_658 = arith.cmpi slt, %jit3A, %sign3A_657 : i32
    %sign3A_659 = arith.extui %sign3A_658 : i1 to i32
    %sign3A_660 = arith.subi %sign3A_656, %sign3A_659 : i32
    %ne3A = arith.cmpi ne, %sign3A_653, %sign3A_660 : i32
    %rem3A = arith.remsi %add3A, %jit3A : i32
    %ne3A_661 = arith.constant 0 : i32
    %ne3A_662 = arith.cmpi ne, %rem3A, %ne3A_661 : i32
    %and3A = arith.andi %ne3A, %ne3A_662 : i1
    %sub3A = arith.constant 1 : i32
    %sub3A_663 = arith.subi %div3A_647, %sub3A : i32
    %select_n3A = arith.select %and3A, %sub3A_663, %div3A_647 : i32
    %jit3A_664 = arith.constant 2 : i32
    %eq3A = arith.constant 0 : i32
    %eq3A_665 = arith.cmpi eq, %jit3A_664, %eq3A : i32
    %jit3A_666 = arith.constant 1 : i32
    %select_n3A_667 = arith.select %eq3A_665, %jit3A_666, %jit3A_664 : i32
    %rem3A_668 = arith.remsi %add3A, %select_n3A_667 : i32
    %ne3A_669 = arith.constant 0 : i32
    %ne3A_670 = arith.cmpi ne, %rem3A_668, %ne3A_669 : i32
    %lt3A = arith.constant 0 : i32
    %lt3A_671 = arith.cmpi slt, %rem3A_668, %lt3A : i32
    %lt3A_672 = arith.constant 0 : i32
    %lt3A_673 = arith.cmpi slt, %select_n3A_667, %lt3A_672 : i32
    %ne3A_674 = arith.xori %lt3A_671, %lt3A_673 : i1
    %and3A_675 = arith.andi %ne3A_674, %ne3A_670 : i1
    %add3A_676 = arith.addi %rem3A_668, %select_n3A_667 : i32
    %select_n3A_677 = arith.select %and3A_675, %add3A_676, %rem3A_668 : i32
    %mul3A_678 = arith.constant 250 : i32
    %mul3A_679 = arith.muli %select_n3A_677, %mul3A_678 : i32
    "tpu.region"() ({
      %run_scoped3A_1226 = tpu.sem_alloc : memref<!tpu.dma_semaphore, #tpu.memory_space<semaphore_mem>>
      %dma_start3A_1227 = arith.constant 0 : i32
      %dma_start3A_1228 = tpu.memref_slice %arg2[%select_n3A, %mul3A_679, %dma_start3A_1227] : memref<16x500x40xi32, #tpu.memory_space<hbm>> -> memref<1x250x40xi32, #tpu.memory_space<hbm>>
      %dma_start3A_1229 = tpu.memref_squeeze %dma_start3A_1228 : memref<1x250x40xi32, #tpu.memory_space<hbm>> -> memref<250x40xi32, #tpu.memory_space<hbm>>
      %dma_start3A_1230 = arith.constant 0 : i32
      %dma_start3A_1231 = tpu.memref_slice %arg2[%select_n3A, %mul3A_679, %dma_start3A_1230] : memref<16x500x40xi32, #tpu.memory_space<hbm>> -> memref<1x250x40xi32, #tpu.memory_space<hbm>>
      %dma_start3A_1232 = tpu.memref_squeeze %dma_start3A_1231 : memref<1x250x40xi32, #tpu.memory_space<hbm>> -> memref<250x40xi32, #tpu.memory_space<hbm>>
      tpu.enqueue_dma source(%dma_start3A_1232 : memref<250x40xi32, #tpu.memory_space<hbm>>) target(%arg8 : memref<250x40xi32, #tpu.memory_space<vmem>>) target_semaphore(%run_scoped3A_1226 : memref<!tpu.dma_semaphore, #tpu.memory_space<semaphore_mem>>)
      %dma_wait3A_1233 = arith.constant 0 : i32
      %dma_wait3A_1234 = tpu.memref_slice %arg2[%select_n3A, %mul3A_679, %dma_wait3A_1233] : memref<16x500x40xi32, #tpu.memory_space<hbm>> -> memref<1x250x40xi32, #tpu.memory_space<hbm>>
      %dma_wait3A_1235 = tpu.memref_squeeze %dma_wait3A_1234 : memref<1x250x40xi32, #tpu.memory_space<hbm>> -> memref<250x40xi32, #tpu.memory_space<hbm>>
      %dma_wait3A_1236 = arith.constant 0 : i32
      %dma_wait3A_1237 = tpu.memref_slice %arg2[%select_n3A, %mul3A_679, %dma_wait3A_1236] : memref<16x500x40xi32, #tpu.memory_space<hbm>> -> memref<1x250x40xi32, #tpu.memory_space<hbm>>
      %dma_wait3A_1238 = tpu.memref_squeeze %dma_wait3A_1237 : memref<1x250x40xi32, #tpu.memory_space<hbm>> -> memref<250x40xi32, #tpu.memory_space<hbm>>
      tpu.wait_dma2 semaphore(%run_scoped3A_1226 : memref<!tpu.dma_semaphore, #tpu.memory_space<semaphore_mem>>) src(%dma_wait3A_1238 : memref<250x40xi32, #tpu.memory_space<hbm>>) dst(%arg8 : memref<250x40xi32, #tpu.memory_space<vmem>>)
      tpu.yield
    }) : () -> ()
    "tpu.region"() ({
      %run_scoped3A_1226 = tpu.sem_alloc : memref<!tpu.dma_semaphore, #tpu.memory_space<semaphore_mem>>
      %dma_start3A_1227 = arith.constant 0 : i32
      %dma_start3A_1228 = tpu.memref_slice %arg3[%select_n3A, %mul3A_679, %dma_start3A_1227] : memref<16x500x40xi32, #tpu.memory_space<hbm>> -> memref<1x250x40xi32, #tpu.memory_space<hbm>>
      %dma_start3A_1229 = tpu.memref_squeeze %dma_start3A_1228 : memref<1x250x40xi32, #tpu.memory_space<hbm>> -> memref<250x40xi32, #tpu.memory_space<hbm>>
      %dma_start3A_1230 = arith.constant 0 : i32
      %dma_start3A_1231 = tpu.memref_slice %arg3[%select_n3A, %mul3A_679, %dma_start3A_1230] : memref<16x500x40xi32, #tpu.memory_space<hbm>> -> memref<1x250x40xi32, #tpu.memory_space<hbm>>
      %dma_start3A_1232 = tpu.memref_squeeze %dma_start3A_1231 : memref<1x250x40xi32, #tpu.memory_space<hbm>> -> memref<250x40xi32, #tpu.memory_space<hbm>>
      tpu.enqueue_dma source(%dma_start3A_1232 : memref<250x40xi32, #tpu.memory_space<hbm>>) target(%arg9 : memref<250x40xi32, #tpu.memory_space<vmem>>) target_semaphore(%run_scoped3A_1226 : memref<!tpu.dma_semaphore, #tpu.memory_space<semaphore_mem>>)
      %dma_wait3A_1233 = arith.constant 0 : i32
      %dma_wait3A_1234 = tpu.memref_slice %arg3[%select_n3A, %mul3A_679, %dma_wait3A_1233] : memref<16x500x40xi32, #tpu.memory_space<hbm>> -> memref<1x250x40xi32, #tpu.memory_space<hbm>>
      %dma_wait3A_1235 = tpu.memref_squeeze %dma_wait3A_1234 : memref<1x250x40xi32, #tpu.memory_space<hbm>> -> memref<250x40xi32, #tpu.memory_space<hbm>>
      %dma_wait3A_1236 = arith.constant 0 : i32
      %dma_wait3A_1237 = tpu.memref_slice %arg3[%select_n3A, %mul3A_679, %dma_wait3A_1236] : memref<16x500x40xi32, #tpu.memory_space<hbm>> -> memref<1x250x40xi32, #tpu.memory_space<hbm>>
      %dma_wait3A_1238 = tpu.memref_squeeze %dma_wait3A_1237 : memref<1x250x40xi32, #tpu.memory_space<hbm>> -> memref<250x40xi32, #tpu.memory_space<hbm>>
      tpu.wait_dma2 semaphore(%run_scoped3A_1226 : memref<!tpu.dma_semaphore, #tpu.memory_space<semaphore_mem>>) src(%dma_wait3A_1238 : memref<250x40xi32, #tpu.memory_space<hbm>>) dst(%arg9 : memref<250x40xi32, #tpu.memory_space<vmem>>)
      tpu.yield
    }) : () -> ()
    %dma_start3A = arith.constant 0 : i32
    %dma_start3A_680 = arith.constant 0 : i32
    %dma_start3A_681 = arith.constant 0 : i32
    %dma_start3A_682 = tpu.memref_slice %arg11[%dma_start3A_680, %dma_start3A_681] : memref<5x40xf32, #tpu.memory_space<vmem>> -> memref<1x40xf32, #tpu.memory_space<vmem>>
    %dma_start3A_683 = tpu.memref_squeeze %dma_start3A_682 : memref<1x40xf32, #tpu.memory_space<vmem>> -> memref<40xf32, #tpu.memory_space<vmem>>
    %dma_start3A_684 = arith.constant 0 : i32
    %dma_start3A_685 = tpu.memref_slice %arg9[%dma_start3A, %dma_start3A_684] : memref<250x40xi32, #tpu.memory_space<vmem>> -> memref<1x40xi32, #tpu.memory_space<vmem>>
    %dma_start3A_686 = tpu.memref_squeeze %dma_start3A_685 : memref<1x40xi32, #tpu.memory_space<vmem>> -> memref<40xi32, #tpu.memory_space<vmem>>
    %dma_start3A_687 = arith.constant 0 : i32
    %dma_start3A_688 = tpu.memref_slice %arg37[%dma_start3A_687] : memref<10240xf32, #tpu.memory_space<vmem_shared>> -> memref<10240xf32, #tpu.memory_space<vmem_shared>>
    tpu.enqueue_indirect_dma source(%dma_start3A_688 : memref<10240xf32, #tpu.memory_space<vmem_shared>>) target(%dma_start3A_683 : memref<40xf32, #tpu.memory_space<vmem>>) offsets(%dma_start3A_686 : memref<40xi32, #tpu.memory_space<vmem>>) semaphore(%arg15 : memref<!tpu.dma_semaphore, #tpu.memory_space<semaphore_mem>>)
    %dma_start3A_689 = arith.constant 0 : i32
    %dma_start3A_690 = arith.constant 0 : i32
    %dma_start3A_691 = arith.constant 0 : i32
    %dma_start3A_692 = arith.constant 0 : i32
    %dma_start3A_693 = tpu.memref_slice %arg10[%dma_start3A_690, %dma_start3A_691, %dma_start3A_692] : memref<5x40x128xf32, #tpu.memory_space<vmem>> -> memref<1x40x128xf32, #tpu.memory_space<vmem>>
    %dma_start3A_694 = tpu.memref_squeeze %dma_start3A_693 : memref<1x40x128xf32, #tpu.memory_space<vmem>> -> memref<40x128xf32, #tpu.memory_space<vmem>>
    %dma_start3A_695 = arith.constant 0 : i32
    %dma_start3A_696 = tpu.memref_slice %arg8[%dma_start3A_689, %dma_start3A_695] : memref<250x40xi32, #tpu.memory_space<vmem>> -> memref<1x40xi32, #tpu.memory_space<vmem>>
    %dma_start3A_697 = tpu.memref_squeeze %dma_start3A_696 : memref<1x40xi32, #tpu.memory_space<vmem>> -> memref<40xi32, #tpu.memory_space<vmem>>
    %dma_start3A_698 = arith.constant 0 : i32
    %dma_start3A_699 = arith.constant 0 : i32
    %dma_start3A_700 = tpu.memref_slice %arg4[%dma_start3A_698, %dma_start3A_699] : memref<10000x128xf32, #tpu.memory_space<hbm>> -> memref<10000x128xf32, #tpu.memory_space<hbm>>
    tpu.enqueue_indirect_dma source(%dma_start3A_700 : memref<10000x128xf32, #tpu.memory_space<hbm>>) target(%dma_start3A_694 : memref<40x128xf32, #tpu.memory_space<vmem>>) offsets(%dma_start3A_697 : memref<40xi32, #tpu.memory_space<vmem>>) semaphore(%arg25 : memref<!tpu.dma_semaphore, #tpu.memory_space<semaphore_mem>>)
    %dma_start3A_701 = arith.constant 1 : i32
    %dma_start3A_702 = arith.constant 1 : i32
    %dma_start3A_703 = arith.constant 0 : i32
    %dma_start3A_704 = tpu.memref_slice %arg11[%dma_start3A_702, %dma_start3A_703] : memref<5x40xf32, #tpu.memory_space<vmem>> -> memref<1x40xf32, #tpu.memory_space<vmem>>
    %dma_start3A_705 = tpu.memref_squeeze %dma_start3A_704 : memref<1x40xf32, #tpu.memory_space<vmem>> -> memref<40xf32, #tpu.memory_space<vmem>>
    %dma_start3A_706 = arith.constant 0 : i32
    %dma_start3A_707 = tpu.memref_slice %arg9[%dma_start3A_701, %dma_start3A_706] : memref<250x40xi32, #tpu.memory_space<vmem>> -> memref<1x40xi32, #tpu.memory_space<vmem>>
    %dma_start3A_708 = tpu.memref_squeeze %dma_start3A_707 : memref<1x40xi32, #tpu.memory_space<vmem>> -> memref<40xi32, #tpu.memory_space<vmem>>
    %dma_start3A_709 = arith.constant 0 : i32
    %dma_start3A_710 = tpu.memref_slice %arg37[%dma_start3A_709] : memref<10240xf32, #tpu.memory_space<vmem_shared>> -> memref<10240xf32, #tpu.memory_space<vmem_shared>>
    tpu.enqueue_indirect_dma source(%dma_start3A_710 : memref<10240xf32, #tpu.memory_space<vmem_shared>>) target(%dma_start3A_705 : memref<40xf32, #tpu.memory_space<vmem>>) offsets(%dma_start3A_708 : memref<40xi32, #tpu.memory_space<vmem>>) semaphore(%arg16 : memref<!tpu.dma_semaphore, #tpu.memory_space<semaphore_mem>>)
    %dma_start3A_711 = arith.constant 1 : i32
    %dma_start3A_712 = arith.constant 1 : i32
    %dma_start3A_713 = arith.constant 0 : i32
    %dma_start3A_714 = arith.constant 0 : i32
    %dma_start3A_715 = tpu.memref_slice %arg10[%dma_start3A_712, %dma_start3A_713, %dma_start3A_714] : memref<5x40x128xf32, #tpu.memory_space<vmem>> -> memref<1x40x128xf32, #tpu.memory_space<vmem>>
    %dma_start3A_716 = tpu.memref_squeeze %dma_start3A_715 : memref<1x40x128xf32, #tpu.memory_space<vmem>> -> memref<40x128xf32, #tpu.memory_space<vmem>>
    %dma_start3A_717 = arith.constant 0 : i32
    %dma_start3A_718 = tpu.memref_slice %arg8[%dma_start3A_711, %dma_start3A_717] : memref<250x40xi32, #tpu.memory_space<vmem>> -> memref<1x40xi32, #tpu.memory_space<vmem>>
    %dma_start3A_719 = tpu.memref_squeeze %dma_start3A_718 : memref<1x40xi32, #tpu.memory_space<vmem>> -> memref<40xi32, #tpu.memory_space<vmem>>
    %dma_start3A_720 = arith.constant 0 : i32
    %dma_start3A_721 = arith.constant 0 : i32
    %dma_start3A_722 = tpu.memref_slice %arg4[%dma_start3A_720, %dma_start3A_721] : memref<10000x128xf32, #tpu.memory_space<hbm>> -> memref<10000x128xf32, #tpu.memory_space<hbm>>
    tpu.enqueue_indirect_dma source(%dma_start3A_722 : memref<10000x128xf32, #tpu.memory_space<hbm>>) target(%dma_start3A_716 : memref<40x128xf32, #tpu.memory_space<vmem>>) offsets(%dma_start3A_719 : memref<40xi32, #tpu.memory_space<vmem>>) semaphore(%arg26 : memref<!tpu.dma_semaphore, #tpu.memory_space<semaphore_mem>>)
    %dma_start3A_723 = arith.constant 2 : i32
    %dma_start3A_724 = arith.constant 2 : i32
    %dma_start3A_725 = arith.constant 0 : i32
    %dma_start3A_726 = tpu.memref_slice %arg11[%dma_start3A_724, %dma_start3A_725] : memref<5x40xf32, #tpu.memory_space<vmem>> -> memref<1x40xf32, #tpu.memory_space<vmem>>
    %dma_start3A_727 = tpu.memref_squeeze %dma_start3A_726 : memref<1x40xf32, #tpu.memory_space<vmem>> -> memref<40xf32, #tpu.memory_space<vmem>>
    %dma_start3A_728 = arith.constant 0 : i32
    %dma_start3A_729 = tpu.memref_slice %arg9[%dma_start3A_723, %dma_start3A_728] : memref<250x40xi32, #tpu.memory_space<vmem>> -> memref<1x40xi32, #tpu.memory_space<vmem>>
    %dma_start3A_730 = tpu.memref_squeeze %dma_start3A_729 : memref<1x40xi32, #tpu.memory_space<vmem>> -> memref<40xi32, #tpu.memory_space<vmem>>
    %dma_start3A_731 = arith.constant 0 : i32
    %dma_start3A_732 = tpu.memref_slice %arg37[%dma_start3A_731] : memref<10240xf32, #tpu.memory_space<vmem_shared>> -> memref<10240xf32, #tpu.memory_space<vmem_shared>>
    tpu.enqueue_indirect_dma source(%dma_start3A_732 : memref<10240xf32, #tpu.memory_space<vmem_shared>>) target(%dma_start3A_727 : memref<40xf32, #tpu.memory_space<vmem>>) offsets(%dma_start3A_730 : memref<40xi32, #tpu.memory_space<vmem>>) semaphore(%arg17 : memref<!tpu.dma_semaphore, #tpu.memory_space<semaphore_mem>>)
    %dma_start3A_733 = arith.constant 2 : i32
    %dma_start3A_734 = arith.constant 2 : i32
    %dma_start3A_735 = arith.constant 0 : i32
    %dma_start3A_736 = arith.constant 0 : i32
    %dma_start3A_737 = tpu.memref_slice %arg10[%dma_start3A_734, %dma_start3A_735, %dma_start3A_736] : memref<5x40x128xf32, #tpu.memory_space<vmem>> -> memref<1x40x128xf32, #tpu.memory_space<vmem>>
    %dma_start3A_738 = tpu.memref_squeeze %dma_start3A_737 : memref<1x40x128xf32, #tpu.memory_space<vmem>> -> memref<40x128xf32, #tpu.memory_space<vmem>>
    %dma_start3A_739 = arith.constant 0 : i32
    %dma_start3A_740 = tpu.memref_slice %arg8[%dma_start3A_733, %dma_start3A_739] : memref<250x40xi32, #tpu.memory_space<vmem>> -> memref<1x40xi32, #tpu.memory_space<vmem>>
    %dma_start3A_741 = tpu.memref_squeeze %dma_start3A_740 : memref<1x40xi32, #tpu.memory_space<vmem>> -> memref<40xi32, #tpu.memory_space<vmem>>
    %dma_start3A_742 = arith.constant 0 : i32
    %dma_start3A_743 = arith.constant 0 : i32
    %dma_start3A_744 = tpu.memref_slice %arg4[%dma_start3A_742, %dma_start3A_743] : memref<10000x128xf32, #tpu.memory_space<hbm>> -> memref<10000x128xf32, #tpu.memory_space<hbm>>
    tpu.enqueue_indirect_dma source(%dma_start3A_744 : memref<10000x128xf32, #tpu.memory_space<hbm>>) target(%dma_start3A_738 : memref<40x128xf32, #tpu.memory_space<vmem>>) offsets(%dma_start3A_741 : memref<40xi32, #tpu.memory_space<vmem>>) semaphore(%arg27 : memref<!tpu.dma_semaphore, #tpu.memory_space<semaphore_mem>>)
    %dma_start3A_745 = arith.constant 3 : i32
    %dma_start3A_746 = arith.constant 3 : i32
    %dma_start3A_747 = arith.constant 0 : i32
    %dma_start3A_748 = tpu.memref_slice %arg11[%dma_start3A_746, %dma_start3A_747] : memref<5x40xf32, #tpu.memory_space<vmem>> -> memref<1x40xf32, #tpu.memory_space<vmem>>
    %dma_start3A_749 = tpu.memref_squeeze %dma_start3A_748 : memref<1x40xf32, #tpu.memory_space<vmem>> -> memref<40xf32, #tpu.memory_space<vmem>>
    %dma_start3A_750 = arith.constant 0 : i32
    %dma_start3A_751 = tpu.memref_slice %arg9[%dma_start3A_745, %dma_start3A_750] : memref<250x40xi32, #tpu.memory_space<vmem>> -> memref<1x40xi32, #tpu.memory_space<vmem>>
    %dma_start3A_752 = tpu.memref_squeeze %dma_start3A_751 : memref<1x40xi32, #tpu.memory_space<vmem>> -> memref<40xi32, #tpu.memory_space<vmem>>
    %dma_start3A_753 = arith.constant 0 : i32
    %dma_start3A_754 = tpu.memref_slice %arg37[%dma_start3A_753] : memref<10240xf32, #tpu.memory_space<vmem_shared>> -> memref<10240xf32, #tpu.memory_space<vmem_shared>>
    tpu.enqueue_indirect_dma source(%dma_start3A_754 : memref<10240xf32, #tpu.memory_space<vmem_shared>>) target(%dma_start3A_749 : memref<40xf32, #tpu.memory_space<vmem>>) offsets(%dma_start3A_752 : memref<40xi32, #tpu.memory_space<vmem>>) semaphore(%arg18 : memref<!tpu.dma_semaphore, #tpu.memory_space<semaphore_mem>>)
    %dma_start3A_755 = arith.constant 3 : i32
    %dma_start3A_756 = arith.constant 3 : i32
    %dma_start3A_757 = arith.constant 0 : i32
    %dma_start3A_758 = arith.constant 0 : i32
    %dma_start3A_759 = tpu.memref_slice %arg10[%dma_start3A_756, %dma_start3A_757, %dma_start3A_758] : memref<5x40x128xf32, #tpu.memory_space<vmem>> -> memref<1x40x128xf32, #tpu.memory_space<vmem>>
    %dma_start3A_760 = tpu.memref_squeeze %dma_start3A_759 : memref<1x40x128xf32, #tpu.memory_space<vmem>> -> memref<40x128xf32, #tpu.memory_space<vmem>>
    %dma_start3A_761 = arith.constant 0 : i32
    %dma_start3A_762 = tpu.memref_slice %arg8[%dma_start3A_755, %dma_start3A_761] : memref<250x40xi32, #tpu.memory_space<vmem>> -> memref<1x40xi32, #tpu.memory_space<vmem>>
    %dma_start3A_763 = tpu.memref_squeeze %dma_start3A_762 : memref<1x40xi32, #tpu.memory_space<vmem>> -> memref<40xi32, #tpu.memory_space<vmem>>
    %dma_start3A_764 = arith.constant 0 : i32
    %dma_start3A_765 = arith.constant 0 : i32
    %dma_start3A_766 = tpu.memref_slice %arg4[%dma_start3A_764, %dma_start3A_765] : memref<10000x128xf32, #tpu.memory_space<hbm>> -> memref<10000x128xf32, #tpu.memory_space<hbm>>
    tpu.enqueue_indirect_dma source(%dma_start3A_766 : memref<10000x128xf32, #tpu.memory_space<hbm>>) target(%dma_start3A_760 : memref<40x128xf32, #tpu.memory_space<vmem>>) offsets(%dma_start3A_763 : memref<40xi32, #tpu.memory_space<vmem>>) semaphore(%arg28 : memref<!tpu.dma_semaphore, #tpu.memory_space<semaphore_mem>>)
    %dma_start3A_767 = arith.constant 4 : i32
    %dma_start3A_768 = arith.constant 4 : i32
    %dma_start3A_769 = arith.constant 0 : i32
    %dma_start3A_770 = tpu.memref_slice %arg11[%dma_start3A_768, %dma_start3A_769] : memref<5x40xf32, #tpu.memory_space<vmem>> -> memref<1x40xf32, #tpu.memory_space<vmem>>
    %dma_start3A_771 = tpu.memref_squeeze %dma_start3A_770 : memref<1x40xf32, #tpu.memory_space<vmem>> -> memref<40xf32, #tpu.memory_space<vmem>>
    %dma_start3A_772 = arith.constant 0 : i32
    %dma_start3A_773 = tpu.memref_slice %arg9[%dma_start3A_767, %dma_start3A_772] : memref<250x40xi32, #tpu.memory_space<vmem>> -> memref<1x40xi32, #tpu.memory_space<vmem>>
    %dma_start3A_774 = tpu.memref_squeeze %dma_start3A_773 : memref<1x40xi32, #tpu.memory_space<vmem>> -> memref<40xi32, #tpu.memory_space<vmem>>
    %dma_start3A_775 = arith.constant 0 : i32
    %dma_start3A_776 = tpu.memref_slice %arg37[%dma_start3A_775] : memref<10240xf32, #tpu.memory_space<vmem_shared>> -> memref<10240xf32, #tpu.memory_space<vmem_shared>>
    tpu.enqueue_indirect_dma source(%dma_start3A_776 : memref<10240xf32, #tpu.memory_space<vmem_shared>>) target(%dma_start3A_771 : memref<40xf32, #tpu.memory_space<vmem>>) offsets(%dma_start3A_774 : memref<40xi32, #tpu.memory_space<vmem>>) semaphore(%arg19 : memref<!tpu.dma_semaphore, #tpu.memory_space<semaphore_mem>>)
    %dma_start3A_777 = arith.constant 4 : i32
    %dma_start3A_778 = arith.constant 4 : i32
    %dma_start3A_779 = arith.constant 0 : i32
    %dma_start3A_780 = arith.constant 0 : i32
    %dma_start3A_781 = tpu.memref_slice %arg10[%dma_start3A_778, %dma_start3A_779, %dma_start3A_780] : memref<5x40x128xf32, #tpu.memory_space<vmem>> -> memref<1x40x128xf32, #tpu.memory_space<vmem>>
    %dma_start3A_782 = tpu.memref_squeeze %dma_start3A_781 : memref<1x40x128xf32, #tpu.memory_space<vmem>> -> memref<40x128xf32, #tpu.memory_space<vmem>>
    %dma_start3A_783 = arith.constant 0 : i32
    %dma_start3A_784 = tpu.memref_slice %arg8[%dma_start3A_777, %dma_start3A_783] : memref<250x40xi32, #tpu.memory_space<vmem>> -> memref<1x40xi32, #tpu.memory_space<vmem>>
    %dma_start3A_785 = tpu.memref_squeeze %dma_start3A_784 : memref<1x40xi32, #tpu.memory_space<vmem>> -> memref<40xi32, #tpu.memory_space<vmem>>
    %dma_start3A_786 = arith.constant 0 : i32
    %dma_start3A_787 = arith.constant 0 : i32
    %dma_start3A_788 = tpu.memref_slice %arg4[%dma_start3A_786, %dma_start3A_787] : memref<10000x128xf32, #tpu.memory_space<hbm>> -> memref<10000x128xf32, #tpu.memory_space<hbm>>
    tpu.enqueue_indirect_dma source(%dma_start3A_788 : memref<10000x128xf32, #tpu.memory_space<hbm>>) target(%dma_start3A_782 : memref<40x128xf32, #tpu.memory_space<vmem>>) offsets(%dma_start3A_785 : memref<40xi32, #tpu.memory_space<vmem>>) semaphore(%arg29 : memref<!tpu.dma_semaphore, #tpu.memory_space<semaphore_mem>>)
    %scan3A_789 = arith.constant 0 : i32
    %scan3A_790 = arith.constant 0 : i32
    %scan3A_791 = arith.constant 49 : i32
    %scan3A_792 = arith.addi %scan3A_790, %scan3A_791 : i32
    %scan3A_793 = arith.constant 1 : i32
    scf.for %scan3A_1226 = %scan3A_790 to %scan3A_792 step %scan3A_793  : i32 {
      %mul3A_1227 = arith.constant 5 : i32
      %mul3A_1228 = arith.muli %mul3A_1227, %scan3A_1226 : i32
      %add3A_1229 = arith.constant 0 : i32
      %add3A_1230 = arith.addi %mul3A_1228, %add3A_1229 : i32
      %dma_wait3A_1231 = arith.constant 0 : i32
      %dma_wait3A_1232 = arith.constant 0 : i32
      %dma_wait3A_1233 = tpu.memref_slice %arg11[%dma_wait3A_1231, %dma_wait3A_1232] : memref<5x40xf32, #tpu.memory_space<vmem>> -> memref<1x40xf32, #tpu.memory_space<vmem>>
      %dma_wait3A_1234 = tpu.memref_squeeze %dma_wait3A_1233 : memref<1x40xf32, #tpu.memory_space<vmem>> -> memref<40xf32, #tpu.memory_space<vmem>>
      %dma_wait3A_1235 = arith.constant 0 : i32
      %dma_wait3A_1236 = tpu.memref_slice %arg9[%add3A_1230, %dma_wait3A_1235] : memref<250x40xi32, #tpu.memory_space<vmem>> -> memref<1x40xi32, #tpu.memory_space<vmem>>
      %dma_wait3A_1237 = tpu.memref_squeeze %dma_wait3A_1236 : memref<1x40xi32, #tpu.memory_space<vmem>> -> memref<40xi32, #tpu.memory_space<vmem>>
      %dma_wait3A_1238 = arith.constant 0 : i32
      %dma_wait3A_1239 = tpu.memref_slice %arg37[%dma_wait3A_1238] : memref<10240xf32, #tpu.memory_space<vmem_shared>> -> memref<10240xf32, #tpu.memory_space<vmem_shared>>
      tpu.wait_indirect_dma semaphore(%arg15 : memref<!tpu.dma_semaphore, #tpu.memory_space<semaphore_mem>>) src(%dma_wait3A_1239 : memref<10240xf32, #tpu.memory_space<vmem_shared>>) dst(%dma_wait3A_1234 : memref<40xf32, #tpu.memory_space<vmem>>)
      %dma_wait3A_1240 = arith.constant 0 : i32
      %dma_wait3A_1241 = arith.constant 0 : i32
      %dma_wait3A_1242 = arith.constant 0 : i32
      %dma_wait3A_1243 = tpu.memref_slice %arg10[%dma_wait3A_1240, %dma_wait3A_1241, %dma_wait3A_1242] : memref<5x40x128xf32, #tpu.memory_space<vmem>> -> memref<1x40x128xf32, #tpu.memory_space<vmem>>
      %dma_wait3A_1244 = tpu.memref_squeeze %dma_wait3A_1243 : memref<1x40x128xf32, #tpu.memory_space<vmem>> -> memref<40x128xf32, #tpu.memory_space<vmem>>
      %dma_wait3A_1245 = arith.constant 0 : i32
      %dma_wait3A_1246 = tpu.memref_slice %arg8[%add3A_1230, %dma_wait3A_1245] : memref<250x40xi32, #tpu.memory_space<vmem>> -> memref<1x40xi32, #tpu.memory_space<vmem>>
      %dma_wait3A_1247 = tpu.memref_squeeze %dma_wait3A_1246 : memref<1x40xi32, #tpu.memory_space<vmem>> -> memref<40xi32, #tpu.memory_space<vmem>>
      %dma_wait3A_1248 = arith.constant 0 : i32
      %dma_wait3A_1249 = arith.constant 0 : i32
      %dma_wait3A_1250 = tpu.memref_slice %arg4[%dma_wait3A_1248, %dma_wait3A_1249] : memref<10000x128xf32, #tpu.memory_space<hbm>> -> memref<10000x128xf32, #tpu.memory_space<hbm>>
      tpu.wait_indirect_dma semaphore(%arg25 : memref<!tpu.dma_semaphore, #tpu.memory_space<semaphore_mem>>) src(%dma_wait3A_1250 : memref<10000x128xf32, #tpu.memory_space<hbm>>) dst(%dma_wait3A_1244 : memref<40x128xf32, #tpu.memory_space<vmem>>)
      %dma_start3A_1251 = arith.constant 0 : i32
      %dma_start3A_1252 = arith.constant 0 : i32
      %dma_start3A_1253 = tpu.memref_slice %arg11[%dma_start3A_1251, %dma_start3A_1252] : memref<5x40xf32, #tpu.memory_space<vmem>> -> memref<1x40xf32, #tpu.memory_space<vmem>>
      %dma_start3A_1254 = tpu.memref_squeeze %dma_start3A_1253 : memref<1x40xf32, #tpu.memory_space<vmem>> -> memref<40xf32, #tpu.memory_space<vmem>>
      %dma_start3A_1255 = arith.constant 0 : i32
      %dma_start3A_1256 = tpu.memref_slice %arg8[%add3A_1230, %dma_start3A_1255] : memref<250x40xi32, #tpu.memory_space<vmem>> -> memref<1x40xi32, #tpu.memory_space<vmem>>
      %dma_start3A_1257 = tpu.memref_squeeze %dma_start3A_1256 : memref<1x40xi32, #tpu.memory_space<vmem>> -> memref<40xi32, #tpu.memory_space<vmem>>
      %dma_start3A_1258 = arith.constant 0 : i32
      %dma_start3A_1259 = tpu.memref_slice %arg36[%dma_start3A_1258] : memref<10240xf32, #tpu.memory_space<vmem_shared>> -> memref<10240xf32, #tpu.memory_space<vmem_shared>>
      tpu.enqueue_indirect_dma source(%dma_start3A_1254 : memref<40xf32, #tpu.memory_space<vmem>>) target(%dma_start3A_1259 : memref<10240xf32, #tpu.memory_space<vmem_shared>>) offsets(%dma_start3A_1257 : memref<40xi32, #tpu.memory_space<vmem>>) semaphore(%arg20 : memref<!tpu.dma_semaphore, #tpu.memory_space<semaphore_mem>>) {add = true}
      %dma_start3A_1260 = arith.constant 0 : i32
      %dma_start3A_1261 = arith.constant 0 : i32
      %dma_start3A_1262 = arith.constant 0 : i32
      %dma_start3A_1263 = tpu.memref_slice %arg10[%dma_start3A_1260, %dma_start3A_1261, %dma_start3A_1262] : memref<5x40x128xf32, #tpu.memory_space<vmem>> -> memref<1x40x128xf32, #tpu.memory_space<vmem>>
      %dma_start3A_1264 = tpu.memref_squeeze %dma_start3A_1263 : memref<1x40x128xf32, #tpu.memory_space<vmem>> -> memref<40x128xf32, #tpu.memory_space<vmem>>
      %dma_start3A_1265 = arith.constant 0 : i32
      %dma_start3A_1266 = tpu.memref_slice %arg9[%add3A_1230, %dma_start3A_1265] : memref<250x40xi32, #tpu.memory_space<vmem>> -> memref<1x40xi32, #tpu.memory_space<vmem>>
      %dma_start3A_1267 = tpu.memref_squeeze %dma_start3A_1266 : memref<1x40xi32, #tpu.memory_space<vmem>> -> memref<40xi32, #tpu.memory_space<vmem>>
      %dma_start3A_1268 = arith.constant 0 : i32
      %dma_start3A_1269 = arith.constant 0 : i32
      %dma_start3A_1270 = tpu.memref_slice %arg38[%dma_start3A_1268, %dma_start3A_1269] : memref<10240x128xf32, #tpu.memory_space<vmem_shared>> -> memref<10240x128xf32, #tpu.memory_space<vmem_shared>>
      tpu.enqueue_indirect_dma source(%dma_start3A_1264 : memref<40x128xf32, #tpu.memory_space<vmem>>) target(%dma_start3A_1270 : memref<10240x128xf32, #tpu.memory_space<vmem_shared>>) offsets(%dma_start3A_1267 : memref<40xi32, #tpu.memory_space<vmem>>) semaphore(%arg30 : memref<!tpu.dma_semaphore, #tpu.memory_space<semaphore_mem>>) {add = true}
      %add3A_1271 = arith.constant 0 : i32
      %add3A_1272 = arith.addi %mul3A_1228, %add3A_1271 : i32
      %dma_wait3A_1273 = arith.constant 0 : i32
      %dma_wait3A_1274 = arith.constant 0 : i32
      %dma_wait3A_1275 = tpu.memref_slice %arg11[%dma_wait3A_1273, %dma_wait3A_1274] : memref<5x40xf32, #tpu.memory_space<vmem>> -> memref<1x40xf32, #tpu.memory_space<vmem>>
      %dma_wait3A_1276 = tpu.memref_squeeze %dma_wait3A_1275 : memref<1x40xf32, #tpu.memory_space<vmem>> -> memref<40xf32, #tpu.memory_space<vmem>>
      %dma_wait3A_1277 = arith.constant 0 : i32
      %dma_wait3A_1278 = tpu.memref_slice %arg8[%add3A_1272, %dma_wait3A_1277] : memref<250x40xi32, #tpu.memory_space<vmem>> -> memref<1x40xi32, #tpu.memory_space<vmem>>
      %dma_wait3A_1279 = tpu.memref_squeeze %dma_wait3A_1278 : memref<1x40xi32, #tpu.memory_space<vmem>> -> memref<40xi32, #tpu.memory_space<vmem>>
      %dma_wait3A_1280 = arith.constant 0 : i32
      %dma_wait3A_1281 = tpu.memref_slice %arg36[%dma_wait3A_1280] : memref<10240xf32, #tpu.memory_space<vmem_shared>> -> memref<10240xf32, #tpu.memory_space<vmem_shared>>
      tpu.wait_indirect_dma semaphore(%arg20 : memref<!tpu.dma_semaphore, #tpu.memory_space<semaphore_mem>>) src(%dma_wait3A_1276 : memref<40xf32, #tpu.memory_space<vmem>>) dst(%dma_wait3A_1281 : memref<10240xf32, #tpu.memory_space<vmem_shared>>)
      %dma_wait3A_1282 = arith.constant 0 : i32
      %dma_wait3A_1283 = arith.constant 0 : i32
      %dma_wait3A_1284 = arith.constant 0 : i32
      %dma_wait3A_1285 = tpu.memref_slice %arg10[%dma_wait3A_1282, %dma_wait3A_1283, %dma_wait3A_1284] : memref<5x40x128xf32, #tpu.memory_space<vmem>> -> memref<1x40x128xf32, #tpu.memory_space<vmem>>
      %dma_wait3A_1286 = tpu.memref_squeeze %dma_wait3A_1285 : memref<1x40x128xf32, #tpu.memory_space<vmem>> -> memref<40x128xf32, #tpu.memory_space<vmem>>
      %dma_wait3A_1287 = arith.constant 0 : i32
      %dma_wait3A_1288 = tpu.memref_slice %arg9[%add3A_1272, %dma_wait3A_1287] : memref<250x40xi32, #tpu.memory_space<vmem>> -> memref<1x40xi32, #tpu.memory_space<vmem>>
      %dma_wait3A_1289 = tpu.memref_squeeze %dma_wait3A_1288 : memref<1x40xi32, #tpu.memory_space<vmem>> -> memref<40xi32, #tpu.memory_space<vmem>>
      %dma_wait3A_1290 = arith.constant 0 : i32
      %dma_wait3A_1291 = arith.constant 0 : i32
      %dma_wait3A_1292 = tpu.memref_slice %arg38[%dma_wait3A_1290, %dma_wait3A_1291] : memref<10240x128xf32, #tpu.memory_space<vmem_shared>> -> memref<10240x128xf32, #tpu.memory_space<vmem_shared>>
      tpu.wait_indirect_dma semaphore(%arg30 : memref<!tpu.dma_semaphore, #tpu.memory_space<semaphore_mem>>) src(%dma_wait3A_1286 : memref<40x128xf32, #tpu.memory_space<vmem>>) dst(%dma_wait3A_1292 : memref<10240x128xf32, #tpu.memory_space<vmem_shared>>)
      %add3A_1293 = arith.constant 0 : i32
      %add3A_1294 = arith.addi %mul3A_1228, %add3A_1293 : i32
      %add3A_1295 = arith.constant 5 : i32
      %add3A_1296 = arith.addi %add3A_1294, %add3A_1295 : i32
      %dma_start3A_1297 = arith.constant 0 : i32
      %dma_start3A_1298 = arith.constant 0 : i32
      %dma_start3A_1299 = tpu.memref_slice %arg11[%dma_start3A_1297, %dma_start3A_1298] : memref<5x40xf32, #tpu.memory_space<vmem>> -> memref<1x40xf32, #tpu.memory_space<vmem>>
      %dma_start3A_1300 = tpu.memref_squeeze %dma_start3A_1299 : memref<1x40xf32, #tpu.memory_space<vmem>> -> memref<40xf32, #tpu.memory_space<vmem>>
      %dma_start3A_1301 = arith.constant 0 : i32
      %dma_start3A_1302 = tpu.memref_slice %arg9[%add3A_1296, %dma_start3A_1301] : memref<250x40xi32, #tpu.memory_space<vmem>> -> memref<1x40xi32, #tpu.memory_space<vmem>>
      %dma_start3A_1303 = tpu.memref_squeeze %dma_start3A_1302 : memref<1x40xi32, #tpu.memory_space<vmem>> -> memref<40xi32, #tpu.memory_space<vmem>>
      %dma_start3A_1304 = arith.constant 0 : i32
      %dma_start3A_1305 = tpu.memref_slice %arg37[%dma_start3A_1304] : memref<10240xf32, #tpu.memory_space<vmem_shared>> -> memref<10240xf32, #tpu.memory_space<vmem_shared>>
      tpu.enqueue_indirect_dma source(%dma_start3A_1305 : memref<10240xf32, #tpu.memory_space<vmem_shared>>) target(%dma_start3A_1300 : memref<40xf32, #tpu.memory_space<vmem>>) offsets(%dma_start3A_1303 : memref<40xi32, #tpu.memory_space<vmem>>) semaphore(%arg15 : memref<!tpu.dma_semaphore, #tpu.memory_space<semaphore_mem>>)
      %dma_start3A_1306 = arith.constant 0 : i32
      %dma_start3A_1307 = arith.constant 0 : i32
      %dma_start3A_1308 = arith.constant 0 : i32
      %dma_start3A_1309 = tpu.memref_slice %arg10[%dma_start3A_1306, %dma_start3A_1307, %dma_start3A_1308] : memref<5x40x128xf32, #tpu.memory_space<vmem>> -> memref<1x40x128xf32, #tpu.memory_space<vmem>>
      %dma_start3A_1310 = tpu.memref_squeeze %dma_start3A_1309 : memref<1x40x128xf32, #tpu.memory_space<vmem>> -> memref<40x128xf32, #tpu.memory_space<vmem>>
      %dma_start3A_1311 = arith.constant 0 : i32
      %dma_start3A_1312 = tpu.memref_slice %arg8[%add3A_1296, %dma_start3A_1311] : memref<250x40xi32, #tpu.memory_space<vmem>> -> memref<1x40xi32, #tpu.memory_space<vmem>>
      %dma_start3A_1313 = tpu.memref_squeeze %dma_start3A_1312 : memref<1x40xi32, #tpu.memory_space<vmem>> -> memref<40xi32, #tpu.memory_space<vmem>>
      %dma_start3A_1314 = arith.constant 0 : i32
      %dma_start3A_1315 = arith.constant 0 : i32
      %dma_start3A_1316 = tpu.memref_slice %arg4[%dma_start3A_1314, %dma_start3A_1315] : memref<10000x128xf32, #tpu.memory_space<hbm>> -> memref<10000x128xf32, #tpu.memory_space<hbm>>
      tpu.enqueue_indirect_dma source(%dma_start3A_1316 : memref<10000x128xf32, #tpu.memory_space<hbm>>) target(%dma_start3A_1310 : memref<40x128xf32, #tpu.memory_space<vmem>>) offsets(%dma_start3A_1313 : memref<40xi32, #tpu.memory_space<vmem>>) semaphore(%arg25 : memref<!tpu.dma_semaphore, #tpu.memory_space<semaphore_mem>>)
      %add3A_1317 = arith.constant 1 : i32
      %add3A_1318 = arith.addi %mul3A_1228, %add3A_1317 : i32
      %dma_wait3A_1319 = arith.constant 1 : i32
      %dma_wait3A_1320 = arith.constant 0 : i32
      %dma_wait3A_1321 = tpu.memref_slice %arg11[%dma_wait3A_1319, %dma_wait3A_1320] : memref<5x40xf32, #tpu.memory_space<vmem>> -> memref<1x40xf32, #tpu.memory_space<vmem>>
      %dma_wait3A_1322 = tpu.memref_squeeze %dma_wait3A_1321 : memref<1x40xf32, #tpu.memory_space<vmem>> -> memref<40xf32, #tpu.memory_space<vmem>>
      %dma_wait3A_1323 = arith.constant 0 : i32
      %dma_wait3A_1324 = tpu.memref_slice %arg9[%add3A_1318, %dma_wait3A_1323] : memref<250x40xi32, #tpu.memory_space<vmem>> -> memref<1x40xi32, #tpu.memory_space<vmem>>
      %dma_wait3A_1325 = tpu.memref_squeeze %dma_wait3A_1324 : memref<1x40xi32, #tpu.memory_space<vmem>> -> memref<40xi32, #tpu.memory_space<vmem>>
      %dma_wait3A_1326 = arith.constant 0 : i32
      %dma_wait3A_1327 = tpu.memref_slice %arg37[%dma_wait3A_1326] : memref<10240xf32, #tpu.memory_space<vmem_shared>> -> memref<10240xf32, #tpu.memory_space<vmem_shared>>
      tpu.wait_indirect_dma semaphore(%arg16 : memref<!tpu.dma_semaphore, #tpu.memory_space<semaphore_mem>>) src(%dma_wait3A_1327 : memref<10240xf32, #tpu.memory_space<vmem_shared>>) dst(%dma_wait3A_1322 : memref<40xf32, #tpu.memory_space<vmem>>)
      %dma_wait3A_1328 = arith.constant 1 : i32
      %dma_wait3A_1329 = arith.constant 0 : i32
      %dma_wait3A_1330 = arith.constant 0 : i32
      %dma_wait3A_1331 = tpu.memref_slice %arg10[%dma_wait3A_1328, %dma_wait3A_1329, %dma_wait3A_1330] : memref<5x40x128xf32, #tpu.memory_space<vmem>> -> memref<1x40x128xf32, #tpu.memory_space<vmem>>
      %dma_wait3A_1332 = tpu.memref_squeeze %dma_wait3A_1331 : memref<1x40x128xf32, #tpu.memory_space<vmem>> -> memref<40x128xf32, #tpu.memory_space<vmem>>
      %dma_wait3A_1333 = arith.constant 0 : i32
      %dma_wait3A_1334 = tpu.memref_slice %arg8[%add3A_1318, %dma_wait3A_1333] : memref<250x40xi32, #tpu.memory_space<vmem>> -> memref<1x40xi32, #tpu.memory_space<vmem>>
      %dma_wait3A_1335 = tpu.memref_squeeze %dma_wait3A_1334 : memref<1x40xi32, #tpu.memory_space<vmem>> -> memref<40xi32, #tpu.memory_space<vmem>>
      %dma_wait3A_1336 = arith.constant 0 : i32
      %dma_wait3A_1337 = arith.constant 0 : i32
      %dma_wait3A_1338 = tpu.memref_slice %arg4[%dma_wait3A_1336, %dma_wait3A_1337] : memref<10000x128xf32, #tpu.memory_space<hbm>> -> memref<10000x128xf32, #tpu.memory_space<hbm>>
      tpu.wait_indirect_dma semaphore(%arg26 : memref<!tpu.dma_semaphore, #tpu.memory_space<semaphore_mem>>) src(%dma_wait3A_1338 : memref<10000x128xf32, #tpu.memory_space<hbm>>) dst(%dma_wait3A_1332 : memref<40x128xf32, #tpu.memory_space<vmem>>)
      %dma_start3A_1339 = arith.constant 1 : i32
      %dma_start3A_1340 = arith.constant 0 : i32
      %dma_start3A_1341 = tpu.memref_slice %arg11[%dma_start3A_1339, %dma_start3A_1340] : memref<5x40xf32, #tpu.memory_space<vmem>> -> memref<1x40xf32, #tpu.memory_space<vmem>>
      %dma_start3A_1342 = tpu.memref_squeeze %dma_start3A_1341 : memref<1x40xf32, #tpu.memory_space<vmem>> -> memref<40xf32, #tpu.memory_space<vmem>>
      %dma_start3A_1343 = arith.constant 0 : i32
      %dma_start3A_1344 = tpu.memref_slice %arg8[%add3A_1318, %dma_start3A_1343] : memref<250x40xi32, #tpu.memory_space<vmem>> -> memref<1x40xi32, #tpu.memory_space<vmem>>
      %dma_start3A_1345 = tpu.memref_squeeze %dma_start3A_1344 : memref<1x40xi32, #tpu.memory_space<vmem>> -> memref<40xi32, #tpu.memory_space<vmem>>
      %dma_start3A_1346 = arith.constant 0 : i32
      %dma_start3A_1347 = tpu.memref_slice %arg36[%dma_start3A_1346] : memref<10240xf32, #tpu.memory_space<vmem_shared>> -> memref<10240xf32, #tpu.memory_space<vmem_shared>>
      tpu.enqueue_indirect_dma source(%dma_start3A_1342 : memref<40xf32, #tpu.memory_space<vmem>>) target(%dma_start3A_1347 : memref<10240xf32, #tpu.memory_space<vmem_shared>>) offsets(%dma_start3A_1345 : memref<40xi32, #tpu.memory_space<vmem>>) semaphore(%arg21 : memref<!tpu.dma_semaphore, #tpu.memory_space<semaphore_mem>>) {add = true}
      %dma_start3A_1348 = arith.constant 1 : i32
      %dma_start3A_1349 = arith.constant 0 : i32
      %dma_start3A_1350 = arith.constant 0 : i32
      %dma_start3A_1351 = tpu.memref_slice %arg10[%dma_start3A_1348, %dma_start3A_1349, %dma_start3A_1350] : memref<5x40x128xf32, #tpu.memory_space<vmem>> -> memref<1x40x128xf32, #tpu.memory_space<vmem>>
      %dma_start3A_1352 = tpu.memref_squeeze %dma_start3A_1351 : memref<1x40x128xf32, #tpu.memory_space<vmem>> -> memref<40x128xf32, #tpu.memory_space<vmem>>
      %dma_start3A_1353 = arith.constant 0 : i32
      %dma_start3A_1354 = tpu.memref_slice %arg9[%add3A_1318, %dma_start3A_1353] : memref<250x40xi32, #tpu.memory_space<vmem>> -> memref<1x40xi32, #tpu.memory_space<vmem>>
      %dma_start3A_1355 = tpu.memref_squeeze %dma_start3A_1354 : memref<1x40xi32, #tpu.memory_space<vmem>> -> memref<40xi32, #tpu.memory_space<vmem>>
      %dma_start3A_1356 = arith.constant 0 : i32
      %dma_start3A_1357 = arith.constant 0 : i32
      %dma_start3A_1358 = tpu.memref_slice %arg38[%dma_start3A_1356, %dma_start3A_1357] : memref<10240x128xf32, #tpu.memory_space<vmem_shared>> -> memref<10240x128xf32, #tpu.memory_space<vmem_shared>>
      tpu.enqueue_indirect_dma source(%dma_start3A_1352 : memref<40x128xf32, #tpu.memory_space<vmem>>) target(%dma_start3A_1358 : memref<10240x128xf32, #tpu.memory_space<vmem_shared>>) offsets(%dma_start3A_1355 : memref<40xi32, #tpu.memory_space<vmem>>) semaphore(%arg31 : memref<!tpu.dma_semaphore, #tpu.memory_space<semaphore_mem>>) {add = true}
      %add3A_1359 = arith.constant 1 : i32
      %add3A_1360 = arith.addi %mul3A_1228, %add3A_1359 : i32
      %dma_wait3A_1361 = arith.constant 1 : i32
      %dma_wait3A_1362 = arith.constant 0 : i32
      %dma_wait3A_1363 = tpu.memref_slice %arg11[%dma_wait3A_1361, %dma_wait3A_1362] : memref<5x40xf32, #tpu.memory_space<vmem>> -> memref<1x40xf32, #tpu.memory_space<vmem>>
      %dma_wait3A_1364 = tpu.memref_squeeze %dma_wait3A_1363 : memref<1x40xf32, #tpu.memory_space<vmem>> -> memref<40xf32, #tpu.memory_space<vmem>>
      %dma_wait3A_1365 = arith.constant 0 : i32
      %dma_wait3A_1366 = tpu.memref_slice %arg8[%add3A_1360, %dma_wait3A_1365] : memref<250x40xi32, #tpu.memory_space<vmem>> -> memref<1x40xi32, #tpu.memory_space<vmem>>
      %dma_wait3A_1367 = tpu.memref_squeeze %dma_wait3A_1366 : memref<1x40xi32, #tpu.memory_space<vmem>> -> memref<40xi32, #tpu.memory_space<vmem>>
      %dma_wait3A_1368 = arith.constant 0 : i32
      %dma_wait3A_1369 = tpu.memref_slice %arg36[%dma_wait3A_1368] : memref<10240xf32, #tpu.memory_space<vmem_shared>> -> memref<10240xf32, #tpu.memory_space<vmem_shared>>
      tpu.wait_indirect_dma semaphore(%arg21 : memref<!tpu.dma_semaphore, #tpu.memory_space<semaphore_mem>>) src(%dma_wait3A_1364 : memref<40xf32, #tpu.memory_space<vmem>>) dst(%dma_wait3A_1369 : memref<10240xf32, #tpu.memory_space<vmem_shared>>)
      %dma_wait3A_1370 = arith.constant 1 : i32
      %dma_wait3A_1371 = arith.constant 0 : i32
      %dma_wait3A_1372 = arith.constant 0 : i32
      %dma_wait3A_1373 = tpu.memref_slice %arg10[%dma_wait3A_1370, %dma_wait3A_1371, %dma_wait3A_1372] : memref<5x40x128xf32, #tpu.memory_space<vmem>> -> memref<1x40x128xf32, #tpu.memory_space<vmem>>
      %dma_wait3A_1374 = tpu.memref_squeeze %dma_wait3A_1373 : memref<1x40x128xf32, #tpu.memory_space<vmem>> -> memref<40x128xf32, #tpu.memory_space<vmem>>
      %dma_wait3A_1375 = arith.constant 0 : i32
      %dma_wait3A_1376 = tpu.memref_slice %arg9[%add3A_1360, %dma_wait3A_1375] : memref<250x40xi32, #tpu.memory_space<vmem>> -> memref<1x40xi32, #tpu.memory_space<vmem>>
      %dma_wait3A_1377 = tpu.memref_squeeze %dma_wait3A_1376 : memref<1x40xi32, #tpu.memory_space<vmem>> -> memref<40xi32, #tpu.memory_space<vmem>>
      %dma_wait3A_1378 = arith.constant 0 : i32
      %dma_wait3A_1379 = arith.constant 0 : i32
      %dma_wait3A_1380 = tpu.memref_slice %arg38[%dma_wait3A_1378, %dma_wait3A_1379] : memref<10240x128xf32, #tpu.memory_space<vmem_shared>> -> memref<10240x128xf32, #tpu.memory_space<vmem_shared>>
      tpu.wait_indirect_dma semaphore(%arg31 : memref<!tpu.dma_semaphore, #tpu.memory_space<semaphore_mem>>) src(%dma_wait3A_1374 : memref<40x128xf32, #tpu.memory_space<vmem>>) dst(%dma_wait3A_1380 : memref<10240x128xf32, #tpu.memory_space<vmem_shared>>)
      %add3A_1381 = arith.constant 1 : i32
      %add3A_1382 = arith.addi %mul3A_1228, %add3A_1381 : i32
      %add3A_1383 = arith.constant 5 : i32
      %add3A_1384 = arith.addi %add3A_1382, %add3A_1383 : i32
      %dma_start3A_1385 = arith.constant 1 : i32
      %dma_start3A_1386 = arith.constant 0 : i32
      %dma_start3A_1387 = tpu.memref_slice %arg11[%dma_start3A_1385, %dma_start3A_1386] : memref<5x40xf32, #tpu.memory_space<vmem>> -> memref<1x40xf32, #tpu.memory_space<vmem>>
      %dma_start3A_1388 = tpu.memref_squeeze %dma_start3A_1387 : memref<1x40xf32, #tpu.memory_space<vmem>> -> memref<40xf32, #tpu.memory_space<vmem>>
      %dma_start3A_1389 = arith.constant 0 : i32
      %dma_start3A_1390 = tpu.memref_slice %arg9[%add3A_1384, %dma_start3A_1389] : memref<250x40xi32, #tpu.memory_space<vmem>> -> memref<1x40xi32, #tpu.memory_space<vmem>>
      %dma_start3A_1391 = tpu.memref_squeeze %dma_start3A_1390 : memref<1x40xi32, #tpu.memory_space<vmem>> -> memref<40xi32, #tpu.memory_space<vmem>>
      %dma_start3A_1392 = arith.constant 0 : i32
      %dma_start3A_1393 = tpu.memref_slice %arg37[%dma_start3A_1392] : memref<10240xf32, #tpu.memory_space<vmem_shared>> -> memref<10240xf32, #tpu.memory_space<vmem_shared>>
      tpu.enqueue_indirect_dma source(%dma_start3A_1393 : memref<10240xf32, #tpu.memory_space<vmem_shared>>) target(%dma_start3A_1388 : memref<40xf32, #tpu.memory_space<vmem>>) offsets(%dma_start3A_1391 : memref<40xi32, #tpu.memory_space<vmem>>) semaphore(%arg16 : memref<!tpu.dma_semaphore, #tpu.memory_space<semaphore_mem>>)
      %dma_start3A_1394 = arith.constant 1 : i32
      %dma_start3A_1395 = arith.constant 0 : i32
      %dma_start3A_1396 = arith.constant 0 : i32
      %dma_start3A_1397 = tpu.memref_slice %arg10[%dma_start3A_1394, %dma_start3A_1395, %dma_start3A_1396] : memref<5x40x128xf32, #tpu.memory_space<vmem>> -> memref<1x40x128xf32, #tpu.memory_space<vmem>>
      %dma_start3A_1398 = tpu.memref_squeeze %dma_start3A_1397 : memref<1x40x128xf32, #tpu.memory_space<vmem>> -> memref<40x128xf32, #tpu.memory_space<vmem>>
      %dma_start3A_1399 = arith.constant 0 : i32
      %dma_start3A_1400 = tpu.memref_slice %arg8[%add3A_1384, %dma_start3A_1399] : memref<250x40xi32, #tpu.memory_space<vmem>> -> memref<1x40xi32, #tpu.memory_space<vmem>>
      %dma_start3A_1401 = tpu.memref_squeeze %dma_start3A_1400 : memref<1x40xi32, #tpu.memory_space<vmem>> -> memref<40xi32, #tpu.memory_space<vmem>>
      %dma_start3A_1402 = arith.constant 0 : i32
      %dma_start3A_1403 = arith.constant 0 : i32
      %dma_start3A_1404 = tpu.memref_slice %arg4[%dma_start3A_1402, %dma_start3A_1403] : memref<10000x128xf32, #tpu.memory_space<hbm>> -> memref<10000x128xf32, #tpu.memory_space<hbm>>
      tpu.enqueue_indirect_dma source(%dma_start3A_1404 : memref<10000x128xf32, #tpu.memory_space<hbm>>) target(%dma_start3A_1398 : memref<40x128xf32, #tpu.memory_space<vmem>>) offsets(%dma_start3A_1401 : memref<40xi32, #tpu.memory_space<vmem>>) semaphore(%arg26 : memref<!tpu.dma_semaphore, #tpu.memory_space<semaphore_mem>>)
      %add3A_1405 = arith.constant 2 : i32
      %add3A_1406 = arith.addi %mul3A_1228, %add3A_1405 : i32
      %dma_wait3A_1407 = arith.constant 2 : i32
      %dma_wait3A_1408 = arith.constant 0 : i32
      %dma_wait3A_1409 = tpu.memref_slice %arg11[%dma_wait3A_1407, %dma_wait3A_1408] : memref<5x40xf32, #tpu.memory_space<vmem>> -> memref<1x40xf32, #tpu.memory_space<vmem>>
      %dma_wait3A_1410 = tpu.memref_squeeze %dma_wait3A_1409 : memref<1x40xf32, #tpu.memory_space<vmem>> -> memref<40xf32, #tpu.memory_space<vmem>>
      %dma_wait3A_1411 = arith.constant 0 : i32
      %dma_wait3A_1412 = tpu.memref_slice %arg9[%add3A_1406, %dma_wait3A_1411] : memref<250x40xi32, #tpu.memory_space<vmem>> -> memref<1x40xi32, #tpu.memory_space<vmem>>
      %dma_wait3A_1413 = tpu.memref_squeeze %dma_wait3A_1412 : memref<1x40xi32, #tpu.memory_space<vmem>> -> memref<40xi32, #tpu.memory_space<vmem>>
      %dma_wait3A_1414 = arith.constant 0 : i32
      %dma_wait3A_1415 = tpu.memref_slice %arg37[%dma_wait3A_1414] : memref<10240xf32, #tpu.memory_space<vmem_shared>> -> memref<10240xf32, #tpu.memory_space<vmem_shared>>
      tpu.wait_indirect_dma semaphore(%arg17 : memref<!tpu.dma_semaphore, #tpu.memory_space<semaphore_mem>>) src(%dma_wait3A_1415 : memref<10240xf32, #tpu.memory_space<vmem_shared>>) dst(%dma_wait3A_1410 : memref<40xf32, #tpu.memory_space<vmem>>)
      %dma_wait3A_1416 = arith.constant 2 : i32
      %dma_wait3A_1417 = arith.constant 0 : i32
      %dma_wait3A_1418 = arith.constant 0 : i32
      %dma_wait3A_1419 = tpu.memref_slice %arg10[%dma_wait3A_1416, %dma_wait3A_1417, %dma_wait3A_1418] : memref<5x40x128xf32, #tpu.memory_space<vmem>> -> memref<1x40x128xf32, #tpu.memory_space<vmem>>
      %dma_wait3A_1420 = tpu.memref_squeeze %dma_wait3A_1419 : memref<1x40x128xf32, #tpu.memory_space<vmem>> -> memref<40x128xf32, #tpu.memory_space<vmem>>
      %dma_wait3A_1421 = arith.constant 0 : i32
      %dma_wait3A_1422 = tpu.memref_slice %arg8[%add3A_1406, %dma_wait3A_1421] : memref<250x40xi32, #tpu.memory_space<vmem>> -> memref<1x40xi32, #tpu.memory_space<vmem>>
      %dma_wait3A_1423 = tpu.memref_squeeze %dma_wait3A_1422 : memref<1x40xi32, #tpu.memory_space<vmem>> -> memref<40xi32, #tpu.memory_space<vmem>>
      %dma_wait3A_1424 = arith.constant 0 : i32
      %dma_wait3A_1425 = arith.constant 0 : i32
      %dma_wait3A_1426 = tpu.memref_slice %arg4[%dma_wait3A_1424, %dma_wait3A_1425] : memref<10000x128xf32, #tpu.memory_space<hbm>> -> memref<10000x128xf32, #tpu.memory_space<hbm>>
      tpu.wait_indirect_dma semaphore(%arg27 : memref<!tpu.dma_semaphore, #tpu.memory_space<semaphore_mem>>) src(%dma_wait3A_1426 : memref<10000x128xf32, #tpu.memory_space<hbm>>) dst(%dma_wait3A_1420 : memref<40x128xf32, #tpu.memory_space<vmem>>)
      %dma_start3A_1427 = arith.constant 2 : i32
      %dma_start3A_1428 = arith.constant 0 : i32
      %dma_start3A_1429 = tpu.memref_slice %arg11[%dma_start3A_1427, %dma_start3A_1428] : memref<5x40xf32, #tpu.memory_space<vmem>> -> memref<1x40xf32, #tpu.memory_space<vmem>>
      %dma_start3A_1430 = tpu.memref_squeeze %dma_start3A_1429 : memref<1x40xf32, #tpu.memory_space<vmem>> -> memref<40xf32, #tpu.memory_space<vmem>>
      %dma_start3A_1431 = arith.constant 0 : i32
      %dma_start3A_1432 = tpu.memref_slice %arg8[%add3A_1406, %dma_start3A_1431] : memref<250x40xi32, #tpu.memory_space<vmem>> -> memref<1x40xi32, #tpu.memory_space<vmem>>
      %dma_start3A_1433 = tpu.memref_squeeze %dma_start3A_1432 : memref<1x40xi32, #tpu.memory_space<vmem>> -> memref<40xi32, #tpu.memory_space<vmem>>
      %dma_start3A_1434 = arith.constant 0 : i32
      %dma_start3A_1435 = tpu.memref_slice %arg36[%dma_start3A_1434] : memref<10240xf32, #tpu.memory_space<vmem_shared>> -> memref<10240xf32, #tpu.memory_space<vmem_shared>>
      tpu.enqueue_indirect_dma source(%dma_start3A_1430 : memref<40xf32, #tpu.memory_space<vmem>>) target(%dma_start3A_1435 : memref<10240xf32, #tpu.memory_space<vmem_shared>>) offsets(%dma_start3A_1433 : memref<40xi32, #tpu.memory_space<vmem>>) semaphore(%arg22 : memref<!tpu.dma_semaphore, #tpu.memory_space<semaphore_mem>>) {add = true}
      %dma_start3A_1436 = arith.constant 2 : i32
      %dma_start3A_1437 = arith.constant 0 : i32
      %dma_start3A_1438 = arith.constant 0 : i32
      %dma_start3A_1439 = tpu.memref_slice %arg10[%dma_start3A_1436, %dma_start3A_1437, %dma_start3A_1438] : memref<5x40x128xf32, #tpu.memory_space<vmem>> -> memref<1x40x128xf32, #tpu.memory_space<vmem>>
      %dma_start3A_1440 = tpu.memref_squeeze %dma_start3A_1439 : memref<1x40x128xf32, #tpu.memory_space<vmem>> -> memref<40x128xf32, #tpu.memory_space<vmem>>
      %dma_start3A_1441 = arith.constant 0 : i32
      %dma_start3A_1442 = tpu.memref_slice %arg9[%add3A_1406, %dma_start3A_1441] : memref<250x40xi32, #tpu.memory_space<vmem>> -> memref<1x40xi32, #tpu.memory_space<vmem>>
      %dma_start3A_1443 = tpu.memref_squeeze %dma_start3A_1442 : memref<1x40xi32, #tpu.memory_space<vmem>> -> memref<40xi32, #tpu.memory_space<vmem>>
      %dma_start3A_1444 = arith.constant 0 : i32
      %dma_start3A_1445 = arith.constant 0 : i32
      %dma_start3A_1446 = tpu.memref_slice %arg38[%dma_start3A_1444, %dma_start3A_1445] : memref<10240x128xf32, #tpu.memory_space<vmem_shared>> -> memref<10240x128xf32, #tpu.memory_space<vmem_shared>>
      tpu.enqueue_indirect_dma source(%dma_start3A_1440 : memref<40x128xf32, #tpu.memory_space<vmem>>) target(%dma_start3A_1446 : memref<10240x128xf32, #tpu.memory_space<vmem_shared>>) offsets(%dma_start3A_1443 : memref<40xi32, #tpu.memory_space<vmem>>) semaphore(%arg32 : memref<!tpu.dma_semaphore, #tpu.memory_space<semaphore_mem>>) {add = true}
      %add3A_1447 = arith.constant 2 : i32
      %add3A_1448 = arith.addi %mul3A_1228, %add3A_1447 : i32
      %dma_wait3A_1449 = arith.constant 2 : i32
      %dma_wait3A_1450 = arith.constant 0 : i32
      %dma_wait3A_1451 = tpu.memref_slice %arg11[%dma_wait3A_1449, %dma_wait3A_1450] : memref<5x40xf32, #tpu.memory_space<vmem>> -> memref<1x40xf32, #tpu.memory_space<vmem>>
      %dma_wait3A_1452 = tpu.memref_squeeze %dma_wait3A_1451 : memref<1x40xf32, #tpu.memory_space<vmem>> -> memref<40xf32, #tpu.memory_space<vmem>>
      %dma_wait3A_1453 = arith.constant 0 : i32
      %dma_wait3A_1454 = tpu.memref_slice %arg8[%add3A_1448, %dma_wait3A_1453] : memref<250x40xi32, #tpu.memory_space<vmem>> -> memref<1x40xi32, #tpu.memory_space<vmem>>
      %dma_wait3A_1455 = tpu.memref_squeeze %dma_wait3A_1454 : memref<1x40xi32, #tpu.memory_space<vmem>> -> memref<40xi32, #tpu.memory_space<vmem>>
      %dma_wait3A_1456 = arith.constant 0 : i32
      %dma_wait3A_1457 = tpu.memref_slice %arg36[%dma_wait3A_1456] : memref<10240xf32, #tpu.memory_space<vmem_shared>> -> memref<10240xf32, #tpu.memory_space<vmem_shared>>
      tpu.wait_indirect_dma semaphore(%arg22 : memref<!tpu.dma_semaphore, #tpu.memory_space<semaphore_mem>>) src(%dma_wait3A_1452 : memref<40xf32, #tpu.memory_space<vmem>>) dst(%dma_wait3A_1457 : memref<10240xf32, #tpu.memory_space<vmem_shared>>)
      %dma_wait3A_1458 = arith.constant 2 : i32
      %dma_wait3A_1459 = arith.constant 0 : i32
      %dma_wait3A_1460 = arith.constant 0 : i32
      %dma_wait3A_1461 = tpu.memref_slice %arg10[%dma_wait3A_1458, %dma_wait3A_1459, %dma_wait3A_1460] : memref<5x40x128xf32, #tpu.memory_space<vmem>> -> memref<1x40x128xf32, #tpu.memory_space<vmem>>
      %dma_wait3A_1462 = tpu.memref_squeeze %dma_wait3A_1461 : memref<1x40x128xf32, #tpu.memory_space<vmem>> -> memref<40x128xf32, #tpu.memory_space<vmem>>
      %dma_wait3A_1463 = arith.constant 0 : i32
      %dma_wait3A_1464 = tpu.memref_slice %arg9[%add3A_1448, %dma_wait3A_1463] : memref<250x40xi32, #tpu.memory_space<vmem>> -> memref<1x40xi32, #tpu.memory_space<vmem>>
      %dma_wait3A_1465 = tpu.memref_squeeze %dma_wait3A_1464 : memref<1x40xi32, #tpu.memory_space<vmem>> -> memref<40xi32, #tpu.memory_space<vmem>>
      %dma_wait3A_1466 = arith.constant 0 : i32
      %dma_wait3A_1467 = arith.constant 0 : i32
      %dma_wait3A_1468 = tpu.memref_slice %arg38[%dma_wait3A_1466, %dma_wait3A_1467] : memref<10240x128xf32, #tpu.memory_space<vmem_shared>> -> memref<10240x128xf32, #tpu.memory_space<vmem_shared>>
      tpu.wait_indirect_dma semaphore(%arg32 : memref<!tpu.dma_semaphore, #tpu.memory_space<semaphore_mem>>) src(%dma_wait3A_1462 : memref<40x128xf32, #tpu.memory_space<vmem>>) dst(%dma_wait3A_1468 : memref<10240x128xf32, #tpu.memory_space<vmem_shared>>)
      %add3A_1469 = arith.constant 2 : i32
      %add3A_1470 = arith.addi %mul3A_1228, %add3A_1469 : i32
      %add3A_1471 = arith.constant 5 : i32
      %add3A_1472 = arith.addi %add3A_1470, %add3A_1471 : i32
      %dma_start3A_1473 = arith.constant 2 : i32
      %dma_start3A_1474 = arith.constant 0 : i32
      %dma_start3A_1475 = tpu.memref_slice %arg11[%dma_start3A_1473, %dma_start3A_1474] : memref<5x40xf32, #tpu.memory_space<vmem>> -> memref<1x40xf32, #tpu.memory_space<vmem>>
      %dma_start3A_1476 = tpu.memref_squeeze %dma_start3A_1475 : memref<1x40xf32, #tpu.memory_space<vmem>> -> memref<40xf32, #tpu.memory_space<vmem>>
      %dma_start3A_1477 = arith.constant 0 : i32
      %dma_start3A_1478 = tpu.memref_slice %arg9[%add3A_1472, %dma_start3A_1477] : memref<250x40xi32, #tpu.memory_space<vmem>> -> memref<1x40xi32, #tpu.memory_space<vmem>>
      %dma_start3A_1479 = tpu.memref_squeeze %dma_start3A_1478 : memref<1x40xi32, #tpu.memory_space<vmem>> -> memref<40xi32, #tpu.memory_space<vmem>>
      %dma_start3A_1480 = arith.constant 0 : i32
      %dma_start3A_1481 = tpu.memref_slice %arg37[%dma_start3A_1480] : memref<10240xf32, #tpu.memory_space<vmem_shared>> -> memref<10240xf32, #tpu.memory_space<vmem_shared>>
      tpu.enqueue_indirect_dma source(%dma_start3A_1481 : memref<10240xf32, #tpu.memory_space<vmem_shared>>) target(%dma_start3A_1476 : memref<40xf32, #tpu.memory_space<vmem>>) offsets(%dma_start3A_1479 : memref<40xi32, #tpu.memory_space<vmem>>) semaphore(%arg17 : memref<!tpu.dma_semaphore, #tpu.memory_space<semaphore_mem>>)
      %dma_start3A_1482 = arith.constant 2 : i32
      %dma_start3A_1483 = arith.constant 0 : i32
      %dma_start3A_1484 = arith.constant 0 : i32
      %dma_start3A_1485 = tpu.memref_slice %arg10[%dma_start3A_1482, %dma_start3A_1483, %dma_start3A_1484] : memref<5x40x128xf32, #tpu.memory_space<vmem>> -> memref<1x40x128xf32, #tpu.memory_space<vmem>>
      %dma_start3A_1486 = tpu.memref_squeeze %dma_start3A_1485 : memref<1x40x128xf32, #tpu.memory_space<vmem>> -> memref<40x128xf32, #tpu.memory_space<vmem>>
      %dma_start3A_1487 = arith.constant 0 : i32
      %dma_start3A_1488 = tpu.memref_slice %arg8[%add3A_1472, %dma_start3A_1487] : memref<250x40xi32, #tpu.memory_space<vmem>> -> memref<1x40xi32, #tpu.memory_space<vmem>>
      %dma_start3A_1489 = tpu.memref_squeeze %dma_start3A_1488 : memref<1x40xi32, #tpu.memory_space<vmem>> -> memref<40xi32, #tpu.memory_space<vmem>>
      %dma_start3A_1490 = arith.constant 0 : i32
      %dma_start3A_1491 = arith.constant 0 : i32
      %dma_start3A_1492 = tpu.memref_slice %arg4[%dma_start3A_1490, %dma_start3A_1491] : memref<10000x128xf32, #tpu.memory_space<hbm>> -> memref<10000x128xf32, #tpu.memory_space<hbm>>
      tpu.enqueue_indirect_dma source(%dma_start3A_1492 : memref<10000x128xf32, #tpu.memory_space<hbm>>) target(%dma_start3A_1486 : memref<40x128xf32, #tpu.memory_space<vmem>>) offsets(%dma_start3A_1489 : memref<40xi32, #tpu.memory_space<vmem>>) semaphore(%arg27 : memref<!tpu.dma_semaphore, #tpu.memory_space<semaphore_mem>>)
      %add3A_1493 = arith.constant 3 : i32
      %add3A_1494 = arith.addi %mul3A_1228, %add3A_1493 : i32
      %dma_wait3A_1495 = arith.constant 3 : i32
      %dma_wait3A_1496 = arith.constant 0 : i32
      %dma_wait3A_1497 = tpu.memref_slice %arg11[%dma_wait3A_1495, %dma_wait3A_1496] : memref<5x40xf32, #tpu.memory_space<vmem>> -> memref<1x40xf32, #tpu.memory_space<vmem>>
      %dma_wait3A_1498 = tpu.memref_squeeze %dma_wait3A_1497 : memref<1x40xf32, #tpu.memory_space<vmem>> -> memref<40xf32, #tpu.memory_space<vmem>>
      %dma_wait3A_1499 = arith.constant 0 : i32
      %dma_wait3A_1500 = tpu.memref_slice %arg9[%add3A_1494, %dma_wait3A_1499] : memref<250x40xi32, #tpu.memory_space<vmem>> -> memref<1x40xi32, #tpu.memory_space<vmem>>
      %dma_wait3A_1501 = tpu.memref_squeeze %dma_wait3A_1500 : memref<1x40xi32, #tpu.memory_space<vmem>> -> memref<40xi32, #tpu.memory_space<vmem>>
      %dma_wait3A_1502 = arith.constant 0 : i32
      %dma_wait3A_1503 = tpu.memref_slice %arg37[%dma_wait3A_1502] : memref<10240xf32, #tpu.memory_space<vmem_shared>> -> memref<10240xf32, #tpu.memory_space<vmem_shared>>
      tpu.wait_indirect_dma semaphore(%arg18 : memref<!tpu.dma_semaphore, #tpu.memory_space<semaphore_mem>>) src(%dma_wait3A_1503 : memref<10240xf32, #tpu.memory_space<vmem_shared>>) dst(%dma_wait3A_1498 : memref<40xf32, #tpu.memory_space<vmem>>)
      %dma_wait3A_1504 = arith.constant 3 : i32
      %dma_wait3A_1505 = arith.constant 0 : i32
      %dma_wait3A_1506 = arith.constant 0 : i32
      %dma_wait3A_1507 = tpu.memref_slice %arg10[%dma_wait3A_1504, %dma_wait3A_1505, %dma_wait3A_1506] : memref<5x40x128xf32, #tpu.memory_space<vmem>> -> memref<1x40x128xf32, #tpu.memory_space<vmem>>
      %dma_wait3A_1508 = tpu.memref_squeeze %dma_wait3A_1507 : memref<1x40x128xf32, #tpu.memory_space<vmem>> -> memref<40x128xf32, #tpu.memory_space<vmem>>
      %dma_wait3A_1509 = arith.constant 0 : i32
      %dma_wait3A_1510 = tpu.memref_slice %arg8[%add3A_1494, %dma_wait3A_1509] : memref<250x40xi32, #tpu.memory_space<vmem>> -> memref<1x40xi32, #tpu.memory_space<vmem>>
      %dma_wait3A_1511 = tpu.memref_squeeze %dma_wait3A_1510 : memref<1x40xi32, #tpu.memory_space<vmem>> -> memref<40xi32, #tpu.memory_space<vmem>>
      %dma_wait3A_1512 = arith.constant 0 : i32
      %dma_wait3A_1513 = arith.constant 0 : i32
      %dma_wait3A_1514 = tpu.memref_slice %arg4[%dma_wait3A_1512, %dma_wait3A_1513] : memref<10000x128xf32, #tpu.memory_space<hbm>> -> memref<10000x128xf32, #tpu.memory_space<hbm>>
      tpu.wait_indirect_dma semaphore(%arg28 : memref<!tpu.dma_semaphore, #tpu.memory_space<semaphore_mem>>) src(%dma_wait3A_1514 : memref<10000x128xf32, #tpu.memory_space<hbm>>) dst(%dma_wait3A_1508 : memref<40x128xf32, #tpu.memory_space<vmem>>)
      %dma_start3A_1515 = arith.constant 3 : i32
      %dma_start3A_1516 = arith.constant 0 : i32
      %dma_start3A_1517 = tpu.memref_slice %arg11[%dma_start3A_1515, %dma_start3A_1516] : memref<5x40xf32, #tpu.memory_space<vmem>> -> memref<1x40xf32, #tpu.memory_space<vmem>>
      %dma_start3A_1518 = tpu.memref_squeeze %dma_start3A_1517 : memref<1x40xf32, #tpu.memory_space<vmem>> -> memref<40xf32, #tpu.memory_space<vmem>>
      %dma_start3A_1519 = arith.constant 0 : i32
      %dma_start3A_1520 = tpu.memref_slice %arg8[%add3A_1494, %dma_start3A_1519] : memref<250x40xi32, #tpu.memory_space<vmem>> -> memref<1x40xi32, #tpu.memory_space<vmem>>
      %dma_start3A_1521 = tpu.memref_squeeze %dma_start3A_1520 : memref<1x40xi32, #tpu.memory_space<vmem>> -> memref<40xi32, #tpu.memory_space<vmem>>
      %dma_start3A_1522 = arith.constant 0 : i32
      %dma_start3A_1523 = tpu.memref_slice %arg36[%dma_start3A_1522] : memref<10240xf32, #tpu.memory_space<vmem_shared>> -> memref<10240xf32, #tpu.memory_space<vmem_shared>>
      tpu.enqueue_indirect_dma source(%dma_start3A_1518 : memref<40xf32, #tpu.memory_space<vmem>>) target(%dma_start3A_1523 : memref<10240xf32, #tpu.memory_space<vmem_shared>>) offsets(%dma_start3A_1521 : memref<40xi32, #tpu.memory_space<vmem>>) semaphore(%arg23 : memref<!tpu.dma_semaphore, #tpu.memory_space<semaphore_mem>>) {add = true}
      %dma_start3A_1524 = arith.constant 3 : i32
      %dma_start3A_1525 = arith.constant 0 : i32
      %dma_start3A_1526 = arith.constant 0 : i32
      %dma_start3A_1527 = tpu.memref_slice %arg10[%dma_start3A_1524, %dma_start3A_1525, %dma_start3A_1526] : memref<5x40x128xf32, #tpu.memory_space<vmem>> -> memref<1x40x128xf32, #tpu.memory_space<vmem>>
      %dma_start3A_1528 = tpu.memref_squeeze %dma_start3A_1527 : memref<1x40x128xf32, #tpu.memory_space<vmem>> -> memref<40x128xf32, #tpu.memory_space<vmem>>
      %dma_start3A_1529 = arith.constant 0 : i32
      %dma_start3A_1530 = tpu.memref_slice %arg9[%add3A_1494, %dma_start3A_1529] : memref<250x40xi32, #tpu.memory_space<vmem>> -> memref<1x40xi32, #tpu.memory_space<vmem>>
      %dma_start3A_1531 = tpu.memref_squeeze %dma_start3A_1530 : memref<1x40xi32, #tpu.memory_space<vmem>> -> memref<40xi32, #tpu.memory_space<vmem>>
      %dma_start3A_1532 = arith.constant 0 : i32
      %dma_start3A_1533 = arith.constant 0 : i32
      %dma_start3A_1534 = tpu.memref_slice %arg38[%dma_start3A_1532, %dma_start3A_1533] : memref<10240x128xf32, #tpu.memory_space<vmem_shared>> -> memref<10240x128xf32, #tpu.memory_space<vmem_shared>>
      tpu.enqueue_indirect_dma source(%dma_start3A_1528 : memref<40x128xf32, #tpu.memory_space<vmem>>) target(%dma_start3A_1534 : memref<10240x128xf32, #tpu.memory_space<vmem_shared>>) offsets(%dma_start3A_1531 : memref<40xi32, #tpu.memory_space<vmem>>) semaphore(%arg33 : memref<!tpu.dma_semaphore, #tpu.memory_space<semaphore_mem>>) {add = true}
      %add3A_1535 = arith.constant 3 : i32
      %add3A_1536 = arith.addi %mul3A_1228, %add3A_1535 : i32
      %dma_wait3A_1537 = arith.constant 3 : i32
      %dma_wait3A_1538 = arith.constant 0 : i32
      %dma_wait3A_1539 = tpu.memref_slice %arg11[%dma_wait3A_1537, %dma_wait3A_1538] : memref<5x40xf32, #tpu.memory_space<vmem>> -> memref<1x40xf32, #tpu.memory_space<vmem>>
      %dma_wait3A_1540 = tpu.memref_squeeze %dma_wait3A_1539 : memref<1x40xf32, #tpu.memory_space<vmem>> -> memref<40xf32, #tpu.memory_space<vmem>>
      %dma_wait3A_1541 = arith.constant 0 : i32
      %dma_wait3A_1542 = tpu.memref_slice %arg8[%add3A_1536, %dma_wait3A_1541] : memref<250x40xi32, #tpu.memory_space<vmem>> -> memref<1x40xi32, #tpu.memory_space<vmem>>
      %dma_wait3A_1543 = tpu.memref_squeeze %dma_wait3A_1542 : memref<1x40xi32, #tpu.memory_space<vmem>> -> memref<40xi32, #tpu.memory_space<vmem>>
      %dma_wait3A_1544 = arith.constant 0 : i32
      %dma_wait3A_1545 = tpu.memref_slice %arg36[%dma_wait3A_1544] : memref<10240xf32, #tpu.memory_space<vmem_shared>> -> memref<10240xf32, #tpu.memory_space<vmem_shared>>
      tpu.wait_indirect_dma semaphore(%arg23 : memref<!tpu.dma_semaphore, #tpu.memory_space<semaphore_mem>>) src(%dma_wait3A_1540 : memref<40xf32, #tpu.memory_space<vmem>>) dst(%dma_wait3A_1545 : memref<10240xf32, #tpu.memory_space<vmem_shared>>)
      %dma_wait3A_1546 = arith.constant 3 : i32
      %dma_wait3A_1547 = arith.constant 0 : i32
      %dma_wait3A_1548 = arith.constant 0 : i32
      %dma_wait3A_1549 = tpu.memref_slice %arg10[%dma_wait3A_1546, %dma_wait3A_1547, %dma_wait3A_1548] : memref<5x40x128xf32, #tpu.memory_space<vmem>> -> memref<1x40x128xf32, #tpu.memory_space<vmem>>
      %dma_wait3A_1550 = tpu.memref_squeeze %dma_wait3A_1549 : memref<1x40x128xf32, #tpu.memory_space<vmem>> -> memref<40x128xf32, #tpu.memory_space<vmem>>
      %dma_wait3A_1551 = arith.constant 0 : i32
      %dma_wait3A_1552 = tpu.memref_slice %arg9[%add3A_1536, %dma_wait3A_1551] : memref<250x40xi32, #tpu.memory_space<vmem>> -> memref<1x40xi32, #tpu.memory_space<vmem>>
      %dma_wait3A_1553 = tpu.memref_squeeze %dma_wait3A_1552 : memref<1x40xi32, #tpu.memory_space<vmem>> -> memref<40xi32, #tpu.memory_space<vmem>>
      %dma_wait3A_1554 = arith.constant 0 : i32
      %dma_wait3A_1555 = arith.constant 0 : i32
      %dma_wait3A_1556 = tpu.memref_slice %arg38[%dma_wait3A_1554, %dma_wait3A_1555] : memref<10240x128xf32, #tpu.memory_space<vmem_shared>> -> memref<10240x128xf32, #tpu.memory_space<vmem_shared>>
      tpu.wait_indirect_dma semaphore(%arg33 : memref<!tpu.dma_semaphore, #tpu.memory_space<semaphore_mem>>) src(%dma_wait3A_1550 : memref<40x128xf32, #tpu.memory_space<vmem>>) dst(%dma_wait3A_1556 : memref<10240x128xf32, #tpu.memory_space<vmem_shared>>)
      %add3A_1557 = arith.constant 3 : i32
      %add3A_1558 = arith.addi %mul3A_1228, %add3A_1557 : i32
      %add3A_1559 = arith.constant 5 : i32
      %add3A_1560 = arith.addi %add3A_1558, %add3A_1559 : i32
      %dma_start3A_1561 = arith.constant 3 : i32
      %dma_start3A_1562 = arith.constant 0 : i32
      %dma_start3A_1563 = tpu.memref_slice %arg11[%dma_start3A_1561, %dma_start3A_1562] : memref<5x40xf32, #tpu.memory_space<vmem>> -> memref<1x40xf32, #tpu.memory_space<vmem>>
      %dma_start3A_1564 = tpu.memref_squeeze %dma_start3A_1563 : memref<1x40xf32, #tpu.memory_space<vmem>> -> memref<40xf32, #tpu.memory_space<vmem>>
      %dma_start3A_1565 = arith.constant 0 : i32
      %dma_start3A_1566 = tpu.memref_slice %arg9[%add3A_1560, %dma_start3A_1565] : memref<250x40xi32, #tpu.memory_space<vmem>> -> memref<1x40xi32, #tpu.memory_space<vmem>>
      %dma_start3A_1567 = tpu.memref_squeeze %dma_start3A_1566 : memref<1x40xi32, #tpu.memory_space<vmem>> -> memref<40xi32, #tpu.memory_space<vmem>>
      %dma_start3A_1568 = arith.constant 0 : i32
      %dma_start3A_1569 = tpu.memref_slice %arg37[%dma_start3A_1568] : memref<10240xf32, #tpu.memory_space<vmem_shared>> -> memref<10240xf32, #tpu.memory_space<vmem_shared>>
      tpu.enqueue_indirect_dma source(%dma_start3A_1569 : memref<10240xf32, #tpu.memory_space<vmem_shared>>) target(%dma_start3A_1564 : memref<40xf32, #tpu.memory_space<vmem>>) offsets(%dma_start3A_1567 : memref<40xi32, #tpu.memory_space<vmem>>) semaphore(%arg18 : memref<!tpu.dma_semaphore, #tpu.memory_space<semaphore_mem>>)
      %dma_start3A_1570 = arith.constant 3 : i32
      %dma_start3A_1571 = arith.constant 0 : i32
      %dma_start3A_1572 = arith.constant 0 : i32
      %dma_start3A_1573 = tpu.memref_slice %arg10[%dma_start3A_1570, %dma_start3A_1571, %dma_start3A_1572] : memref<5x40x128xf32, #tpu.memory_space<vmem>> -> memref<1x40x128xf32, #tpu.memory_space<vmem>>
      %dma_start3A_1574 = tpu.memref_squeeze %dma_start3A_1573 : memref<1x40x128xf32, #tpu.memory_space<vmem>> -> memref<40x128xf32, #tpu.memory_space<vmem>>
      %dma_start3A_1575 = arith.constant 0 : i32
      %dma_start3A_1576 = tpu.memref_slice %arg8[%add3A_1560, %dma_start3A_1575] : memref<250x40xi32, #tpu.memory_space<vmem>> -> memref<1x40xi32, #tpu.memory_space<vmem>>
      %dma_start3A_1577 = tpu.memref_squeeze %dma_start3A_1576 : memref<1x40xi32, #tpu.memory_space<vmem>> -> memref<40xi32, #tpu.memory_space<vmem>>
      %dma_start3A_1578 = arith.constant 0 : i32
      %dma_start3A_1579 = arith.constant 0 : i32
      %dma_start3A_1580 = tpu.memref_slice %arg4[%dma_start3A_1578, %dma_start3A_1579] : memref<10000x128xf32, #tpu.memory_space<hbm>> -> memref<10000x128xf32, #tpu.memory_space<hbm>>
      tpu.enqueue_indirect_dma source(%dma_start3A_1580 : memref<10000x128xf32, #tpu.memory_space<hbm>>) target(%dma_start3A_1574 : memref<40x128xf32, #tpu.memory_space<vmem>>) offsets(%dma_start3A_1577 : memref<40xi32, #tpu.memory_space<vmem>>) semaphore(%arg28 : memref<!tpu.dma_semaphore, #tpu.memory_space<semaphore_mem>>)
      %add3A_1581 = arith.constant 4 : i32
      %add3A_1582 = arith.addi %mul3A_1228, %add3A_1581 : i32
      %dma_wait3A_1583 = arith.constant 4 : i32
      %dma_wait3A_1584 = arith.constant 0 : i32
      %dma_wait3A_1585 = tpu.memref_slice %arg11[%dma_wait3A_1583, %dma_wait3A_1584] : memref<5x40xf32, #tpu.memory_space<vmem>> -> memref<1x40xf32, #tpu.memory_space<vmem>>
      %dma_wait3A_1586 = tpu.memref_squeeze %dma_wait3A_1585 : memref<1x40xf32, #tpu.memory_space<vmem>> -> memref<40xf32, #tpu.memory_space<vmem>>
      %dma_wait3A_1587 = arith.constant 0 : i32
      %dma_wait3A_1588 = tpu.memref_slice %arg9[%add3A_1582, %dma_wait3A_1587] : memref<250x40xi32, #tpu.memory_space<vmem>> -> memref<1x40xi32, #tpu.memory_space<vmem>>
      %dma_wait3A_1589 = tpu.memref_squeeze %dma_wait3A_1588 : memref<1x40xi32, #tpu.memory_space<vmem>> -> memref<40xi32, #tpu.memory_space<vmem>>
      %dma_wait3A_1590 = arith.constant 0 : i32
      %dma_wait3A_1591 = tpu.memref_slice %arg37[%dma_wait3A_1590] : memref<10240xf32, #tpu.memory_space<vmem_shared>> -> memref<10240xf32, #tpu.memory_space<vmem_shared>>
      tpu.wait_indirect_dma semaphore(%arg19 : memref<!tpu.dma_semaphore, #tpu.memory_space<semaphore_mem>>) src(%dma_wait3A_1591 : memref<10240xf32, #tpu.memory_space<vmem_shared>>) dst(%dma_wait3A_1586 : memref<40xf32, #tpu.memory_space<vmem>>)
      %dma_wait3A_1592 = arith.constant 4 : i32
      %dma_wait3A_1593 = arith.constant 0 : i32
      %dma_wait3A_1594 = arith.constant 0 : i32
      %dma_wait3A_1595 = tpu.memref_slice %arg10[%dma_wait3A_1592, %dma_wait3A_1593, %dma_wait3A_1594] : memref<5x40x128xf32, #tpu.memory_space<vmem>> -> memref<1x40x128xf32, #tpu.memory_space<vmem>>
      %dma_wait3A_1596 = tpu.memref_squeeze %dma_wait3A_1595 : memref<1x40x128xf32, #tpu.memory_space<vmem>> -> memref<40x128xf32, #tpu.memory_space<vmem>>
      %dma_wait3A_1597 = arith.constant 0 : i32
      %dma_wait3A_1598 = tpu.memref_slice %arg8[%add3A_1582, %dma_wait3A_1597] : memref<250x40xi32, #tpu.memory_space<vmem>> -> memref<1x40xi32, #tpu.memory_space<vmem>>
      %dma_wait3A_1599 = tpu.memref_squeeze %dma_wait3A_1598 : memref<1x40xi32, #tpu.memory_space<vmem>> -> memref<40xi32, #tpu.memory_space<vmem>>
      %dma_wait3A_1600 = arith.constant 0 : i32
      %dma_wait3A_1601 = arith.constant 0 : i32
      %dma_wait3A_1602 = tpu.memref_slice %arg4[%dma_wait3A_1600, %dma_wait3A_1601] : memref<10000x128xf32, #tpu.memory_space<hbm>> -> memref<10000x128xf32, #tpu.memory_space<hbm>>
      tpu.wait_indirect_dma semaphore(%arg29 : memref<!tpu.dma_semaphore, #tpu.memory_space<semaphore_mem>>) src(%dma_wait3A_1602 : memref<10000x128xf32, #tpu.memory_space<hbm>>) dst(%dma_wait3A_1596 : memref<40x128xf32, #tpu.memory_space<vmem>>)
      %dma_start3A_1603 = arith.constant 4 : i32
      %dma_start3A_1604 = arith.constant 0 : i32
      %dma_start3A_1605 = tpu.memref_slice %arg11[%dma_start3A_1603, %dma_start3A_1604] : memref<5x40xf32, #tpu.memory_space<vmem>> -> memref<1x40xf32, #tpu.memory_space<vmem>>
      %dma_start3A_1606 = tpu.memref_squeeze %dma_start3A_1605 : memref<1x40xf32, #tpu.memory_space<vmem>> -> memref<40xf32, #tpu.memory_space<vmem>>
      %dma_start3A_1607 = arith.constant 0 : i32
      %dma_start3A_1608 = tpu.memref_slice %arg8[%add3A_1582, %dma_start3A_1607] : memref<250x40xi32, #tpu.memory_space<vmem>> -> memref<1x40xi32, #tpu.memory_space<vmem>>
      %dma_start3A_1609 = tpu.memref_squeeze %dma_start3A_1608 : memref<1x40xi32, #tpu.memory_space<vmem>> -> memref<40xi32, #tpu.memory_space<vmem>>
      %dma_start3A_1610 = arith.constant 0 : i32
      %dma_start3A_1611 = tpu.memref_slice %arg36[%dma_start3A_1610] : memref<10240xf32, #tpu.memory_space<vmem_shared>> -> memref<10240xf32, #tpu.memory_space<vmem_shared>>
      tpu.enqueue_indirect_dma source(%dma_start3A_1606 : memref<40xf32, #tpu.memory_space<vmem>>) target(%dma_start3A_1611 : memref<10240xf32, #tpu.memory_space<vmem_shared>>) offsets(%dma_start3A_1609 : memref<40xi32, #tpu.memory_space<vmem>>) semaphore(%arg24 : memref<!tpu.dma_semaphore, #tpu.memory_space<semaphore_mem>>) {add = true}
      %dma_start3A_1612 = arith.constant 4 : i32
      %dma_start3A_1613 = arith.constant 0 : i32
      %dma_start3A_1614 = arith.constant 0 : i32
      %dma_start3A_1615 = tpu.memref_slice %arg10[%dma_start3A_1612, %dma_start3A_1613, %dma_start3A_1614] : memref<5x40x128xf32, #tpu.memory_space<vmem>> -> memref<1x40x128xf32, #tpu.memory_space<vmem>>
      %dma_start3A_1616 = tpu.memref_squeeze %dma_start3A_1615 : memref<1x40x128xf32, #tpu.memory_space<vmem>> -> memref<40x128xf32, #tpu.memory_space<vmem>>
      %dma_start3A_1617 = arith.constant 0 : i32
      %dma_start3A_1618 = tpu.memref_slice %arg9[%add3A_1582, %dma_start3A_1617] : memref<250x40xi32, #tpu.memory_space<vmem>> -> memref<1x40xi32, #tpu.memory_space<vmem>>
      %dma_start3A_1619 = tpu.memref_squeeze %dma_start3A_1618 : memref<1x40xi32, #tpu.memory_space<vmem>> -> memref<40xi32, #tpu.memory_space<vmem>>
      %dma_start3A_1620 = arith.constant 0 : i32
      %dma_start3A_1621 = arith.constant 0 : i32
      %dma_start3A_1622 = tpu.memref_slice %arg38[%dma_start3A_1620, %dma_start3A_1621] : memref<10240x128xf32, #tpu.memory_space<vmem_shared>> -> memref<10240x128xf32, #tpu.memory_space<vmem_shared>>
      tpu.enqueue_indirect_dma source(%dma_start3A_1616 : memref<40x128xf32, #tpu.memory_space<vmem>>) target(%dma_start3A_1622 : memref<10240x128xf32, #tpu.memory_space<vmem_shared>>) offsets(%dma_start3A_1619 : memref<40xi32, #tpu.memory_space<vmem>>) semaphore(%arg34 : memref<!tpu.dma_semaphore, #tpu.memory_space<semaphore_mem>>) {add = true}
      %add3A_1623 = arith.constant 4 : i32
      %add3A_1624 = arith.addi %mul3A_1228, %add3A_1623 : i32
      %dma_wait3A_1625 = arith.constant 4 : i32
      %dma_wait3A_1626 = arith.constant 0 : i32
      %dma_wait3A_1627 = tpu.memref_slice %arg11[%dma_wait3A_1625, %dma_wait3A_1626] : memref<5x40xf32, #tpu.memory_space<vmem>> -> memref<1x40xf32, #tpu.memory_space<vmem>>
      %dma_wait3A_1628 = tpu.memref_squeeze %dma_wait3A_1627 : memref<1x40xf32, #tpu.memory_space<vmem>> -> memref<40xf32, #tpu.memory_space<vmem>>
      %dma_wait3A_1629 = arith.constant 0 : i32
      %dma_wait3A_1630 = tpu.memref_slice %arg8[%add3A_1624, %dma_wait3A_1629] : memref<250x40xi32, #tpu.memory_space<vmem>> -> memref<1x40xi32, #tpu.memory_space<vmem>>
      %dma_wait3A_1631 = tpu.memref_squeeze %dma_wait3A_1630 : memref<1x40xi32, #tpu.memory_space<vmem>> -> memref<40xi32, #tpu.memory_space<vmem>>
      %dma_wait3A_1632 = arith.constant 0 : i32
      %dma_wait3A_1633 = tpu.memref_slice %arg36[%dma_wait3A_1632] : memref<10240xf32, #tpu.memory_space<vmem_shared>> -> memref<10240xf32, #tpu.memory_space<vmem_shared>>
      tpu.wait_indirect_dma semaphore(%arg24 : memref<!tpu.dma_semaphore, #tpu.memory_space<semaphore_mem>>) src(%dma_wait3A_1628 : memref<40xf32, #tpu.memory_space<vmem>>) dst(%dma_wait3A_1633 : memref<10240xf32, #tpu.memory_space<vmem_shared>>)
      %dma_wait3A_1634 = arith.constant 4 : i32
      %dma_wait3A_1635 = arith.constant 0 : i32
      %dma_wait3A_1636 = arith.constant 0 : i32
      %dma_wait3A_1637 = tpu.memref_slice %arg10[%dma_wait3A_1634, %dma_wait3A_1635, %dma_wait3A_1636] : memref<5x40x128xf32, #tpu.memory_space<vmem>> -> memref<1x40x128xf32, #tpu.memory_space<vmem>>
      %dma_wait3A_1638 = tpu.memref_squeeze %dma_wait3A_1637 : memref<1x40x128xf32, #tpu.memory_space<vmem>> -> memref<40x128xf32, #tpu.memory_space<vmem>>
      %dma_wait3A_1639 = arith.constant 0 : i32
      %dma_wait3A_1640 = tpu.memref_slice %arg9[%add3A_1624, %dma_wait3A_1639] : memref<250x40xi32, #tpu.memory_space<vmem>> -> memref<1x40xi32, #tpu.memory_space<vmem>>
      %dma_wait3A_1641 = tpu.memref_squeeze %dma_wait3A_1640 : memref<1x40xi32, #tpu.memory_space<vmem>> -> memref<40xi32, #tpu.memory_space<vmem>>
      %dma_wait3A_1642 = arith.constant 0 : i32
      %dma_wait3A_1643 = arith.constant 0 : i32
      %dma_wait3A_1644 = tpu.memref_slice %arg38[%dma_wait3A_1642, %dma_wait3A_1643] : memref<10240x128xf32, #tpu.memory_space<vmem_shared>> -> memref<10240x128xf32, #tpu.memory_space<vmem_shared>>
      tpu.wait_indirect_dma semaphore(%arg34 : memref<!tpu.dma_semaphore, #tpu.memory_space<semaphore_mem>>) src(%dma_wait3A_1638 : memref<40x128xf32, #tpu.memory_space<vmem>>) dst(%dma_wait3A_1644 : memref<10240x128xf32, #tpu.memory_space<vmem_shared>>)
      %add3A_1645 = arith.constant 4 : i32
      %add3A_1646 = arith.addi %mul3A_1228, %add3A_1645 : i32
      %add3A_1647 = arith.constant 5 : i32
      %add3A_1648 = arith.addi %add3A_1646, %add3A_1647 : i32
      %dma_start3A_1649 = arith.constant 4 : i32
      %dma_start3A_1650 = arith.constant 0 : i32
      %dma_start3A_1651 = tpu.memref_slice %arg11[%dma_start3A_1649, %dma_start3A_1650] : memref<5x40xf32, #tpu.memory_space<vmem>> -> memref<1x40xf32, #tpu.memory_space<vmem>>
      %dma_start3A_1652 = tpu.memref_squeeze %dma_start3A_1651 : memref<1x40xf32, #tpu.memory_space<vmem>> -> memref<40xf32, #tpu.memory_space<vmem>>
      %dma_start3A_1653 = arith.constant 0 : i32
      %dma_start3A_1654 = tpu.memref_slice %arg9[%add3A_1648, %dma_start3A_1653] : memref<250x40xi32, #tpu.memory_space<vmem>> -> memref<1x40xi32, #tpu.memory_space<vmem>>
      %dma_start3A_1655 = tpu.memref_squeeze %dma_start3A_1654 : memref<1x40xi32, #tpu.memory_space<vmem>> -> memref<40xi32, #tpu.memory_space<vmem>>
      %dma_start3A_1656 = arith.constant 0 : i32
      %dma_start3A_1657 = tpu.memref_slice %arg37[%dma_start3A_1656] : memref<10240xf32, #tpu.memory_space<vmem_shared>> -> memref<10240xf32, #tpu.memory_space<vmem_shared>>
      tpu.enqueue_indirect_dma source(%dma_start3A_1657 : memref<10240xf32, #tpu.memory_space<vmem_shared>>) target(%dma_start3A_1652 : memref<40xf32, #tpu.memory_space<vmem>>) offsets(%dma_start3A_1655 : memref<40xi32, #tpu.memory_space<vmem>>) semaphore(%arg19 : memref<!tpu.dma_semaphore, #tpu.memory_space<semaphore_mem>>)
      %dma_start3A_1658 = arith.constant 4 : i32
      %dma_start3A_1659 = arith.constant 0 : i32
      %dma_start3A_1660 = arith.constant 0 : i32
      %dma_start3A_1661 = tpu.memref_slice %arg10[%dma_start3A_1658, %dma_start3A_1659, %dma_start3A_1660] : memref<5x40x128xf32, #tpu.memory_space<vmem>> -> memref<1x40x128xf32, #tpu.memory_space<vmem>>
      %dma_start3A_1662 = tpu.memref_squeeze %dma_start3A_1661 : memref<1x40x128xf32, #tpu.memory_space<vmem>> -> memref<40x128xf32, #tpu.memory_space<vmem>>
      %dma_start3A_1663 = arith.constant 0 : i32
      %dma_start3A_1664 = tpu.memref_slice %arg8[%add3A_1648, %dma_start3A_1663] : memref<250x40xi32, #tpu.memory_space<vmem>> -> memref<1x40xi32, #tpu.memory_space<vmem>>
      %dma_start3A_1665 = tpu.memref_squeeze %dma_start3A_1664 : memref<1x40xi32, #tpu.memory_space<vmem>> -> memref<40xi32, #tpu.memory_space<vmem>>
      %dma_start3A_1666 = arith.constant 0 : i32
      %dma_start3A_1667 = arith.constant 0 : i32
      %dma_start3A_1668 = tpu.memref_slice %arg4[%dma_start3A_1666, %dma_start3A_1667] : memref<10000x128xf32, #tpu.memory_space<hbm>> -> memref<10000x128xf32, #tpu.memory_space<hbm>>
      tpu.enqueue_indirect_dma source(%dma_start3A_1668 : memref<10000x128xf32, #tpu.memory_space<hbm>>) target(%dma_start3A_1662 : memref<40x128xf32, #tpu.memory_space<vmem>>) offsets(%dma_start3A_1665 : memref<40xi32, #tpu.memory_space<vmem>>) semaphore(%arg29 : memref<!tpu.dma_semaphore, #tpu.memory_space<semaphore_mem>>)
    }
    %scan3A_794 = arith.constant 49 : i32
    %dma_wait3A = arith.constant 245 : i32
    %dma_wait3A_795 = arith.constant 0 : i32
    %dma_wait3A_796 = arith.constant 0 : i32
    %dma_wait3A_797 = tpu.memref_slice %arg11[%dma_wait3A_795, %dma_wait3A_796] : memref<5x40xf32, #tpu.memory_space<vmem>> -> memref<1x40xf32, #tpu.memory_space<vmem>>
    %dma_wait3A_798 = tpu.memref_squeeze %dma_wait3A_797 : memref<1x40xf32, #tpu.memory_space<vmem>> -> memref<40xf32, #tpu.memory_space<vmem>>
    %dma_wait3A_799 = arith.constant 0 : i32
    %dma_wait3A_800 = tpu.memref_slice %arg9[%dma_wait3A, %dma_wait3A_799] : memref<250x40xi32, #tpu.memory_space<vmem>> -> memref<1x40xi32, #tpu.memory_space<vmem>>
    %dma_wait3A_801 = tpu.memref_squeeze %dma_wait3A_800 : memref<1x40xi32, #tpu.memory_space<vmem>> -> memref<40xi32, #tpu.memory_space<vmem>>
    %dma_wait3A_802 = arith.constant 0 : i32
    %dma_wait3A_803 = tpu.memref_slice %arg37[%dma_wait3A_802] : memref<10240xf32, #tpu.memory_space<vmem_shared>> -> memref<10240xf32, #tpu.memory_space<vmem_shared>>
    tpu.wait_indirect_dma semaphore(%arg15 : memref<!tpu.dma_semaphore, #tpu.memory_space<semaphore_mem>>) src(%dma_wait3A_803 : memref<10240xf32, #tpu.memory_space<vmem_shared>>) dst(%dma_wait3A_798 : memref<40xf32, #tpu.memory_space<vmem>>)
    %dma_wait3A_804 = arith.constant 245 : i32
    %dma_wait3A_805 = arith.constant 0 : i32
    %dma_wait3A_806 = arith.constant 0 : i32
    %dma_wait3A_807 = arith.constant 0 : i32
    %dma_wait3A_808 = tpu.memref_slice %arg10[%dma_wait3A_805, %dma_wait3A_806, %dma_wait3A_807] : memref<5x40x128xf32, #tpu.memory_space<vmem>> -> memref<1x40x128xf32, #tpu.memory_space<vmem>>
    %dma_wait3A_809 = tpu.memref_squeeze %dma_wait3A_808 : memref<1x40x128xf32, #tpu.memory_space<vmem>> -> memref<40x128xf32, #tpu.memory_space<vmem>>
    %dma_wait3A_810 = arith.constant 0 : i32
    %dma_wait3A_811 = tpu.memref_slice %arg8[%dma_wait3A_804, %dma_wait3A_810] : memref<250x40xi32, #tpu.memory_space<vmem>> -> memref<1x40xi32, #tpu.memory_space<vmem>>
    %dma_wait3A_812 = tpu.memref_squeeze %dma_wait3A_811 : memref<1x40xi32, #tpu.memory_space<vmem>> -> memref<40xi32, #tpu.memory_space<vmem>>
    %dma_wait3A_813 = arith.constant 0 : i32
    %dma_wait3A_814 = arith.constant 0 : i32
    %dma_wait3A_815 = tpu.memref_slice %arg4[%dma_wait3A_813, %dma_wait3A_814] : memref<10000x128xf32, #tpu.memory_space<hbm>> -> memref<10000x128xf32, #tpu.memory_space<hbm>>
    tpu.wait_indirect_dma semaphore(%arg25 : memref<!tpu.dma_semaphore, #tpu.memory_space<semaphore_mem>>) src(%dma_wait3A_815 : memref<10000x128xf32, #tpu.memory_space<hbm>>) dst(%dma_wait3A_809 : memref<40x128xf32, #tpu.memory_space<vmem>>)
    %dma_start3A_816 = arith.constant 0 : i32
    %dma_start3A_817 = arith.constant 245 : i32
    %dma_start3A_818 = arith.constant 0 : i32
    %dma_start3A_819 = tpu.memref_slice %arg11[%dma_start3A_816, %dma_start3A_818] : memref<5x40xf32, #tpu.memory_space<vmem>> -> memref<1x40xf32, #tpu.memory_space<vmem>>
    %dma_start3A_820 = tpu.memref_squeeze %dma_start3A_819 : memref<1x40xf32, #tpu.memory_space<vmem>> -> memref<40xf32, #tpu.memory_space<vmem>>
    %dma_start3A_821 = arith.constant 0 : i32
    %dma_start3A_822 = tpu.memref_slice %arg8[%dma_start3A_817, %dma_start3A_821] : memref<250x40xi32, #tpu.memory_space<vmem>> -> memref<1x40xi32, #tpu.memory_space<vmem>>
    %dma_start3A_823 = tpu.memref_squeeze %dma_start3A_822 : memref<1x40xi32, #tpu.memory_space<vmem>> -> memref<40xi32, #tpu.memory_space<vmem>>
    %dma_start3A_824 = arith.constant 0 : i32
    %dma_start3A_825 = tpu.memref_slice %arg36[%dma_start3A_824] : memref<10240xf32, #tpu.memory_space<vmem_shared>> -> memref<10240xf32, #tpu.memory_space<vmem_shared>>
    tpu.enqueue_indirect_dma source(%dma_start3A_820 : memref<40xf32, #tpu.memory_space<vmem>>) target(%dma_start3A_825 : memref<10240xf32, #tpu.memory_space<vmem_shared>>) offsets(%dma_start3A_823 : memref<40xi32, #tpu.memory_space<vmem>>) semaphore(%arg20 : memref<!tpu.dma_semaphore, #tpu.memory_space<semaphore_mem>>) {add = true}
    %dma_start3A_826 = arith.constant 0 : i32
    %dma_start3A_827 = arith.constant 245 : i32
    %dma_start3A_828 = arith.constant 0 : i32
    %dma_start3A_829 = arith.constant 0 : i32
    %dma_start3A_830 = tpu.memref_slice %arg10[%dma_start3A_826, %dma_start3A_828, %dma_start3A_829] : memref<5x40x128xf32, #tpu.memory_space<vmem>> -> memref<1x40x128xf32, #tpu.memory_space<vmem>>
    %dma_start3A_831 = tpu.memref_squeeze %dma_start3A_830 : memref<1x40x128xf32, #tpu.memory_space<vmem>> -> memref<40x128xf32, #tpu.memory_space<vmem>>
    %dma_start3A_832 = arith.constant 0 : i32
    %dma_start3A_833 = tpu.memref_slice %arg9[%dma_start3A_827, %dma_start3A_832] : memref<250x40xi32, #tpu.memory_space<vmem>> -> memref<1x40xi32, #tpu.memory_space<vmem>>
    %dma_start3A_834 = tpu.memref_squeeze %dma_start3A_833 : memref<1x40xi32, #tpu.memory_space<vmem>> -> memref<40xi32, #tpu.memory_space<vmem>>
    %dma_start3A_835 = arith.constant 0 : i32
    %dma_start3A_836 = arith.constant 0 : i32
    %dma_start3A_837 = tpu.memref_slice %arg38[%dma_start3A_835, %dma_start3A_836] : memref<10240x128xf32, #tpu.memory_space<vmem_shared>> -> memref<10240x128xf32, #tpu.memory_space<vmem_shared>>
    tpu.enqueue_indirect_dma source(%dma_start3A_831 : memref<40x128xf32, #tpu.memory_space<vmem>>) target(%dma_start3A_837 : memref<10240x128xf32, #tpu.memory_space<vmem_shared>>) offsets(%dma_start3A_834 : memref<40xi32, #tpu.memory_space<vmem>>) semaphore(%arg30 : memref<!tpu.dma_semaphore, #tpu.memory_space<semaphore_mem>>) {add = true}
    %dma_wait3A_838 = arith.constant 0 : i32
    %dma_wait3A_839 = arith.constant 245 : i32
    %dma_wait3A_840 = arith.constant 0 : i32
    %dma_wait3A_841 = tpu.memref_slice %arg11[%dma_wait3A_838, %dma_wait3A_840] : memref<5x40xf32, #tpu.memory_space<vmem>> -> memref<1x40xf32, #tpu.memory_space<vmem>>
    %dma_wait3A_842 = tpu.memref_squeeze %dma_wait3A_841 : memref<1x40xf32, #tpu.memory_space<vmem>> -> memref<40xf32, #tpu.memory_space<vmem>>
    %dma_wait3A_843 = arith.constant 0 : i32
    %dma_wait3A_844 = tpu.memref_slice %arg8[%dma_wait3A_839, %dma_wait3A_843] : memref<250x40xi32, #tpu.memory_space<vmem>> -> memref<1x40xi32, #tpu.memory_space<vmem>>
    %dma_wait3A_845 = tpu.memref_squeeze %dma_wait3A_844 : memref<1x40xi32, #tpu.memory_space<vmem>> -> memref<40xi32, #tpu.memory_space<vmem>>
    %dma_wait3A_846 = arith.constant 0 : i32
    %dma_wait3A_847 = tpu.memref_slice %arg36[%dma_wait3A_846] : memref<10240xf32, #tpu.memory_space<vmem_shared>> -> memref<10240xf32, #tpu.memory_space<vmem_shared>>
    tpu.wait_indirect_dma semaphore(%arg20 : memref<!tpu.dma_semaphore, #tpu.memory_space<semaphore_mem>>) src(%dma_wait3A_842 : memref<40xf32, #tpu.memory_space<vmem>>) dst(%dma_wait3A_847 : memref<10240xf32, #tpu.memory_space<vmem_shared>>)
    %dma_wait3A_848 = arith.constant 0 : i32
    %dma_wait3A_849 = arith.constant 245 : i32
    %dma_wait3A_850 = arith.constant 0 : i32
    %dma_wait3A_851 = arith.constant 0 : i32
    %dma_wait3A_852 = tpu.memref_slice %arg10[%dma_wait3A_848, %dma_wait3A_850, %dma_wait3A_851] : memref<5x40x128xf32, #tpu.memory_space<vmem>> -> memref<1x40x128xf32, #tpu.memory_space<vmem>>
    %dma_wait3A_853 = tpu.memref_squeeze %dma_wait3A_852 : memref<1x40x128xf32, #tpu.memory_space<vmem>> -> memref<40x128xf32, #tpu.memory_space<vmem>>
    %dma_wait3A_854 = arith.constant 0 : i32
    %dma_wait3A_855 = tpu.memref_slice %arg9[%dma_wait3A_849, %dma_wait3A_854] : memref<250x40xi32, #tpu.memory_space<vmem>> -> memref<1x40xi32, #tpu.memory_space<vmem>>
    %dma_wait3A_856 = tpu.memref_squeeze %dma_wait3A_855 : memref<1x40xi32, #tpu.memory_space<vmem>> -> memref<40xi32, #tpu.memory_space<vmem>>
    %dma_wait3A_857 = arith.constant 0 : i32
    %dma_wait3A_858 = arith.constant 0 : i32
    %dma_wait3A_859 = tpu.memref_slice %arg38[%dma_wait3A_857, %dma_wait3A_858] : memref<10240x128xf32, #tpu.memory_space<vmem_shared>> -> memref<10240x128xf32, #tpu.memory_space<vmem_shared>>
    tpu.wait_indirect_dma semaphore(%arg30 : memref<!tpu.dma_semaphore, #tpu.memory_space<semaphore_mem>>) src(%dma_wait3A_853 : memref<40x128xf32, #tpu.memory_space<vmem>>) dst(%dma_wait3A_859 : memref<10240x128xf32, #tpu.memory_space<vmem_shared>>)
    %dma_wait3A_860 = arith.constant 246 : i32
    %dma_wait3A_861 = arith.constant 1 : i32
    %dma_wait3A_862 = arith.constant 0 : i32
    %dma_wait3A_863 = tpu.memref_slice %arg11[%dma_wait3A_861, %dma_wait3A_862] : memref<5x40xf32, #tpu.memory_space<vmem>> -> memref<1x40xf32, #tpu.memory_space<vmem>>
    %dma_wait3A_864 = tpu.memref_squeeze %dma_wait3A_863 : memref<1x40xf32, #tpu.memory_space<vmem>> -> memref<40xf32, #tpu.memory_space<vmem>>
    %dma_wait3A_865 = arith.constant 0 : i32
    %dma_wait3A_866 = tpu.memref_slice %arg9[%dma_wait3A_860, %dma_wait3A_865] : memref<250x40xi32, #tpu.memory_space<vmem>> -> memref<1x40xi32, #tpu.memory_space<vmem>>
    %dma_wait3A_867 = tpu.memref_squeeze %dma_wait3A_866 : memref<1x40xi32, #tpu.memory_space<vmem>> -> memref<40xi32, #tpu.memory_space<vmem>>
    %dma_wait3A_868 = arith.constant 0 : i32
    %dma_wait3A_869 = tpu.memref_slice %arg37[%dma_wait3A_868] : memref<10240xf32, #tpu.memory_space<vmem_shared>> -> memref<10240xf32, #tpu.memory_space<vmem_shared>>
    tpu.wait_indirect_dma semaphore(%arg16 : memref<!tpu.dma_semaphore, #tpu.memory_space<semaphore_mem>>) src(%dma_wait3A_869 : memref<10240xf32, #tpu.memory_space<vmem_shared>>) dst(%dma_wait3A_864 : memref<40xf32, #tpu.memory_space<vmem>>)
    %dma_wait3A_870 = arith.constant 246 : i32
    %dma_wait3A_871 = arith.constant 1 : i32
    %dma_wait3A_872 = arith.constant 0 : i32
    %dma_wait3A_873 = arith.constant 0 : i32
    %dma_wait3A_874 = tpu.memref_slice %arg10[%dma_wait3A_871, %dma_wait3A_872, %dma_wait3A_873] : memref<5x40x128xf32, #tpu.memory_space<vmem>> -> memref<1x40x128xf32, #tpu.memory_space<vmem>>
    %dma_wait3A_875 = tpu.memref_squeeze %dma_wait3A_874 : memref<1x40x128xf32, #tpu.memory_space<vmem>> -> memref<40x128xf32, #tpu.memory_space<vmem>>
    %dma_wait3A_876 = arith.constant 0 : i32
    %dma_wait3A_877 = tpu.memref_slice %arg8[%dma_wait3A_870, %dma_wait3A_876] : memref<250x40xi32, #tpu.memory_space<vmem>> -> memref<1x40xi32, #tpu.memory_space<vmem>>
    %dma_wait3A_878 = tpu.memref_squeeze %dma_wait3A_877 : memref<1x40xi32, #tpu.memory_space<vmem>> -> memref<40xi32, #tpu.memory_space<vmem>>
    %dma_wait3A_879 = arith.constant 0 : i32
    %dma_wait3A_880 = arith.constant 0 : i32
    %dma_wait3A_881 = tpu.memref_slice %arg4[%dma_wait3A_879, %dma_wait3A_880] : memref<10000x128xf32, #tpu.memory_space<hbm>> -> memref<10000x128xf32, #tpu.memory_space<hbm>>
    tpu.wait_indirect_dma semaphore(%arg26 : memref<!tpu.dma_semaphore, #tpu.memory_space<semaphore_mem>>) src(%dma_wait3A_881 : memref<10000x128xf32, #tpu.memory_space<hbm>>) dst(%dma_wait3A_875 : memref<40x128xf32, #tpu.memory_space<vmem>>)
    %dma_start3A_882 = arith.constant 1 : i32
    %dma_start3A_883 = arith.constant 246 : i32
    %dma_start3A_884 = arith.constant 0 : i32
    %dma_start3A_885 = tpu.memref_slice %arg11[%dma_start3A_882, %dma_start3A_884] : memref<5x40xf32, #tpu.memory_space<vmem>> -> memref<1x40xf32, #tpu.memory_space<vmem>>
    %dma_start3A_886 = tpu.memref_squeeze %dma_start3A_885 : memref<1x40xf32, #tpu.memory_space<vmem>> -> memref<40xf32, #tpu.memory_space<vmem>>
    %dma_start3A_887 = arith.constant 0 : i32
    %dma_start3A_888 = tpu.memref_slice %arg8[%dma_start3A_883, %dma_start3A_887] : memref<250x40xi32, #tpu.memory_space<vmem>> -> memref<1x40xi32, #tpu.memory_space<vmem>>
    %dma_start3A_889 = tpu.memref_squeeze %dma_start3A_888 : memref<1x40xi32, #tpu.memory_space<vmem>> -> memref<40xi32, #tpu.memory_space<vmem>>
    %dma_start3A_890 = arith.constant 0 : i32
    %dma_start3A_891 = tpu.memref_slice %arg36[%dma_start3A_890] : memref<10240xf32, #tpu.memory_space<vmem_shared>> -> memref<10240xf32, #tpu.memory_space<vmem_shared>>
    tpu.enqueue_indirect_dma source(%dma_start3A_886 : memref<40xf32, #tpu.memory_space<vmem>>) target(%dma_start3A_891 : memref<10240xf32, #tpu.memory_space<vmem_shared>>) offsets(%dma_start3A_889 : memref<40xi32, #tpu.memory_space<vmem>>) semaphore(%arg21 : memref<!tpu.dma_semaphore, #tpu.memory_space<semaphore_mem>>) {add = true}
    %dma_start3A_892 = arith.constant 1 : i32
    %dma_start3A_893 = arith.constant 246 : i32
    %dma_start3A_894 = arith.constant 0 : i32
    %dma_start3A_895 = arith.constant 0 : i32
    %dma_start3A_896 = tpu.memref_slice %arg10[%dma_start3A_892, %dma_start3A_894, %dma_start3A_895] : memref<5x40x128xf32, #tpu.memory_space<vmem>> -> memref<1x40x128xf32, #tpu.memory_space<vmem>>
    %dma_start3A_897 = tpu.memref_squeeze %dma_start3A_896 : memref<1x40x128xf32, #tpu.memory_space<vmem>> -> memref<40x128xf32, #tpu.memory_space<vmem>>
    %dma_start3A_898 = arith.constant 0 : i32
    %dma_start3A_899 = tpu.memref_slice %arg9[%dma_start3A_893, %dma_start3A_898] : memref<250x40xi32, #tpu.memory_space<vmem>> -> memref<1x40xi32, #tpu.memory_space<vmem>>
    %dma_start3A_900 = tpu.memref_squeeze %dma_start3A_899 : memref<1x40xi32, #tpu.memory_space<vmem>> -> memref<40xi32, #tpu.memory_space<vmem>>
    %dma_start3A_901 = arith.constant 0 : i32
    %dma_start3A_902 = arith.constant 0 : i32
    %dma_start3A_903 = tpu.memref_slice %arg38[%dma_start3A_901, %dma_start3A_902] : memref<10240x128xf32, #tpu.memory_space<vmem_shared>> -> memref<10240x128xf32, #tpu.memory_space<vmem_shared>>
    tpu.enqueue_indirect_dma source(%dma_start3A_897 : memref<40x128xf32, #tpu.memory_space<vmem>>) target(%dma_start3A_903 : memref<10240x128xf32, #tpu.memory_space<vmem_shared>>) offsets(%dma_start3A_900 : memref<40xi32, #tpu.memory_space<vmem>>) semaphore(%arg31 : memref<!tpu.dma_semaphore, #tpu.memory_space<semaphore_mem>>) {add = true}
    %dma_wait3A_904 = arith.constant 1 : i32
    %dma_wait3A_905 = arith.constant 246 : i32
    %dma_wait3A_906 = arith.constant 0 : i32
    %dma_wait3A_907 = tpu.memref_slice %arg11[%dma_wait3A_904, %dma_wait3A_906] : memref<5x40xf32, #tpu.memory_space<vmem>> -> memref<1x40xf32, #tpu.memory_space<vmem>>
    %dma_wait3A_908 = tpu.memref_squeeze %dma_wait3A_907 : memref<1x40xf32, #tpu.memory_space<vmem>> -> memref<40xf32, #tpu.memory_space<vmem>>
    %dma_wait3A_909 = arith.constant 0 : i32
    %dma_wait3A_910 = tpu.memref_slice %arg8[%dma_wait3A_905, %dma_wait3A_909] : memref<250x40xi32, #tpu.memory_space<vmem>> -> memref<1x40xi32, #tpu.memory_space<vmem>>
    %dma_wait3A_911 = tpu.memref_squeeze %dma_wait3A_910 : memref<1x40xi32, #tpu.memory_space<vmem>> -> memref<40xi32, #tpu.memory_space<vmem>>
    %dma_wait3A_912 = arith.constant 0 : i32
    %dma_wait3A_913 = tpu.memref_slice %arg36[%dma_wait3A_912] : memref<10240xf32, #tpu.memory_space<vmem_shared>> -> memref<10240xf32, #tpu.memory_space<vmem_shared>>
    tpu.wait_indirect_dma semaphore(%arg21 : memref<!tpu.dma_semaphore, #tpu.memory_space<semaphore_mem>>) src(%dma_wait3A_908 : memref<40xf32, #tpu.memory_space<vmem>>) dst(%dma_wait3A_913 : memref<10240xf32, #tpu.memory_space<vmem_shared>>)
    %dma_wait3A_914 = arith.constant 1 : i32
    %dma_wait3A_915 = arith.constant 246 : i32
    %dma_wait3A_916 = arith.constant 0 : i32
    %dma_wait3A_917 = arith.constant 0 : i32
    %dma_wait3A_918 = tpu.memref_slice %arg10[%dma_wait3A_914, %dma_wait3A_916, %dma_wait3A_917] : memref<5x40x128xf32, #tpu.memory_space<vmem>> -> memref<1x40x128xf32, #tpu.memory_space<vmem>>
    %dma_wait3A_919 = tpu.memref_squeeze %dma_wait3A_918 : memref<1x40x128xf32, #tpu.memory_space<vmem>> -> memref<40x128xf32, #tpu.memory_space<vmem>>
    %dma_wait3A_920 = arith.constant 0 : i32
    %dma_wait3A_921 = tpu.memref_slice %arg9[%dma_wait3A_915, %dma_wait3A_920] : memref<250x40xi32, #tpu.memory_space<vmem>> -> memref<1x40xi32, #tpu.memory_space<vmem>>
    %dma_wait3A_922 = tpu.memref_squeeze %dma_wait3A_921 : memref<1x40xi32, #tpu.memory_space<vmem>> -> memref<40xi32, #tpu.memory_space<vmem>>
    %dma_wait3A_923 = arith.constant 0 : i32
    %dma_wait3A_924 = arith.constant 0 : i32
    %dma_wait3A_925 = tpu.memref_slice %arg38[%dma_wait3A_923, %dma_wait3A_924] : memref<10240x128xf32, #tpu.memory_space<vmem_shared>> -> memref<10240x128xf32, #tpu.memory_space<vmem_shared>>
    tpu.wait_indirect_dma semaphore(%arg31 : memref<!tpu.dma_semaphore, #tpu.memory_space<semaphore_mem>>) src(%dma_wait3A_919 : memref<40x128xf32, #tpu.memory_space<vmem>>) dst(%dma_wait3A_925 : memref<10240x128xf32, #tpu.memory_space<vmem_shared>>)
    %dma_wait3A_926 = arith.constant 247 : i32
    %dma_wait3A_927 = arith.constant 2 : i32
    %dma_wait3A_928 = arith.constant 0 : i32
    %dma_wait3A_929 = tpu.memref_slice %arg11[%dma_wait3A_927, %dma_wait3A_928] : memref<5x40xf32, #tpu.memory_space<vmem>> -> memref<1x40xf32, #tpu.memory_space<vmem>>
    %dma_wait3A_930 = tpu.memref_squeeze %dma_wait3A_929 : memref<1x40xf32, #tpu.memory_space<vmem>> -> memref<40xf32, #tpu.memory_space<vmem>>
    %dma_wait3A_931 = arith.constant 0 : i32
    %dma_wait3A_932 = tpu.memref_slice %arg9[%dma_wait3A_926, %dma_wait3A_931] : memref<250x40xi32, #tpu.memory_space<vmem>> -> memref<1x40xi32, #tpu.memory_space<vmem>>
    %dma_wait3A_933 = tpu.memref_squeeze %dma_wait3A_932 : memref<1x40xi32, #tpu.memory_space<vmem>> -> memref<40xi32, #tpu.memory_space<vmem>>
    %dma_wait3A_934 = arith.constant 0 : i32
    %dma_wait3A_935 = tpu.memref_slice %arg37[%dma_wait3A_934] : memref<10240xf32, #tpu.memory_space<vmem_shared>> -> memref<10240xf32, #tpu.memory_space<vmem_shared>>
    tpu.wait_indirect_dma semaphore(%arg17 : memref<!tpu.dma_semaphore, #tpu.memory_space<semaphore_mem>>) src(%dma_wait3A_935 : memref<10240xf32, #tpu.memory_space<vmem_shared>>) dst(%dma_wait3A_930 : memref<40xf32, #tpu.memory_space<vmem>>)
    %dma_wait3A_936 = arith.constant 247 : i32
    %dma_wait3A_937 = arith.constant 2 : i32
    %dma_wait3A_938 = arith.constant 0 : i32
    %dma_wait3A_939 = arith.constant 0 : i32
    %dma_wait3A_940 = tpu.memref_slice %arg10[%dma_wait3A_937, %dma_wait3A_938, %dma_wait3A_939] : memref<5x40x128xf32, #tpu.memory_space<vmem>> -> memref<1x40x128xf32, #tpu.memory_space<vmem>>
    %dma_wait3A_941 = tpu.memref_squeeze %dma_wait3A_940 : memref<1x40x128xf32, #tpu.memory_space<vmem>> -> memref<40x128xf32, #tpu.memory_space<vmem>>
    %dma_wait3A_942 = arith.constant 0 : i32
    %dma_wait3A_943 = tpu.memref_slice %arg8[%dma_wait3A_936, %dma_wait3A_942] : memref<250x40xi32, #tpu.memory_space<vmem>> -> memref<1x40xi32, #tpu.memory_space<vmem>>
    %dma_wait3A_944 = tpu.memref_squeeze %dma_wait3A_943 : memref<1x40xi32, #tpu.memory_space<vmem>> -> memref<40xi32, #tpu.memory_space<vmem>>
    %dma_wait3A_945 = arith.constant 0 : i32
    %dma_wait3A_946 = arith.constant 0 : i32
    %dma_wait3A_947 = tpu.memref_slice %arg4[%dma_wait3A_945, %dma_wait3A_946] : memref<10000x128xf32, #tpu.memory_space<hbm>> -> memref<10000x128xf32, #tpu.memory_space<hbm>>
    tpu.wait_indirect_dma semaphore(%arg27 : memref<!tpu.dma_semaphore, #tpu.memory_space<semaphore_mem>>) src(%dma_wait3A_947 : memref<10000x128xf32, #tpu.memory_space<hbm>>) dst(%dma_wait3A_941 : memref<40x128xf32, #tpu.memory_space<vmem>>)
    %dma_start3A_948 = arith.constant 2 : i32
    %dma_start3A_949 = arith.constant 247 : i32
    %dma_start3A_950 = arith.constant 0 : i32
    %dma_start3A_951 = tpu.memref_slice %arg11[%dma_start3A_948, %dma_start3A_950] : memref<5x40xf32, #tpu.memory_space<vmem>> -> memref<1x40xf32, #tpu.memory_space<vmem>>
    %dma_start3A_952 = tpu.memref_squeeze %dma_start3A_951 : memref<1x40xf32, #tpu.memory_space<vmem>> -> memref<40xf32, #tpu.memory_space<vmem>>
    %dma_start3A_953 = arith.constant 0 : i32
    %dma_start3A_954 = tpu.memref_slice %arg8[%dma_start3A_949, %dma_start3A_953] : memref<250x40xi32, #tpu.memory_space<vmem>> -> memref<1x40xi32, #tpu.memory_space<vmem>>
    %dma_start3A_955 = tpu.memref_squeeze %dma_start3A_954 : memref<1x40xi32, #tpu.memory_space<vmem>> -> memref<40xi32, #tpu.memory_space<vmem>>
    %dma_start3A_956 = arith.constant 0 : i32
    %dma_start3A_957 = tpu.memref_slice %arg36[%dma_start3A_956] : memref<10240xf32, #tpu.memory_space<vmem_shared>> -> memref<10240xf32, #tpu.memory_space<vmem_shared>>
    tpu.enqueue_indirect_dma source(%dma_start3A_952 : memref<40xf32, #tpu.memory_space<vmem>>) target(%dma_start3A_957 : memref<10240xf32, #tpu.memory_space<vmem_shared>>) offsets(%dma_start3A_955 : memref<40xi32, #tpu.memory_space<vmem>>) semaphore(%arg22 : memref<!tpu.dma_semaphore, #tpu.memory_space<semaphore_mem>>) {add = true}
    %dma_start3A_958 = arith.constant 2 : i32
    %dma_start3A_959 = arith.constant 247 : i32
    %dma_start3A_960 = arith.constant 0 : i32
    %dma_start3A_961 = arith.constant 0 : i32
    %dma_start3A_962 = tpu.memref_slice %arg10[%dma_start3A_958, %dma_start3A_960, %dma_start3A_961] : memref<5x40x128xf32, #tpu.memory_space<vmem>> -> memref<1x40x128xf32, #tpu.memory_space<vmem>>
    %dma_start3A_963 = tpu.memref_squeeze %dma_start3A_962 : memref<1x40x128xf32, #tpu.memory_space<vmem>> -> memref<40x128xf32, #tpu.memory_space<vmem>>
    %dma_start3A_964 = arith.constant 0 : i32
    %dma_start3A_965 = tpu.memref_slice %arg9[%dma_start3A_959, %dma_start3A_964] : memref<250x40xi32, #tpu.memory_space<vmem>> -> memref<1x40xi32, #tpu.memory_space<vmem>>
    %dma_start3A_966 = tpu.memref_squeeze %dma_start3A_965 : memref<1x40xi32, #tpu.memory_space<vmem>> -> memref<40xi32, #tpu.memory_space<vmem>>
    %dma_start3A_967 = arith.constant 0 : i32
    %dma_start3A_968 = arith.constant 0 : i32
    %dma_start3A_969 = tpu.memref_slice %arg38[%dma_start3A_967, %dma_start3A_968] : memref<10240x128xf32, #tpu.memory_space<vmem_shared>> -> memref<10240x128xf32, #tpu.memory_space<vmem_shared>>
    tpu.enqueue_indirect_dma source(%dma_start3A_963 : memref<40x128xf32, #tpu.memory_space<vmem>>) target(%dma_start3A_969 : memref<10240x128xf32, #tpu.memory_space<vmem_shared>>) offsets(%dma_start3A_966 : memref<40xi32, #tpu.memory_space<vmem>>) semaphore(%arg32 : memref<!tpu.dma_semaphore, #tpu.memory_space<semaphore_mem>>) {add = true}
    %dma_wait3A_970 = arith.constant 2 : i32
    %dma_wait3A_971 = arith.constant 247 : i32
    %dma_wait3A_972 = arith.constant 0 : i32
    %dma_wait3A_973 = tpu.memref_slice %arg11[%dma_wait3A_970, %dma_wait3A_972] : memref<5x40xf32, #tpu.memory_space<vmem>> -> memref<1x40xf32, #tpu.memory_space<vmem>>
    %dma_wait3A_974 = tpu.memref_squeeze %dma_wait3A_973 : memref<1x40xf32, #tpu.memory_space<vmem>> -> memref<40xf32, #tpu.memory_space<vmem>>
    %dma_wait3A_975 = arith.constant 0 : i32
    %dma_wait3A_976 = tpu.memref_slice %arg8[%dma_wait3A_971, %dma_wait3A_975] : memref<250x40xi32, #tpu.memory_space<vmem>> -> memref<1x40xi32, #tpu.memory_space<vmem>>
    %dma_wait3A_977 = tpu.memref_squeeze %dma_wait3A_976 : memref<1x40xi32, #tpu.memory_space<vmem>> -> memref<40xi32, #tpu.memory_space<vmem>>
    %dma_wait3A_978 = arith.constant 0 : i32
    %dma_wait3A_979 = tpu.memref_slice %arg36[%dma_wait3A_978] : memref<10240xf32, #tpu.memory_space<vmem_shared>> -> memref<10240xf32, #tpu.memory_space<vmem_shared>>
    tpu.wait_indirect_dma semaphore(%arg22 : memref<!tpu.dma_semaphore, #tpu.memory_space<semaphore_mem>>) src(%dma_wait3A_974 : memref<40xf32, #tpu.memory_space<vmem>>) dst(%dma_wait3A_979 : memref<10240xf32, #tpu.memory_space<vmem_shared>>)
    %dma_wait3A_980 = arith.constant 2 : i32
    %dma_wait3A_981 = arith.constant 247 : i32
    %dma_wait3A_982 = arith.constant 0 : i32
    %dma_wait3A_983 = arith.constant 0 : i32
    %dma_wait3A_984 = tpu.memref_slice %arg10[%dma_wait3A_980, %dma_wait3A_982, %dma_wait3A_983] : memref<5x40x128xf32, #tpu.memory_space<vmem>> -> memref<1x40x128xf32, #tpu.memory_space<vmem>>
    %dma_wait3A_985 = tpu.memref_squeeze %dma_wait3A_984 : memref<1x40x128xf32, #tpu.memory_space<vmem>> -> memref<40x128xf32, #tpu.memory_space<vmem>>
    %dma_wait3A_986 = arith.constant 0 : i32
    %dma_wait3A_987 = tpu.memref_slice %arg9[%dma_wait3A_981, %dma_wait3A_986] : memref<250x40xi32, #tpu.memory_space<vmem>> -> memref<1x40xi32, #tpu.memory_space<vmem>>
    %dma_wait3A_988 = tpu.memref_squeeze %dma_wait3A_987 : memref<1x40xi32, #tpu.memory_space<vmem>> -> memref<40xi32, #tpu.memory_space<vmem>>
    %dma_wait3A_989 = arith.constant 0 : i32
    %dma_wait3A_990 = arith.constant 0 : i32
    %dma_wait3A_991 = tpu.memref_slice %arg38[%dma_wait3A_989, %dma_wait3A_990] : memref<10240x128xf32, #tpu.memory_space<vmem_shared>> -> memref<10240x128xf32, #tpu.memory_space<vmem_shared>>
    tpu.wait_indirect_dma semaphore(%arg32 : memref<!tpu.dma_semaphore, #tpu.memory_space<semaphore_mem>>) src(%dma_wait3A_985 : memref<40x128xf32, #tpu.memory_space<vmem>>) dst(%dma_wait3A_991 : memref<10240x128xf32, #tpu.memory_space<vmem_shared>>)
    %dma_wait3A_992 = arith.constant 248 : i32
    %dma_wait3A_993 = arith.constant 3 : i32
    %dma_wait3A_994 = arith.constant 0 : i32
    %dma_wait3A_995 = tpu.memref_slice %arg11[%dma_wait3A_993, %dma_wait3A_994] : memref<5x40xf32, #tpu.memory_space<vmem>> -> memref<1x40xf32, #tpu.memory_space<vmem>>
    %dma_wait3A_996 = tpu.memref_squeeze %dma_wait3A_995 : memref<1x40xf32, #tpu.memory_space<vmem>> -> memref<40xf32, #tpu.memory_space<vmem>>
    %dma_wait3A_997 = arith.constant 0 : i32
    %dma_wait3A_998 = tpu.memref_slice %arg9[%dma_wait3A_992, %dma_wait3A_997] : memref<250x40xi32, #tpu.memory_space<vmem>> -> memref<1x40xi32, #tpu.memory_space<vmem>>
    %dma_wait3A_999 = tpu.memref_squeeze %dma_wait3A_998 : memref<1x40xi32, #tpu.memory_space<vmem>> -> memref<40xi32, #tpu.memory_space<vmem>>
    %dma_wait3A_1000 = arith.constant 0 : i32
    %dma_wait3A_1001 = tpu.memref_slice %arg37[%dma_wait3A_1000] : memref<10240xf32, #tpu.memory_space<vmem_shared>> -> memref<10240xf32, #tpu.memory_space<vmem_shared>>
    tpu.wait_indirect_dma semaphore(%arg18 : memref<!tpu.dma_semaphore, #tpu.memory_space<semaphore_mem>>) src(%dma_wait3A_1001 : memref<10240xf32, #tpu.memory_space<vmem_shared>>) dst(%dma_wait3A_996 : memref<40xf32, #tpu.memory_space<vmem>>)
    %dma_wait3A_1002 = arith.constant 248 : i32
    %dma_wait3A_1003 = arith.constant 3 : i32
    %dma_wait3A_1004 = arith.constant 0 : i32
    %dma_wait3A_1005 = arith.constant 0 : i32
    %dma_wait3A_1006 = tpu.memref_slice %arg10[%dma_wait3A_1003, %dma_wait3A_1004, %dma_wait3A_1005] : memref<5x40x128xf32, #tpu.memory_space<vmem>> -> memref<1x40x128xf32, #tpu.memory_space<vmem>>
    %dma_wait3A_1007 = tpu.memref_squeeze %dma_wait3A_1006 : memref<1x40x128xf32, #tpu.memory_space<vmem>> -> memref<40x128xf32, #tpu.memory_space<vmem>>
    %dma_wait3A_1008 = arith.constant 0 : i32
    %dma_wait3A_1009 = tpu.memref_slice %arg8[%dma_wait3A_1002, %dma_wait3A_1008] : memref<250x40xi32, #tpu.memory_space<vmem>> -> memref<1x40xi32, #tpu.memory_space<vmem>>
    %dma_wait3A_1010 = tpu.memref_squeeze %dma_wait3A_1009 : memref<1x40xi32, #tpu.memory_space<vmem>> -> memref<40xi32, #tpu.memory_space<vmem>>
    %dma_wait3A_1011 = arith.constant 0 : i32
    %dma_wait3A_1012 = arith.constant 0 : i32
    %dma_wait3A_1013 = tpu.memref_slice %arg4[%dma_wait3A_1011, %dma_wait3A_1012] : memref<10000x128xf32, #tpu.memory_space<hbm>> -> memref<10000x128xf32, #tpu.memory_space<hbm>>
    tpu.wait_indirect_dma semaphore(%arg28 : memref<!tpu.dma_semaphore, #tpu.memory_space<semaphore_mem>>) src(%dma_wait3A_1013 : memref<10000x128xf32, #tpu.memory_space<hbm>>) dst(%dma_wait3A_1007 : memref<40x128xf32, #tpu.memory_space<vmem>>)
    %dma_start3A_1014 = arith.constant 3 : i32
    %dma_start3A_1015 = arith.constant 248 : i32
    %dma_start3A_1016 = arith.constant 0 : i32
    %dma_start3A_1017 = tpu.memref_slice %arg11[%dma_start3A_1014, %dma_start3A_1016] : memref<5x40xf32, #tpu.memory_space<vmem>> -> memref<1x40xf32, #tpu.memory_space<vmem>>
    %dma_start3A_1018 = tpu.memref_squeeze %dma_start3A_1017 : memref<1x40xf32, #tpu.memory_space<vmem>> -> memref<40xf32, #tpu.memory_space<vmem>>
    %dma_start3A_1019 = arith.constant 0 : i32
    %dma_start3A_1020 = tpu.memref_slice %arg8[%dma_start3A_1015, %dma_start3A_1019] : memref<250x40xi32, #tpu.memory_space<vmem>> -> memref<1x40xi32, #tpu.memory_space<vmem>>
    %dma_start3A_1021 = tpu.memref_squeeze %dma_start3A_1020 : memref<1x40xi32, #tpu.memory_space<vmem>> -> memref<40xi32, #tpu.memory_space<vmem>>
    %dma_start3A_1022 = arith.constant 0 : i32
    %dma_start3A_1023 = tpu.memref_slice %arg36[%dma_start3A_1022] : memref<10240xf32, #tpu.memory_space<vmem_shared>> -> memref<10240xf32, #tpu.memory_space<vmem_shared>>
    tpu.enqueue_indirect_dma source(%dma_start3A_1018 : memref<40xf32, #tpu.memory_space<vmem>>) target(%dma_start3A_1023 : memref<10240xf32, #tpu.memory_space<vmem_shared>>) offsets(%dma_start3A_1021 : memref<40xi32, #tpu.memory_space<vmem>>) semaphore(%arg23 : memref<!tpu.dma_semaphore, #tpu.memory_space<semaphore_mem>>) {add = true}
    %dma_start3A_1024 = arith.constant 3 : i32
    %dma_start3A_1025 = arith.constant 248 : i32
    %dma_start3A_1026 = arith.constant 0 : i32
    %dma_start3A_1027 = arith.constant 0 : i32
    %dma_start3A_1028 = tpu.memref_slice %arg10[%dma_start3A_1024, %dma_start3A_1026, %dma_start3A_1027] : memref<5x40x128xf32, #tpu.memory_space<vmem>> -> memref<1x40x128xf32, #tpu.memory_space<vmem>>
    %dma_start3A_1029 = tpu.memref_squeeze %dma_start3A_1028 : memref<1x40x128xf32, #tpu.memory_space<vmem>> -> memref<40x128xf32, #tpu.memory_space<vmem>>
    %dma_start3A_1030 = arith.constant 0 : i32
    %dma_start3A_1031 = tpu.memref_slice %arg9[%dma_start3A_1025, %dma_start3A_1030] : memref<250x40xi32, #tpu.memory_space<vmem>> -> memref<1x40xi32, #tpu.memory_space<vmem>>
    %dma_start3A_1032 = tpu.memref_squeeze %dma_start3A_1031 : memref<1x40xi32, #tpu.memory_space<vmem>> -> memref<40xi32, #tpu.memory_space<vmem>>
    %dma_start3A_1033 = arith.constant 0 : i32
    %dma_start3A_1034 = arith.constant 0 : i32
    %dma_start3A_1035 = tpu.memref_slice %arg38[%dma_start3A_1033, %dma_start3A_1034] : memref<10240x128xf32, #tpu.memory_space<vmem_shared>> -> memref<10240x128xf32, #tpu.memory_space<vmem_shared>>
    tpu.enqueue_indirect_dma source(%dma_start3A_1029 : memref<40x128xf32, #tpu.memory_space<vmem>>) target(%dma_start3A_1035 : memref<10240x128xf32, #tpu.memory_space<vmem_shared>>) offsets(%dma_start3A_1032 : memref<40xi32, #tpu.memory_space<vmem>>) semaphore(%arg33 : memref<!tpu.dma_semaphore, #tpu.memory_space<semaphore_mem>>) {add = true}
    %dma_wait3A_1036 = arith.constant 3 : i32
    %dma_wait3A_1037 = arith.constant 248 : i32
    %dma_wait3A_1038 = arith.constant 0 : i32
    %dma_wait3A_1039 = tpu.memref_slice %arg11[%dma_wait3A_1036, %dma_wait3A_1038] : memref<5x40xf32, #tpu.memory_space<vmem>> -> memref<1x40xf32, #tpu.memory_space<vmem>>
    %dma_wait3A_1040 = tpu.memref_squeeze %dma_wait3A_1039 : memref<1x40xf32, #tpu.memory_space<vmem>> -> memref<40xf32, #tpu.memory_space<vmem>>
    %dma_wait3A_1041 = arith.constant 0 : i32
    %dma_wait3A_1042 = tpu.memref_slice %arg8[%dma_wait3A_1037, %dma_wait3A_1041] : memref<250x40xi32, #tpu.memory_space<vmem>> -> memref<1x40xi32, #tpu.memory_space<vmem>>
    %dma_wait3A_1043 = tpu.memref_squeeze %dma_wait3A_1042 : memref<1x40xi32, #tpu.memory_space<vmem>> -> memref<40xi32, #tpu.memory_space<vmem>>
    %dma_wait3A_1044 = arith.constant 0 : i32
    %dma_wait3A_1045 = tpu.memref_slice %arg36[%dma_wait3A_1044] : memref<10240xf32, #tpu.memory_space<vmem_shared>> -> memref<10240xf32, #tpu.memory_space<vmem_shared>>
    tpu.wait_indirect_dma semaphore(%arg23 : memref<!tpu.dma_semaphore, #tpu.memory_space<semaphore_mem>>) src(%dma_wait3A_1040 : memref<40xf32, #tpu.memory_space<vmem>>) dst(%dma_wait3A_1045 : memref<10240xf32, #tpu.memory_space<vmem_shared>>)
    %dma_wait3A_1046 = arith.constant 3 : i32
    %dma_wait3A_1047 = arith.constant 248 : i32
    %dma_wait3A_1048 = arith.constant 0 : i32
    %dma_wait3A_1049 = arith.constant 0 : i32
    %dma_wait3A_1050 = tpu.memref_slice %arg10[%dma_wait3A_1046, %dma_wait3A_1048, %dma_wait3A_1049] : memref<5x40x128xf32, #tpu.memory_space<vmem>> -> memref<1x40x128xf32, #tpu.memory_space<vmem>>
    %dma_wait3A_1051 = tpu.memref_squeeze %dma_wait3A_1050 : memref<1x40x128xf32, #tpu.memory_space<vmem>> -> memref<40x128xf32, #tpu.memory_space<vmem>>
    %dma_wait3A_1052 = arith.constant 0 : i32
    %dma_wait3A_1053 = tpu.memref_slice %arg9[%dma_wait3A_1047, %dma_wait3A_1052] : memref<250x40xi32, #tpu.memory_space<vmem>> -> memref<1x40xi32, #tpu.memory_space<vmem>>
    %dma_wait3A_1054 = tpu.memref_squeeze %dma_wait3A_1053 : memref<1x40xi32, #tpu.memory_space<vmem>> -> memref<40xi32, #tpu.memory_space<vmem>>
    %dma_wait3A_1055 = arith.constant 0 : i32
    %dma_wait3A_1056 = arith.constant 0 : i32
    %dma_wait3A_1057 = tpu.memref_slice %arg38[%dma_wait3A_1055, %dma_wait3A_1056] : memref<10240x128xf32, #tpu.memory_space<vmem_shared>> -> memref<10240x128xf32, #tpu.memory_space<vmem_shared>>
    tpu.wait_indirect_dma semaphore(%arg33 : memref<!tpu.dma_semaphore, #tpu.memory_space<semaphore_mem>>) src(%dma_wait3A_1051 : memref<40x128xf32, #tpu.memory_space<vmem>>) dst(%dma_wait3A_1057 : memref<10240x128xf32, #tpu.memory_space<vmem_shared>>)
    %dma_wait3A_1058 = arith.constant 249 : i32
    %dma_wait3A_1059 = arith.constant 4 : i32
    %dma_wait3A_1060 = arith.constant 0 : i32
    %dma_wait3A_1061 = tpu.memref_slice %arg11[%dma_wait3A_1059, %dma_wait3A_1060] : memref<5x40xf32, #tpu.memory_space<vmem>> -> memref<1x40xf32, #tpu.memory_space<vmem>>
    %dma_wait3A_1062 = tpu.memref_squeeze %dma_wait3A_1061 : memref<1x40xf32, #tpu.memory_space<vmem>> -> memref<40xf32, #tpu.memory_space<vmem>>
    %dma_wait3A_1063 = arith.constant 0 : i32
    %dma_wait3A_1064 = tpu.memref_slice %arg9[%dma_wait3A_1058, %dma_wait3A_1063] : memref<250x40xi32, #tpu.memory_space<vmem>> -> memref<1x40xi32, #tpu.memory_space<vmem>>
    %dma_wait3A_1065 = tpu.memref_squeeze %dma_wait3A_1064 : memref<1x40xi32, #tpu.memory_space<vmem>> -> memref<40xi32, #tpu.memory_space<vmem>>
    %dma_wait3A_1066 = arith.constant 0 : i32
    %dma_wait3A_1067 = tpu.memref_slice %arg37[%dma_wait3A_1066] : memref<10240xf32, #tpu.memory_space<vmem_shared>> -> memref<10240xf32, #tpu.memory_space<vmem_shared>>
    tpu.wait_indirect_dma semaphore(%arg19 : memref<!tpu.dma_semaphore, #tpu.memory_space<semaphore_mem>>) src(%dma_wait3A_1067 : memref<10240xf32, #tpu.memory_space<vmem_shared>>) dst(%dma_wait3A_1062 : memref<40xf32, #tpu.memory_space<vmem>>)
    %dma_wait3A_1068 = arith.constant 249 : i32
    %dma_wait3A_1069 = arith.constant 4 : i32
    %dma_wait3A_1070 = arith.constant 0 : i32
    %dma_wait3A_1071 = arith.constant 0 : i32
    %dma_wait3A_1072 = tpu.memref_slice %arg10[%dma_wait3A_1069, %dma_wait3A_1070, %dma_wait3A_1071] : memref<5x40x128xf32, #tpu.memory_space<vmem>> -> memref<1x40x128xf32, #tpu.memory_space<vmem>>
    %dma_wait3A_1073 = tpu.memref_squeeze %dma_wait3A_1072 : memref<1x40x128xf32, #tpu.memory_space<vmem>> -> memref<40x128xf32, #tpu.memory_space<vmem>>
    %dma_wait3A_1074 = arith.constant 0 : i32
    %dma_wait3A_1075 = tpu.memref_slice %arg8[%dma_wait3A_1068, %dma_wait3A_1074] : memref<250x40xi32, #tpu.memory_space<vmem>> -> memref<1x40xi32, #tpu.memory_space<vmem>>
    %dma_wait3A_1076 = tpu.memref_squeeze %dma_wait3A_1075 : memref<1x40xi32, #tpu.memory_space<vmem>> -> memref<40xi32, #tpu.memory_space<vmem>>
    %dma_wait3A_1077 = arith.constant 0 : i32
    %dma_wait3A_1078 = arith.constant 0 : i32
    %dma_wait3A_1079 = tpu.memref_slice %arg4[%dma_wait3A_1077, %dma_wait3A_1078] : memref<10000x128xf32, #tpu.memory_space<hbm>> -> memref<10000x128xf32, #tpu.memory_space<hbm>>
    tpu.wait_indirect_dma semaphore(%arg29 : memref<!tpu.dma_semaphore, #tpu.memory_space<semaphore_mem>>) src(%dma_wait3A_1079 : memref<10000x128xf32, #tpu.memory_space<hbm>>) dst(%dma_wait3A_1073 : memref<40x128xf32, #tpu.memory_space<vmem>>)
    %dma_start3A_1080 = arith.constant 4 : i32
    %dma_start3A_1081 = arith.constant 249 : i32
    %dma_start3A_1082 = arith.constant 0 : i32
    %dma_start3A_1083 = tpu.memref_slice %arg11[%dma_start3A_1080, %dma_start3A_1082] : memref<5x40xf32, #tpu.memory_space<vmem>> -> memref<1x40xf32, #tpu.memory_space<vmem>>
    %dma_start3A_1084 = tpu.memref_squeeze %dma_start3A_1083 : memref<1x40xf32, #tpu.memory_space<vmem>> -> memref<40xf32, #tpu.memory_space<vmem>>
    %dma_start3A_1085 = arith.constant 0 : i32
    %dma_start3A_1086 = tpu.memref_slice %arg8[%dma_start3A_1081, %dma_start3A_1085] : memref<250x40xi32, #tpu.memory_space<vmem>> -> memref<1x40xi32, #tpu.memory_space<vmem>>
    %dma_start3A_1087 = tpu.memref_squeeze %dma_start3A_1086 : memref<1x40xi32, #tpu.memory_space<vmem>> -> memref<40xi32, #tpu.memory_space<vmem>>
    %dma_start3A_1088 = arith.constant 0 : i32
    %dma_start3A_1089 = tpu.memref_slice %arg36[%dma_start3A_1088] : memref<10240xf32, #tpu.memory_space<vmem_shared>> -> memref<10240xf32, #tpu.memory_space<vmem_shared>>
    tpu.enqueue_indirect_dma source(%dma_start3A_1084 : memref<40xf32, #tpu.memory_space<vmem>>) target(%dma_start3A_1089 : memref<10240xf32, #tpu.memory_space<vmem_shared>>) offsets(%dma_start3A_1087 : memref<40xi32, #tpu.memory_space<vmem>>) semaphore(%arg24 : memref<!tpu.dma_semaphore, #tpu.memory_space<semaphore_mem>>) {add = true}
    %dma_start3A_1090 = arith.constant 4 : i32
    %dma_start3A_1091 = arith.constant 249 : i32
    %dma_start3A_1092 = arith.constant 0 : i32
    %dma_start3A_1093 = arith.constant 0 : i32
    %dma_start3A_1094 = tpu.memref_slice %arg10[%dma_start3A_1090, %dma_start3A_1092, %dma_start3A_1093] : memref<5x40x128xf32, #tpu.memory_space<vmem>> -> memref<1x40x128xf32, #tpu.memory_space<vmem>>
    %dma_start3A_1095 = tpu.memref_squeeze %dma_start3A_1094 : memref<1x40x128xf32, #tpu.memory_space<vmem>> -> memref<40x128xf32, #tpu.memory_space<vmem>>
    %dma_start3A_1096 = arith.constant 0 : i32
    %dma_start3A_1097 = tpu.memref_slice %arg9[%dma_start3A_1091, %dma_start3A_1096] : memref<250x40xi32, #tpu.memory_space<vmem>> -> memref<1x40xi32, #tpu.memory_space<vmem>>
    %dma_start3A_1098 = tpu.memref_squeeze %dma_start3A_1097 : memref<1x40xi32, #tpu.memory_space<vmem>> -> memref<40xi32, #tpu.memory_space<vmem>>
    %dma_start3A_1099 = arith.constant 0 : i32
    %dma_start3A_1100 = arith.constant 0 : i32
    %dma_start3A_1101 = tpu.memref_slice %arg38[%dma_start3A_1099, %dma_start3A_1100] : memref<10240x128xf32, #tpu.memory_space<vmem_shared>> -> memref<10240x128xf32, #tpu.memory_space<vmem_shared>>
    tpu.enqueue_indirect_dma source(%dma_start3A_1095 : memref<40x128xf32, #tpu.memory_space<vmem>>) target(%dma_start3A_1101 : memref<10240x128xf32, #tpu.memory_space<vmem_shared>>) offsets(%dma_start3A_1098 : memref<40xi32, #tpu.memory_space<vmem>>) semaphore(%arg34 : memref<!tpu.dma_semaphore, #tpu.memory_space<semaphore_mem>>) {add = true}
    %dma_wait3A_1102 = arith.constant 4 : i32
    %dma_wait3A_1103 = arith.constant 249 : i32
    %dma_wait3A_1104 = arith.constant 0 : i32
    %dma_wait3A_1105 = tpu.memref_slice %arg11[%dma_wait3A_1102, %dma_wait3A_1104] : memref<5x40xf32, #tpu.memory_space<vmem>> -> memref<1x40xf32, #tpu.memory_space<vmem>>
    %dma_wait3A_1106 = tpu.memref_squeeze %dma_wait3A_1105 : memref<1x40xf32, #tpu.memory_space<vmem>> -> memref<40xf32, #tpu.memory_space<vmem>>
    %dma_wait3A_1107 = arith.constant 0 : i32
    %dma_wait3A_1108 = tpu.memref_slice %arg8[%dma_wait3A_1103, %dma_wait3A_1107] : memref<250x40xi32, #tpu.memory_space<vmem>> -> memref<1x40xi32, #tpu.memory_space<vmem>>
    %dma_wait3A_1109 = tpu.memref_squeeze %dma_wait3A_1108 : memref<1x40xi32, #tpu.memory_space<vmem>> -> memref<40xi32, #tpu.memory_space<vmem>>
    %dma_wait3A_1110 = arith.constant 0 : i32
    %dma_wait3A_1111 = tpu.memref_slice %arg36[%dma_wait3A_1110] : memref<10240xf32, #tpu.memory_space<vmem_shared>> -> memref<10240xf32, #tpu.memory_space<vmem_shared>>
    tpu.wait_indirect_dma semaphore(%arg24 : memref<!tpu.dma_semaphore, #tpu.memory_space<semaphore_mem>>) src(%dma_wait3A_1106 : memref<40xf32, #tpu.memory_space<vmem>>) dst(%dma_wait3A_1111 : memref<10240xf32, #tpu.memory_space<vmem_shared>>)
    %dma_wait3A_1112 = arith.constant 4 : i32
    %dma_wait3A_1113 = arith.constant 249 : i32
    %dma_wait3A_1114 = arith.constant 0 : i32
    %dma_wait3A_1115 = arith.constant 0 : i32
    %dma_wait3A_1116 = tpu.memref_slice %arg10[%dma_wait3A_1112, %dma_wait3A_1114, %dma_wait3A_1115] : memref<5x40x128xf32, #tpu.memory_space<vmem>> -> memref<1x40x128xf32, #tpu.memory_space<vmem>>
    %dma_wait3A_1117 = tpu.memref_squeeze %dma_wait3A_1116 : memref<1x40x128xf32, #tpu.memory_space<vmem>> -> memref<40x128xf32, #tpu.memory_space<vmem>>
    %dma_wait3A_1118 = arith.constant 0 : i32
    %dma_wait3A_1119 = tpu.memref_slice %arg9[%dma_wait3A_1113, %dma_wait3A_1118] : memref<250x40xi32, #tpu.memory_space<vmem>> -> memref<1x40xi32, #tpu.memory_space<vmem>>
    %dma_wait3A_1120 = tpu.memref_squeeze %dma_wait3A_1119 : memref<1x40xi32, #tpu.memory_space<vmem>> -> memref<40xi32, #tpu.memory_space<vmem>>
    %dma_wait3A_1121 = arith.constant 0 : i32
    %dma_wait3A_1122 = arith.constant 0 : i32
    %dma_wait3A_1123 = tpu.memref_slice %arg38[%dma_wait3A_1121, %dma_wait3A_1122] : memref<10240x128xf32, #tpu.memory_space<vmem_shared>> -> memref<10240x128xf32, #tpu.memory_space<vmem_shared>>
    tpu.wait_indirect_dma semaphore(%arg34 : memref<!tpu.dma_semaphore, #tpu.memory_space<semaphore_mem>>) src(%dma_wait3A_1117 : memref<40x128xf32, #tpu.memory_space<vmem>>) dst(%dma_wait3A_1123 : memref<10240x128xf32, #tpu.memory_space<vmem_shared>>)
    %barrier3A_1124 = arith.constant 0 : index
    tpu.barrier barrier_id(%barrier3A_1124)
    %mul3A_1125 = arith.constant 640 : i32
    %mul3A_1126 = arith.muli %arg1, %mul3A_1125 : i32
    "tpu.region"() ({
      %run_scoped3A_1226 = tpu.sem_alloc : memref<!tpu.dma_semaphore, #tpu.memory_space<semaphore_mem>>
      %dma_start3A_1227 = tpu.memref_slice %arg36[%mul3A_1126] : memref<10240xf32, #tpu.memory_space<vmem_shared>> -> memref<640xf32, #tpu.memory_space<vmem_shared>>
      %dma_start3A_1228 = tpu.memref_slice %arg36[%mul3A_1126] : memref<10240xf32, #tpu.memory_space<vmem_shared>> -> memref<640xf32, #tpu.memory_space<vmem_shared>>
      tpu.enqueue_dma source(%dma_start3A_1228 : memref<640xf32, #tpu.memory_space<vmem_shared>>) target(%arg13 : memref<640xf32, #tpu.memory_space<vmem>>) target_semaphore(%run_scoped3A_1226 : memref<!tpu.dma_semaphore, #tpu.memory_space<semaphore_mem>>)
      %dma_wait3A_1229 = tpu.memref_slice %arg36[%mul3A_1126] : memref<10240xf32, #tpu.memory_space<vmem_shared>> -> memref<640xf32, #tpu.memory_space<vmem_shared>>
      %dma_wait3A_1230 = tpu.memref_slice %arg36[%mul3A_1126] : memref<10240xf32, #tpu.memory_space<vmem_shared>> -> memref<640xf32, #tpu.memory_space<vmem_shared>>
      tpu.wait_dma2 semaphore(%run_scoped3A_1226 : memref<!tpu.dma_semaphore, #tpu.memory_space<semaphore_mem>>) src(%dma_wait3A_1230 : memref<640xf32, #tpu.memory_space<vmem_shared>>) dst(%arg13 : memref<640xf32, #tpu.memory_space<vmem>>)
      tpu.yield
    }) : () -> ()
    %mul3A_1127 = arith.constant 640 : i32
    %mul3A_1128 = arith.muli %arg1, %mul3A_1127 : i32
    %run_scoped3A_1129 = arith.constant 0 : i32
    "tpu.region"() ({
      %run_scoped3A_1226 = tpu.sem_alloc : memref<!tpu.dma_semaphore, #tpu.memory_space<semaphore_mem>>
      %dma_start3A_1227 = tpu.memref_slice %arg6[%arg0, %run_scoped3A_1129, %mul3A_1128] : memref<2x1x10240xf32, #tpu.memory_space<hbm>> -> memref<1x1x640xf32, #tpu.memory_space<hbm>>
      %dma_start3A_1228 = tpu.memref_squeeze %dma_start3A_1227 : memref<1x1x640xf32, #tpu.memory_space<hbm>> -> memref<640xf32, #tpu.memory_space<hbm>>
      %dma_start3A_1229 = tpu.memref_slice %arg6[%arg0, %run_scoped3A_1129, %mul3A_1128] : memref<2x1x10240xf32, #tpu.memory_space<hbm>> -> memref<1x1x640xf32, #tpu.memory_space<hbm>>
      %dma_start3A_1230 = tpu.memref_squeeze %dma_start3A_1229 : memref<1x1x640xf32, #tpu.memory_space<hbm>> -> memref<640xf32, #tpu.memory_space<hbm>>
      tpu.enqueue_dma source(%arg13 : memref<640xf32, #tpu.memory_space<vmem>>) target(%dma_start3A_1230 : memref<640xf32, #tpu.memory_space<hbm>>) target_semaphore(%run_scoped3A_1226 : memref<!tpu.dma_semaphore, #tpu.memory_space<semaphore_mem>>)
      %dma_wait3A_1231 = tpu.memref_slice %arg6[%arg0, %run_scoped3A_1129, %mul3A_1128] : memref<2x1x10240xf32, #tpu.memory_space<hbm>> -> memref<1x1x640xf32, #tpu.memory_space<hbm>>
      %dma_wait3A_1232 = tpu.memref_squeeze %dma_wait3A_1231 : memref<1x1x640xf32, #tpu.memory_space<hbm>> -> memref<640xf32, #tpu.memory_space<hbm>>
      %dma_wait3A_1233 = tpu.memref_slice %arg6[%arg0, %run_scoped3A_1129, %mul3A_1128] : memref<2x1x10240xf32, #tpu.memory_space<hbm>> -> memref<1x1x640xf32, #tpu.memory_space<hbm>>
      %dma_wait3A_1234 = tpu.memref_squeeze %dma_wait3A_1233 : memref<1x1x640xf32, #tpu.memory_space<hbm>> -> memref<640xf32, #tpu.memory_space<hbm>>
      tpu.wait_dma2 semaphore(%run_scoped3A_1226 : memref<!tpu.dma_semaphore, #tpu.memory_space<semaphore_mem>>) src(%arg13 : memref<640xf32, #tpu.memory_space<vmem>>) dst(%dma_wait3A_1234 : memref<640xf32, #tpu.memory_space<hbm>>)
      tpu.yield
    }) : () -> ()
    %mul3A_1130 = arith.constant 640 : i32
    %mul3A_1131 = arith.muli %arg1, %mul3A_1130 : i32
    %add3A_1132 = arith.constant 0 : i32
    %add3A_1133 = arith.addi %mul3A_1131, %add3A_1132 : i32
    %run_scoped3A_1134 = arith.constant 0 : i32
    "tpu.region"() ({
      %run_scoped3A_1226 = tpu.sem_alloc : memref<!tpu.dma_semaphore, #tpu.memory_space<semaphore_mem>>
      %dma_start3A_1227 = arith.constant 0 : i32
      %dma_start3A_1228 = arith.constant 0 : i32
      %dma_start3A_1229 = tpu.memref_slice %arg10[%run_scoped3A_1134, %dma_start3A_1227, %dma_start3A_1228] : memref<5x40x128xf32, #tpu.memory_space<vmem>> -> memref<1x40x128xf32, #tpu.memory_space<vmem>>
      %dma_start3A_1230 = tpu.memref_squeeze %dma_start3A_1229 : memref<1x40x128xf32, #tpu.memory_space<vmem>> -> memref<40x128xf32, #tpu.memory_space<vmem>>
      %dma_start3A_1231 = arith.constant 0 : i32
      %dma_start3A_1232 = tpu.memref_slice %arg38[%add3A_1133, %dma_start3A_1231] : memref<10240x128xf32, #tpu.memory_space<vmem_shared>> -> memref<40x128xf32, #tpu.memory_space<vmem_shared>>
      %dma_start3A_1233 = arith.constant 0 : i32
      %dma_start3A_1234 = arith.constant 0 : i32
      %dma_start3A_1235 = tpu.memref_slice %arg10[%run_scoped3A_1134, %dma_start3A_1233, %dma_start3A_1234] : memref<5x40x128xf32, #tpu.memory_space<vmem>> -> memref<1x40x128xf32, #tpu.memory_space<vmem>>
      %dma_start3A_1236 = tpu.memref_squeeze %dma_start3A_1235 : memref<1x40x128xf32, #tpu.memory_space<vmem>> -> memref<40x128xf32, #tpu.memory_space<vmem>>
      %dma_start3A_1237 = arith.constant 0 : i32
      %dma_start3A_1238 = tpu.memref_slice %arg38[%add3A_1133, %dma_start3A_1237] : memref<10240x128xf32, #tpu.memory_space<vmem_shared>> -> memref<40x128xf32, #tpu.memory_space<vmem_shared>>
      tpu.enqueue_dma source(%dma_start3A_1238 : memref<40x128xf32, #tpu.memory_space<vmem_shared>>) target(%dma_start3A_1236 : memref<40x128xf32, #tpu.memory_space<vmem>>) target_semaphore(%run_scoped3A_1226 : memref<!tpu.dma_semaphore, #tpu.memory_space<semaphore_mem>>)
      %dma_wait3A_1239 = arith.constant 0 : i32
      %dma_wait3A_1240 = arith.constant 0 : i32
      %dma_wait3A_1241 = tpu.memref_slice %arg10[%run_scoped3A_1134, %dma_wait3A_1239, %dma_wait3A_1240] : memref<5x40x128xf32, #tpu.memory_space<vmem>> -> memref<1x40x128xf32, #tpu.memory_space<vmem>>
      %dma_wait3A_1242 = tpu.memref_squeeze %dma_wait3A_1241 : memref<1x40x128xf32, #tpu.memory_space<vmem>> -> memref<40x128xf32, #tpu.memory_space<vmem>>
      %dma_wait3A_1243 = arith.constant 0 : i32
      %dma_wait3A_1244 = tpu.memref_slice %arg38[%add3A_1133, %dma_wait3A_1243] : memref<10240x128xf32, #tpu.memory_space<vmem_shared>> -> memref<40x128xf32, #tpu.memory_space<vmem_shared>>
      %dma_wait3A_1245 = arith.constant 0 : i32
      %dma_wait3A_1246 = arith.constant 0 : i32
      %dma_wait3A_1247 = tpu.memref_slice %arg10[%run_scoped3A_1134, %dma_wait3A_1245, %dma_wait3A_1246] : memref<5x40x128xf32, #tpu.memory_space<vmem>> -> memref<1x40x128xf32, #tpu.memory_space<vmem>>
      %dma_wait3A_1248 = tpu.memref_squeeze %dma_wait3A_1247 : memref<1x40x128xf32, #tpu.memory_space<vmem>> -> memref<40x128xf32, #tpu.memory_space<vmem>>
      %dma_wait3A_1249 = arith.constant 0 : i32
      %dma_wait3A_1250 = tpu.memref_slice %arg38[%add3A_1133, %dma_wait3A_1249] : memref<10240x128xf32, #tpu.memory_space<vmem_shared>> -> memref<40x128xf32, #tpu.memory_space<vmem_shared>>
      tpu.wait_dma2 semaphore(%run_scoped3A_1226 : memref<!tpu.dma_semaphore, #tpu.memory_space<semaphore_mem>>) src(%dma_wait3A_1250 : memref<40x128xf32, #tpu.memory_space<vmem_shared>>) dst(%dma_wait3A_1248 : memref<40x128xf32, #tpu.memory_space<vmem>>)
      tpu.yield
    }) : () -> ()
    %run_scoped3A_1135 = arith.constant 0 : i32
    "tpu.region"() ({
      %run_scoped3A_1226 = tpu.sem_alloc : memref<!tpu.dma_semaphore, #tpu.memory_space<semaphore_mem>>
      %dma_start3A_1227 = arith.constant 0 : i32
      %dma_start3A_1228 = arith.constant 0 : i32
      %dma_start3A_1229 = tpu.memref_slice %arg10[%run_scoped3A_1135, %dma_start3A_1227, %dma_start3A_1228] : memref<5x40x128xf32, #tpu.memory_space<vmem>> -> memref<1x40x128xf32, #tpu.memory_space<vmem>>
      %dma_start3A_1230 = tpu.memref_squeeze %dma_start3A_1229 : memref<1x40x128xf32, #tpu.memory_space<vmem>> -> memref<40x128xf32, #tpu.memory_space<vmem>>
      %dma_start3A_1231 = arith.constant 0 : i32
      %dma_start3A_1232 = tpu.memref_slice %arg5[%arg0, %add3A_1133, %dma_start3A_1231] : memref<2x10240x128xf32, #tpu.memory_space<hbm>> -> memref<1x40x128xf32, #tpu.memory_space<hbm>>
      %dma_start3A_1233 = tpu.memref_squeeze %dma_start3A_1232 : memref<1x40x128xf32, #tpu.memory_space<hbm>> -> memref<40x128xf32, #tpu.memory_space<hbm>>
      %dma_start3A_1234 = arith.constant 0 : i32
      %dma_start3A_1235 = tpu.memref_slice %arg5[%arg0, %add3A_1133, %dma_start3A_1234] : memref<2x10240x128xf32, #tpu.memory_space<hbm>> -> memref<1x40x128xf32, #tpu.memory_space<hbm>>
      %dma_start3A_1236 = tpu.memref_squeeze %dma_start3A_1235 : memref<1x40x128xf32, #tpu.memory_space<hbm>> -> memref<40x128xf32, #tpu.memory_space<hbm>>
      %dma_start3A_1237 = arith.constant 0 : i32
      %dma_start3A_1238 = arith.constant 0 : i32
      %dma_start3A_1239 = tpu.memref_slice %arg10[%run_scoped3A_1135, %dma_start3A_1237, %dma_start3A_1238] : memref<5x40x128xf32, #tpu.memory_space<vmem>> -> memref<1x40x128xf32, #tpu.memory_space<vmem>>
      %dma_start3A_1240 = tpu.memref_squeeze %dma_start3A_1239 : memref<1x40x128xf32, #tpu.memory_space<vmem>> -> memref<40x128xf32, #tpu.memory_space<vmem>>
      tpu.enqueue_dma source(%dma_start3A_1240 : memref<40x128xf32, #tpu.memory_space<vmem>>) target(%dma_start3A_1236 : memref<40x128xf32, #tpu.memory_space<hbm>>) target_semaphore(%run_scoped3A_1226 : memref<!tpu.dma_semaphore, #tpu.memory_space<semaphore_mem>>)
      %dma_wait3A_1241 = arith.constant 0 : i32
      %dma_wait3A_1242 = arith.constant 0 : i32
      %dma_wait3A_1243 = tpu.memref_slice %arg10[%run_scoped3A_1135, %dma_wait3A_1241, %dma_wait3A_1242] : memref<5x40x128xf32, #tpu.memory_space<vmem>> -> memref<1x40x128xf32, #tpu.memory_space<vmem>>
      %dma_wait3A_1244 = tpu.memref_squeeze %dma_wait3A_1243 : memref<1x40x128xf32, #tpu.memory_space<vmem>> -> memref<40x128xf32, #tpu.memory_space<vmem>>
      %dma_wait3A_1245 = arith.constant 0 : i32
      %dma_wait3A_1246 = tpu.memref_slice %arg5[%arg0, %add3A_1133, %dma_wait3A_1245] : memref<2x10240x128xf32, #tpu.memory_space<hbm>> -> memref<1x40x128xf32, #tpu.memory_space<hbm>>
      %dma_wait3A_1247 = tpu.memref_squeeze %dma_wait3A_1246 : memref<1x40x128xf32, #tpu.memory_space<hbm>> -> memref<40x128xf32, #tpu.memory_space<hbm>>
      %dma_wait3A_1248 = arith.constant 0 : i32
      %dma_wait3A_1249 = tpu.memref_slice %arg5[%arg0, %add3A_1133, %dma_wait3A_1248] : memref<2x10240x128xf32, #tpu.memory_space<hbm>> -> memref<1x40x128xf32, #tpu.memory_space<hbm>>
      %dma_wait3A_1250 = tpu.memref_squeeze %dma_wait3A_1249 : memref<1x40x128xf32, #tpu.memory_space<hbm>> -> memref<40x128xf32, #tpu.memory_space<hbm>>
      %dma_wait3A_1251 = arith.constant 0 : i32
      %dma_wait3A_1252 = arith.constant 0 : i32
      %dma_wait3A_1253 = tpu.memref_slice %arg10[%run_scoped3A_1135, %dma_wait3A_1251, %dma_wait3A_1252] : memref<5x40x128xf32, #tpu.memory_space<vmem>> -> memref<1x40x128xf32, #tpu.memory_space<vmem>>
      %dma_wait3A_1254 = tpu.memref_squeeze %dma_wait3A_1253 : memref<1x40x128xf32, #tpu.memory_space<vmem>> -> memref<40x128xf32, #tpu.memory_space<vmem>>
      tpu.wait_dma2 semaphore(%run_scoped3A_1226 : memref<!tpu.dma_semaphore, #tpu.memory_space<semaphore_mem>>) src(%dma_wait3A_1254 : memref<40x128xf32, #tpu.memory_space<vmem>>) dst(%dma_wait3A_1250 : memref<40x128xf32, #tpu.memory_space<hbm>>)
      tpu.yield
    }) : () -> ()
    %mul3A_1136 = arith.constant 640 : i32
    %mul3A_1137 = arith.muli %arg1, %mul3A_1136 : i32
    %add3A_1138 = arith.constant 40 : i32
    %add3A_1139 = arith.addi %mul3A_1137, %add3A_1138 : i32
    %run_scoped3A_1140 = arith.constant 1 : i32
    "tpu.region"() ({
      %run_scoped3A_1226 = tpu.sem_alloc : memref<!tpu.dma_semaphore, #tpu.memory_space<semaphore_mem>>
      %dma_start3A_1227 = arith.constant 0 : i32
      %dma_start3A_1228 = arith.constant 0 : i32
      %dma_start3A_1229 = tpu.memref_slice %arg10[%run_scoped3A_1140, %dma_start3A_1227, %dma_start3A_1228] : memref<5x40x128xf32, #tpu.memory_space<vmem>> -> memref<1x40x128xf32, #tpu.memory_space<vmem>>
      %dma_start3A_1230 = tpu.memref_squeeze %dma_start3A_1229 : memref<1x40x128xf32, #tpu.memory_space<vmem>> -> memref<40x128xf32, #tpu.memory_space<vmem>>
      %dma_start3A_1231 = arith.constant 0 : i32
      %dma_start3A_1232 = tpu.memref_slice %arg38[%add3A_1139, %dma_start3A_1231] : memref<10240x128xf32, #tpu.memory_space<vmem_shared>> -> memref<40x128xf32, #tpu.memory_space<vmem_shared>>
      %dma_start3A_1233 = arith.constant 0 : i32
      %dma_start3A_1234 = arith.constant 0 : i32
      %dma_start3A_1235 = tpu.memref_slice %arg10[%run_scoped3A_1140, %dma_start3A_1233, %dma_start3A_1234] : memref<5x40x128xf32, #tpu.memory_space<vmem>> -> memref<1x40x128xf32, #tpu.memory_space<vmem>>
      %dma_start3A_1236 = tpu.memref_squeeze %dma_start3A_1235 : memref<1x40x128xf32, #tpu.memory_space<vmem>> -> memref<40x128xf32, #tpu.memory_space<vmem>>
      %dma_start3A_1237 = arith.constant 0 : i32
      %dma_start3A_1238 = tpu.memref_slice %arg38[%add3A_1139, %dma_start3A_1237] : memref<10240x128xf32, #tpu.memory_space<vmem_shared>> -> memref<40x128xf32, #tpu.memory_space<vmem_shared>>
      tpu.enqueue_dma source(%dma_start3A_1238 : memref<40x128xf32, #tpu.memory_space<vmem_shared>>) target(%dma_start3A_1236 : memref<40x128xf32, #tpu.memory_space<vmem>>) target_semaphore(%run_scoped3A_1226 : memref<!tpu.dma_semaphore, #tpu.memory_space<semaphore_mem>>)
      %dma_wait3A_1239 = arith.constant 0 : i32
      %dma_wait3A_1240 = arith.constant 0 : i32
      %dma_wait3A_1241 = tpu.memref_slice %arg10[%run_scoped3A_1140, %dma_wait3A_1239, %dma_wait3A_1240] : memref<5x40x128xf32, #tpu.memory_space<vmem>> -> memref<1x40x128xf32, #tpu.memory_space<vmem>>
      %dma_wait3A_1242 = tpu.memref_squeeze %dma_wait3A_1241 : memref<1x40x128xf32, #tpu.memory_space<vmem>> -> memref<40x128xf32, #tpu.memory_space<vmem>>
      %dma_wait3A_1243 = arith.constant 0 : i32
      %dma_wait3A_1244 = tpu.memref_slice %arg38[%add3A_1139, %dma_wait3A_1243] : memref<10240x128xf32, #tpu.memory_space<vmem_shared>> -> memref<40x128xf32, #tpu.memory_space<vmem_shared>>
      %dma_wait3A_1245 = arith.constant 0 : i32
      %dma_wait3A_1246 = arith.constant 0 : i32
      %dma_wait3A_1247 = tpu.memref_slice %arg10[%run_scoped3A_1140, %dma_wait3A_1245, %dma_wait3A_1246] : memref<5x40x128xf32, #tpu.memory_space<vmem>> -> memref<1x40x128xf32, #tpu.memory_space<vmem>>
      %dma_wait3A_1248 = tpu.memref_squeeze %dma_wait3A_1247 : memref<1x40x128xf32, #tpu.memory_space<vmem>> -> memref<40x128xf32, #tpu.memory_space<vmem>>
      %dma_wait3A_1249 = arith.constant 0 : i32
      %dma_wait3A_1250 = tpu.memref_slice %arg38[%add3A_1139, %dma_wait3A_1249] : memref<10240x128xf32, #tpu.memory_space<vmem_shared>> -> memref<40x128xf32, #tpu.memory_space<vmem_shared>>
      tpu.wait_dma2 semaphore(%run_scoped3A_1226 : memref<!tpu.dma_semaphore, #tpu.memory_space<semaphore_mem>>) src(%dma_wait3A_1250 : memref<40x128xf32, #tpu.memory_space<vmem_shared>>) dst(%dma_wait3A_1248 : memref<40x128xf32, #tpu.memory_space<vmem>>)
      tpu.yield
    }) : () -> ()
    %run_scoped3A_1141 = arith.constant 1 : i32
    "tpu.region"() ({
      %run_scoped3A_1226 = tpu.sem_alloc : memref<!tpu.dma_semaphore, #tpu.memory_space<semaphore_mem>>
      %dma_start3A_1227 = arith.constant 0 : i32
      %dma_start3A_1228 = arith.constant 0 : i32
      %dma_start3A_1229 = tpu.memref_slice %arg10[%run_scoped3A_1141, %dma_start3A_1227, %dma_start3A_1228] : memref<5x40x128xf32, #tpu.memory_space<vmem>> -> memref<1x40x128xf32, #tpu.memory_space<vmem>>
      %dma_start3A_1230 = tpu.memref_squeeze %dma_start3A_1229 : memref<1x40x128xf32, #tpu.memory_space<vmem>> -> memref<40x128xf32, #tpu.memory_space<vmem>>
      %dma_start3A_1231 = arith.constant 0 : i32
      %dma_start3A_1232 = tpu.memref_slice %arg5[%arg0, %add3A_1139, %dma_start3A_1231] : memref<2x10240x128xf32, #tpu.memory_space<hbm>> -> memref<1x40x128xf32, #tpu.memory_space<hbm>>
      %dma_start3A_1233 = tpu.memref_squeeze %dma_start3A_1232 : memref<1x40x128xf32, #tpu.memory_space<hbm>> -> memref<40x128xf32, #tpu.memory_space<hbm>>
      %dma_start3A_1234 = arith.constant 0 : i32
      %dma_start3A_1235 = tpu.memref_slice %arg5[%arg0, %add3A_1139, %dma_start3A_1234] : memref<2x10240x128xf32, #tpu.memory_space<hbm>> -> memref<1x40x128xf32, #tpu.memory_space<hbm>>
      %dma_start3A_1236 = tpu.memref_squeeze %dma_start3A_1235 : memref<1x40x128xf32, #tpu.memory_space<hbm>> -> memref<40x128xf32, #tpu.memory_space<hbm>>
      %dma_start3A_1237 = arith.constant 0 : i32
      %dma_start3A_1238 = arith.constant 0 : i32
      %dma_start3A_1239 = tpu.memref_slice %arg10[%run_scoped3A_1141, %dma_start3A_1237, %dma_start3A_1238] : memref<5x40x128xf32, #tpu.memory_space<vmem>> -> memref<1x40x128xf32, #tpu.memory_space<vmem>>
      %dma_start3A_1240 = tpu.memref_squeeze %dma_start3A_1239 : memref<1x40x128xf32, #tpu.memory_space<vmem>> -> memref<40x128xf32, #tpu.memory_space<vmem>>
      tpu.enqueue_dma source(%dma_start3A_1240 : memref<40x128xf32, #tpu.memory_space<vmem>>) target(%dma_start3A_1236 : memref<40x128xf32, #tpu.memory_space<hbm>>) target_semaphore(%run_scoped3A_1226 : memref<!tpu.dma_semaphore, #tpu.memory_space<semaphore_mem>>)
      %dma_wait3A_1241 = arith.constant 0 : i32
      %dma_wait3A_1242 = arith.constant 0 : i32
      %dma_wait3A_1243 = tpu.memref_slice %arg10[%run_scoped3A_1141, %dma_wait3A_1241, %dma_wait3A_1242] : memref<5x40x128xf32, #tpu.memory_space<vmem>> -> memref<1x40x128xf32, #tpu.memory_space<vmem>>
      %dma_wait3A_1244 = tpu.memref_squeeze %dma_wait3A_1243 : memref<1x40x128xf32, #tpu.memory_space<vmem>> -> memref<40x128xf32, #tpu.memory_space<vmem>>
      %dma_wait3A_1245 = arith.constant 0 : i32
      %dma_wait3A_1246 = tpu.memref_slice %arg5[%arg0, %add3A_1139, %dma_wait3A_1245] : memref<2x10240x128xf32, #tpu.memory_space<hbm>> -> memref<1x40x128xf32, #tpu.memory_space<hbm>>
      %dma_wait3A_1247 = tpu.memref_squeeze %dma_wait3A_1246 : memref<1x40x128xf32, #tpu.memory_space<hbm>> -> memref<40x128xf32, #tpu.memory_space<hbm>>
      %dma_wait3A_1248 = arith.constant 0 : i32
      %dma_wait3A_1249 = tpu.memref_slice %arg5[%arg0, %add3A_1139, %dma_wait3A_1248] : memref<2x10240x128xf32, #tpu.memory_space<hbm>> -> memref<1x40x128xf32, #tpu.memory_space<hbm>>
      %dma_wait3A_1250 = tpu.memref_squeeze %dma_wait3A_1249 : memref<1x40x128xf32, #tpu.memory_space<hbm>> -> memref<40x128xf32, #tpu.memory_space<hbm>>
      %dma_wait3A_1251 = arith.constant 0 : i32
      %dma_wait3A_1252 = arith.constant 0 : i32
      %dma_wait3A_1253 = tpu.memref_slice %arg10[%run_scoped3A_1141, %dma_wait3A_1251, %dma_wait3A_1252] : memref<5x40x128xf32, #tpu.memory_space<vmem>> -> memref<1x40x128xf32, #tpu.memory_space<vmem>>
      %dma_wait3A_1254 = tpu.memref_squeeze %dma_wait3A_1253 : memref<1x40x128xf32, #tpu.memory_space<vmem>> -> memref<40x128xf32, #tpu.memory_space<vmem>>
      tpu.wait_dma2 semaphore(%run_scoped3A_1226 : memref<!tpu.dma_semaphore, #tpu.memory_space<semaphore_mem>>) src(%dma_wait3A_1254 : memref<40x128xf32, #tpu.memory_space<vmem>>) dst(%dma_wait3A_1250 : memref<40x128xf32, #tpu.memory_space<hbm>>)
      tpu.yield
    }) : () -> ()
    %mul3A_1142 = arith.constant 640 : i32
    %mul3A_1143 = arith.muli %arg1, %mul3A_1142 : i32
    %add3A_1144 = arith.constant 80 : i32
    %add3A_1145 = arith.addi %mul3A_1143, %add3A_1144 : i32
    %run_scoped3A_1146 = arith.constant 2 : i32
    "tpu.region"() ({
      %run_scoped3A_1226 = tpu.sem_alloc : memref<!tpu.dma_semaphore, #tpu.memory_space<semaphore_mem>>
      %dma_start3A_1227 = arith.constant 0 : i32
      %dma_start3A_1228 = arith.constant 0 : i32
      %dma_start3A_1229 = tpu.memref_slice %arg10[%run_scoped3A_1146, %dma_start3A_1227, %dma_start3A_1228] : memref<5x40x128xf32, #tpu.memory_space<vmem>> -> memref<1x40x128xf32, #tpu.memory_space<vmem>>
      %dma_start3A_1230 = tpu.memref_squeeze %dma_start3A_1229 : memref<1x40x128xf32, #tpu.memory_space<vmem>> -> memref<40x128xf32, #tpu.memory_space<vmem>>
      %dma_start3A_1231 = arith.constant 0 : i32
      %dma_start3A_1232 = tpu.memref_slice %arg38[%add3A_1145, %dma_start3A_1231] : memref<10240x128xf32, #tpu.memory_space<vmem_shared>> -> memref<40x128xf32, #tpu.memory_space<vmem_shared>>
      %dma_start3A_1233 = arith.constant 0 : i32
      %dma_start3A_1234 = arith.constant 0 : i32
      %dma_start3A_1235 = tpu.memref_slice %arg10[%run_scoped3A_1146, %dma_start3A_1233, %dma_start3A_1234] : memref<5x40x128xf32, #tpu.memory_space<vmem>> -> memref<1x40x128xf32, #tpu.memory_space<vmem>>
      %dma_start3A_1236 = tpu.memref_squeeze %dma_start3A_1235 : memref<1x40x128xf32, #tpu.memory_space<vmem>> -> memref<40x128xf32, #tpu.memory_space<vmem>>
      %dma_start3A_1237 = arith.constant 0 : i32
      %dma_start3A_1238 = tpu.memref_slice %arg38[%add3A_1145, %dma_start3A_1237] : memref<10240x128xf32, #tpu.memory_space<vmem_shared>> -> memref<40x128xf32, #tpu.memory_space<vmem_shared>>
      tpu.enqueue_dma source(%dma_start3A_1238 : memref<40x128xf32, #tpu.memory_space<vmem_shared>>) target(%dma_start3A_1236 : memref<40x128xf32, #tpu.memory_space<vmem>>) target_semaphore(%run_scoped3A_1226 : memref<!tpu.dma_semaphore, #tpu.memory_space<semaphore_mem>>)
      %dma_wait3A_1239 = arith.constant 0 : i32
      %dma_wait3A_1240 = arith.constant 0 : i32
      %dma_wait3A_1241 = tpu.memref_slice %arg10[%run_scoped3A_1146, %dma_wait3A_1239, %dma_wait3A_1240] : memref<5x40x128xf32, #tpu.memory_space<vmem>> -> memref<1x40x128xf32, #tpu.memory_space<vmem>>
      %dma_wait3A_1242 = tpu.memref_squeeze %dma_wait3A_1241 : memref<1x40x128xf32, #tpu.memory_space<vmem>> -> memref<40x128xf32, #tpu.memory_space<vmem>>
      %dma_wait3A_1243 = arith.constant 0 : i32
      %dma_wait3A_1244 = tpu.memref_slice %arg38[%add3A_1145, %dma_wait3A_1243] : memref<10240x128xf32, #tpu.memory_space<vmem_shared>> -> memref<40x128xf32, #tpu.memory_space<vmem_shared>>
      %dma_wait3A_1245 = arith.constant 0 : i32
      %dma_wait3A_1246 = arith.constant 0 : i32
      %dma_wait3A_1247 = tpu.memref_slice %arg10[%run_scoped3A_1146, %dma_wait3A_1245, %dma_wait3A_1246] : memref<5x40x128xf32, #tpu.memory_space<vmem>> -> memref<1x40x128xf32, #tpu.memory_space<vmem>>
      %dma_wait3A_1248 = tpu.memref_squeeze %dma_wait3A_1247 : memref<1x40x128xf32, #tpu.memory_space<vmem>> -> memref<40x128xf32, #tpu.memory_space<vmem>>
      %dma_wait3A_1249 = arith.constant 0 : i32
      %dma_wait3A_1250 = tpu.memref_slice %arg38[%add3A_1145, %dma_wait3A_1249] : memref<10240x128xf32, #tpu.memory_space<vmem_shared>> -> memref<40x128xf32, #tpu.memory_space<vmem_shared>>
      tpu.wait_dma2 semaphore(%run_scoped3A_1226 : memref<!tpu.dma_semaphore, #tpu.memory_space<semaphore_mem>>) src(%dma_wait3A_1250 : memref<40x128xf32, #tpu.memory_space<vmem_shared>>) dst(%dma_wait3A_1248 : memref<40x128xf32, #tpu.memory_space<vmem>>)
      tpu.yield
    }) : () -> ()
    %run_scoped3A_1147 = arith.constant 2 : i32
    "tpu.region"() ({
      %run_scoped3A_1226 = tpu.sem_alloc : memref<!tpu.dma_semaphore, #tpu.memory_space<semaphore_mem>>
      %dma_start3A_1227 = arith.constant 0 : i32
      %dma_start3A_1228 = arith.constant 0 : i32
      %dma_start3A_1229 = tpu.memref_slice %arg10[%run_scoped3A_1147, %dma_start3A_1227, %dma_start3A_1228] : memref<5x40x128xf32, #tpu.memory_space<vmem>> -> memref<1x40x128xf32, #tpu.memory_space<vmem>>
      %dma_start3A_1230 = tpu.memref_squeeze %dma_start3A_1229 : memref<1x40x128xf32, #tpu.memory_space<vmem>> -> memref<40x128xf32, #tpu.memory_space<vmem>>
      %dma_start3A_1231 = arith.constant 0 : i32
      %dma_start3A_1232 = tpu.memref_slice %arg5[%arg0, %add3A_1145, %dma_start3A_1231] : memref<2x10240x128xf32, #tpu.memory_space<hbm>> -> memref<1x40x128xf32, #tpu.memory_space<hbm>>
      %dma_start3A_1233 = tpu.memref_squeeze %dma_start3A_1232 : memref<1x40x128xf32, #tpu.memory_space<hbm>> -> memref<40x128xf32, #tpu.memory_space<hbm>>
      %dma_start3A_1234 = arith.constant 0 : i32
      %dma_start3A_1235 = tpu.memref_slice %arg5[%arg0, %add3A_1145, %dma_start3A_1234] : memref<2x10240x128xf32, #tpu.memory_space<hbm>> -> memref<1x40x128xf32, #tpu.memory_space<hbm>>
      %dma_start3A_1236 = tpu.memref_squeeze %dma_start3A_1235 : memref<1x40x128xf32, #tpu.memory_space<hbm>> -> memref<40x128xf32, #tpu.memory_space<hbm>>
      %dma_start3A_1237 = arith.constant 0 : i32
      %dma_start3A_1238 = arith.constant 0 : i32
      %dma_start3A_1239 = tpu.memref_slice %arg10[%run_scoped3A_1147, %dma_start3A_1237, %dma_start3A_1238] : memref<5x40x128xf32, #tpu.memory_space<vmem>> -> memref<1x40x128xf32, #tpu.memory_space<vmem>>
      %dma_start3A_1240 = tpu.memref_squeeze %dma_start3A_1239 : memref<1x40x128xf32, #tpu.memory_space<vmem>> -> memref<40x128xf32, #tpu.memory_space<vmem>>
      tpu.enqueue_dma source(%dma_start3A_1240 : memref<40x128xf32, #tpu.memory_space<vmem>>) target(%dma_start3A_1236 : memref<40x128xf32, #tpu.memory_space<hbm>>) target_semaphore(%run_scoped3A_1226 : memref<!tpu.dma_semaphore, #tpu.memory_space<semaphore_mem>>)
      %dma_wait3A_1241 = arith.constant 0 : i32
      %dma_wait3A_1242 = arith.constant 0 : i32
      %dma_wait3A_1243 = tpu.memref_slice %arg10[%run_scoped3A_1147, %dma_wait3A_1241, %dma_wait3A_1242] : memref<5x40x128xf32, #tpu.memory_space<vmem>> -> memref<1x40x128xf32, #tpu.memory_space<vmem>>
      %dma_wait3A_1244 = tpu.memref_squeeze %dma_wait3A_1243 : memref<1x40x128xf32, #tpu.memory_space<vmem>> -> memref<40x128xf32, #tpu.memory_space<vmem>>
      %dma_wait3A_1245 = arith.constant 0 : i32
      %dma_wait3A_1246 = tpu.memref_slice %arg5[%arg0, %add3A_1145, %dma_wait3A_1245] : memref<2x10240x128xf32, #tpu.memory_space<hbm>> -> memref<1x40x128xf32, #tpu.memory_space<hbm>>
      %dma_wait3A_1247 = tpu.memref_squeeze %dma_wait3A_1246 : memref<1x40x128xf32, #tpu.memory_space<hbm>> -> memref<40x128xf32, #tpu.memory_space<hbm>>
      %dma_wait3A_1248 = arith.constant 0 : i32
      %dma_wait3A_1249 = tpu.memref_slice %arg5[%arg0, %add3A_1145, %dma_wait3A_1248] : memref<2x10240x128xf32, #tpu.memory_space<hbm>> -> memref<1x40x128xf32, #tpu.memory_space<hbm>>
      %dma_wait3A_1250 = tpu.memref_squeeze %dma_wait3A_1249 : memref<1x40x128xf32, #tpu.memory_space<hbm>> -> memref<40x128xf32, #tpu.memory_space<hbm>>
      %dma_wait3A_1251 = arith.constant 0 : i32
      %dma_wait3A_1252 = arith.constant 0 : i32
      %dma_wait3A_1253 = tpu.memref_slice %arg10[%run_scoped3A_1147, %dma_wait3A_1251, %dma_wait3A_1252] : memref<5x40x128xf32, #tpu.memory_space<vmem>> -> memref<1x40x128xf32, #tpu.memory_space<vmem>>
      %dma_wait3A_1254 = tpu.memref_squeeze %dma_wait3A_1253 : memref<1x40x128xf32, #tpu.memory_space<vmem>> -> memref<40x128xf32, #tpu.memory_space<vmem>>
      tpu.wait_dma2 semaphore(%run_scoped3A_1226 : memref<!tpu.dma_semaphore, #tpu.memory_space<semaphore_mem>>) src(%dma_wait3A_1254 : memref<40x128xf32, #tpu.memory_space<vmem>>) dst(%dma_wait3A_1250 : memref<40x128xf32, #tpu.memory_space<hbm>>)
      tpu.yield
    }) : () -> ()
    %mul3A_1148 = arith.constant 640 : i32
    %mul3A_1149 = arith.muli %arg1, %mul3A_1148 : i32
    %add3A_1150 = arith.constant 120 : i32
    %add3A_1151 = arith.addi %mul3A_1149, %add3A_1150 : i32
    %run_scoped3A_1152 = arith.constant 3 : i32
    "tpu.region"() ({
      %run_scoped3A_1226 = tpu.sem_alloc : memref<!tpu.dma_semaphore, #tpu.memory_space<semaphore_mem>>
      %dma_start3A_1227 = arith.constant 0 : i32
      %dma_start3A_1228 = arith.constant 0 : i32
      %dma_start3A_1229 = tpu.memref_slice %arg10[%run_scoped3A_1152, %dma_start3A_1227, %dma_start3A_1228] : memref<5x40x128xf32, #tpu.memory_space<vmem>> -> memref<1x40x128xf32, #tpu.memory_space<vmem>>
      %dma_start3A_1230 = tpu.memref_squeeze %dma_start3A_1229 : memref<1x40x128xf32, #tpu.memory_space<vmem>> -> memref<40x128xf32, #tpu.memory_space<vmem>>
      %dma_start3A_1231 = arith.constant 0 : i32
      %dma_start3A_1232 = tpu.memref_slice %arg38[%add3A_1151, %dma_start3A_1231] : memref<10240x128xf32, #tpu.memory_space<vmem_shared>> -> memref<40x128xf32, #tpu.memory_space<vmem_shared>>
      %dma_start3A_1233 = arith.constant 0 : i32
      %dma_start3A_1234 = arith.constant 0 : i32
      %dma_start3A_1235 = tpu.memref_slice %arg10[%run_scoped3A_1152, %dma_start3A_1233, %dma_start3A_1234] : memref<5x40x128xf32, #tpu.memory_space<vmem>> -> memref<1x40x128xf32, #tpu.memory_space<vmem>>
      %dma_start3A_1236 = tpu.memref_squeeze %dma_start3A_1235 : memref<1x40x128xf32, #tpu.memory_space<vmem>> -> memref<40x128xf32, #tpu.memory_space<vmem>>
      %dma_start3A_1237 = arith.constant 0 : i32
      %dma_start3A_1238 = tpu.memref_slice %arg38[%add3A_1151, %dma_start3A_1237] : memref<10240x128xf32, #tpu.memory_space<vmem_shared>> -> memref<40x128xf32, #tpu.memory_space<vmem_shared>>
      tpu.enqueue_dma source(%dma_start3A_1238 : memref<40x128xf32, #tpu.memory_space<vmem_shared>>) target(%dma_start3A_1236 : memref<40x128xf32, #tpu.memory_space<vmem>>) target_semaphore(%run_scoped3A_1226 : memref<!tpu.dma_semaphore, #tpu.memory_space<semaphore_mem>>)
      %dma_wait3A_1239 = arith.constant 0 : i32
      %dma_wait3A_1240 = arith.constant 0 : i32
      %dma_wait3A_1241 = tpu.memref_slice %arg10[%run_scoped3A_1152, %dma_wait3A_1239, %dma_wait3A_1240] : memref<5x40x128xf32, #tpu.memory_space<vmem>> -> memref<1x40x128xf32, #tpu.memory_space<vmem>>
      %dma_wait3A_1242 = tpu.memref_squeeze %dma_wait3A_1241 : memref<1x40x128xf32, #tpu.memory_space<vmem>> -> memref<40x128xf32, #tpu.memory_space<vmem>>
      %dma_wait3A_1243 = arith.constant 0 : i32
      %dma_wait3A_1244 = tpu.memref_slice %arg38[%add3A_1151, %dma_wait3A_1243] : memref<10240x128xf32, #tpu.memory_space<vmem_shared>> -> memref<40x128xf32, #tpu.memory_space<vmem_shared>>
      %dma_wait3A_1245 = arith.constant 0 : i32
      %dma_wait3A_1246 = arith.constant 0 : i32
      %dma_wait3A_1247 = tpu.memref_slice %arg10[%run_scoped3A_1152, %dma_wait3A_1245, %dma_wait3A_1246] : memref<5x40x128xf32, #tpu.memory_space<vmem>> -> memref<1x40x128xf32, #tpu.memory_space<vmem>>
      %dma_wait3A_1248 = tpu.memref_squeeze %dma_wait3A_1247 : memref<1x40x128xf32, #tpu.memory_space<vmem>> -> memref<40x128xf32, #tpu.memory_space<vmem>>
      %dma_wait3A_1249 = arith.constant 0 : i32
      %dma_wait3A_1250 = tpu.memref_slice %arg38[%add3A_1151, %dma_wait3A_1249] : memref<10240x128xf32, #tpu.memory_space<vmem_shared>> -> memref<40x128xf32, #tpu.memory_space<vmem_shared>>
      tpu.wait_dma2 semaphore(%run_scoped3A_1226 : memref<!tpu.dma_semaphore, #tpu.memory_space<semaphore_mem>>) src(%dma_wait3A_1250 : memref<40x128xf32, #tpu.memory_space<vmem_shared>>) dst(%dma_wait3A_1248 : memref<40x128xf32, #tpu.memory_space<vmem>>)
      tpu.yield
    }) : () -> ()
    %run_scoped3A_1153 = arith.constant 3 : i32
    "tpu.region"() ({
      %run_scoped3A_1226 = tpu.sem_alloc : memref<!tpu.dma_semaphore, #tpu.memory_space<semaphore_mem>>
      %dma_start3A_1227 = arith.constant 0 : i32
      %dma_start3A_1228 = arith.constant 0 : i32
      %dma_start3A_1229 = tpu.memref_slice %arg10[%run_scoped3A_1153, %dma_start3A_1227, %dma_start3A_1228] : memref<5x40x128xf32, #tpu.memory_space<vmem>> -> memref<1x40x128xf32, #tpu.memory_space<vmem>>
      %dma_start3A_1230 = tpu.memref_squeeze %dma_start3A_1229 : memref<1x40x128xf32, #tpu.memory_space<vmem>> -> memref<40x128xf32, #tpu.memory_space<vmem>>
      %dma_start3A_1231 = arith.constant 0 : i32
      %dma_start3A_1232 = tpu.memref_slice %arg5[%arg0, %add3A_1151, %dma_start3A_1231] : memref<2x10240x128xf32, #tpu.memory_space<hbm>> -> memref<1x40x128xf32, #tpu.memory_space<hbm>>
      %dma_start3A_1233 = tpu.memref_squeeze %dma_start3A_1232 : memref<1x40x128xf32, #tpu.memory_space<hbm>> -> memref<40x128xf32, #tpu.memory_space<hbm>>
      %dma_start3A_1234 = arith.constant 0 : i32
      %dma_start3A_1235 = tpu.memref_slice %arg5[%arg0, %add3A_1151, %dma_start3A_1234] : memref<2x10240x128xf32, #tpu.memory_space<hbm>> -> memref<1x40x128xf32, #tpu.memory_space<hbm>>
      %dma_start3A_1236 = tpu.memref_squeeze %dma_start3A_1235 : memref<1x40x128xf32, #tpu.memory_space<hbm>> -> memref<40x128xf32, #tpu.memory_space<hbm>>
      %dma_start3A_1237 = arith.constant 0 : i32
      %dma_start3A_1238 = arith.constant 0 : i32
      %dma_start3A_1239 = tpu.memref_slice %arg10[%run_scoped3A_1153, %dma_start3A_1237, %dma_start3A_1238] : memref<5x40x128xf32, #tpu.memory_space<vmem>> -> memref<1x40x128xf32, #tpu.memory_space<vmem>>
      %dma_start3A_1240 = tpu.memref_squeeze %dma_start3A_1239 : memref<1x40x128xf32, #tpu.memory_space<vmem>> -> memref<40x128xf32, #tpu.memory_space<vmem>>
      tpu.enqueue_dma source(%dma_start3A_1240 : memref<40x128xf32, #tpu.memory_space<vmem>>) target(%dma_start3A_1236 : memref<40x128xf32, #tpu.memory_space<hbm>>) target_semaphore(%run_scoped3A_1226 : memref<!tpu.dma_semaphore, #tpu.memory_space<semaphore_mem>>)
      %dma_wait3A_1241 = arith.constant 0 : i32
      %dma_wait3A_1242 = arith.constant 0 : i32
      %dma_wait3A_1243 = tpu.memref_slice %arg10[%run_scoped3A_1153, %dma_wait3A_1241, %dma_wait3A_1242] : memref<5x40x128xf32, #tpu.memory_space<vmem>> -> memref<1x40x128xf32, #tpu.memory_space<vmem>>
      %dma_wait3A_1244 = tpu.memref_squeeze %dma_wait3A_1243 : memref<1x40x128xf32, #tpu.memory_space<vmem>> -> memref<40x128xf32, #tpu.memory_space<vmem>>
      %dma_wait3A_1245 = arith.constant 0 : i32
      %dma_wait3A_1246 = tpu.memref_slice %arg5[%arg0, %add3A_1151, %dma_wait3A_1245] : memref<2x10240x128xf32, #tpu.memory_space<hbm>> -> memref<1x40x128xf32, #tpu.memory_space<hbm>>
      %dma_wait3A_1247 = tpu.memref_squeeze %dma_wait3A_1246 : memref<1x40x128xf32, #tpu.memory_space<hbm>> -> memref<40x128xf32, #tpu.memory_space<hbm>>
      %dma_wait3A_1248 = arith.constant 0 : i32
      %dma_wait3A_1249 = tpu.memref_slice %arg5[%arg0, %add3A_1151, %dma_wait3A_1248] : memref<2x10240x128xf32, #tpu.memory_space<hbm>> -> memref<1x40x128xf32, #tpu.memory_space<hbm>>
      %dma_wait3A_1250 = tpu.memref_squeeze %dma_wait3A_1249 : memref<1x40x128xf32, #tpu.memory_space<hbm>> -> memref<40x128xf32, #tpu.memory_space<hbm>>
      %dma_wait3A_1251 = arith.constant 0 : i32
      %dma_wait3A_1252 = arith.constant 0 : i32
      %dma_wait3A_1253 = tpu.memref_slice %arg10[%run_scoped3A_1153, %dma_wait3A_1251, %dma_wait3A_1252] : memref<5x40x128xf32, #tpu.memory_space<vmem>> -> memref<1x40x128xf32, #tpu.memory_space<vmem>>
      %dma_wait3A_1254 = tpu.memref_squeeze %dma_wait3A_1253 : memref<1x40x128xf32, #tpu.memory_space<vmem>> -> memref<40x128xf32, #tpu.memory_space<vmem>>
      tpu.wait_dma2 semaphore(%run_scoped3A_1226 : memref<!tpu.dma_semaphore, #tpu.memory_space<semaphore_mem>>) src(%dma_wait3A_1254 : memref<40x128xf32, #tpu.memory_space<vmem>>) dst(%dma_wait3A_1250 : memref<40x128xf32, #tpu.memory_space<hbm>>)
      tpu.yield
    }) : () -> ()
    %mul3A_1154 = arith.constant 640 : i32
    %mul3A_1155 = arith.muli %arg1, %mul3A_1154 : i32
    %add3A_1156 = arith.constant 160 : i32
    %add3A_1157 = arith.addi %mul3A_1155, %add3A_1156 : i32
    %run_scoped3A_1158 = arith.constant 4 : i32
    "tpu.region"() ({
      %run_scoped3A_1226 = tpu.sem_alloc : memref<!tpu.dma_semaphore, #tpu.memory_space<semaphore_mem>>
      %dma_start3A_1227 = arith.constant 0 : i32
      %dma_start3A_1228 = arith.constant 0 : i32
      %dma_start3A_1229 = tpu.memref_slice %arg10[%run_scoped3A_1158, %dma_start3A_1227, %dma_start3A_1228] : memref<5x40x128xf32, #tpu.memory_space<vmem>> -> memref<1x40x128xf32, #tpu.memory_space<vmem>>
      %dma_start3A_1230 = tpu.memref_squeeze %dma_start3A_1229 : memref<1x40x128xf32, #tpu.memory_space<vmem>> -> memref<40x128xf32, #tpu.memory_space<vmem>>
      %dma_start3A_1231 = arith.constant 0 : i32
      %dma_start3A_1232 = tpu.memref_slice %arg38[%add3A_1157, %dma_start3A_1231] : memref<10240x128xf32, #tpu.memory_space<vmem_shared>> -> memref<40x128xf32, #tpu.memory_space<vmem_shared>>
      %dma_start3A_1233 = arith.constant 0 : i32
      %dma_start3A_1234 = arith.constant 0 : i32
      %dma_start3A_1235 = tpu.memref_slice %arg10[%run_scoped3A_1158, %dma_start3A_1233, %dma_start3A_1234] : memref<5x40x128xf32, #tpu.memory_space<vmem>> -> memref<1x40x128xf32, #tpu.memory_space<vmem>>
      %dma_start3A_1236 = tpu.memref_squeeze %dma_start3A_1235 : memref<1x40x128xf32, #tpu.memory_space<vmem>> -> memref<40x128xf32, #tpu.memory_space<vmem>>
      %dma_start3A_1237 = arith.constant 0 : i32
      %dma_start3A_1238 = tpu.memref_slice %arg38[%add3A_1157, %dma_start3A_1237] : memref<10240x128xf32, #tpu.memory_space<vmem_shared>> -> memref<40x128xf32, #tpu.memory_space<vmem_shared>>
      tpu.enqueue_dma source(%dma_start3A_1238 : memref<40x128xf32, #tpu.memory_space<vmem_shared>>) target(%dma_start3A_1236 : memref<40x128xf32, #tpu.memory_space<vmem>>) target_semaphore(%run_scoped3A_1226 : memref<!tpu.dma_semaphore, #tpu.memory_space<semaphore_mem>>)
      %dma_wait3A_1239 = arith.constant 0 : i32
      %dma_wait3A_1240 = arith.constant 0 : i32
      %dma_wait3A_1241 = tpu.memref_slice %arg10[%run_scoped3A_1158, %dma_wait3A_1239, %dma_wait3A_1240] : memref<5x40x128xf32, #tpu.memory_space<vmem>> -> memref<1x40x128xf32, #tpu.memory_space<vmem>>
      %dma_wait3A_1242 = tpu.memref_squeeze %dma_wait3A_1241 : memref<1x40x128xf32, #tpu.memory_space<vmem>> -> memref<40x128xf32, #tpu.memory_space<vmem>>
      %dma_wait3A_1243 = arith.constant 0 : i32
      %dma_wait3A_1244 = tpu.memref_slice %arg38[%add3A_1157, %dma_wait3A_1243] : memref<10240x128xf32, #tpu.memory_space<vmem_shared>> -> memref<40x128xf32, #tpu.memory_space<vmem_shared>>
      %dma_wait3A_1245 = arith.constant 0 : i32
      %dma_wait3A_1246 = arith.constant 0 : i32
      %dma_wait3A_1247 = tpu.memref_slice %arg10[%run_scoped3A_1158, %dma_wait3A_1245, %dma_wait3A_1246] : memref<5x40x128xf32, #tpu.memory_space<vmem>> -> memref<1x40x128xf32, #tpu.memory_space<vmem>>
      %dma_wait3A_1248 = tpu.memref_squeeze %dma_wait3A_1247 : memref<1x40x128xf32, #tpu.memory_space<vmem>> -> memref<40x128xf32, #tpu.memory_space<vmem>>
      %dma_wait3A_1249 = arith.constant 0 : i32
      %dma_wait3A_1250 = tpu.memref_slice %arg38[%add3A_1157, %dma_wait3A_1249] : memref<10240x128xf32, #tpu.memory_space<vmem_shared>> -> memref<40x128xf32, #tpu.memory_space<vmem_shared>>
      tpu.wait_dma2 semaphore(%run_scoped3A_1226 : memref<!tpu.dma_semaphore, #tpu.memory_space<semaphore_mem>>) src(%dma_wait3A_1250 : memref<40x128xf32, #tpu.memory_space<vmem_shared>>) dst(%dma_wait3A_1248 : memref<40x128xf32, #tpu.memory_space<vmem>>)
      tpu.yield
    }) : () -> ()
    %run_scoped3A_1159 = arith.constant 4 : i32
    "tpu.region"() ({
      %run_scoped3A_1226 = tpu.sem_alloc : memref<!tpu.dma_semaphore, #tpu.memory_space<semaphore_mem>>
      %dma_start3A_1227 = arith.constant 0 : i32
      %dma_start3A_1228 = arith.constant 0 : i32
      %dma_start3A_1229 = tpu.memref_slice %arg10[%run_scoped3A_1159, %dma_start3A_1227, %dma_start3A_1228] : memref<5x40x128xf32, #tpu.memory_space<vmem>> -> memref<1x40x128xf32, #tpu.memory_space<vmem>>
      %dma_start3A_1230 = tpu.memref_squeeze %dma_start3A_1229 : memref<1x40x128xf32, #tpu.memory_space<vmem>> -> memref<40x128xf32, #tpu.memory_space<vmem>>
      %dma_start3A_1231 = arith.constant 0 : i32
      %dma_start3A_1232 = tpu.memref_slice %arg5[%arg0, %add3A_1157, %dma_start3A_1231] : memref<2x10240x128xf32, #tpu.memory_space<hbm>> -> memref<1x40x128xf32, #tpu.memory_space<hbm>>
      %dma_start3A_1233 = tpu.memref_squeeze %dma_start3A_1232 : memref<1x40x128xf32, #tpu.memory_space<hbm>> -> memref<40x128xf32, #tpu.memory_space<hbm>>
      %dma_start3A_1234 = arith.constant 0 : i32
      %dma_start3A_1235 = tpu.memref_slice %arg5[%arg0, %add3A_1157, %dma_start3A_1234] : memref<2x10240x128xf32, #tpu.memory_space<hbm>> -> memref<1x40x128xf32, #tpu.memory_space<hbm>>
      %dma_start3A_1236 = tpu.memref_squeeze %dma_start3A_1235 : memref<1x40x128xf32, #tpu.memory_space<hbm>> -> memref<40x128xf32, #tpu.memory_space<hbm>>
      %dma_start3A_1237 = arith.constant 0 : i32
      %dma_start3A_1238 = arith.constant 0 : i32
      %dma_start3A_1239 = tpu.memref_slice %arg10[%run_scoped3A_1159, %dma_start3A_1237, %dma_start3A_1238] : memref<5x40x128xf32, #tpu.memory_space<vmem>> -> memref<1x40x128xf32, #tpu.memory_space<vmem>>
      %dma_start3A_1240 = tpu.memref_squeeze %dma_start3A_1239 : memref<1x40x128xf32, #tpu.memory_space<vmem>> -> memref<40x128xf32, #tpu.memory_space<vmem>>
      tpu.enqueue_dma source(%dma_start3A_1240 : memref<40x128xf32, #tpu.memory_space<vmem>>) target(%dma_start3A_1236 : memref<40x128xf32, #tpu.memory_space<hbm>>) target_semaphore(%run_scoped3A_1226 : memref<!tpu.dma_semaphore, #tpu.memory_space<semaphore_mem>>)
      %dma_wait3A_1241 = arith.constant 0 : i32
      %dma_wait3A_1242 = arith.constant 0 : i32
      %dma_wait3A_1243 = tpu.memref_slice %arg10[%run_scoped3A_1159, %dma_wait3A_1241, %dma_wait3A_1242] : memref<5x40x128xf32, #tpu.memory_space<vmem>> -> memref<1x40x128xf32, #tpu.memory_space<vmem>>
      %dma_wait3A_1244 = tpu.memref_squeeze %dma_wait3A_1243 : memref<1x40x128xf32, #tpu.memory_space<vmem>> -> memref<40x128xf32, #tpu.memory_space<vmem>>
      %dma_wait3A_1245 = arith.constant 0 : i32
      %dma_wait3A_1246 = tpu.memref_slice %arg5[%arg0, %add3A_1157, %dma_wait3A_1245] : memref<2x10240x128xf32, #tpu.memory_space<hbm>> -> memref<1x40x128xf32, #tpu.memory_space<hbm>>
      %dma_wait3A_1247 = tpu.memref_squeeze %dma_wait3A_1246 : memref<1x40x128xf32, #tpu.memory_space<hbm>> -> memref<40x128xf32, #tpu.memory_space<hbm>>
      %dma_wait3A_1248 = arith.constant 0 : i32
      %dma_wait3A_1249 = tpu.memref_slice %arg5[%arg0, %add3A_1157, %dma_wait3A_1248] : memref<2x10240x128xf32, #tpu.memory_space<hbm>> -> memref<1x40x128xf32, #tpu.memory_space<hbm>>
      %dma_wait3A_1250 = tpu.memref_squeeze %dma_wait3A_1249 : memref<1x40x128xf32, #tpu.memory_space<hbm>> -> memref<40x128xf32, #tpu.memory_space<hbm>>
      %dma_wait3A_1251 = arith.constant 0 : i32
      %dma_wait3A_1252 = arith.constant 0 : i32
      %dma_wait3A_1253 = tpu.memref_slice %arg10[%run_scoped3A_1159, %dma_wait3A_1251, %dma_wait3A_1252] : memref<5x40x128xf32, #tpu.memory_space<vmem>> -> memref<1x40x128xf32, #tpu.memory_space<vmem>>
      %dma_wait3A_1254 = tpu.memref_squeeze %dma_wait3A_1253 : memref<1x40x128xf32, #tpu.memory_space<vmem>> -> memref<40x128xf32, #tpu.memory_space<vmem>>
      tpu.wait_dma2 semaphore(%run_scoped3A_1226 : memref<!tpu.dma_semaphore, #tpu.memory_space<semaphore_mem>>) src(%dma_wait3A_1254 : memref<40x128xf32, #tpu.memory_space<vmem>>) dst(%dma_wait3A_1250 : memref<40x128xf32, #tpu.memory_space<hbm>>)
      tpu.yield
    }) : () -> ()
    %mul3A_1160 = arith.constant 640 : i32
    %mul3A_1161 = arith.muli %arg1, %mul3A_1160 : i32
    %add3A_1162 = arith.constant 200 : i32
    %add3A_1163 = arith.addi %mul3A_1161, %add3A_1162 : i32
    %run_scoped3A_1164 = arith.constant 0 : i32
    "tpu.region"() ({
      %run_scoped3A_1226 = tpu.sem_alloc : memref<!tpu.dma_semaphore, #tpu.memory_space<semaphore_mem>>
      %dma_start3A_1227 = arith.constant 0 : i32
      %dma_start3A_1228 = arith.constant 0 : i32
      %dma_start3A_1229 = tpu.memref_slice %arg10[%run_scoped3A_1164, %dma_start3A_1227, %dma_start3A_1228] : memref<5x40x128xf32, #tpu.memory_space<vmem>> -> memref<1x40x128xf32, #tpu.memory_space<vmem>>
      %dma_start3A_1230 = tpu.memref_squeeze %dma_start3A_1229 : memref<1x40x128xf32, #tpu.memory_space<vmem>> -> memref<40x128xf32, #tpu.memory_space<vmem>>
      %dma_start3A_1231 = arith.constant 0 : i32
      %dma_start3A_1232 = tpu.memref_slice %arg38[%add3A_1163, %dma_start3A_1231] : memref<10240x128xf32, #tpu.memory_space<vmem_shared>> -> memref<40x128xf32, #tpu.memory_space<vmem_shared>>
      %dma_start3A_1233 = arith.constant 0 : i32
      %dma_start3A_1234 = arith.constant 0 : i32
      %dma_start3A_1235 = tpu.memref_slice %arg10[%run_scoped3A_1164, %dma_start3A_1233, %dma_start3A_1234] : memref<5x40x128xf32, #tpu.memory_space<vmem>> -> memref<1x40x128xf32, #tpu.memory_space<vmem>>
      %dma_start3A_1236 = tpu.memref_squeeze %dma_start3A_1235 : memref<1x40x128xf32, #tpu.memory_space<vmem>> -> memref<40x128xf32, #tpu.memory_space<vmem>>
      %dma_start3A_1237 = arith.constant 0 : i32
      %dma_start3A_1238 = tpu.memref_slice %arg38[%add3A_1163, %dma_start3A_1237] : memref<10240x128xf32, #tpu.memory_space<vmem_shared>> -> memref<40x128xf32, #tpu.memory_space<vmem_shared>>
      tpu.enqueue_dma source(%dma_start3A_1238 : memref<40x128xf32, #tpu.memory_space<vmem_shared>>) target(%dma_start3A_1236 : memref<40x128xf32, #tpu.memory_space<vmem>>) target_semaphore(%run_scoped3A_1226 : memref<!tpu.dma_semaphore, #tpu.memory_space<semaphore_mem>>)
      %dma_wait3A_1239 = arith.constant 0 : i32
      %dma_wait3A_1240 = arith.constant 0 : i32
      %dma_wait3A_1241 = tpu.memref_slice %arg10[%run_scoped3A_1164, %dma_wait3A_1239, %dma_wait3A_1240] : memref<5x40x128xf32, #tpu.memory_space<vmem>> -> memref<1x40x128xf32, #tpu.memory_space<vmem>>
      %dma_wait3A_1242 = tpu.memref_squeeze %dma_wait3A_1241 : memref<1x40x128xf32, #tpu.memory_space<vmem>> -> memref<40x128xf32, #tpu.memory_space<vmem>>
      %dma_wait3A_1243 = arith.constant 0 : i32
      %dma_wait3A_1244 = tpu.memref_slice %arg38[%add3A_1163, %dma_wait3A_1243] : memref<10240x128xf32, #tpu.memory_space<vmem_shared>> -> memref<40x128xf32, #tpu.memory_space<vmem_shared>>
      %dma_wait3A_1245 = arith.constant 0 : i32
      %dma_wait3A_1246 = arith.constant 0 : i32
      %dma_wait3A_1247 = tpu.memref_slice %arg10[%run_scoped3A_1164, %dma_wait3A_1245, %dma_wait3A_1246] : memref<5x40x128xf32, #tpu.memory_space<vmem>> -> memref<1x40x128xf32, #tpu.memory_space<vmem>>
      %dma_wait3A_1248 = tpu.memref_squeeze %dma_wait3A_1247 : memref<1x40x128xf32, #tpu.memory_space<vmem>> -> memref<40x128xf32, #tpu.memory_space<vmem>>
      %dma_wait3A_1249 = arith.constant 0 : i32
      %dma_wait3A_1250 = tpu.memref_slice %arg38[%add3A_1163, %dma_wait3A_1249] : memref<10240x128xf32, #tpu.memory_space<vmem_shared>> -> memref<40x128xf32, #tpu.memory_space<vmem_shared>>
      tpu.wait_dma2 semaphore(%run_scoped3A_1226 : memref<!tpu.dma_semaphore, #tpu.memory_space<semaphore_mem>>) src(%dma_wait3A_1250 : memref<40x128xf32, #tpu.memory_space<vmem_shared>>) dst(%dma_wait3A_1248 : memref<40x128xf32, #tpu.memory_space<vmem>>)
      tpu.yield
    }) : () -> ()
    %run_scoped3A_1165 = arith.constant 0 : i32
    "tpu.region"() ({
      %run_scoped3A_1226 = tpu.sem_alloc : memref<!tpu.dma_semaphore, #tpu.memory_space<semaphore_mem>>
      %dma_start3A_1227 = arith.constant 0 : i32
      %dma_start3A_1228 = arith.constant 0 : i32
      %dma_start3A_1229 = tpu.memref_slice %arg10[%run_scoped3A_1165, %dma_start3A_1227, %dma_start3A_1228] : memref<5x40x128xf32, #tpu.memory_space<vmem>> -> memref<1x40x128xf32, #tpu.memory_space<vmem>>
      %dma_start3A_1230 = tpu.memref_squeeze %dma_start3A_1229 : memref<1x40x128xf32, #tpu.memory_space<vmem>> -> memref<40x128xf32, #tpu.memory_space<vmem>>
      %dma_start3A_1231 = arith.constant 0 : i32
      %dma_start3A_1232 = tpu.memref_slice %arg5[%arg0, %add3A_1163, %dma_start3A_1231] : memref<2x10240x128xf32, #tpu.memory_space<hbm>> -> memref<1x40x128xf32, #tpu.memory_space<hbm>>
      %dma_start3A_1233 = tpu.memref_squeeze %dma_start3A_1232 : memref<1x40x128xf32, #tpu.memory_space<hbm>> -> memref<40x128xf32, #tpu.memory_space<hbm>>
      %dma_start3A_1234 = arith.constant 0 : i32
      %dma_start3A_1235 = tpu.memref_slice %arg5[%arg0, %add3A_1163, %dma_start3A_1234] : memref<2x10240x128xf32, #tpu.memory_space<hbm>> -> memref<1x40x128xf32, #tpu.memory_space<hbm>>
      %dma_start3A_1236 = tpu.memref_squeeze %dma_start3A_1235 : memref<1x40x128xf32, #tpu.memory_space<hbm>> -> memref<40x128xf32, #tpu.memory_space<hbm>>
      %dma_start3A_1237 = arith.constant 0 : i32
      %dma_start3A_1238 = arith.constant 0 : i32
      %dma_start3A_1239 = tpu.memref_slice %arg10[%run_scoped3A_1165, %dma_start3A_1237, %dma_start3A_1238] : memref<5x40x128xf32, #tpu.memory_space<vmem>> -> memref<1x40x128xf32, #tpu.memory_space<vmem>>
      %dma_start3A_1240 = tpu.memref_squeeze %dma_start3A_1239 : memref<1x40x128xf32, #tpu.memory_space<vmem>> -> memref<40x128xf32, #tpu.memory_space<vmem>>
      tpu.enqueue_dma source(%dma_start3A_1240 : memref<40x128xf32, #tpu.memory_space<vmem>>) target(%dma_start3A_1236 : memref<40x128xf32, #tpu.memory_space<hbm>>) target_semaphore(%run_scoped3A_1226 : memref<!tpu.dma_semaphore, #tpu.memory_space<semaphore_mem>>)
      %dma_wait3A_1241 = arith.constant 0 : i32
      %dma_wait3A_1242 = arith.constant 0 : i32
      %dma_wait3A_1243 = tpu.memref_slice %arg10[%run_scoped3A_1165, %dma_wait3A_1241, %dma_wait3A_1242] : memref<5x40x128xf32, #tpu.memory_space<vmem>> -> memref<1x40x128xf32, #tpu.memory_space<vmem>>
      %dma_wait3A_1244 = tpu.memref_squeeze %dma_wait3A_1243 : memref<1x40x128xf32, #tpu.memory_space<vmem>> -> memref<40x128xf32, #tpu.memory_space<vmem>>
      %dma_wait3A_1245 = arith.constant 0 : i32
      %dma_wait3A_1246 = tpu.memref_slice %arg5[%arg0, %add3A_1163, %dma_wait3A_1245] : memref<2x10240x128xf32, #tpu.memory_space<hbm>> -> memref<1x40x128xf32, #tpu.memory_space<hbm>>
      %dma_wait3A_1247 = tpu.memref_squeeze %dma_wait3A_1246 : memref<1x40x128xf32, #tpu.memory_space<hbm>> -> memref<40x128xf32, #tpu.memory_space<hbm>>
      %dma_wait3A_1248 = arith.constant 0 : i32
      %dma_wait3A_1249 = tpu.memref_slice %arg5[%arg0, %add3A_1163, %dma_wait3A_1248] : memref<2x10240x128xf32, #tpu.memory_space<hbm>> -> memref<1x40x128xf32, #tpu.memory_space<hbm>>
      %dma_wait3A_1250 = tpu.memref_squeeze %dma_wait3A_1249 : memref<1x40x128xf32, #tpu.memory_space<hbm>> -> memref<40x128xf32, #tpu.memory_space<hbm>>
      %dma_wait3A_1251 = arith.constant 0 : i32
      %dma_wait3A_1252 = arith.constant 0 : i32
      %dma_wait3A_1253 = tpu.memref_slice %arg10[%run_scoped3A_1165, %dma_wait3A_1251, %dma_wait3A_1252] : memref<5x40x128xf32, #tpu.memory_space<vmem>> -> memref<1x40x128xf32, #tpu.memory_space<vmem>>
      %dma_wait3A_1254 = tpu.memref_squeeze %dma_wait3A_1253 : memref<1x40x128xf32, #tpu.memory_space<vmem>> -> memref<40x128xf32, #tpu.memory_space<vmem>>
      tpu.wait_dma2 semaphore(%run_scoped3A_1226 : memref<!tpu.dma_semaphore, #tpu.memory_space<semaphore_mem>>) src(%dma_wait3A_1254 : memref<40x128xf32, #tpu.memory_space<vmem>>) dst(%dma_wait3A_1250 : memref<40x128xf32, #tpu.memory_space<hbm>>)
      tpu.yield
    }) : () -> ()
    %mul3A_1166 = arith.constant 640 : i32
    %mul3A_1167 = arith.muli %arg1, %mul3A_1166 : i32
    %add3A_1168 = arith.constant 240 : i32
    %add3A_1169 = arith.addi %mul3A_1167, %add3A_1168 : i32
    %run_scoped3A_1170 = arith.constant 1 : i32
    "tpu.region"() ({
      %run_scoped3A_1226 = tpu.sem_alloc : memref<!tpu.dma_semaphore, #tpu.memory_space<semaphore_mem>>
      %dma_start3A_1227 = arith.constant 0 : i32
      %dma_start3A_1228 = arith.constant 0 : i32
      %dma_start3A_1229 = tpu.memref_slice %arg10[%run_scoped3A_1170, %dma_start3A_1227, %dma_start3A_1228] : memref<5x40x128xf32, #tpu.memory_space<vmem>> -> memref<1x40x128xf32, #tpu.memory_space<vmem>>
      %dma_start3A_1230 = tpu.memref_squeeze %dma_start3A_1229 : memref<1x40x128xf32, #tpu.memory_space<vmem>> -> memref<40x128xf32, #tpu.memory_space<vmem>>
      %dma_start3A_1231 = arith.constant 0 : i32
      %dma_start3A_1232 = tpu.memref_slice %arg38[%add3A_1169, %dma_start3A_1231] : memref<10240x128xf32, #tpu.memory_space<vmem_shared>> -> memref<40x128xf32, #tpu.memory_space<vmem_shared>>
      %dma_start3A_1233 = arith.constant 0 : i32
      %dma_start3A_1234 = arith.constant 0 : i32
      %dma_start3A_1235 = tpu.memref_slice %arg10[%run_scoped3A_1170, %dma_start3A_1233, %dma_start3A_1234] : memref<5x40x128xf32, #tpu.memory_space<vmem>> -> memref<1x40x128xf32, #tpu.memory_space<vmem>>
      %dma_start3A_1236 = tpu.memref_squeeze %dma_start3A_1235 : memref<1x40x128xf32, #tpu.memory_space<vmem>> -> memref<40x128xf32, #tpu.memory_space<vmem>>
      %dma_start3A_1237 = arith.constant 0 : i32
      %dma_start3A_1238 = tpu.memref_slice %arg38[%add3A_1169, %dma_start3A_1237] : memref<10240x128xf32, #tpu.memory_space<vmem_shared>> -> memref<40x128xf32, #tpu.memory_space<vmem_shared>>
      tpu.enqueue_dma source(%dma_start3A_1238 : memref<40x128xf32, #tpu.memory_space<vmem_shared>>) target(%dma_start3A_1236 : memref<40x128xf32, #tpu.memory_space<vmem>>) target_semaphore(%run_scoped3A_1226 : memref<!tpu.dma_semaphore, #tpu.memory_space<semaphore_mem>>)
      %dma_wait3A_1239 = arith.constant 0 : i32
      %dma_wait3A_1240 = arith.constant 0 : i32
      %dma_wait3A_1241 = tpu.memref_slice %arg10[%run_scoped3A_1170, %dma_wait3A_1239, %dma_wait3A_1240] : memref<5x40x128xf32, #tpu.memory_space<vmem>> -> memref<1x40x128xf32, #tpu.memory_space<vmem>>
      %dma_wait3A_1242 = tpu.memref_squeeze %dma_wait3A_1241 : memref<1x40x128xf32, #tpu.memory_space<vmem>> -> memref<40x128xf32, #tpu.memory_space<vmem>>
      %dma_wait3A_1243 = arith.constant 0 : i32
      %dma_wait3A_1244 = tpu.memref_slice %arg38[%add3A_1169, %dma_wait3A_1243] : memref<10240x128xf32, #tpu.memory_space<vmem_shared>> -> memref<40x128xf32, #tpu.memory_space<vmem_shared>>
      %dma_wait3A_1245 = arith.constant 0 : i32
      %dma_wait3A_1246 = arith.constant 0 : i32
      %dma_wait3A_1247 = tpu.memref_slice %arg10[%run_scoped3A_1170, %dma_wait3A_1245, %dma_wait3A_1246] : memref<5x40x128xf32, #tpu.memory_space<vmem>> -> memref<1x40x128xf32, #tpu.memory_space<vmem>>
      %dma_wait3A_1248 = tpu.memref_squeeze %dma_wait3A_1247 : memref<1x40x128xf32, #tpu.memory_space<vmem>> -> memref<40x128xf32, #tpu.memory_space<vmem>>
      %dma_wait3A_1249 = arith.constant 0 : i32
      %dma_wait3A_1250 = tpu.memref_slice %arg38[%add3A_1169, %dma_wait3A_1249] : memref<10240x128xf32, #tpu.memory_space<vmem_shared>> -> memref<40x128xf32, #tpu.memory_space<vmem_shared>>
      tpu.wait_dma2 semaphore(%run_scoped3A_1226 : memref<!tpu.dma_semaphore, #tpu.memory_space<semaphore_mem>>) src(%dma_wait3A_1250 : memref<40x128xf32, #tpu.memory_space<vmem_shared>>) dst(%dma_wait3A_1248 : memref<40x128xf32, #tpu.memory_space<vmem>>)
      tpu.yield
    }) : () -> ()
    %run_scoped3A_1171 = arith.constant 1 : i32
    "tpu.region"() ({
      %run_scoped3A_1226 = tpu.sem_alloc : memref<!tpu.dma_semaphore, #tpu.memory_space<semaphore_mem>>
      %dma_start3A_1227 = arith.constant 0 : i32
      %dma_start3A_1228 = arith.constant 0 : i32
      %dma_start3A_1229 = tpu.memref_slice %arg10[%run_scoped3A_1171, %dma_start3A_1227, %dma_start3A_1228] : memref<5x40x128xf32, #tpu.memory_space<vmem>> -> memref<1x40x128xf32, #tpu.memory_space<vmem>>
      %dma_start3A_1230 = tpu.memref_squeeze %dma_start3A_1229 : memref<1x40x128xf32, #tpu.memory_space<vmem>> -> memref<40x128xf32, #tpu.memory_space<vmem>>
      %dma_start3A_1231 = arith.constant 0 : i32
      %dma_start3A_1232 = tpu.memref_slice %arg5[%arg0, %add3A_1169, %dma_start3A_1231] : memref<2x10240x128xf32, #tpu.memory_space<hbm>> -> memref<1x40x128xf32, #tpu.memory_space<hbm>>
      %dma_start3A_1233 = tpu.memref_squeeze %dma_start3A_1232 : memref<1x40x128xf32, #tpu.memory_space<hbm>> -> memref<40x128xf32, #tpu.memory_space<hbm>>
      %dma_start3A_1234 = arith.constant 0 : i32
      %dma_start3A_1235 = tpu.memref_slice %arg5[%arg0, %add3A_1169, %dma_start3A_1234] : memref<2x10240x128xf32, #tpu.memory_space<hbm>> -> memref<1x40x128xf32, #tpu.memory_space<hbm>>
      %dma_start3A_1236 = tpu.memref_squeeze %dma_start3A_1235 : memref<1x40x128xf32, #tpu.memory_space<hbm>> -> memref<40x128xf32, #tpu.memory_space<hbm>>
      %dma_start3A_1237 = arith.constant 0 : i32
      %dma_start3A_1238 = arith.constant 0 : i32
      %dma_start3A_1239 = tpu.memref_slice %arg10[%run_scoped3A_1171, %dma_start3A_1237, %dma_start3A_1238] : memref<5x40x128xf32, #tpu.memory_space<vmem>> -> memref<1x40x128xf32, #tpu.memory_space<vmem>>
      %dma_start3A_1240 = tpu.memref_squeeze %dma_start3A_1239 : memref<1x40x128xf32, #tpu.memory_space<vmem>> -> memref<40x128xf32, #tpu.memory_space<vmem>>
      tpu.enqueue_dma source(%dma_start3A_1240 : memref<40x128xf32, #tpu.memory_space<vmem>>) target(%dma_start3A_1236 : memref<40x128xf32, #tpu.memory_space<hbm>>) target_semaphore(%run_scoped3A_1226 : memref<!tpu.dma_semaphore, #tpu.memory_space<semaphore_mem>>)
      %dma_wait3A_1241 = arith.constant 0 : i32
      %dma_wait3A_1242 = arith.constant 0 : i32
      %dma_wait3A_1243 = tpu.memref_slice %arg10[%run_scoped3A_1171, %dma_wait3A_1241, %dma_wait3A_1242] : memref<5x40x128xf32, #tpu.memory_space<vmem>> -> memref<1x40x128xf32, #tpu.memory_space<vmem>>
      %dma_wait3A_1244 = tpu.memref_squeeze %dma_wait3A_1243 : memref<1x40x128xf32, #tpu.memory_space<vmem>> -> memref<40x128xf32, #tpu.memory_space<vmem>>
      %dma_wait3A_1245 = arith.constant 0 : i32
      %dma_wait3A_1246 = tpu.memref_slice %arg5[%arg0, %add3A_1169, %dma_wait3A_1245] : memref<2x10240x128xf32, #tpu.memory_space<hbm>> -> memref<1x40x128xf32, #tpu.memory_space<hbm>>
      %dma_wait3A_1247 = tpu.memref_squeeze %dma_wait3A_1246 : memref<1x40x128xf32, #tpu.memory_space<hbm>> -> memref<40x128xf32, #tpu.memory_space<hbm>>
      %dma_wait3A_1248 = arith.constant 0 : i32
      %dma_wait3A_1249 = tpu.memref_slice %arg5[%arg0, %add3A_1169, %dma_wait3A_1248] : memref<2x10240x128xf32, #tpu.memory_space<hbm>> -> memref<1x40x128xf32, #tpu.memory_space<hbm>>
      %dma_wait3A_1250 = tpu.memref_squeeze %dma_wait3A_1249 : memref<1x40x128xf32, #tpu.memory_space<hbm>> -> memref<40x128xf32, #tpu.memory_space<hbm>>
      %dma_wait3A_1251 = arith.constant 0 : i32
      %dma_wait3A_1252 = arith.constant 0 : i32
      %dma_wait3A_1253 = tpu.memref_slice %arg10[%run_scoped3A_1171, %dma_wait3A_1251, %dma_wait3A_1252] : memref<5x40x128xf32, #tpu.memory_space<vmem>> -> memref<1x40x128xf32, #tpu.memory_space<vmem>>
      %dma_wait3A_1254 = tpu.memref_squeeze %dma_wait3A_1253 : memref<1x40x128xf32, #tpu.memory_space<vmem>> -> memref<40x128xf32, #tpu.memory_space<vmem>>
      tpu.wait_dma2 semaphore(%run_scoped3A_1226 : memref<!tpu.dma_semaphore, #tpu.memory_space<semaphore_mem>>) src(%dma_wait3A_1254 : memref<40x128xf32, #tpu.memory_space<vmem>>) dst(%dma_wait3A_1250 : memref<40x128xf32, #tpu.memory_space<hbm>>)
      tpu.yield
    }) : () -> ()
    %mul3A_1172 = arith.constant 640 : i32
    %mul3A_1173 = arith.muli %arg1, %mul3A_1172 : i32
    %add3A_1174 = arith.constant 280 : i32
    %add3A_1175 = arith.addi %mul3A_1173, %add3A_1174 : i32
    %run_scoped3A_1176 = arith.constant 2 : i32
    "tpu.region"() ({
      %run_scoped3A_1226 = tpu.sem_alloc : memref<!tpu.dma_semaphore, #tpu.memory_space<semaphore_mem>>
      %dma_start3A_1227 = arith.constant 0 : i32
      %dma_start3A_1228 = arith.constant 0 : i32
      %dma_start3A_1229 = tpu.memref_slice %arg10[%run_scoped3A_1176, %dma_start3A_1227, %dma_start3A_1228] : memref<5x40x128xf32, #tpu.memory_space<vmem>> -> memref<1x40x128xf32, #tpu.memory_space<vmem>>
      %dma_start3A_1230 = tpu.memref_squeeze %dma_start3A_1229 : memref<1x40x128xf32, #tpu.memory_space<vmem>> -> memref<40x128xf32, #tpu.memory_space<vmem>>
      %dma_start3A_1231 = arith.constant 0 : i32
      %dma_start3A_1232 = tpu.memref_slice %arg38[%add3A_1175, %dma_start3A_1231] : memref<10240x128xf32, #tpu.memory_space<vmem_shared>> -> memref<40x128xf32, #tpu.memory_space<vmem_shared>>
      %dma_start3A_1233 = arith.constant 0 : i32
      %dma_start3A_1234 = arith.constant 0 : i32
      %dma_start3A_1235 = tpu.memref_slice %arg10[%run_scoped3A_1176, %dma_start3A_1233, %dma_start3A_1234] : memref<5x40x128xf32, #tpu.memory_space<vmem>> -> memref<1x40x128xf32, #tpu.memory_space<vmem>>
      %dma_start3A_1236 = tpu.memref_squeeze %dma_start3A_1235 : memref<1x40x128xf32, #tpu.memory_space<vmem>> -> memref<40x128xf32, #tpu.memory_space<vmem>>
      %dma_start3A_1237 = arith.constant 0 : i32
      %dma_start3A_1238 = tpu.memref_slice %arg38[%add3A_1175, %dma_start3A_1237] : memref<10240x128xf32, #tpu.memory_space<vmem_shared>> -> memref<40x128xf32, #tpu.memory_space<vmem_shared>>
      tpu.enqueue_dma source(%dma_start3A_1238 : memref<40x128xf32, #tpu.memory_space<vmem_shared>>) target(%dma_start3A_1236 : memref<40x128xf32, #tpu.memory_space<vmem>>) target_semaphore(%run_scoped3A_1226 : memref<!tpu.dma_semaphore, #tpu.memory_space<semaphore_mem>>)
      %dma_wait3A_1239 = arith.constant 0 : i32
      %dma_wait3A_1240 = arith.constant 0 : i32
      %dma_wait3A_1241 = tpu.memref_slice %arg10[%run_scoped3A_1176, %dma_wait3A_1239, %dma_wait3A_1240] : memref<5x40x128xf32, #tpu.memory_space<vmem>> -> memref<1x40x128xf32, #tpu.memory_space<vmem>>
      %dma_wait3A_1242 = tpu.memref_squeeze %dma_wait3A_1241 : memref<1x40x128xf32, #tpu.memory_space<vmem>> -> memref<40x128xf32, #tpu.memory_space<vmem>>
      %dma_wait3A_1243 = arith.constant 0 : i32
      %dma_wait3A_1244 = tpu.memref_slice %arg38[%add3A_1175, %dma_wait3A_1243] : memref<10240x128xf32, #tpu.memory_space<vmem_shared>> -> memref<40x128xf32, #tpu.memory_space<vmem_shared>>
      %dma_wait3A_1245 = arith.constant 0 : i32
      %dma_wait3A_1246 = arith.constant 0 : i32
      %dma_wait3A_1247 = tpu.memref_slice %arg10[%run_scoped3A_1176, %dma_wait3A_1245, %dma_wait3A_1246] : memref<5x40x128xf32, #tpu.memory_space<vmem>> -> memref<1x40x128xf32, #tpu.memory_space<vmem>>
      %dma_wait3A_1248 = tpu.memref_squeeze %dma_wait3A_1247 : memref<1x40x128xf32, #tpu.memory_space<vmem>> -> memref<40x128xf32, #tpu.memory_space<vmem>>
      %dma_wait3A_1249 = arith.constant 0 : i32
      %dma_wait3A_1250 = tpu.memref_slice %arg38[%add3A_1175, %dma_wait3A_1249] : memref<10240x128xf32, #tpu.memory_space<vmem_shared>> -> memref<40x128xf32, #tpu.memory_space<vmem_shared>>
      tpu.wait_dma2 semaphore(%run_scoped3A_1226 : memref<!tpu.dma_semaphore, #tpu.memory_space<semaphore_mem>>) src(%dma_wait3A_1250 : memref<40x128xf32, #tpu.memory_space<vmem_shared>>) dst(%dma_wait3A_1248 : memref<40x128xf32, #tpu.memory_space<vmem>>)
      tpu.yield
    }) : () -> ()
    %run_scoped3A_1177 = arith.constant 2 : i32
    "tpu.region"() ({
      %run_scoped3A_1226 = tpu.sem_alloc : memref<!tpu.dma_semaphore, #tpu.memory_space<semaphore_mem>>
      %dma_start3A_1227 = arith.constant 0 : i32
      %dma_start3A_1228 = arith.constant 0 : i32
      %dma_start3A_1229 = tpu.memref_slice %arg10[%run_scoped3A_1177, %dma_start3A_1227, %dma_start3A_1228] : memref<5x40x128xf32, #tpu.memory_space<vmem>> -> memref<1x40x128xf32, #tpu.memory_space<vmem>>
      %dma_start3A_1230 = tpu.memref_squeeze %dma_start3A_1229 : memref<1x40x128xf32, #tpu.memory_space<vmem>> -> memref<40x128xf32, #tpu.memory_space<vmem>>
      %dma_start3A_1231 = arith.constant 0 : i32
      %dma_start3A_1232 = tpu.memref_slice %arg5[%arg0, %add3A_1175, %dma_start3A_1231] : memref<2x10240x128xf32, #tpu.memory_space<hbm>> -> memref<1x40x128xf32, #tpu.memory_space<hbm>>
      %dma_start3A_1233 = tpu.memref_squeeze %dma_start3A_1232 : memref<1x40x128xf32, #tpu.memory_space<hbm>> -> memref<40x128xf32, #tpu.memory_space<hbm>>
      %dma_start3A_1234 = arith.constant 0 : i32
      %dma_start3A_1235 = tpu.memref_slice %arg5[%arg0, %add3A_1175, %dma_start3A_1234] : memref<2x10240x128xf32, #tpu.memory_space<hbm>> -> memref<1x40x128xf32, #tpu.memory_space<hbm>>
      %dma_start3A_1236 = tpu.memref_squeeze %dma_start3A_1235 : memref<1x40x128xf32, #tpu.memory_space<hbm>> -> memref<40x128xf32, #tpu.memory_space<hbm>>
      %dma_start3A_1237 = arith.constant 0 : i32
      %dma_start3A_1238 = arith.constant 0 : i32
      %dma_start3A_1239 = tpu.memref_slice %arg10[%run_scoped3A_1177, %dma_start3A_1237, %dma_start3A_1238] : memref<5x40x128xf32, #tpu.memory_space<vmem>> -> memref<1x40x128xf32, #tpu.memory_space<vmem>>
      %dma_start3A_1240 = tpu.memref_squeeze %dma_start3A_1239 : memref<1x40x128xf32, #tpu.memory_space<vmem>> -> memref<40x128xf32, #tpu.memory_space<vmem>>
      tpu.enqueue_dma source(%dma_start3A_1240 : memref<40x128xf32, #tpu.memory_space<vmem>>) target(%dma_start3A_1236 : memref<40x128xf32, #tpu.memory_space<hbm>>) target_semaphore(%run_scoped3A_1226 : memref<!tpu.dma_semaphore, #tpu.memory_space<semaphore_mem>>)
      %dma_wait3A_1241 = arith.constant 0 : i32
      %dma_wait3A_1242 = arith.constant 0 : i32
      %dma_wait3A_1243 = tpu.memref_slice %arg10[%run_scoped3A_1177, %dma_wait3A_1241, %dma_wait3A_1242] : memref<5x40x128xf32, #tpu.memory_space<vmem>> -> memref<1x40x128xf32, #tpu.memory_space<vmem>>
      %dma_wait3A_1244 = tpu.memref_squeeze %dma_wait3A_1243 : memref<1x40x128xf32, #tpu.memory_space<vmem>> -> memref<40x128xf32, #tpu.memory_space<vmem>>
      %dma_wait3A_1245 = arith.constant 0 : i32
      %dma_wait3A_1246 = tpu.memref_slice %arg5[%arg0, %add3A_1175, %dma_wait3A_1245] : memref<2x10240x128xf32, #tpu.memory_space<hbm>> -> memref<1x40x128xf32, #tpu.memory_space<hbm>>
      %dma_wait3A_1247 = tpu.memref_squeeze %dma_wait3A_1246 : memref<1x40x128xf32, #tpu.memory_space<hbm>> -> memref<40x128xf32, #tpu.memory_space<hbm>>
      %dma_wait3A_1248 = arith.constant 0 : i32
      %dma_wait3A_1249 = tpu.memref_slice %arg5[%arg0, %add3A_1175, %dma_wait3A_1248] : memref<2x10240x128xf32, #tpu.memory_space<hbm>> -> memref<1x40x128xf32, #tpu.memory_space<hbm>>
      %dma_wait3A_1250 = tpu.memref_squeeze %dma_wait3A_1249 : memref<1x40x128xf32, #tpu.memory_space<hbm>> -> memref<40x128xf32, #tpu.memory_space<hbm>>
      %dma_wait3A_1251 = arith.constant 0 : i32
      %dma_wait3A_1252 = arith.constant 0 : i32
      %dma_wait3A_1253 = tpu.memref_slice %arg10[%run_scoped3A_1177, %dma_wait3A_1251, %dma_wait3A_1252] : memref<5x40x128xf32, #tpu.memory_space<vmem>> -> memref<1x40x128xf32, #tpu.memory_space<vmem>>
      %dma_wait3A_1254 = tpu.memref_squeeze %dma_wait3A_1253 : memref<1x40x128xf32, #tpu.memory_space<vmem>> -> memref<40x128xf32, #tpu.memory_space<vmem>>
      tpu.wait_dma2 semaphore(%run_scoped3A_1226 : memref<!tpu.dma_semaphore, #tpu.memory_space<semaphore_mem>>) src(%dma_wait3A_1254 : memref<40x128xf32, #tpu.memory_space<vmem>>) dst(%dma_wait3A_1250 : memref<40x128xf32, #tpu.memory_space<hbm>>)
      tpu.yield
    }) : () -> ()
    %mul3A_1178 = arith.constant 640 : i32
    %mul3A_1179 = arith.muli %arg1, %mul3A_1178 : i32
    %add3A_1180 = arith.constant 320 : i32
    %add3A_1181 = arith.addi %mul3A_1179, %add3A_1180 : i32
    %run_scoped3A_1182 = arith.constant 3 : i32
    "tpu.region"() ({
      %run_scoped3A_1226 = tpu.sem_alloc : memref<!tpu.dma_semaphore, #tpu.memory_space<semaphore_mem>>
      %dma_start3A_1227 = arith.constant 0 : i32
      %dma_start3A_1228 = arith.constant 0 : i32
      %dma_start3A_1229 = tpu.memref_slice %arg10[%run_scoped3A_1182, %dma_start3A_1227, %dma_start3A_1228] : memref<5x40x128xf32, #tpu.memory_space<vmem>> -> memref<1x40x128xf32, #tpu.memory_space<vmem>>
      %dma_start3A_1230 = tpu.memref_squeeze %dma_start3A_1229 : memref<1x40x128xf32, #tpu.memory_space<vmem>> -> memref<40x128xf32, #tpu.memory_space<vmem>>
      %dma_start3A_1231 = arith.constant 0 : i32
      %dma_start3A_1232 = tpu.memref_slice %arg38[%add3A_1181, %dma_start3A_1231] : memref<10240x128xf32, #tpu.memory_space<vmem_shared>> -> memref<40x128xf32, #tpu.memory_space<vmem_shared>>
      %dma_start3A_1233 = arith.constant 0 : i32
      %dma_start3A_1234 = arith.constant 0 : i32
      %dma_start3A_1235 = tpu.memref_slice %arg10[%run_scoped3A_1182, %dma_start3A_1233, %dma_start3A_1234] : memref<5x40x128xf32, #tpu.memory_space<vmem>> -> memref<1x40x128xf32, #tpu.memory_space<vmem>>
      %dma_start3A_1236 = tpu.memref_squeeze %dma_start3A_1235 : memref<1x40x128xf32, #tpu.memory_space<vmem>> -> memref<40x128xf32, #tpu.memory_space<vmem>>
      %dma_start3A_1237 = arith.constant 0 : i32
      %dma_start3A_1238 = tpu.memref_slice %arg38[%add3A_1181, %dma_start3A_1237] : memref<10240x128xf32, #tpu.memory_space<vmem_shared>> -> memref<40x128xf32, #tpu.memory_space<vmem_shared>>
      tpu.enqueue_dma source(%dma_start3A_1238 : memref<40x128xf32, #tpu.memory_space<vmem_shared>>) target(%dma_start3A_1236 : memref<40x128xf32, #tpu.memory_space<vmem>>) target_semaphore(%run_scoped3A_1226 : memref<!tpu.dma_semaphore, #tpu.memory_space<semaphore_mem>>)
      %dma_wait3A_1239 = arith.constant 0 : i32
      %dma_wait3A_1240 = arith.constant 0 : i32
      %dma_wait3A_1241 = tpu.memref_slice %arg10[%run_scoped3A_1182, %dma_wait3A_1239, %dma_wait3A_1240] : memref<5x40x128xf32, #tpu.memory_space<vmem>> -> memref<1x40x128xf32, #tpu.memory_space<vmem>>
      %dma_wait3A_1242 = tpu.memref_squeeze %dma_wait3A_1241 : memref<1x40x128xf32, #tpu.memory_space<vmem>> -> memref<40x128xf32, #tpu.memory_space<vmem>>
      %dma_wait3A_1243 = arith.constant 0 : i32
      %dma_wait3A_1244 = tpu.memref_slice %arg38[%add3A_1181, %dma_wait3A_1243] : memref<10240x128xf32, #tpu.memory_space<vmem_shared>> -> memref<40x128xf32, #tpu.memory_space<vmem_shared>>
      %dma_wait3A_1245 = arith.constant 0 : i32
      %dma_wait3A_1246 = arith.constant 0 : i32
      %dma_wait3A_1247 = tpu.memref_slice %arg10[%run_scoped3A_1182, %dma_wait3A_1245, %dma_wait3A_1246] : memref<5x40x128xf32, #tpu.memory_space<vmem>> -> memref<1x40x128xf32, #tpu.memory_space<vmem>>
      %dma_wait3A_1248 = tpu.memref_squeeze %dma_wait3A_1247 : memref<1x40x128xf32, #tpu.memory_space<vmem>> -> memref<40x128xf32, #tpu.memory_space<vmem>>
      %dma_wait3A_1249 = arith.constant 0 : i32
      %dma_wait3A_1250 = tpu.memref_slice %arg38[%add3A_1181, %dma_wait3A_1249] : memref<10240x128xf32, #tpu.memory_space<vmem_shared>> -> memref<40x128xf32, #tpu.memory_space<vmem_shared>>
      tpu.wait_dma2 semaphore(%run_scoped3A_1226 : memref<!tpu.dma_semaphore, #tpu.memory_space<semaphore_mem>>) src(%dma_wait3A_1250 : memref<40x128xf32, #tpu.memory_space<vmem_shared>>) dst(%dma_wait3A_1248 : memref<40x128xf32, #tpu.memory_space<vmem>>)
      tpu.yield
    }) : () -> ()
    %run_scoped3A_1183 = arith.constant 3 : i32
    "tpu.region"() ({
      %run_scoped3A_1226 = tpu.sem_alloc : memref<!tpu.dma_semaphore, #tpu.memory_space<semaphore_mem>>
      %dma_start3A_1227 = arith.constant 0 : i32
      %dma_start3A_1228 = arith.constant 0 : i32
      %dma_start3A_1229 = tpu.memref_slice %arg10[%run_scoped3A_1183, %dma_start3A_1227, %dma_start3A_1228] : memref<5x40x128xf32, #tpu.memory_space<vmem>> -> memref<1x40x128xf32, #tpu.memory_space<vmem>>
      %dma_start3A_1230 = tpu.memref_squeeze %dma_start3A_1229 : memref<1x40x128xf32, #tpu.memory_space<vmem>> -> memref<40x128xf32, #tpu.memory_space<vmem>>
      %dma_start3A_1231 = arith.constant 0 : i32
      %dma_start3A_1232 = tpu.memref_slice %arg5[%arg0, %add3A_1181, %dma_start3A_1231] : memref<2x10240x128xf32, #tpu.memory_space<hbm>> -> memref<1x40x128xf32, #tpu.memory_space<hbm>>
      %dma_start3A_1233 = tpu.memref_squeeze %dma_start3A_1232 : memref<1x40x128xf32, #tpu.memory_space<hbm>> -> memref<40x128xf32, #tpu.memory_space<hbm>>
      %dma_start3A_1234 = arith.constant 0 : i32
      %dma_start3A_1235 = tpu.memref_slice %arg5[%arg0, %add3A_1181, %dma_start3A_1234] : memref<2x10240x128xf32, #tpu.memory_space<hbm>> -> memref<1x40x128xf32, #tpu.memory_space<hbm>>
      %dma_start3A_1236 = tpu.memref_squeeze %dma_start3A_1235 : memref<1x40x128xf32, #tpu.memory_space<hbm>> -> memref<40x128xf32, #tpu.memory_space<hbm>>
      %dma_start3A_1237 = arith.constant 0 : i32
      %dma_start3A_1238 = arith.constant 0 : i32
      %dma_start3A_1239 = tpu.memref_slice %arg10[%run_scoped3A_1183, %dma_start3A_1237, %dma_start3A_1238] : memref<5x40x128xf32, #tpu.memory_space<vmem>> -> memref<1x40x128xf32, #tpu.memory_space<vmem>>
      %dma_start3A_1240 = tpu.memref_squeeze %dma_start3A_1239 : memref<1x40x128xf32, #tpu.memory_space<vmem>> -> memref<40x128xf32, #tpu.memory_space<vmem>>
      tpu.enqueue_dma source(%dma_start3A_1240 : memref<40x128xf32, #tpu.memory_space<vmem>>) target(%dma_start3A_1236 : memref<40x128xf32, #tpu.memory_space<hbm>>) target_semaphore(%run_scoped3A_1226 : memref<!tpu.dma_semaphore, #tpu.memory_space<semaphore_mem>>)
      %dma_wait3A_1241 = arith.constant 0 : i32
      %dma_wait3A_1242 = arith.constant 0 : i32
      %dma_wait3A_1243 = tpu.memref_slice %arg10[%run_scoped3A_1183, %dma_wait3A_1241, %dma_wait3A_1242] : memref<5x40x128xf32, #tpu.memory_space<vmem>> -> memref<1x40x128xf32, #tpu.memory_space<vmem>>
      %dma_wait3A_1244 = tpu.memref_squeeze %dma_wait3A_1243 : memref<1x40x128xf32, #tpu.memory_space<vmem>> -> memref<40x128xf32, #tpu.memory_space<vmem>>
      %dma_wait3A_1245 = arith.constant 0 : i32
      %dma_wait3A_1246 = tpu.memref_slice %arg5[%arg0, %add3A_1181, %dma_wait3A_1245] : memref<2x10240x128xf32, #tpu.memory_space<hbm>> -> memref<1x40x128xf32, #tpu.memory_space<hbm>>
      %dma_wait3A_1247 = tpu.memref_squeeze %dma_wait3A_1246 : memref<1x40x128xf32, #tpu.memory_space<hbm>> -> memref<40x128xf32, #tpu.memory_space<hbm>>
      %dma_wait3A_1248 = arith.constant 0 : i32
      %dma_wait3A_1249 = tpu.memref_slice %arg5[%arg0, %add3A_1181, %dma_wait3A_1248] : memref<2x10240x128xf32, #tpu.memory_space<hbm>> -> memref<1x40x128xf32, #tpu.memory_space<hbm>>
      %dma_wait3A_1250 = tpu.memref_squeeze %dma_wait3A_1249 : memref<1x40x128xf32, #tpu.memory_space<hbm>> -> memref<40x128xf32, #tpu.memory_space<hbm>>
      %dma_wait3A_1251 = arith.constant 0 : i32
      %dma_wait3A_1252 = arith.constant 0 : i32
      %dma_wait3A_1253 = tpu.memref_slice %arg10[%run_scoped3A_1183, %dma_wait3A_1251, %dma_wait3A_1252] : memref<5x40x128xf32, #tpu.memory_space<vmem>> -> memref<1x40x128xf32, #tpu.memory_space<vmem>>
      %dma_wait3A_1254 = tpu.memref_squeeze %dma_wait3A_1253 : memref<1x40x128xf32, #tpu.memory_space<vmem>> -> memref<40x128xf32, #tpu.memory_space<vmem>>
      tpu.wait_dma2 semaphore(%run_scoped3A_1226 : memref<!tpu.dma_semaphore, #tpu.memory_space<semaphore_mem>>) src(%dma_wait3A_1254 : memref<40x128xf32, #tpu.memory_space<vmem>>) dst(%dma_wait3A_1250 : memref<40x128xf32, #tpu.memory_space<hbm>>)
      tpu.yield
    }) : () -> ()
    %mul3A_1184 = arith.constant 640 : i32
    %mul3A_1185 = arith.muli %arg1, %mul3A_1184 : i32
    %add3A_1186 = arith.constant 360 : i32
    %add3A_1187 = arith.addi %mul3A_1185, %add3A_1186 : i32
    %run_scoped3A_1188 = arith.constant 4 : i32
    "tpu.region"() ({
      %run_scoped3A_1226 = tpu.sem_alloc : memref<!tpu.dma_semaphore, #tpu.memory_space<semaphore_mem>>
      %dma_start3A_1227 = arith.constant 0 : i32
      %dma_start3A_1228 = arith.constant 0 : i32
      %dma_start3A_1229 = tpu.memref_slice %arg10[%run_scoped3A_1188, %dma_start3A_1227, %dma_start3A_1228] : memref<5x40x128xf32, #tpu.memory_space<vmem>> -> memref<1x40x128xf32, #tpu.memory_space<vmem>>
      %dma_start3A_1230 = tpu.memref_squeeze %dma_start3A_1229 : memref<1x40x128xf32, #tpu.memory_space<vmem>> -> memref<40x128xf32, #tpu.memory_space<vmem>>
      %dma_start3A_1231 = arith.constant 0 : i32
      %dma_start3A_1232 = tpu.memref_slice %arg38[%add3A_1187, %dma_start3A_1231] : memref<10240x128xf32, #tpu.memory_space<vmem_shared>> -> memref<40x128xf32, #tpu.memory_space<vmem_shared>>
      %dma_start3A_1233 = arith.constant 0 : i32
      %dma_start3A_1234 = arith.constant 0 : i32
      %dma_start3A_1235 = tpu.memref_slice %arg10[%run_scoped3A_1188, %dma_start3A_1233, %dma_start3A_1234] : memref<5x40x128xf32, #tpu.memory_space<vmem>> -> memref<1x40x128xf32, #tpu.memory_space<vmem>>
      %dma_start3A_1236 = tpu.memref_squeeze %dma_start3A_1235 : memref<1x40x128xf32, #tpu.memory_space<vmem>> -> memref<40x128xf32, #tpu.memory_space<vmem>>
      %dma_start3A_1237 = arith.constant 0 : i32
      %dma_start3A_1238 = tpu.memref_slice %arg38[%add3A_1187, %dma_start3A_1237] : memref<10240x128xf32, #tpu.memory_space<vmem_shared>> -> memref<40x128xf32, #tpu.memory_space<vmem_shared>>
      tpu.enqueue_dma source(%dma_start3A_1238 : memref<40x128xf32, #tpu.memory_space<vmem_shared>>) target(%dma_start3A_1236 : memref<40x128xf32, #tpu.memory_space<vmem>>) target_semaphore(%run_scoped3A_1226 : memref<!tpu.dma_semaphore, #tpu.memory_space<semaphore_mem>>)
      %dma_wait3A_1239 = arith.constant 0 : i32
      %dma_wait3A_1240 = arith.constant 0 : i32
      %dma_wait3A_1241 = tpu.memref_slice %arg10[%run_scoped3A_1188, %dma_wait3A_1239, %dma_wait3A_1240] : memref<5x40x128xf32, #tpu.memory_space<vmem>> -> memref<1x40x128xf32, #tpu.memory_space<vmem>>
      %dma_wait3A_1242 = tpu.memref_squeeze %dma_wait3A_1241 : memref<1x40x128xf32, #tpu.memory_space<vmem>> -> memref<40x128xf32, #tpu.memory_space<vmem>>
      %dma_wait3A_1243 = arith.constant 0 : i32
      %dma_wait3A_1244 = tpu.memref_slice %arg38[%add3A_1187, %dma_wait3A_1243] : memref<10240x128xf32, #tpu.memory_space<vmem_shared>> -> memref<40x128xf32, #tpu.memory_space<vmem_shared>>
      %dma_wait3A_1245 = arith.constant 0 : i32
      %dma_wait3A_1246 = arith.constant 0 : i32
      %dma_wait3A_1247 = tpu.memref_slice %arg10[%run_scoped3A_1188, %dma_wait3A_1245, %dma_wait3A_1246] : memref<5x40x128xf32, #tpu.memory_space<vmem>> -> memref<1x40x128xf32, #tpu.memory_space<vmem>>
      %dma_wait3A_1248 = tpu.memref_squeeze %dma_wait3A_1247 : memref<1x40x128xf32, #tpu.memory_space<vmem>> -> memref<40x128xf32, #tpu.memory_space<vmem>>
      %dma_wait3A_1249 = arith.constant 0 : i32
      %dma_wait3A_1250 = tpu.memref_slice %arg38[%add3A_1187, %dma_wait3A_1249] : memref<10240x128xf32, #tpu.memory_space<vmem_shared>> -> memref<40x128xf32, #tpu.memory_space<vmem_shared>>
      tpu.wait_dma2 semaphore(%run_scoped3A_1226 : memref<!tpu.dma_semaphore, #tpu.memory_space<semaphore_mem>>) src(%dma_wait3A_1250 : memref<40x128xf32, #tpu.memory_space<vmem_shared>>) dst(%dma_wait3A_1248 : memref<40x128xf32, #tpu.memory_space<vmem>>)
      tpu.yield
    }) : () -> ()
    %run_scoped3A_1189 = arith.constant 4 : i32
    "tpu.region"() ({
      %run_scoped3A_1226 = tpu.sem_alloc : memref<!tpu.dma_semaphore, #tpu.memory_space<semaphore_mem>>
      %dma_start3A_1227 = arith.constant 0 : i32
      %dma_start3A_1228 = arith.constant 0 : i32
      %dma_start3A_1229 = tpu.memref_slice %arg10[%run_scoped3A_1189, %dma_start3A_1227, %dma_start3A_1228] : memref<5x40x128xf32, #tpu.memory_space<vmem>> -> memref<1x40x128xf32, #tpu.memory_space<vmem>>
      %dma_start3A_1230 = tpu.memref_squeeze %dma_start3A_1229 : memref<1x40x128xf32, #tpu.memory_space<vmem>> -> memref<40x128xf32, #tpu.memory_space<vmem>>
      %dma_start3A_1231 = arith.constant 0 : i32
      %dma_start3A_1232 = tpu.memref_slice %arg5[%arg0, %add3A_1187, %dma_start3A_1231] : memref<2x10240x128xf32, #tpu.memory_space<hbm>> -> memref<1x40x128xf32, #tpu.memory_space<hbm>>
      %dma_start3A_1233 = tpu.memref_squeeze %dma_start3A_1232 : memref<1x40x128xf32, #tpu.memory_space<hbm>> -> memref<40x128xf32, #tpu.memory_space<hbm>>
      %dma_start3A_1234 = arith.constant 0 : i32
      %dma_start3A_1235 = tpu.memref_slice %arg5[%arg0, %add3A_1187, %dma_start3A_1234] : memref<2x10240x128xf32, #tpu.memory_space<hbm>> -> memref<1x40x128xf32, #tpu.memory_space<hbm>>
      %dma_start3A_1236 = tpu.memref_squeeze %dma_start3A_1235 : memref<1x40x128xf32, #tpu.memory_space<hbm>> -> memref<40x128xf32, #tpu.memory_space<hbm>>
      %dma_start3A_1237 = arith.constant 0 : i32
      %dma_start3A_1238 = arith.constant 0 : i32
      %dma_start3A_1239 = tpu.memref_slice %arg10[%run_scoped3A_1189, %dma_start3A_1237, %dma_start3A_1238] : memref<5x40x128xf32, #tpu.memory_space<vmem>> -> memref<1x40x128xf32, #tpu.memory_space<vmem>>
      %dma_start3A_1240 = tpu.memref_squeeze %dma_start3A_1239 : memref<1x40x128xf32, #tpu.memory_space<vmem>> -> memref<40x128xf32, #tpu.memory_space<vmem>>
      tpu.enqueue_dma source(%dma_start3A_1240 : memref<40x128xf32, #tpu.memory_space<vmem>>) target(%dma_start3A_1236 : memref<40x128xf32, #tpu.memory_space<hbm>>) target_semaphore(%run_scoped3A_1226 : memref<!tpu.dma_semaphore, #tpu.memory_space<semaphore_mem>>)
      %dma_wait3A_1241 = arith.constant 0 : i32
      %dma_wait3A_1242 = arith.constant 0 : i32
      %dma_wait3A_1243 = tpu.memref_slice %arg10[%run_scoped3A_1189, %dma_wait3A_1241, %dma_wait3A_1242] : memref<5x40x128xf32, #tpu.memory_space<vmem>> -> memref<1x40x128xf32, #tpu.memory_space<vmem>>
      %dma_wait3A_1244 = tpu.memref_squeeze %dma_wait3A_1243 : memref<1x40x128xf32, #tpu.memory_space<vmem>> -> memref<40x128xf32, #tpu.memory_space<vmem>>
      %dma_wait3A_1245 = arith.constant 0 : i32
      %dma_wait3A_1246 = tpu.memref_slice %arg5[%arg0, %add3A_1187, %dma_wait3A_1245] : memref<2x10240x128xf32, #tpu.memory_space<hbm>> -> memref<1x40x128xf32, #tpu.memory_space<hbm>>
      %dma_wait3A_1247 = tpu.memref_squeeze %dma_wait3A_1246 : memref<1x40x128xf32, #tpu.memory_space<hbm>> -> memref<40x128xf32, #tpu.memory_space<hbm>>
      %dma_wait3A_1248 = arith.constant 0 : i32
      %dma_wait3A_1249 = tpu.memref_slice %arg5[%arg0, %add3A_1187, %dma_wait3A_1248] : memref<2x10240x128xf32, #tpu.memory_space<hbm>> -> memref<1x40x128xf32, #tpu.memory_space<hbm>>
      %dma_wait3A_1250 = tpu.memref_squeeze %dma_wait3A_1249 : memref<1x40x128xf32, #tpu.memory_space<hbm>> -> memref<40x128xf32, #tpu.memory_space<hbm>>
      %dma_wait3A_1251 = arith.constant 0 : i32
      %dma_wait3A_1252 = arith.constant 0 : i32
      %dma_wait3A_1253 = tpu.memref_slice %arg10[%run_scoped3A_1189, %dma_wait3A_1251, %dma_wait3A_1252] : memref<5x40x128xf32, #tpu.memory_space<vmem>> -> memref<1x40x128xf32, #tpu.memory_space<vmem>>
      %dma_wait3A_1254 = tpu.memref_squeeze %dma_wait3A_1253 : memref<1x40x128xf32, #tpu.memory_space<vmem>> -> memref<40x128xf32, #tpu.memory_space<vmem>>
      tpu.wait_dma2 semaphore(%run_scoped3A_1226 : memref<!tpu.dma_semaphore, #tpu.memory_space<semaphore_mem>>) src(%dma_wait3A_1254 : memref<40x128xf32, #tpu.memory_space<vmem>>) dst(%dma_wait3A_1250 : memref<40x128xf32, #tpu.memory_space<hbm>>)
      tpu.yield
    }) : () -> ()
    %mul3A_1190 = arith.constant 640 : i32
    %mul3A_1191 = arith.muli %arg1, %mul3A_1190 : i32
    %add3A_1192 = arith.constant 400 : i32
    %add3A_1193 = arith.addi %mul3A_1191, %add3A_1192 : i32
    %run_scoped3A_1194 = arith.constant 0 : i32
    "tpu.region"() ({
      %run_scoped3A_1226 = tpu.sem_alloc : memref<!tpu.dma_semaphore, #tpu.memory_space<semaphore_mem>>
      %dma_start3A_1227 = arith.constant 0 : i32
      %dma_start3A_1228 = arith.constant 0 : i32
      %dma_start3A_1229 = tpu.memref_slice %arg10[%run_scoped3A_1194, %dma_start3A_1227, %dma_start3A_1228] : memref<5x40x128xf32, #tpu.memory_space<vmem>> -> memref<1x40x128xf32, #tpu.memory_space<vmem>>
      %dma_start3A_1230 = tpu.memref_squeeze %dma_start3A_1229 : memref<1x40x128xf32, #tpu.memory_space<vmem>> -> memref<40x128xf32, #tpu.memory_space<vmem>>
      %dma_start3A_1231 = arith.constant 0 : i32
      %dma_start3A_1232 = tpu.memref_slice %arg38[%add3A_1193, %dma_start3A_1231] : memref<10240x128xf32, #tpu.memory_space<vmem_shared>> -> memref<40x128xf32, #tpu.memory_space<vmem_shared>>
      %dma_start3A_1233 = arith.constant 0 : i32
      %dma_start3A_1234 = arith.constant 0 : i32
      %dma_start3A_1235 = tpu.memref_slice %arg10[%run_scoped3A_1194, %dma_start3A_1233, %dma_start3A_1234] : memref<5x40x128xf32, #tpu.memory_space<vmem>> -> memref<1x40x128xf32, #tpu.memory_space<vmem>>
      %dma_start3A_1236 = tpu.memref_squeeze %dma_start3A_1235 : memref<1x40x128xf32, #tpu.memory_space<vmem>> -> memref<40x128xf32, #tpu.memory_space<vmem>>
      %dma_start3A_1237 = arith.constant 0 : i32
      %dma_start3A_1238 = tpu.memref_slice %arg38[%add3A_1193, %dma_start3A_1237] : memref<10240x128xf32, #tpu.memory_space<vmem_shared>> -> memref<40x128xf32, #tpu.memory_space<vmem_shared>>
      tpu.enqueue_dma source(%dma_start3A_1238 : memref<40x128xf32, #tpu.memory_space<vmem_shared>>) target(%dma_start3A_1236 : memref<40x128xf32, #tpu.memory_space<vmem>>) target_semaphore(%run_scoped3A_1226 : memref<!tpu.dma_semaphore, #tpu.memory_space<semaphore_mem>>)
      %dma_wait3A_1239 = arith.constant 0 : i32
      %dma_wait3A_1240 = arith.constant 0 : i32
      %dma_wait3A_1241 = tpu.memref_slice %arg10[%run_scoped3A_1194, %dma_wait3A_1239, %dma_wait3A_1240] : memref<5x40x128xf32, #tpu.memory_space<vmem>> -> memref<1x40x128xf32, #tpu.memory_space<vmem>>
      %dma_wait3A_1242 = tpu.memref_squeeze %dma_wait3A_1241 : memref<1x40x128xf32, #tpu.memory_space<vmem>> -> memref<40x128xf32, #tpu.memory_space<vmem>>
      %dma_wait3A_1243 = arith.constant 0 : i32
      %dma_wait3A_1244 = tpu.memref_slice %arg38[%add3A_1193, %dma_wait3A_1243] : memref<10240x128xf32, #tpu.memory_space<vmem_shared>> -> memref<40x128xf32, #tpu.memory_space<vmem_shared>>
      %dma_wait3A_1245 = arith.constant 0 : i32
      %dma_wait3A_1246 = arith.constant 0 : i32
      %dma_wait3A_1247 = tpu.memref_slice %arg10[%run_scoped3A_1194, %dma_wait3A_1245, %dma_wait3A_1246] : memref<5x40x128xf32, #tpu.memory_space<vmem>> -> memref<1x40x128xf32, #tpu.memory_space<vmem>>
      %dma_wait3A_1248 = tpu.memref_squeeze %dma_wait3A_1247 : memref<1x40x128xf32, #tpu.memory_space<vmem>> -> memref<40x128xf32, #tpu.memory_space<vmem>>
      %dma_wait3A_1249 = arith.constant 0 : i32
      %dma_wait3A_1250 = tpu.memref_slice %arg38[%add3A_1193, %dma_wait3A_1249] : memref<10240x128xf32, #tpu.memory_space<vmem_shared>> -> memref<40x128xf32, #tpu.memory_space<vmem_shared>>
      tpu.wait_dma2 semaphore(%run_scoped3A_1226 : memref<!tpu.dma_semaphore, #tpu.memory_space<semaphore_mem>>) src(%dma_wait3A_1250 : memref<40x128xf32, #tpu.memory_space<vmem_shared>>) dst(%dma_wait3A_1248 : memref<40x128xf32, #tpu.memory_space<vmem>>)
      tpu.yield
    }) : () -> ()
    %run_scoped3A_1195 = arith.constant 0 : i32
    "tpu.region"() ({
      %run_scoped3A_1226 = tpu.sem_alloc : memref<!tpu.dma_semaphore, #tpu.memory_space<semaphore_mem>>
      %dma_start3A_1227 = arith.constant 0 : i32
      %dma_start3A_1228 = arith.constant 0 : i32
      %dma_start3A_1229 = tpu.memref_slice %arg10[%run_scoped3A_1195, %dma_start3A_1227, %dma_start3A_1228] : memref<5x40x128xf32, #tpu.memory_space<vmem>> -> memref<1x40x128xf32, #tpu.memory_space<vmem>>
      %dma_start3A_1230 = tpu.memref_squeeze %dma_start3A_1229 : memref<1x40x128xf32, #tpu.memory_space<vmem>> -> memref<40x128xf32, #tpu.memory_space<vmem>>
      %dma_start3A_1231 = arith.constant 0 : i32
      %dma_start3A_1232 = tpu.memref_slice %arg5[%arg0, %add3A_1193, %dma_start3A_1231] : memref<2x10240x128xf32, #tpu.memory_space<hbm>> -> memref<1x40x128xf32, #tpu.memory_space<hbm>>
      %dma_start3A_1233 = tpu.memref_squeeze %dma_start3A_1232 : memref<1x40x128xf32, #tpu.memory_space<hbm>> -> memref<40x128xf32, #tpu.memory_space<hbm>>
      %dma_start3A_1234 = arith.constant 0 : i32
      %dma_start3A_1235 = tpu.memref_slice %arg5[%arg0, %add3A_1193, %dma_start3A_1234] : memref<2x10240x128xf32, #tpu.memory_space<hbm>> -> memref<1x40x128xf32, #tpu.memory_space<hbm>>
      %dma_start3A_1236 = tpu.memref_squeeze %dma_start3A_1235 : memref<1x40x128xf32, #tpu.memory_space<hbm>> -> memref<40x128xf32, #tpu.memory_space<hbm>>
      %dma_start3A_1237 = arith.constant 0 : i32
      %dma_start3A_1238 = arith.constant 0 : i32
      %dma_start3A_1239 = tpu.memref_slice %arg10[%run_scoped3A_1195, %dma_start3A_1237, %dma_start3A_1238] : memref<5x40x128xf32, #tpu.memory_space<vmem>> -> memref<1x40x128xf32, #tpu.memory_space<vmem>>
      %dma_start3A_1240 = tpu.memref_squeeze %dma_start3A_1239 : memref<1x40x128xf32, #tpu.memory_space<vmem>> -> memref<40x128xf32, #tpu.memory_space<vmem>>
      tpu.enqueue_dma source(%dma_start3A_1240 : memref<40x128xf32, #tpu.memory_space<vmem>>) target(%dma_start3A_1236 : memref<40x128xf32, #tpu.memory_space<hbm>>) target_semaphore(%run_scoped3A_1226 : memref<!tpu.dma_semaphore, #tpu.memory_space<semaphore_mem>>)
      %dma_wait3A_1241 = arith.constant 0 : i32
      %dma_wait3A_1242 = arith.constant 0 : i32
      %dma_wait3A_1243 = tpu.memref_slice %arg10[%run_scoped3A_1195, %dma_wait3A_1241, %dma_wait3A_1242] : memref<5x40x128xf32, #tpu.memory_space<vmem>> -> memref<1x40x128xf32, #tpu.memory_space<vmem>>
      %dma_wait3A_1244 = tpu.memref_squeeze %dma_wait3A_1243 : memref<1x40x128xf32, #tpu.memory_space<vmem>> -> memref<40x128xf32, #tpu.memory_space<vmem>>
      %dma_wait3A_1245 = arith.constant 0 : i32
      %dma_wait3A_1246 = tpu.memref_slice %arg5[%arg0, %add3A_1193, %dma_wait3A_1245] : memref<2x10240x128xf32, #tpu.memory_space<hbm>> -> memref<1x40x128xf32, #tpu.memory_space<hbm>>
      %dma_wait3A_1247 = tpu.memref_squeeze %dma_wait3A_1246 : memref<1x40x128xf32, #tpu.memory_space<hbm>> -> memref<40x128xf32, #tpu.memory_space<hbm>>
      %dma_wait3A_1248 = arith.constant 0 : i32
      %dma_wait3A_1249 = tpu.memref_slice %arg5[%arg0, %add3A_1193, %dma_wait3A_1248] : memref<2x10240x128xf32, #tpu.memory_space<hbm>> -> memref<1x40x128xf32, #tpu.memory_space<hbm>>
      %dma_wait3A_1250 = tpu.memref_squeeze %dma_wait3A_1249 : memref<1x40x128xf32, #tpu.memory_space<hbm>> -> memref<40x128xf32, #tpu.memory_space<hbm>>
      %dma_wait3A_1251 = arith.constant 0 : i32
      %dma_wait3A_1252 = arith.constant 0 : i32
      %dma_wait3A_1253 = tpu.memref_slice %arg10[%run_scoped3A_1195, %dma_wait3A_1251, %dma_wait3A_1252] : memref<5x40x128xf32, #tpu.memory_space<vmem>> -> memref<1x40x128xf32, #tpu.memory_space<vmem>>
      %dma_wait3A_1254 = tpu.memref_squeeze %dma_wait3A_1253 : memref<1x40x128xf32, #tpu.memory_space<vmem>> -> memref<40x128xf32, #tpu.memory_space<vmem>>
      tpu.wait_dma2 semaphore(%run_scoped3A_1226 : memref<!tpu.dma_semaphore, #tpu.memory_space<semaphore_mem>>) src(%dma_wait3A_1254 : memref<40x128xf32, #tpu.memory_space<vmem>>) dst(%dma_wait3A_1250 : memref<40x128xf32, #tpu.memory_space<hbm>>)
      tpu.yield
    }) : () -> ()
    %mul3A_1196 = arith.constant 640 : i32
    %mul3A_1197 = arith.muli %arg1, %mul3A_1196 : i32
    %add3A_1198 = arith.constant 440 : i32
    %add3A_1199 = arith.addi %mul3A_1197, %add3A_1198 : i32
    %run_scoped3A_1200 = arith.constant 1 : i32
    "tpu.region"() ({
      %run_scoped3A_1226 = tpu.sem_alloc : memref<!tpu.dma_semaphore, #tpu.memory_space<semaphore_mem>>
      %dma_start3A_1227 = arith.constant 0 : i32
      %dma_start3A_1228 = arith.constant 0 : i32
      %dma_start3A_1229 = tpu.memref_slice %arg10[%run_scoped3A_1200, %dma_start3A_1227, %dma_start3A_1228] : memref<5x40x128xf32, #tpu.memory_space<vmem>> -> memref<1x40x128xf32, #tpu.memory_space<vmem>>
      %dma_start3A_1230 = tpu.memref_squeeze %dma_start3A_1229 : memref<1x40x128xf32, #tpu.memory_space<vmem>> -> memref<40x128xf32, #tpu.memory_space<vmem>>
      %dma_start3A_1231 = arith.constant 0 : i32
      %dma_start3A_1232 = tpu.memref_slice %arg38[%add3A_1199, %dma_start3A_1231] : memref<10240x128xf32, #tpu.memory_space<vmem_shared>> -> memref<40x128xf32, #tpu.memory_space<vmem_shared>>
      %dma_start3A_1233 = arith.constant 0 : i32
      %dma_start3A_1234 = arith.constant 0 : i32
      %dma_start3A_1235 = tpu.memref_slice %arg10[%run_scoped3A_1200, %dma_start3A_1233, %dma_start3A_1234] : memref<5x40x128xf32, #tpu.memory_space<vmem>> -> memref<1x40x128xf32, #tpu.memory_space<vmem>>
      %dma_start3A_1236 = tpu.memref_squeeze %dma_start3A_1235 : memref<1x40x128xf32, #tpu.memory_space<vmem>> -> memref<40x128xf32, #tpu.memory_space<vmem>>
      %dma_start3A_1237 = arith.constant 0 : i32
      %dma_start3A_1238 = tpu.memref_slice %arg38[%add3A_1199, %dma_start3A_1237] : memref<10240x128xf32, #tpu.memory_space<vmem_shared>> -> memref<40x128xf32, #tpu.memory_space<vmem_shared>>
      tpu.enqueue_dma source(%dma_start3A_1238 : memref<40x128xf32, #tpu.memory_space<vmem_shared>>) target(%dma_start3A_1236 : memref<40x128xf32, #tpu.memory_space<vmem>>) target_semaphore(%run_scoped3A_1226 : memref<!tpu.dma_semaphore, #tpu.memory_space<semaphore_mem>>)
      %dma_wait3A_1239 = arith.constant 0 : i32
      %dma_wait3A_1240 = arith.constant 0 : i32
      %dma_wait3A_1241 = tpu.memref_slice %arg10[%run_scoped3A_1200, %dma_wait3A_1239, %dma_wait3A_1240] : memref<5x40x128xf32, #tpu.memory_space<vmem>> -> memref<1x40x128xf32, #tpu.memory_space<vmem>>
      %dma_wait3A_1242 = tpu.memref_squeeze %dma_wait3A_1241 : memref<1x40x128xf32, #tpu.memory_space<vmem>> -> memref<40x128xf32, #tpu.memory_space<vmem>>
      %dma_wait3A_1243 = arith.constant 0 : i32
      %dma_wait3A_1244 = tpu.memref_slice %arg38[%add3A_1199, %dma_wait3A_1243] : memref<10240x128xf32, #tpu.memory_space<vmem_shared>> -> memref<40x128xf32, #tpu.memory_space<vmem_shared>>
      %dma_wait3A_1245 = arith.constant 0 : i32
      %dma_wait3A_1246 = arith.constant 0 : i32
      %dma_wait3A_1247 = tpu.memref_slice %arg10[%run_scoped3A_1200, %dma_wait3A_1245, %dma_wait3A_1246] : memref<5x40x128xf32, #tpu.memory_space<vmem>> -> memref<1x40x128xf32, #tpu.memory_space<vmem>>
      %dma_wait3A_1248 = tpu.memref_squeeze %dma_wait3A_1247 : memref<1x40x128xf32, #tpu.memory_space<vmem>> -> memref<40x128xf32, #tpu.memory_space<vmem>>
      %dma_wait3A_1249 = arith.constant 0 : i32
      %dma_wait3A_1250 = tpu.memref_slice %arg38[%add3A_1199, %dma_wait3A_1249] : memref<10240x128xf32, #tpu.memory_space<vmem_shared>> -> memref<40x128xf32, #tpu.memory_space<vmem_shared>>
      tpu.wait_dma2 semaphore(%run_scoped3A_1226 : memref<!tpu.dma_semaphore, #tpu.memory_space<semaphore_mem>>) src(%dma_wait3A_1250 : memref<40x128xf32, #tpu.memory_space<vmem_shared>>) dst(%dma_wait3A_1248 : memref<40x128xf32, #tpu.memory_space<vmem>>)
      tpu.yield
    }) : () -> ()
    %run_scoped3A_1201 = arith.constant 1 : i32
    "tpu.region"() ({
      %run_scoped3A_1226 = tpu.sem_alloc : memref<!tpu.dma_semaphore, #tpu.memory_space<semaphore_mem>>
      %dma_start3A_1227 = arith.constant 0 : i32
      %dma_start3A_1228 = arith.constant 0 : i32
      %dma_start3A_1229 = tpu.memref_slice %arg10[%run_scoped3A_1201, %dma_start3A_1227, %dma_start3A_1228] : memref<5x40x128xf32, #tpu.memory_space<vmem>> -> memref<1x40x128xf32, #tpu.memory_space<vmem>>
      %dma_start3A_1230 = tpu.memref_squeeze %dma_start3A_1229 : memref<1x40x128xf32, #tpu.memory_space<vmem>> -> memref<40x128xf32, #tpu.memory_space<vmem>>
      %dma_start3A_1231 = arith.constant 0 : i32
      %dma_start3A_1232 = tpu.memref_slice %arg5[%arg0, %add3A_1199, %dma_start3A_1231] : memref<2x10240x128xf32, #tpu.memory_space<hbm>> -> memref<1x40x128xf32, #tpu.memory_space<hbm>>
      %dma_start3A_1233 = tpu.memref_squeeze %dma_start3A_1232 : memref<1x40x128xf32, #tpu.memory_space<hbm>> -> memref<40x128xf32, #tpu.memory_space<hbm>>
      %dma_start3A_1234 = arith.constant 0 : i32
      %dma_start3A_1235 = tpu.memref_slice %arg5[%arg0, %add3A_1199, %dma_start3A_1234] : memref<2x10240x128xf32, #tpu.memory_space<hbm>> -> memref<1x40x128xf32, #tpu.memory_space<hbm>>
      %dma_start3A_1236 = tpu.memref_squeeze %dma_start3A_1235 : memref<1x40x128xf32, #tpu.memory_space<hbm>> -> memref<40x128xf32, #tpu.memory_space<hbm>>
      %dma_start3A_1237 = arith.constant 0 : i32
      %dma_start3A_1238 = arith.constant 0 : i32
      %dma_start3A_1239 = tpu.memref_slice %arg10[%run_scoped3A_1201, %dma_start3A_1237, %dma_start3A_1238] : memref<5x40x128xf32, #tpu.memory_space<vmem>> -> memref<1x40x128xf32, #tpu.memory_space<vmem>>
      %dma_start3A_1240 = tpu.memref_squeeze %dma_start3A_1239 : memref<1x40x128xf32, #tpu.memory_space<vmem>> -> memref<40x128xf32, #tpu.memory_space<vmem>>
      tpu.enqueue_dma source(%dma_start3A_1240 : memref<40x128xf32, #tpu.memory_space<vmem>>) target(%dma_start3A_1236 : memref<40x128xf32, #tpu.memory_space<hbm>>) target_semaphore(%run_scoped3A_1226 : memref<!tpu.dma_semaphore, #tpu.memory_space<semaphore_mem>>)
      %dma_wait3A_1241 = arith.constant 0 : i32
      %dma_wait3A_1242 = arith.constant 0 : i32
      %dma_wait3A_1243 = tpu.memref_slice %arg10[%run_scoped3A_1201, %dma_wait3A_1241, %dma_wait3A_1242] : memref<5x40x128xf32, #tpu.memory_space<vmem>> -> memref<1x40x128xf32, #tpu.memory_space<vmem>>
      %dma_wait3A_1244 = tpu.memref_squeeze %dma_wait3A_1243 : memref<1x40x128xf32, #tpu.memory_space<vmem>> -> memref<40x128xf32, #tpu.memory_space<vmem>>
      %dma_wait3A_1245 = arith.constant 0 : i32
      %dma_wait3A_1246 = tpu.memref_slice %arg5[%arg0, %add3A_1199, %dma_wait3A_1245] : memref<2x10240x128xf32, #tpu.memory_space<hbm>> -> memref<1x40x128xf32, #tpu.memory_space<hbm>>
      %dma_wait3A_1247 = tpu.memref_squeeze %dma_wait3A_1246 : memref<1x40x128xf32, #tpu.memory_space<hbm>> -> memref<40x128xf32, #tpu.memory_space<hbm>>
      %dma_wait3A_1248 = arith.constant 0 : i32
      %dma_wait3A_1249 = tpu.memref_slice %arg5[%arg0, %add3A_1199, %dma_wait3A_1248] : memref<2x10240x128xf32, #tpu.memory_space<hbm>> -> memref<1x40x128xf32, #tpu.memory_space<hbm>>
      %dma_wait3A_1250 = tpu.memref_squeeze %dma_wait3A_1249 : memref<1x40x128xf32, #tpu.memory_space<hbm>> -> memref<40x128xf32, #tpu.memory_space<hbm>>
      %dma_wait3A_1251 = arith.constant 0 : i32
      %dma_wait3A_1252 = arith.constant 0 : i32
      %dma_wait3A_1253 = tpu.memref_slice %arg10[%run_scoped3A_1201, %dma_wait3A_1251, %dma_wait3A_1252] : memref<5x40x128xf32, #tpu.memory_space<vmem>> -> memref<1x40x128xf32, #tpu.memory_space<vmem>>
      %dma_wait3A_1254 = tpu.memref_squeeze %dma_wait3A_1253 : memref<1x40x128xf32, #tpu.memory_space<vmem>> -> memref<40x128xf32, #tpu.memory_space<vmem>>
      tpu.wait_dma2 semaphore(%run_scoped3A_1226 : memref<!tpu.dma_semaphore, #tpu.memory_space<semaphore_mem>>) src(%dma_wait3A_1254 : memref<40x128xf32, #tpu.memory_space<vmem>>) dst(%dma_wait3A_1250 : memref<40x128xf32, #tpu.memory_space<hbm>>)
      tpu.yield
    }) : () -> ()
    %mul3A_1202 = arith.constant 640 : i32
    %mul3A_1203 = arith.muli %arg1, %mul3A_1202 : i32
    %add3A_1204 = arith.constant 480 : i32
    %add3A_1205 = arith.addi %mul3A_1203, %add3A_1204 : i32
    %run_scoped3A_1206 = arith.constant 2 : i32
    "tpu.region"() ({
      %run_scoped3A_1226 = tpu.sem_alloc : memref<!tpu.dma_semaphore, #tpu.memory_space<semaphore_mem>>
      %dma_start3A_1227 = arith.constant 0 : i32
      %dma_start3A_1228 = arith.constant 0 : i32
      %dma_start3A_1229 = tpu.memref_slice %arg10[%run_scoped3A_1206, %dma_start3A_1227, %dma_start3A_1228] : memref<5x40x128xf32, #tpu.memory_space<vmem>> -> memref<1x40x128xf32, #tpu.memory_space<vmem>>
      %dma_start3A_1230 = tpu.memref_squeeze %dma_start3A_1229 : memref<1x40x128xf32, #tpu.memory_space<vmem>> -> memref<40x128xf32, #tpu.memory_space<vmem>>
      %dma_start3A_1231 = arith.constant 0 : i32
      %dma_start3A_1232 = tpu.memref_slice %arg38[%add3A_1205, %dma_start3A_1231] : memref<10240x128xf32, #tpu.memory_space<vmem_shared>> -> memref<40x128xf32, #tpu.memory_space<vmem_shared>>
      %dma_start3A_1233 = arith.constant 0 : i32
      %dma_start3A_1234 = arith.constant 0 : i32
      %dma_start3A_1235 = tpu.memref_slice %arg10[%run_scoped3A_1206, %dma_start3A_1233, %dma_start3A_1234] : memref<5x40x128xf32, #tpu.memory_space<vmem>> -> memref<1x40x128xf32, #tpu.memory_space<vmem>>
      %dma_start3A_1236 = tpu.memref_squeeze %dma_start3A_1235 : memref<1x40x128xf32, #tpu.memory_space<vmem>> -> memref<40x128xf32, #tpu.memory_space<vmem>>
      %dma_start3A_1237 = arith.constant 0 : i32
      %dma_start3A_1238 = tpu.memref_slice %arg38[%add3A_1205, %dma_start3A_1237] : memref<10240x128xf32, #tpu.memory_space<vmem_shared>> -> memref<40x128xf32, #tpu.memory_space<vmem_shared>>
      tpu.enqueue_dma source(%dma_start3A_1238 : memref<40x128xf32, #tpu.memory_space<vmem_shared>>) target(%dma_start3A_1236 : memref<40x128xf32, #tpu.memory_space<vmem>>) target_semaphore(%run_scoped3A_1226 : memref<!tpu.dma_semaphore, #tpu.memory_space<semaphore_mem>>)
      %dma_wait3A_1239 = arith.constant 0 : i32
      %dma_wait3A_1240 = arith.constant 0 : i32
      %dma_wait3A_1241 = tpu.memref_slice %arg10[%run_scoped3A_1206, %dma_wait3A_1239, %dma_wait3A_1240] : memref<5x40x128xf32, #tpu.memory_space<vmem>> -> memref<1x40x128xf32, #tpu.memory_space<vmem>>
      %dma_wait3A_1242 = tpu.memref_squeeze %dma_wait3A_1241 : memref<1x40x128xf32, #tpu.memory_space<vmem>> -> memref<40x128xf32, #tpu.memory_space<vmem>>
      %dma_wait3A_1243 = arith.constant 0 : i32
      %dma_wait3A_1244 = tpu.memref_slice %arg38[%add3A_1205, %dma_wait3A_1243] : memref<10240x128xf32, #tpu.memory_space<vmem_shared>> -> memref<40x128xf32, #tpu.memory_space<vmem_shared>>
      %dma_wait3A_1245 = arith.constant 0 : i32
      %dma_wait3A_1246 = arith.constant 0 : i32
      %dma_wait3A_1247 = tpu.memref_slice %arg10[%run_scoped3A_1206, %dma_wait3A_1245, %dma_wait3A_1246] : memref<5x40x128xf32, #tpu.memory_space<vmem>> -> memref<1x40x128xf32, #tpu.memory_space<vmem>>
      %dma_wait3A_1248 = tpu.memref_squeeze %dma_wait3A_1247 : memref<1x40x128xf32, #tpu.memory_space<vmem>> -> memref<40x128xf32, #tpu.memory_space<vmem>>
      %dma_wait3A_1249 = arith.constant 0 : i32
      %dma_wait3A_1250 = tpu.memref_slice %arg38[%add3A_1205, %dma_wait3A_1249] : memref<10240x128xf32, #tpu.memory_space<vmem_shared>> -> memref<40x128xf32, #tpu.memory_space<vmem_shared>>
      tpu.wait_dma2 semaphore(%run_scoped3A_1226 : memref<!tpu.dma_semaphore, #tpu.memory_space<semaphore_mem>>) src(%dma_wait3A_1250 : memref<40x128xf32, #tpu.memory_space<vmem_shared>>) dst(%dma_wait3A_1248 : memref<40x128xf32, #tpu.memory_space<vmem>>)
      tpu.yield
    }) : () -> ()
    %run_scoped3A_1207 = arith.constant 2 : i32
    "tpu.region"() ({
      %run_scoped3A_1226 = tpu.sem_alloc : memref<!tpu.dma_semaphore, #tpu.memory_space<semaphore_mem>>
      %dma_start3A_1227 = arith.constant 0 : i32
      %dma_start3A_1228 = arith.constant 0 : i32
      %dma_start3A_1229 = tpu.memref_slice %arg10[%run_scoped3A_1207, %dma_start3A_1227, %dma_start3A_1228] : memref<5x40x128xf32, #tpu.memory_space<vmem>> -> memref<1x40x128xf32, #tpu.memory_space<vmem>>
      %dma_start3A_1230 = tpu.memref_squeeze %dma_start3A_1229 : memref<1x40x128xf32, #tpu.memory_space<vmem>> -> memref<40x128xf32, #tpu.memory_space<vmem>>
      %dma_start3A_1231 = arith.constant 0 : i32
      %dma_start3A_1232 = tpu.memref_slice %arg5[%arg0, %add3A_1205, %dma_start3A_1231] : memref<2x10240x128xf32, #tpu.memory_space<hbm>> -> memref<1x40x128xf32, #tpu.memory_space<hbm>>
      %dma_start3A_1233 = tpu.memref_squeeze %dma_start3A_1232 : memref<1x40x128xf32, #tpu.memory_space<hbm>> -> memref<40x128xf32, #tpu.memory_space<hbm>>
      %dma_start3A_1234 = arith.constant 0 : i32
      %dma_start3A_1235 = tpu.memref_slice %arg5[%arg0, %add3A_1205, %dma_start3A_1234] : memref<2x10240x128xf32, #tpu.memory_space<hbm>> -> memref<1x40x128xf32, #tpu.memory_space<hbm>>
      %dma_start3A_1236 = tpu.memref_squeeze %dma_start3A_1235 : memref<1x40x128xf32, #tpu.memory_space<hbm>> -> memref<40x128xf32, #tpu.memory_space<hbm>>
      %dma_start3A_1237 = arith.constant 0 : i32
      %dma_start3A_1238 = arith.constant 0 : i32
      %dma_start3A_1239 = tpu.memref_slice %arg10[%run_scoped3A_1207, %dma_start3A_1237, %dma_start3A_1238] : memref<5x40x128xf32, #tpu.memory_space<vmem>> -> memref<1x40x128xf32, #tpu.memory_space<vmem>>
      %dma_start3A_1240 = tpu.memref_squeeze %dma_start3A_1239 : memref<1x40x128xf32, #tpu.memory_space<vmem>> -> memref<40x128xf32, #tpu.memory_space<vmem>>
      tpu.enqueue_dma source(%dma_start3A_1240 : memref<40x128xf32, #tpu.memory_space<vmem>>) target(%dma_start3A_1236 : memref<40x128xf32, #tpu.memory_space<hbm>>) target_semaphore(%run_scoped3A_1226 : memref<!tpu.dma_semaphore, #tpu.memory_space<semaphore_mem>>)
      %dma_wait3A_1241 = arith.constant 0 : i32
      %dma_wait3A_1242 = arith.constant 0 : i32
      %dma_wait3A_1243 = tpu.memref_slice %arg10[%run_scoped3A_1207, %dma_wait3A_1241, %dma_wait3A_1242] : memref<5x40x128xf32, #tpu.memory_space<vmem>> -> memref<1x40x128xf32, #tpu.memory_space<vmem>>
      %dma_wait3A_1244 = tpu.memref_squeeze %dma_wait3A_1243 : memref<1x40x128xf32, #tpu.memory_space<vmem>> -> memref<40x128xf32, #tpu.memory_space<vmem>>
      %dma_wait3A_1245 = arith.constant 0 : i32
      %dma_wait3A_1246 = tpu.memref_slice %arg5[%arg0, %add3A_1205, %dma_wait3A_1245] : memref<2x10240x128xf32, #tpu.memory_space<hbm>> -> memref<1x40x128xf32, #tpu.memory_space<hbm>>
      %dma_wait3A_1247 = tpu.memref_squeeze %dma_wait3A_1246 : memref<1x40x128xf32, #tpu.memory_space<hbm>> -> memref<40x128xf32, #tpu.memory_space<hbm>>
      %dma_wait3A_1248 = arith.constant 0 : i32
      %dma_wait3A_1249 = tpu.memref_slice %arg5[%arg0, %add3A_1205, %dma_wait3A_1248] : memref<2x10240x128xf32, #tpu.memory_space<hbm>> -> memref<1x40x128xf32, #tpu.memory_space<hbm>>
      %dma_wait3A_1250 = tpu.memref_squeeze %dma_wait3A_1249 : memref<1x40x128xf32, #tpu.memory_space<hbm>> -> memref<40x128xf32, #tpu.memory_space<hbm>>
      %dma_wait3A_1251 = arith.constant 0 : i32
      %dma_wait3A_1252 = arith.constant 0 : i32
      %dma_wait3A_1253 = tpu.memref_slice %arg10[%run_scoped3A_1207, %dma_wait3A_1251, %dma_wait3A_1252] : memref<5x40x128xf32, #tpu.memory_space<vmem>> -> memref<1x40x128xf32, #tpu.memory_space<vmem>>
      %dma_wait3A_1254 = tpu.memref_squeeze %dma_wait3A_1253 : memref<1x40x128xf32, #tpu.memory_space<vmem>> -> memref<40x128xf32, #tpu.memory_space<vmem>>
      tpu.wait_dma2 semaphore(%run_scoped3A_1226 : memref<!tpu.dma_semaphore, #tpu.memory_space<semaphore_mem>>) src(%dma_wait3A_1254 : memref<40x128xf32, #tpu.memory_space<vmem>>) dst(%dma_wait3A_1250 : memref<40x128xf32, #tpu.memory_space<hbm>>)
      tpu.yield
    }) : () -> ()
    %mul3A_1208 = arith.constant 640 : i32
    %mul3A_1209 = arith.muli %arg1, %mul3A_1208 : i32
    %add3A_1210 = arith.constant 520 : i32
    %add3A_1211 = arith.addi %mul3A_1209, %add3A_1210 : i32
    %run_scoped3A_1212 = arith.constant 3 : i32
    "tpu.region"() ({
      %run_scoped3A_1226 = tpu.sem_alloc : memref<!tpu.dma_semaphore, #tpu.memory_space<semaphore_mem>>
      %dma_start3A_1227 = arith.constant 0 : i32
      %dma_start3A_1228 = arith.constant 0 : i32
      %dma_start3A_1229 = tpu.memref_slice %arg10[%run_scoped3A_1212, %dma_start3A_1227, %dma_start3A_1228] : memref<5x40x128xf32, #tpu.memory_space<vmem>> -> memref<1x40x128xf32, #tpu.memory_space<vmem>>
      %dma_start3A_1230 = tpu.memref_squeeze %dma_start3A_1229 : memref<1x40x128xf32, #tpu.memory_space<vmem>> -> memref<40x128xf32, #tpu.memory_space<vmem>>
      %dma_start3A_1231 = arith.constant 0 : i32
      %dma_start3A_1232 = tpu.memref_slice %arg38[%add3A_1211, %dma_start3A_1231] : memref<10240x128xf32, #tpu.memory_space<vmem_shared>> -> memref<40x128xf32, #tpu.memory_space<vmem_shared>>
      %dma_start3A_1233 = arith.constant 0 : i32
      %dma_start3A_1234 = arith.constant 0 : i32
      %dma_start3A_1235 = tpu.memref_slice %arg10[%run_scoped3A_1212, %dma_start3A_1233, %dma_start3A_1234] : memref<5x40x128xf32, #tpu.memory_space<vmem>> -> memref<1x40x128xf32, #tpu.memory_space<vmem>>
      %dma_start3A_1236 = tpu.memref_squeeze %dma_start3A_1235 : memref<1x40x128xf32, #tpu.memory_space<vmem>> -> memref<40x128xf32, #tpu.memory_space<vmem>>
      %dma_start3A_1237 = arith.constant 0 : i32
      %dma_start3A_1238 = tpu.memref_slice %arg38[%add3A_1211, %dma_start3A_1237] : memref<10240x128xf32, #tpu.memory_space<vmem_shared>> -> memref<40x128xf32, #tpu.memory_space<vmem_shared>>
      tpu.enqueue_dma source(%dma_start3A_1238 : memref<40x128xf32, #tpu.memory_space<vmem_shared>>) target(%dma_start3A_1236 : memref<40x128xf32, #tpu.memory_space<vmem>>) target_semaphore(%run_scoped3A_1226 : memref<!tpu.dma_semaphore, #tpu.memory_space<semaphore_mem>>)
      %dma_wait3A_1239 = arith.constant 0 : i32
      %dma_wait3A_1240 = arith.constant 0 : i32
      %dma_wait3A_1241 = tpu.memref_slice %arg10[%run_scoped3A_1212, %dma_wait3A_1239, %dma_wait3A_1240] : memref<5x40x128xf32, #tpu.memory_space<vmem>> -> memref<1x40x128xf32, #tpu.memory_space<vmem>>
      %dma_wait3A_1242 = tpu.memref_squeeze %dma_wait3A_1241 : memref<1x40x128xf32, #tpu.memory_space<vmem>> -> memref<40x128xf32, #tpu.memory_space<vmem>>
      %dma_wait3A_1243 = arith.constant 0 : i32
      %dma_wait3A_1244 = tpu.memref_slice %arg38[%add3A_1211, %dma_wait3A_1243] : memref<10240x128xf32, #tpu.memory_space<vmem_shared>> -> memref<40x128xf32, #tpu.memory_space<vmem_shared>>
      %dma_wait3A_1245 = arith.constant 0 : i32
      %dma_wait3A_1246 = arith.constant 0 : i32
      %dma_wait3A_1247 = tpu.memref_slice %arg10[%run_scoped3A_1212, %dma_wait3A_1245, %dma_wait3A_1246] : memref<5x40x128xf32, #tpu.memory_space<vmem>> -> memref<1x40x128xf32, #tpu.memory_space<vmem>>
      %dma_wait3A_1248 = tpu.memref_squeeze %dma_wait3A_1247 : memref<1x40x128xf32, #tpu.memory_space<vmem>> -> memref<40x128xf32, #tpu.memory_space<vmem>>
      %dma_wait3A_1249 = arith.constant 0 : i32
      %dma_wait3A_1250 = tpu.memref_slice %arg38[%add3A_1211, %dma_wait3A_1249] : memref<10240x128xf32, #tpu.memory_space<vmem_shared>> -> memref<40x128xf32, #tpu.memory_space<vmem_shared>>
      tpu.wait_dma2 semaphore(%run_scoped3A_1226 : memref<!tpu.dma_semaphore, #tpu.memory_space<semaphore_mem>>) src(%dma_wait3A_1250 : memref<40x128xf32, #tpu.memory_space<vmem_shared>>) dst(%dma_wait3A_1248 : memref<40x128xf32, #tpu.memory_space<vmem>>)
      tpu.yield
    }) : () -> ()
    %run_scoped3A_1213 = arith.constant 3 : i32
    "tpu.region"() ({
      %run_scoped3A_1226 = tpu.sem_alloc : memref<!tpu.dma_semaphore, #tpu.memory_space<semaphore_mem>>
      %dma_start3A_1227 = arith.constant 0 : i32
      %dma_start3A_1228 = arith.constant 0 : i32
      %dma_start3A_1229 = tpu.memref_slice %arg10[%run_scoped3A_1213, %dma_start3A_1227, %dma_start3A_1228] : memref<5x40x128xf32, #tpu.memory_space<vmem>> -> memref<1x40x128xf32, #tpu.memory_space<vmem>>
      %dma_start3A_1230 = tpu.memref_squeeze %dma_start3A_1229 : memref<1x40x128xf32, #tpu.memory_space<vmem>> -> memref<40x128xf32, #tpu.memory_space<vmem>>
      %dma_start3A_1231 = arith.constant 0 : i32
      %dma_start3A_1232 = tpu.memref_slice %arg5[%arg0, %add3A_1211, %dma_start3A_1231] : memref<2x10240x128xf32, #tpu.memory_space<hbm>> -> memref<1x40x128xf32, #tpu.memory_space<hbm>>
      %dma_start3A_1233 = tpu.memref_squeeze %dma_start3A_1232 : memref<1x40x128xf32, #tpu.memory_space<hbm>> -> memref<40x128xf32, #tpu.memory_space<hbm>>
      %dma_start3A_1234 = arith.constant 0 : i32
      %dma_start3A_1235 = tpu.memref_slice %arg5[%arg0, %add3A_1211, %dma_start3A_1234] : memref<2x10240x128xf32, #tpu.memory_space<hbm>> -> memref<1x40x128xf32, #tpu.memory_space<hbm>>
      %dma_start3A_1236 = tpu.memref_squeeze %dma_start3A_1235 : memref<1x40x128xf32, #tpu.memory_space<hbm>> -> memref<40x128xf32, #tpu.memory_space<hbm>>
      %dma_start3A_1237 = arith.constant 0 : i32
      %dma_start3A_1238 = arith.constant 0 : i32
      %dma_start3A_1239 = tpu.memref_slice %arg10[%run_scoped3A_1213, %dma_start3A_1237, %dma_start3A_1238] : memref<5x40x128xf32, #tpu.memory_space<vmem>> -> memref<1x40x128xf32, #tpu.memory_space<vmem>>
      %dma_start3A_1240 = tpu.memref_squeeze %dma_start3A_1239 : memref<1x40x128xf32, #tpu.memory_space<vmem>> -> memref<40x128xf32, #tpu.memory_space<vmem>>
      tpu.enqueue_dma source(%dma_start3A_1240 : memref<40x128xf32, #tpu.memory_space<vmem>>) target(%dma_start3A_1236 : memref<40x128xf32, #tpu.memory_space<hbm>>) target_semaphore(%run_scoped3A_1226 : memref<!tpu.dma_semaphore, #tpu.memory_space<semaphore_mem>>)
      %dma_wait3A_1241 = arith.constant 0 : i32
      %dma_wait3A_1242 = arith.constant 0 : i32
      %dma_wait3A_1243 = tpu.memref_slice %arg10[%run_scoped3A_1213, %dma_wait3A_1241, %dma_wait3A_1242] : memref<5x40x128xf32, #tpu.memory_space<vmem>> -> memref<1x40x128xf32, #tpu.memory_space<vmem>>
      %dma_wait3A_1244 = tpu.memref_squeeze %dma_wait3A_1243 : memref<1x40x128xf32, #tpu.memory_space<vmem>> -> memref<40x128xf32, #tpu.memory_space<vmem>>
      %dma_wait3A_1245 = arith.constant 0 : i32
      %dma_wait3A_1246 = tpu.memref_slice %arg5[%arg0, %add3A_1211, %dma_wait3A_1245] : memref<2x10240x128xf32, #tpu.memory_space<hbm>> -> memref<1x40x128xf32, #tpu.memory_space<hbm>>
      %dma_wait3A_1247 = tpu.memref_squeeze %dma_wait3A_1246 : memref<1x40x128xf32, #tpu.memory_space<hbm>> -> memref<40x128xf32, #tpu.memory_space<hbm>>
      %dma_wait3A_1248 = arith.constant 0 : i32
      %dma_wait3A_1249 = tpu.memref_slice %arg5[%arg0, %add3A_1211, %dma_wait3A_1248] : memref<2x10240x128xf32, #tpu.memory_space<hbm>> -> memref<1x40x128xf32, #tpu.memory_space<hbm>>
      %dma_wait3A_1250 = tpu.memref_squeeze %dma_wait3A_1249 : memref<1x40x128xf32, #tpu.memory_space<hbm>> -> memref<40x128xf32, #tpu.memory_space<hbm>>
      %dma_wait3A_1251 = arith.constant 0 : i32
      %dma_wait3A_1252 = arith.constant 0 : i32
      %dma_wait3A_1253 = tpu.memref_slice %arg10[%run_scoped3A_1213, %dma_wait3A_1251, %dma_wait3A_1252] : memref<5x40x128xf32, #tpu.memory_space<vmem>> -> memref<1x40x128xf32, #tpu.memory_space<vmem>>
      %dma_wait3A_1254 = tpu.memref_squeeze %dma_wait3A_1253 : memref<1x40x128xf32, #tpu.memory_space<vmem>> -> memref<40x128xf32, #tpu.memory_space<vmem>>
      tpu.wait_dma2 semaphore(%run_scoped3A_1226 : memref<!tpu.dma_semaphore, #tpu.memory_space<semaphore_mem>>) src(%dma_wait3A_1254 : memref<40x128xf32, #tpu.memory_space<vmem>>) dst(%dma_wait3A_1250 : memref<40x128xf32, #tpu.memory_space<hbm>>)
      tpu.yield
    }) : () -> ()
    %mul3A_1214 = arith.constant 640 : i32
    %mul3A_1215 = arith.muli %arg1, %mul3A_1214 : i32
    %add3A_1216 = arith.constant 560 : i32
    %add3A_1217 = arith.addi %mul3A_1215, %add3A_1216 : i32
    %run_scoped3A_1218 = arith.constant 4 : i32
    "tpu.region"() ({
      %run_scoped3A_1226 = tpu.sem_alloc : memref<!tpu.dma_semaphore, #tpu.memory_space<semaphore_mem>>
      %dma_start3A_1227 = arith.constant 0 : i32
      %dma_start3A_1228 = arith.constant 0 : i32
      %dma_start3A_1229 = tpu.memref_slice %arg10[%run_scoped3A_1218, %dma_start3A_1227, %dma_start3A_1228] : memref<5x40x128xf32, #tpu.memory_space<vmem>> -> memref<1x40x128xf32, #tpu.memory_space<vmem>>
      %dma_start3A_1230 = tpu.memref_squeeze %dma_start3A_1229 : memref<1x40x128xf32, #tpu.memory_space<vmem>> -> memref<40x128xf32, #tpu.memory_space<vmem>>
      %dma_start3A_1231 = arith.constant 0 : i32
      %dma_start3A_1232 = tpu.memref_slice %arg38[%add3A_1217, %dma_start3A_1231] : memref<10240x128xf32, #tpu.memory_space<vmem_shared>> -> memref<40x128xf32, #tpu.memory_space<vmem_shared>>
      %dma_start3A_1233 = arith.constant 0 : i32
      %dma_start3A_1234 = arith.constant 0 : i32
      %dma_start3A_1235 = tpu.memref_slice %arg10[%run_scoped3A_1218, %dma_start3A_1233, %dma_start3A_1234] : memref<5x40x128xf32, #tpu.memory_space<vmem>> -> memref<1x40x128xf32, #tpu.memory_space<vmem>>
      %dma_start3A_1236 = tpu.memref_squeeze %dma_start3A_1235 : memref<1x40x128xf32, #tpu.memory_space<vmem>> -> memref<40x128xf32, #tpu.memory_space<vmem>>
      %dma_start3A_1237 = arith.constant 0 : i32
      %dma_start3A_1238 = tpu.memref_slice %arg38[%add3A_1217, %dma_start3A_1237] : memref<10240x128xf32, #tpu.memory_space<vmem_shared>> -> memref<40x128xf32, #tpu.memory_space<vmem_shared>>
      tpu.enqueue_dma source(%dma_start3A_1238 : memref<40x128xf32, #tpu.memory_space<vmem_shared>>) target(%dma_start3A_1236 : memref<40x128xf32, #tpu.memory_space<vmem>>) target_semaphore(%run_scoped3A_1226 : memref<!tpu.dma_semaphore, #tpu.memory_space<semaphore_mem>>)
      %dma_wait3A_1239 = arith.constant 0 : i32
      %dma_wait3A_1240 = arith.constant 0 : i32
      %dma_wait3A_1241 = tpu.memref_slice %arg10[%run_scoped3A_1218, %dma_wait3A_1239, %dma_wait3A_1240] : memref<5x40x128xf32, #tpu.memory_space<vmem>> -> memref<1x40x128xf32, #tpu.memory_space<vmem>>
      %dma_wait3A_1242 = tpu.memref_squeeze %dma_wait3A_1241 : memref<1x40x128xf32, #tpu.memory_space<vmem>> -> memref<40x128xf32, #tpu.memory_space<vmem>>
      %dma_wait3A_1243 = arith.constant 0 : i32
      %dma_wait3A_1244 = tpu.memref_slice %arg38[%add3A_1217, %dma_wait3A_1243] : memref<10240x128xf32, #tpu.memory_space<vmem_shared>> -> memref<40x128xf32, #tpu.memory_space<vmem_shared>>
      %dma_wait3A_1245 = arith.constant 0 : i32
      %dma_wait3A_1246 = arith.constant 0 : i32
      %dma_wait3A_1247 = tpu.memref_slice %arg10[%run_scoped3A_1218, %dma_wait3A_1245, %dma_wait3A_1246] : memref<5x40x128xf32, #tpu.memory_space<vmem>> -> memref<1x40x128xf32, #tpu.memory_space<vmem>>
      %dma_wait3A_1248 = tpu.memref_squeeze %dma_wait3A_1247 : memref<1x40x128xf32, #tpu.memory_space<vmem>> -> memref<40x128xf32, #tpu.memory_space<vmem>>
      %dma_wait3A_1249 = arith.constant 0 : i32
      %dma_wait3A_1250 = tpu.memref_slice %arg38[%add3A_1217, %dma_wait3A_1249] : memref<10240x128xf32, #tpu.memory_space<vmem_shared>> -> memref<40x128xf32, #tpu.memory_space<vmem_shared>>
      tpu.wait_dma2 semaphore(%run_scoped3A_1226 : memref<!tpu.dma_semaphore, #tpu.memory_space<semaphore_mem>>) src(%dma_wait3A_1250 : memref<40x128xf32, #tpu.memory_space<vmem_shared>>) dst(%dma_wait3A_1248 : memref<40x128xf32, #tpu.memory_space<vmem>>)
      tpu.yield
    }) : () -> ()
    %run_scoped3A_1219 = arith.constant 4 : i32
    "tpu.region"() ({
      %run_scoped3A_1226 = tpu.sem_alloc : memref<!tpu.dma_semaphore, #tpu.memory_space<semaphore_mem>>
      %dma_start3A_1227 = arith.constant 0 : i32
      %dma_start3A_1228 = arith.constant 0 : i32
      %dma_start3A_1229 = tpu.memref_slice %arg10[%run_scoped3A_1219, %dma_start3A_1227, %dma_start3A_1228] : memref<5x40x128xf32, #tpu.memory_space<vmem>> -> memref<1x40x128xf32, #tpu.memory_space<vmem>>
      %dma_start3A_1230 = tpu.memref_squeeze %dma_start3A_1229 : memref<1x40x128xf32, #tpu.memory_space<vmem>> -> memref<40x128xf32, #tpu.memory_space<vmem>>
      %dma_start3A_1231 = arith.constant 0 : i32
      %dma_start3A_1232 = tpu.memref_slice %arg5[%arg0, %add3A_1217, %dma_start3A_1231] : memref<2x10240x128xf32, #tpu.memory_space<hbm>> -> memref<1x40x128xf32, #tpu.memory_space<hbm>>
      %dma_start3A_1233 = tpu.memref_squeeze %dma_start3A_1232 : memref<1x40x128xf32, #tpu.memory_space<hbm>> -> memref<40x128xf32, #tpu.memory_space<hbm>>
      %dma_start3A_1234 = arith.constant 0 : i32
      %dma_start3A_1235 = tpu.memref_slice %arg5[%arg0, %add3A_1217, %dma_start3A_1234] : memref<2x10240x128xf32, #tpu.memory_space<hbm>> -> memref<1x40x128xf32, #tpu.memory_space<hbm>>
      %dma_start3A_1236 = tpu.memref_squeeze %dma_start3A_1235 : memref<1x40x128xf32, #tpu.memory_space<hbm>> -> memref<40x128xf32, #tpu.memory_space<hbm>>
      %dma_start3A_1237 = arith.constant 0 : i32
      %dma_start3A_1238 = arith.constant 0 : i32
      %dma_start3A_1239 = tpu.memref_slice %arg10[%run_scoped3A_1219, %dma_start3A_1237, %dma_start3A_1238] : memref<5x40x128xf32, #tpu.memory_space<vmem>> -> memref<1x40x128xf32, #tpu.memory_space<vmem>>
      %dma_start3A_1240 = tpu.memref_squeeze %dma_start3A_1239 : memref<1x40x128xf32, #tpu.memory_space<vmem>> -> memref<40x128xf32, #tpu.memory_space<vmem>>
      tpu.enqueue_dma source(%dma_start3A_1240 : memref<40x128xf32, #tpu.memory_space<vmem>>) target(%dma_start3A_1236 : memref<40x128xf32, #tpu.memory_space<hbm>>) target_semaphore(%run_scoped3A_1226 : memref<!tpu.dma_semaphore, #tpu.memory_space<semaphore_mem>>)
      %dma_wait3A_1241 = arith.constant 0 : i32
      %dma_wait3A_1242 = arith.constant 0 : i32
      %dma_wait3A_1243 = tpu.memref_slice %arg10[%run_scoped3A_1219, %dma_wait3A_1241, %dma_wait3A_1242] : memref<5x40x128xf32, #tpu.memory_space<vmem>> -> memref<1x40x128xf32, #tpu.memory_space<vmem>>
      %dma_wait3A_1244 = tpu.memref_squeeze %dma_wait3A_1243 : memref<1x40x128xf32, #tpu.memory_space<vmem>> -> memref<40x128xf32, #tpu.memory_space<vmem>>
      %dma_wait3A_1245 = arith.constant 0 : i32
      %dma_wait3A_1246 = tpu.memref_slice %arg5[%arg0, %add3A_1217, %dma_wait3A_1245] : memref<2x10240x128xf32, #tpu.memory_space<hbm>> -> memref<1x40x128xf32, #tpu.memory_space<hbm>>
      %dma_wait3A_1247 = tpu.memref_squeeze %dma_wait3A_1246 : memref<1x40x128xf32, #tpu.memory_space<hbm>> -> memref<40x128xf32, #tpu.memory_space<hbm>>
      %dma_wait3A_1248 = arith.constant 0 : i32
      %dma_wait3A_1249 = tpu.memref_slice %arg5[%arg0, %add3A_1217, %dma_wait3A_1248] : memref<2x10240x128xf32, #tpu.memory_space<hbm>> -> memref<1x40x128xf32, #tpu.memory_space<hbm>>
      %dma_wait3A_1250 = tpu.memref_squeeze %dma_wait3A_1249 : memref<1x40x128xf32, #tpu.memory_space<hbm>> -> memref<40x128xf32, #tpu.memory_space<hbm>>
      %dma_wait3A_1251 = arith.constant 0 : i32
      %dma_wait3A_1252 = arith.constant 0 : i32
      %dma_wait3A_1253 = tpu.memref_slice %arg10[%run_scoped3A_1219, %dma_wait3A_1251, %dma_wait3A_1252] : memref<5x40x128xf32, #tpu.memory_space<vmem>> -> memref<1x40x128xf32, #tpu.memory_space<vmem>>
      %dma_wait3A_1254 = tpu.memref_squeeze %dma_wait3A_1253 : memref<1x40x128xf32, #tpu.memory_space<vmem>> -> memref<40x128xf32, #tpu.memory_space<vmem>>
      tpu.wait_dma2 semaphore(%run_scoped3A_1226 : memref<!tpu.dma_semaphore, #tpu.memory_space<semaphore_mem>>) src(%dma_wait3A_1254 : memref<40x128xf32, #tpu.memory_space<vmem>>) dst(%dma_wait3A_1250 : memref<40x128xf32, #tpu.memory_space<hbm>>)
      tpu.yield
    }) : () -> ()
    %mul3A_1220 = arith.constant 640 : i32
    %mul3A_1221 = arith.muli %arg1, %mul3A_1220 : i32
    %add3A_1222 = arith.constant 600 : i32
    %add3A_1223 = arith.addi %mul3A_1221, %add3A_1222 : i32
    %run_scoped3A_1224 = arith.constant 0 : i32
    "tpu.region"() ({
      %run_scoped3A_1226 = tpu.sem_alloc : memref<!tpu.dma_semaphore, #tpu.memory_space<semaphore_mem>>
      %dma_start3A_1227 = arith.constant 0 : i32
      %dma_start3A_1228 = arith.constant 0 : i32
      %dma_start3A_1229 = tpu.memref_slice %arg10[%run_scoped3A_1224, %dma_start3A_1227, %dma_start3A_1228] : memref<5x40x128xf32, #tpu.memory_space<vmem>> -> memref<1x40x128xf32, #tpu.memory_space<vmem>>
      %dma_start3A_1230 = tpu.memref_squeeze %dma_start3A_1229 : memref<1x40x128xf32, #tpu.memory_space<vmem>> -> memref<40x128xf32, #tpu.memory_space<vmem>>
      %dma_start3A_1231 = arith.constant 0 : i32
      %dma_start3A_1232 = tpu.memref_slice %arg38[%add3A_1223, %dma_start3A_1231] : memref<10240x128xf32, #tpu.memory_space<vmem_shared>> -> memref<40x128xf32, #tpu.memory_space<vmem_shared>>
      %dma_start3A_1233 = arith.constant 0 : i32
      %dma_start3A_1234 = arith.constant 0 : i32
      %dma_start3A_1235 = tpu.memref_slice %arg10[%run_scoped3A_1224, %dma_start3A_1233, %dma_start3A_1234] : memref<5x40x128xf32, #tpu.memory_space<vmem>> -> memref<1x40x128xf32, #tpu.memory_space<vmem>>
      %dma_start3A_1236 = tpu.memref_squeeze %dma_start3A_1235 : memref<1x40x128xf32, #tpu.memory_space<vmem>> -> memref<40x128xf32, #tpu.memory_space<vmem>>
      %dma_start3A_1237 = arith.constant 0 : i32
      %dma_start3A_1238 = tpu.memref_slice %arg38[%add3A_1223, %dma_start3A_1237] : memref<10240x128xf32, #tpu.memory_space<vmem_shared>> -> memref<40x128xf32, #tpu.memory_space<vmem_shared>>
      tpu.enqueue_dma source(%dma_start3A_1238 : memref<40x128xf32, #tpu.memory_space<vmem_shared>>) target(%dma_start3A_1236 : memref<40x128xf32, #tpu.memory_space<vmem>>) target_semaphore(%run_scoped3A_1226 : memref<!tpu.dma_semaphore, #tpu.memory_space<semaphore_mem>>)
      %dma_wait3A_1239 = arith.constant 0 : i32
      %dma_wait3A_1240 = arith.constant 0 : i32
      %dma_wait3A_1241 = tpu.memref_slice %arg10[%run_scoped3A_1224, %dma_wait3A_1239, %dma_wait3A_1240] : memref<5x40x128xf32, #tpu.memory_space<vmem>> -> memref<1x40x128xf32, #tpu.memory_space<vmem>>
      %dma_wait3A_1242 = tpu.memref_squeeze %dma_wait3A_1241 : memref<1x40x128xf32, #tpu.memory_space<vmem>> -> memref<40x128xf32, #tpu.memory_space<vmem>>
      %dma_wait3A_1243 = arith.constant 0 : i32
      %dma_wait3A_1244 = tpu.memref_slice %arg38[%add3A_1223, %dma_wait3A_1243] : memref<10240x128xf32, #tpu.memory_space<vmem_shared>> -> memref<40x128xf32, #tpu.memory_space<vmem_shared>>
      %dma_wait3A_1245 = arith.constant 0 : i32
      %dma_wait3A_1246 = arith.constant 0 : i32
      %dma_wait3A_1247 = tpu.memref_slice %arg10[%run_scoped3A_1224, %dma_wait3A_1245, %dma_wait3A_1246] : memref<5x40x128xf32, #tpu.memory_space<vmem>> -> memref<1x40x128xf32, #tpu.memory_space<vmem>>
      %dma_wait3A_1248 = tpu.memref_squeeze %dma_wait3A_1247 : memref<1x40x128xf32, #tpu.memory_space<vmem>> -> memref<40x128xf32, #tpu.memory_space<vmem>>
      %dma_wait3A_1249 = arith.constant 0 : i32
      %dma_wait3A_1250 = tpu.memref_slice %arg38[%add3A_1223, %dma_wait3A_1249] : memref<10240x128xf32, #tpu.memory_space<vmem_shared>> -> memref<40x128xf32, #tpu.memory_space<vmem_shared>>
      tpu.wait_dma2 semaphore(%run_scoped3A_1226 : memref<!tpu.dma_semaphore, #tpu.memory_space<semaphore_mem>>) src(%dma_wait3A_1250 : memref<40x128xf32, #tpu.memory_space<vmem_shared>>) dst(%dma_wait3A_1248 : memref<40x128xf32, #tpu.memory_space<vmem>>)
      tpu.yield
    }) : () -> ()
    %run_scoped3A_1225 = arith.constant 0 : i32
    "tpu.region"() ({
      %run_scoped3A_1226 = tpu.sem_alloc : memref<!tpu.dma_semaphore, #tpu.memory_space<semaphore_mem>>
      %dma_start3A_1227 = arith.constant 0 : i32
      %dma_start3A_1228 = arith.constant 0 : i32
      %dma_start3A_1229 = tpu.memref_slice %arg10[%run_scoped3A_1225, %dma_start3A_1227, %dma_start3A_1228] : memref<5x40x128xf32, #tpu.memory_space<vmem>> -> memref<1x40x128xf32, #tpu.memory_space<vmem>>
      %dma_start3A_1230 = tpu.memref_squeeze %dma_start3A_1229 : memref<1x40x128xf32, #tpu.memory_space<vmem>> -> memref<40x128xf32, #tpu.memory_space<vmem>>
      %dma_start3A_1231 = arith.constant 0 : i32
      %dma_start3A_1232 = tpu.memref_slice %arg5[%arg0, %add3A_1223, %dma_start3A_1231] : memref<2x10240x128xf32, #tpu.memory_space<hbm>> -> memref<1x40x128xf32, #tpu.memory_space<hbm>>
      %dma_start3A_1233 = tpu.memref_squeeze %dma_start3A_1232 : memref<1x40x128xf32, #tpu.memory_space<hbm>> -> memref<40x128xf32, #tpu.memory_space<hbm>>
      %dma_start3A_1234 = arith.constant 0 : i32
      %dma_start3A_1235 = tpu.memref_slice %arg5[%arg0, %add3A_1223, %dma_start3A_1234] : memref<2x10240x128xf32, #tpu.memory_space<hbm>> -> memref<1x40x128xf32, #tpu.memory_space<hbm>>
      %dma_start3A_1236 = tpu.memref_squeeze %dma_start3A_1235 : memref<1x40x128xf32, #tpu.memory_space<hbm>> -> memref<40x128xf32, #tpu.memory_space<hbm>>
      %dma_start3A_1237 = arith.constant 0 : i32
      %dma_start3A_1238 = arith.constant 0 : i32
      %dma_start3A_1239 = tpu.memref_slice %arg10[%run_scoped3A_1225, %dma_start3A_1237, %dma_start3A_1238] : memref<5x40x128xf32, #tpu.memory_space<vmem>> -> memref<1x40x128xf32, #tpu.memory_space<vmem>>
      %dma_start3A_1240 = tpu.memref_squeeze %dma_start3A_1239 : memref<1x40x128xf32, #tpu.memory_space<vmem>> -> memref<40x128xf32, #tpu.memory_space<vmem>>
      tpu.enqueue_dma source(%dma_start3A_1240 : memref<40x128xf32, #tpu.memory_space<vmem>>) target(%dma_start3A_1236 : memref<40x128xf32, #tpu.memory_space<hbm>>) target_semaphore(%run_scoped3A_1226 : memref<!tpu.dma_semaphore, #tpu.memory_space<semaphore_mem>>)
      %dma_wait3A_1241 = arith.constant 0 : i32
      %dma_wait3A_1242 = arith.constant 0 : i32
      %dma_wait3A_1243 = tpu.memref_slice %arg10[%run_scoped3A_1225, %dma_wait3A_1241, %dma_wait3A_1242] : memref<5x40x128xf32, #tpu.memory_space<vmem>> -> memref<1x40x128xf32, #tpu.memory_space<vmem>>
      %dma_wait3A_1244 = tpu.memref_squeeze %dma_wait3A_1243 : memref<1x40x128xf32, #tpu.memory_space<vmem>> -> memref<40x128xf32, #tpu.memory_space<vmem>>
      %dma_wait3A_1245 = arith.constant 0 : i32
      %dma_wait3A_1246 = tpu.memref_slice %arg5[%arg0, %add3A_1223, %dma_wait3A_1245] : memref<2x10240x128xf32, #tpu.memory_space<hbm>> -> memref<1x40x128xf32, #tpu.memory_space<hbm>>
      %dma_wait3A_1247 = tpu.memref_squeeze %dma_wait3A_1246 : memref<1x40x128xf32, #tpu.memory_space<hbm>> -> memref<40x128xf32, #tpu.memory_space<hbm>>
      %dma_wait3A_1248 = arith.constant 0 : i32
      %dma_wait3A_1249 = tpu.memref_slice %arg5[%arg0, %add3A_1223, %dma_wait3A_1248] : memref<2x10240x128xf32, #tpu.memory_space<hbm>> -> memref<1x40x128xf32, #tpu.memory_space<hbm>>
      %dma_wait3A_1250 = tpu.memref_squeeze %dma_wait3A_1249 : memref<1x40x128xf32, #tpu.memory_space<hbm>> -> memref<40x128xf32, #tpu.memory_space<hbm>>
      %dma_wait3A_1251 = arith.constant 0 : i32
      %dma_wait3A_1252 = arith.constant 0 : i32
      %dma_wait3A_1253 = tpu.memref_slice %arg10[%run_scoped3A_1225, %dma_wait3A_1251, %dma_wait3A_1252] : memref<5x40x128xf32, #tpu.memory_space<vmem>> -> memref<1x40x128xf32, #tpu.memory_space<vmem>>
      %dma_wait3A_1254 = tpu.memref_squeeze %dma_wait3A_1253 : memref<1x40x128xf32, #tpu.memory_space<vmem>> -> memref<40x128xf32, #tpu.memory_space<vmem>>
      tpu.wait_dma2 semaphore(%run_scoped3A_1226 : memref<!tpu.dma_semaphore, #tpu.memory_space<semaphore_mem>>) src(%dma_wait3A_1254 : memref<40x128xf32, #tpu.memory_space<vmem>>) dst(%dma_wait3A_1250 : memref<40x128xf32, #tpu.memory_space<hbm>>)
      tpu.yield
    }) : () -> ()
    return
  }
}

module attributes {stable_mosaic.version = 14 : i64} {
  func.func @_final_body(%arg0: memref<10000x128xf32, #tpu.memory_space<vmem>>, %arg1: memref<2x10240x128xf32, #tpu.memory_space<vmem>>, %arg2: memref<2x1x10240xf32, #tpu.memory_space<vmem>>, %arg3: memref<2x1x10240xf32, #tpu.memory_space<vmem>>, %arg4: memref<128x64xf32, #tpu.memory_space<vmem>>, %arg5: memref<128x64xf32, #tpu.memory_space<vmem>>, %arg6: memref<1x64xf32, #tpu.memory_space<vmem>>, %arg7: memref<64x64xf32, #tpu.memory_space<vmem>>, %arg8: memref<64x64xf32, #tpu.memory_space<vmem>>, %arg9: memref<1x64xf32, #tpu.memory_space<vmem>>, %arg10: memref<64x1xf32, #tpu.memory_space<vmem>>, %arg11: memref<1x1xf32, #tpu.memory_space<vmem>>, %arg12: memref<1x1xf32, #tpu.memory_space<vmem>>) attributes {dimension_semantics = [], scalar_prefetch = 0 : i64, scratch_operands = 0 : i64, tpu.core_type = #tpu.core_type<tc>} {
    %get3A = arith.constant 0 : index
    %get3A_0 = arith.constant 0 : index
    %get3A_1 = arith.constant 0 : index
    %get3A_2 = vector.load %arg2[%get3A, %get3A_0, %get3A_1] : memref<2x1x10240xf32, #tpu.memory_space<vmem>>, vector<1x1x10000xf32>
    %get3A_3 = vector.shape_cast %get3A_2 : vector<1x1x10000xf32> to vector<10000xf32>
    %max3A = arith.constant 1.000000e+00 : f32
    %max3A_4 = vector.broadcast %max3A : f32 to vector<10000xf32>
    %max3A_5 = arith.maximumf %get3A_3, %max3A_4 : vector<10000xf32>
    %get3A_6 = arith.constant 0 : index
    %get3A_7 = arith.constant 0 : index
    %get3A_8 = arith.constant 0 : index
    %get3A_9 = vector.load %arg1[%get3A_6, %get3A_7, %get3A_8] : memref<2x10240x128xf32, #tpu.memory_space<vmem>>, vector<1x10000x128xf32>
    %get3A_10 = vector.shape_cast %get3A_9 : vector<1x10000x128xf32> to vector<10000x128xf32>
    %get3A_11 = arith.constant 1 : index
    %get3A_12 = arith.constant 0 : index
    %get3A_13 = arith.constant 0 : index
    %get3A_14 = vector.load %arg1[%get3A_11, %get3A_12, %get3A_13] : memref<2x10240x128xf32, #tpu.memory_space<vmem>>, vector<1x10000x128xf32>
    %get3A_15 = vector.shape_cast %get3A_14 : vector<1x10000x128xf32> to vector<10000x128xf32>
    %add3A = arith.addf %get3A_10, %get3A_15 : vector<10000x128xf32>
    %broadcast_in_dim3A = vector.shape_cast %max3A_5 : vector<10000xf32> to vector<10000x1xf32>
    %div3A = vector.broadcast %broadcast_in_dim3A : vector<10000x1xf32> to vector<10000x128xf32>
    %div3A_16 = arith.divf %add3A, %div3A : vector<10000x128xf32>
    %get3A_17 = arith.constant 0 : index
    %get3A_18 = arith.constant 0 : index
    %get3A_19 = vector.load %arg0[%get3A_17, %get3A_18] : memref<10000x128xf32, #tpu.memory_space<vmem>>, vector<10000x128xf32>
    %convert_element_type3A = arith.truncf %get3A_19 : vector<10000x128xf32> to vector<10000x128xbf16>
    %get3A_20 = arith.constant 0 : index
    %get3A_21 = arith.constant 0 : index
    %get3A_22 = vector.load %arg4[%get3A_20, %get3A_21] : memref<128x64xf32, #tpu.memory_space<vmem>>, vector<128x64xf32>
    %convert_element_type3A_23 = arith.truncf %get3A_22 : vector<128x64xf32> to vector<128x64xbf16>
    %dot_general3A = arith.constant dense<0.000000e+00> : vector<10000x64xf32>
    %dot_general3A_24 = tpu.matmul %convert_element_type3A, %convert_element_type3A_23, %dot_general3A {dimension_numbers = #tpu.dot_dimension_numbers<[1], [0], [0], [1], [0, 0, 1, 1], [], []>, transpose_lhs_hint = false} : vector<10000x128xbf16>, vector<128x64xbf16>, vector<10000x64xf32> -> vector<10000x64xf32>
    %convert_element_type3A_25 = arith.truncf %div3A_16 : vector<10000x128xf32> to vector<10000x128xbf16>
    %get3A_26 = arith.constant 0 : index
    %get3A_27 = arith.constant 0 : index
    %get3A_28 = vector.load %arg5[%get3A_26, %get3A_27] : memref<128x64xf32, #tpu.memory_space<vmem>>, vector<128x64xf32>
    %convert_element_type3A_29 = arith.truncf %get3A_28 : vector<128x64xf32> to vector<128x64xbf16>
    %dot_general3A_30 = arith.constant dense<0.000000e+00> : vector<10000x64xf32>
    %dot_general3A_31 = tpu.matmul %convert_element_type3A_25, %convert_element_type3A_29, %dot_general3A_30 {dimension_numbers = #tpu.dot_dimension_numbers<[1], [0], [0], [1], [0, 0, 1, 1], [], []>, transpose_lhs_hint = false} : vector<10000x128xbf16>, vector<128x64xbf16>, vector<10000x64xf32> -> vector<10000x64xf32>
    %add3A_32 = arith.addf %dot_general3A_24, %dot_general3A_31 : vector<10000x64xf32>
    %get3A_33 = arith.constant 0 : index
    %get3A_34 = arith.constant 0 : index
    %get3A_35 = vector.load %arg6[%get3A_33, %get3A_34] : memref<1x64xf32, #tpu.memory_space<vmem>>, vector<1x64xf32>
    %add3A_36 = vector.broadcast %get3A_35 : vector<1x64xf32> to vector<10000x64xf32>
    %add3A_37 = arith.addf %add3A_32, %add3A_36 : vector<10000x64xf32>
    %max3A_38 = arith.constant 0.000000e+00 : f32
    %max3A_39 = vector.broadcast %max3A_38 : f32 to vector<10000x64xf32>
    %max3A_40 = arith.maximumf %add3A_37, %max3A_39 : vector<10000x64xf32>
    %get3A_41 = arith.constant 0 : index
    %get3A_42 = arith.constant 0 : index
    %get3A_43 = arith.constant 0 : index
    %get3A_44 = vector.load %arg3[%get3A_41, %get3A_42, %get3A_43] : memref<2x1x10240xf32, #tpu.memory_space<vmem>>, vector<1x1x10000xf32>
    %get3A_45 = vector.shape_cast %get3A_44 : vector<1x1x10000xf32> to vector<10000xf32>
    %get3A_46 = arith.constant 1 : index
    %get3A_47 = arith.constant 0 : index
    %get3A_48 = arith.constant 0 : index
    %get3A_49 = vector.load %arg3[%get3A_46, %get3A_47, %get3A_48] : memref<2x1x10240xf32, #tpu.memory_space<vmem>>, vector<1x1x10000xf32>
    %get3A_50 = vector.shape_cast %get3A_49 : vector<1x1x10000xf32> to vector<10000xf32>
    %add3A_51 = arith.addf %get3A_45, %get3A_50 : vector<10000xf32>
    %reduce_sum3A = arith.constant dense<0.000000e+00> : vector<64xf32>
    %reduce_sum3A_52 = vector.multi_reduction <add>, %max3A_40, %reduce_sum3A [0] : vector<10000x64xf32> to vector<64xf32>
    %broadcast_in_dim3A_53 = vector.shape_cast %reduce_sum3A_52 : vector<64xf32> to vector<1x64xf32>
    %broadcast_in_dim3A_54 = vector.shape_cast %add3A_51 : vector<10000xf32> to vector<1x10000xf32>
    %dot_general3A_55 = arith.constant dense<0.000000e+00> : vector<1x64xf32>
    %dot_general3A_56 = tpu.matmul %broadcast_in_dim3A_54, %max3A_40, %dot_general3A_55 {dimension_numbers = #tpu.dot_dimension_numbers<[1], [0], [0], [1], [0, 0, 1, 1], [], []>, precision = #tpu.contract_precision<fp32>, transpose_lhs_hint = false} : vector<1x10000xf32>, vector<10000x64xf32>, vector<1x64xf32> -> vector<1x64xf32>
    %get3A_57 = arith.constant 0 : index
    %get3A_58 = arith.constant 0 : index
    %get3A_59 = vector.load %arg7[%get3A_57, %get3A_58] : memref<64x64xf32, #tpu.memory_space<vmem>>, vector<64x64xf32>
    %convert_element_type3A_60 = arith.truncf %get3A_59 : vector<64x64xf32> to vector<64x64xbf16>
    %convert_element_type3A_61 = arith.extf %convert_element_type3A_60 : vector<64x64xbf16> to vector<64x64xf32>
    %get3A_62 = arith.constant 0 : index
    %get3A_63 = arith.constant 0 : index
    %get3A_64 = vector.load %arg8[%get3A_62, %get3A_63] : memref<64x64xf32, #tpu.memory_space<vmem>>, vector<64x64xf32>
    %convert_element_type3A_65 = arith.truncf %get3A_64 : vector<64x64xf32> to vector<64x64xbf16>
    %convert_element_type3A_66 = arith.extf %convert_element_type3A_65 : vector<64x64xbf16> to vector<64x64xf32>
    %div3A_67 = arith.constant 1.000000e+04 : f32
    %div3A_68 = vector.broadcast %div3A_67 : f32 to vector<1x64xf32>
    %div3A_69 = arith.divf %broadcast_in_dim3A_53, %div3A_68 : vector<1x64xf32>
    %dot_general3A_70 = arith.constant dense<0.000000e+00> : vector<1x64xf32>
    %dot_general3A_71 = tpu.matmul %div3A_69, %convert_element_type3A_61, %dot_general3A_70 {dimension_numbers = #tpu.dot_dimension_numbers<[1], [0], [0], [1], [0, 0, 1, 1], [], []>, precision = #tpu.contract_precision<fp32>, transpose_lhs_hint = false} : vector<1x64xf32>, vector<64x64xf32>, vector<1x64xf32> -> vector<1x64xf32>
    %div3A_72 = arith.constant 1.000000e+04 : f32
    %div3A_73 = vector.broadcast %div3A_72 : f32 to vector<1x64xf32>
    %div3A_74 = arith.divf %dot_general3A_56, %div3A_73 : vector<1x64xf32>
    %dot_general3A_75 = arith.constant dense<0.000000e+00> : vector<1x64xf32>
    %dot_general3A_76 = tpu.matmul %div3A_74, %convert_element_type3A_66, %dot_general3A_75 {dimension_numbers = #tpu.dot_dimension_numbers<[1], [0], [0], [1], [0, 0, 1, 1], [], []>, precision = #tpu.contract_precision<fp32>, transpose_lhs_hint = false} : vector<1x64xf32>, vector<64x64xf32>, vector<1x64xf32> -> vector<1x64xf32>
    %add3A_77 = arith.addf %dot_general3A_71, %dot_general3A_76 : vector<1x64xf32>
    %get3A_78 = arith.constant 0 : index
    %get3A_79 = arith.constant 0 : index
    %get3A_80 = vector.load %arg9[%get3A_78, %get3A_79] : memref<1x64xf32, #tpu.memory_space<vmem>>, vector<1x64xf32>
    %add3A_81 = arith.addf %add3A_77, %get3A_80 : vector<1x64xf32>
    %get3A_82 = arith.constant 0 : index
    %get3A_83 = arith.constant 0 : index
    %get3A_84 = vector.load %arg10[%get3A_82, %get3A_83] : memref<64x1xf32, #tpu.memory_space<vmem>>, vector<64x1xf32>
    %dot_general3A_85 = arith.constant dense<0.000000e+00> : vector<1x1xf32>
    %dot_general3A_86 = tpu.matmul %add3A_81, %get3A_84, %dot_general3A_85 {dimension_numbers = #tpu.dot_dimension_numbers<[1], [0], [0], [1], [0, 0, 1, 1], [], []>, precision = #tpu.contract_precision<fp32>, transpose_lhs_hint = false} : vector<1x64xf32>, vector<64x1xf32>, vector<1x1xf32> -> vector<1x1xf32>
    %get3A_87 = arith.constant 0 : index
    %get3A_88 = arith.constant 0 : index
    %get3A_89 = vector.load %arg11[%get3A_87, %get3A_88] : memref<1x1xf32, #tpu.memory_space<vmem>>, vector<1x1xf32>
    %add3A_90 = arith.addf %dot_general3A_86, %get3A_89 : vector<1x1xf32>
    %swap3A = arith.constant 0 : index
    %swap3A_91 = arith.constant 0 : index
    %swap3A_92 = vector.load %arg12[%swap3A, %swap3A_91] : memref<1x1xf32, #tpu.memory_space<vmem>>, vector<1x1xf32>
    tpu.vector_store %arg12[%swap3A, %swap3A_91], %add3A_90 {strides = array<i32>} : memref<1x1xf32, #tpu.memory_space<vmem>>, vector<1x1xf32>,
    return
  }
}

</mosaic_0001>

<sc_bundles>
// kernel: kernel.4.cloned.1.call-start
scs
__scs_entry_jumppad:
0x0: {  	(pc) =	sbr.rel $0x88, $3  }
0x1: {  	(tag) =	ssettag $0x0;
	lr =	simm.s32 $0x1  }
0x2: {  	[smem:$0x3F97] =	sst lr;
	_ =	strace $0xD0000000  }
0x3: {  	_ = 	snop  }
0x4: {  	_ = 	snop  }
0x5: {  	_ = 	snop  }
0x6: {  	_ = 	snop  }
0x7: {  	_ = 	snop  }
__scs_overlays_trampoline_lowered:
0x8: {  	[smem:$0x3FA6] =	sst s0  }
0x9: {  	[smem:$0x3FA7] =	sst s1  }
0xa: {  	[smem:$0x3FA8] =	sst s2  }
0xb: {  	[smem:$0x3FA9] =	sst s3  }
0xc: {  	[smem:$0x3FAA] =	sst s4  }
0xd: {  	[smem:$0x3FAB] =	sst s5  }
0xe: {  	[smem:$0x3FAC] =	sst s6  }
0xf: {  	[smem:$0x3FAD] =	sst s7  }
0x10: {  	[smem:$0x3FAE] =	sst s8  }
0x11: {  	[smem:$0x3FAF] =	sst s9;
	s0 =	simm.s32 @!p0 $0x0  }
0x12: {  	s1 =	sld [smem:$0x3F95];
	s0 =	simm.s32 @p0 $0x1  }
0x13: {  	[smem:$0x3FB0] =	sst s0;
	s0 =	simm.s32 @!p1 $0x0  }
0x14: {  	s2 =	sld [smem:$0x3F94];
	s0 =	simm.s32 @p1 $0x1  }
0x15: {  	[smem:$0x3FB1] =	sst s0;
	s0 =	simm.s32 @!p2 $0x0  }
0x16: {  	s3 =	sld [smem:$0x3FDB];
	s0 =	simm.s32 @p2 $0x1  }
0x17: {  	s4 =	simm.s32 $0x1BF5;
	[smem:$0x3FB3] =	sst s0  }
0x18: {  	s0 =	sld [smem:$0x3F96];
	_ =	swait.ge [sflag:s4], $0x0  }
0x19: {  	s7 =	sld [smem:$0x3F97]  }
0x1a: {  	s8 =	sadd.s32 $0xFFFFE003, lr  }
0x1b: {  	s9 =	sadd.s32 $0xFFFFFEF7, lr;
	s5 =	simm.s32 $0xFFFFFFFF;
	p2 =	slt.u32 s8, $0xFFFFF086  }
0x1c: {  	p1 =	slt.u32 s9, $0xF7A;
	s5 =	simm.s32 @!p2 $0x0  }
0x1d: {  	s5 =	simm.s32 @p1 $0x1;
	p0 =	seq.s32 s7, s2  }
0x1e: {  	s7 =	smul.u32 @!p0 $0xF7A, s2;
	p2 =	seq.s32 @!p0 s5, $0x0  }
0x1f: {  	s9 =	smul.u32 $0xF7A, s1;
	s8 =	simm.s32 @!p0 $0x1BF5;
	p2 =	por !p2, p0  }
0x20: {  	[sflag:s8] =	ssyncset.s32 @!p0 $0xFFFFF086;
	s6 =	sadd.s32 @!p0 s3, s7;
	s7 =	simm.s32 @!p0 $0x108  }
0x21: {  	s3 =	sadd.s32 s3, s9;
	s6 =	sadd.s32 @!p0 $0x88, s6;
	s7 =	simm.s32 @p2 $0x1082  }
0x22: {  	[simem:s7], [sflag:s8] =	dma.local @!p0 [hbm:s6], $0xF7A  }
0x23: {  	s9 =	sor.u32 $0xD0000000, s2;
	s6 =	simm.s32 $0x108;
	_ =	swait.ge @!p0 [sflag:s8], $0x0  }
0x24: {  	s3 =	sadd.s32 $0x88, s3;
	s6 =	simm.s32 @!p1 $0x1082;
	[sflag:s4] =	ssyncset.s32 $0xFFFFF086  }
0x25: {  	[simem:s6], [sflag:s4] =	dma.local [hbm:s3], $0xF7A  }
0x26: {  	[smem:$0x3F97] =	sst s1;
	(tag) =	ssettag s2;
	_ =	strace s9  }
0x27: {  	s1 =	sld [smem:$0x3FA7]  }
0x28: {  	s2 =	sld [smem:$0x3FA8]  }
0x29: {  	s4 =	sld [smem:$0x3FAA]  }
0x2a: {  	p0 =	seq.s32 s5, $0x0;
	s5 =	sld [smem:$0x3FAB]  }
0x2b: {  	s6 =	sld [smem:$0x3FAC]  }
0x2c: {  	s7 =	sld [smem:$0x3FAD]  }
0x2d: {  	s3 =	simm.s32 $0x108;
	s8 =	sld [smem:$0x3FAE]  }
0x2e: {  	s3 =	simm.s32 @!p0 $0x1082;
	s9 =	sld [smem:$0x3FAF]  }
0x2f: {  	lr =	sadd.s32 s0, s3;
	s0 =	sld [smem:$0x3FA6]  }
0x30: {  	s3 =	sld [smem:$0x3FA9]  }
0x31: {  	[smem:$0x3FB2] =	sst s10  }
0x32: {  	s10 =	sld [smem:$0x3FB0];
	_ =	sdelay $0x3  }
0x33: {  	p0 =	seq.s32 s10, $0x1;
	s10 =	sld [smem:$0x3FB2];
	_ =	sdelay $0x3  }
0x34: {  	[smem:$0x3FB2] =	sst s10  }
0x35: {  	s10 =	sld [smem:$0x3FB1];
	_ =	sdelay $0x3  }
0x36: {  	p1 =	seq.s32 s10, $0x1;
	s10 =	sld [smem:$0x3FB2];
	_ =	sdelay $0x3  }
0x37: {  	[smem:$0x3FB2] =	sst s10  }
0x38: {  	s10 =	sld [smem:$0x3FB3]  }
0x39: {  	_ = 	snop;
	(pc) =	sbr.ind lr, $3  }
0x3a: {  	_ = 	snop  }
0x3b: {  	_ = 	snop  }
0x3c: {  	p2 =	seq.s32 s10, $0x1;
	s10 =	sld [smem:$0x3FB2]  }
0x3d: {  	_ =	shalt  }
0x3e: {  	_ =	shalt  }
0x3f: {  	_ =	shalt  }
0x40: {  	_ =	shalt  }
0x41: {  	_ =	shalt  }
0x42: {  	_ =	shalt  }
0x43: {  	_ =	shalt  }
0x44: {  	_ =	shalt  }
0x45: {  	_ =	shalt  }
0x46: {  	_ =	shalt  }
0x47: {  	_ =	shalt  }
0x48: {  	_ =	shalt  }
0x49: {  	_ =	shalt  }
0x4a: {  	_ =	shalt  }
0x4b: {  	_ =	shalt  }
0x4c: {  	_ =	shalt  }
0x4d: {  	_ =	shalt  }
0x4e: {  	_ =	shalt  }
0x4f: {  	_ =	shalt  }
0x50: {  	_ =	shalt  }
0x51: {  	_ =	shalt  }
0x52: {  	_ =	shalt  }
0x53: {  	_ =	shalt  }
0x54: {  	_ =	shalt  }
0x55: {  	_ =	shalt  }
0x56: {  	_ =	shalt  }
0x57: {  	_ =	shalt  }
0x58: {  	_ =	shalt  }
0x59: {  	_ =	shalt  }
0x5a: {  	_ =	shalt  }
0x5b: {  	_ =	shalt  }
0x5c: {  	_ =	shalt  }
0x5d: {  	_ =	shalt  }
0x5e: {  	_ =	shalt  }
0x5f: {  	_ =	shalt  }
0x60: {  	_ =	shalt  }
0x61: {  	_ =	shalt  }
0x62: {  	_ =	shalt  }
0x63: {  	_ =	shalt  }
0x64: {  	_ =	shalt  }
0x65: {  	_ =	shalt  }
0x66: {  	_ =	shalt  }
0x67: {  	_ =	shalt  }
0x68: {  	_ =	shalt  }
0x69: {  	_ =	shalt  }
0x6a: {  	_ =	shalt  }
0x6b: {  	_ =	shalt  }
0x6c: {  	_ =	shalt  }
0x6d: {  	_ =	shalt  }
0x6e: {  	_ =	shalt  }
0x6f: {  	_ =	shalt  }
0x70: {  	_ =	shalt  }
0x71: {  	_ =	shalt  }
0x72: {  	_ =	shalt  }
0x73: {  	_ =	shalt  }
0x74: {  	_ =	shalt  }
0x75: {  	_ =	shalt  }
0x76: {  	_ =	shalt  }
0x77: {  	_ =	shalt  }
0x78: {  	_ =	shalt  }
0x79: {  	_ =	shalt  }
0x7a: {  	_ =	shalt  }
0x7b: {  	_ =	shalt  }
0x7c: {  	_ =	shalt  }
0x7d: {  	_ =	shalt  }
0x7e: {  	_ =	shalt  }
0x7f: {  	_ =	shalt  }
0x80: {  	_ =	shalt  }
0x81: {  	_ =	shalt  }
0x82: {  	_ =	shalt  }
0x83: {  	_ =	shalt  }
0x84: {  	_ =	shalt  }
0x85: {  	_ =	shalt  }
0x86: {  	_ =	shalt  }
0x87: {  	_ =	shalt  }
.Lfunc_end0:
.L_simem_size_0:
called_computation_lowered:
.L_overlay_start_0:
0x88: {  	s2 =	sld [smem:$0x3FD9]  }
0x89: {  	s3 =	sld [smem:$0x3FFE];
	_ =	sdelay $0x1  }
0x8a: {  	s1 =	srdreg.scid  }
0x8b: {  	s0 =	sand.u32 $0x1, s1  }
0x8c: {  	s17 =	sshll.u32 s0, $0xA;
	s2 =	sadd.s32 s3, s2  }
0x8d: {  	s2 =	sadd.s32 s2, s17  }
0x8e: {  	[smem:$0x3FBE] =	sst s2  }
0x8f: {  	_ = 	snop  }
0x90: {  	s2 =	sld [smem:$0x3FC9];
	(tm) =	ssettm $0x1  }
0x91: {  	s18 =	sld [smem:$0x3FFB];
	_ =	sdelay $0x3  }
0x92: {  	_ =	strace s18  }
0x93: {  	s3 =	sld [smem:$0x3FFC];
	_ =	sdelay $0x3  }
0x94: {  	_ =	strace s3  }
0x95: {  	s3 =	sld [smem:$0x3FFD];
	_ =	sdelay $0x3  }
0x96: {  	_ =	strace s3  }
0x97: {  	_ =	strace $0x8FFFFFFF  }
0x98: {  	s19 =	sld [smem:$0x3FDB];
	_ =	sdelay $0x1  }
0x99: {  	s4 =	simm.s32 $_scs_section_size  }
0x9a: {  	s5 =	simm.s32 $_size__tile_overlayer_lowered;
	s6 =	simm.s32 $_tile_overlayer_lowered  }
0x9b: {  	s22 =	simm.s32 $0x1BFF;
	s21 =	sshll.u32 s6, $0x1;
	s3 =	sadd.s32 s4, s19  }
0x9c: {  	s7 =	simm.s32 $0x0;
	s20 =	sshll.u32 s5, $0x1;
	s5 =	sadd.s32 s21, s3  }
0x9d: {  	[timem:s7], [sflag:s22] =	dma.local [hbm:s5], s20  }
0x9e: {  	_ =	swait.ge [sflag:s22], s20  }
0x9f: {  	s4 =	ssub.s32 $0x0, s20;
	[sflag:s22] =	ssyncset.done $0x0  }
0xa0: {  	[sflag:s22] =	ssyncadd.s32 s4;
	_ =	sdelay $0x1  }
0xa1: {  	s23 =	simm.s32 $0x1B8B  }
0xa2: {  	_ =	swait.ge [sflag:s23], $0x1  }
0xa3: {  	[sflag:s23] =	ssyncset.done $0x0  }
0xa4: {  	s25 =	simm.s32 $0x1B8E;
	s24 =	sld [smem:$0x3FFE];
	[sflag:s23] =	ssyncadd.s32 $0xFFFFFFFF  }
0xa5: {  	s26 =	simm.s32 $execute0_lowered;
	[smem:$0x3FD2] =	sst s25  }
0xa6: {  	s5 =	sshll.u32 s26, $0x1;
	_ =	strace $0x80000046;
	[dreg:$0x1] =	wrdreg $0xFFFFFFFF  }
0xa7: {  	s28 =	simm.s32 $_size_execute0_lowered;
	s3 =	sadd.s32 s3, s5;
	[dreg:$0x0] =	wrdreg $0x0  }
0xa8: {  	s5 =	sshll.u32 s28, $0x1;
	[dreg:$0x2] =	wrdreg s3  }
0xa9: {  	[dreg:$0x3] =	wrdreg s5  }
0xaa: {  	[dreg:$0x4] =	wrdreg $0xC0  }
0xab: {  	_ =	task [dreg:s7], $0x5FFFF  }
0xac: {  	[dreg:$0x1] =	wrdreg $0xFFFFFFFF  }
0xad: {  	[dreg:$0x0] =	wrdreg $0x60  }
0xae: {  	[dreg:$0x2] =	wrdreg s24  }
0xaf: {  	[dreg:$0x3] =	wrdreg s2  }
0xb0: {  	[dreg:$0x4] =	wrdreg $0xB5900  }
0xb1: {  	[dreg:$0x5] =	wrdreg $0xB8100  }
0xb2: {  	[dreg:$0x6] =	wrdreg $0xBD100  }
0xb3: {  	[dreg:$0x7] =	wrdreg $0xBA900  }
0xb4: {  	[dreg:$0x8] =	wrdreg $0x9  }
0xb5: {  	_ =	task.clear_ibuf [dreg:s7], $0x9FFFF;
	_ =	strace $0x90000046  }
0xb6: {  	s29 =	simm.s32 $0x9;
	_ =	strace $0x80000048  }
0xb7: {  	_ =	swait.ge [sflag:s29], $0x1  }
0xb8: {  	[sflag:s29] =	ssyncadd.s32 $0xFFFFFFFF  }
0xb9: {  	_ =	strace $0x90000048  }
0xba: {  	_ =	sfence  }
0xbb: {  	s30 =	sld [smem:$0x0];
	_ =	sdelay $0x2  }
0xbc: {  	s31 =	sshll.u32 s1, $0xD;
	s1 =	sshrl.u32 s1, $0x2  }
0xbd: {  	s3 =	sand.u32 $0x4000, s31;
	s1 =	sadd.s32 s1, s30  }
0xbe: {  	s0 =	sor.u32 s3, s0;
	s1 =	sshll.u32 s1, $0x11  }
0xbf: {  	s0 =	sor.u32 s1, s0  }
0xc0: {  	s0 =	sadd.s32 $0x8F2B, s0  }
0xc1: {  	[sflag:s0] =	ssyncadd.remote.s32 $0x1  }
0xc2: {  	_ =	sfence.sel $0xFFFF  }
0xc3: {  	[dreg:$0x0] =	wrdreg $0xFFFFFFFF;
	(pc) =	sbr.abs _section_cstart, $3  }
0xc4: {  	[dreg:$0x1] =	wrdreg $0xFFFFFFFF  }
0xc5: {  	_ =	task.clear_ibuf [dreg:s7], $0x2FFFF;
	_ =	strace $0x9FFFFFFF  }
0xc6: {  	(tm) =	ssettm $0x7FFFFFFF  }
0xc7: {  	_ =	shalt  }
tec
execute0_lowered:
.L_overlay_start_1:
0x0: {  	(tag) =	ssettag $0x1  }
0x1: {  	s0 =	srdreg.scid  }
0x2: {  	s8 =	stileid.u32;
	s2 =	rddreg [dreg:$0x0];
	s4 =	simm.s32 $0x0  }
0x3: {  	s29 =	rddreg [dreg:$0x2];
	s12 =	sand.u32 $0x1, s0;
	s1 =	sand.u32 $0x1, s8  }
0x4: {  	[smem:$0x7FF] =	sst s4;
	s15 =	sadd.s32 $0x1C00, s2;
	s4 =	smul.u32 $0x14000, s8  }
0x5: {  	s5 =	sadd.s32 $0x15800, s2;
	s13 =	smul.u32 $0x4E20, s8;
	s0 =	sshll.u32 s12, $0x4  }
0x6: {  	p1 =	seq.s32 s1, $0x1;
	s1 =	simm.s32 $0x1;
	s0 =	sor.u32 s8, s0  }
0x7: {  	s3 =	smul.u32 $0x2800, s12;
	s6 =	ssub.s32 $0x2, s12;
	p0 =	seq.s32 s0, $0x0  }
0x8: {  	s17 =	smul.u32 $0x140000, s12;
	s7 =	sshrl.u32 s6, $0x1;
	p0 =	por !p0, !p1  }
0x9: {  	s9 =	sadd.s32 $0x5000, s4;
	s10 =	sadd.s32 $0x6400, s4;
	p0 =	por !p0, !p0  }
0xa: {  	s11 =	sadd.s32 $0x7800, s4;
	s0 =	sshrl.u32 s0, $0x1;
	s1 =	simm.s32 @!p0 $0x0  }
0xb: {  	s16 =	sshrl.u32 s13, $0x3;
	s12 =	sadd.s32 $0x8C00, s4;
	s0 =	ssub.s32 s0, s1  }
0xc: {  	s13 =	sadd.s32 $0xA000, s4;
	s1 =	simm.s32 $0x2710;
	s0 =	smul.u32 $0x4E20, s0  }
0xd: {  	s28 =	sadd.s32 s15, s16;
	s25 =	sadd.s32 s4, s17;
	s1 =	simm.s32 @!p1 $0x0  }
0xe: {  	s22 =	sadd.s32 s17, s10;
	s1 =	sadd.s32 s1, s0;
	s0 =	smul.u32 $0x280, s8  }
0xf: {  	s21 =	sadd.s32 s17, s9;
	s24 =	sshrl.u32 s22, $0x3;
	s8 =	sor.u32 $0x3C00, s4  }
0x10: {  	s14 =	sshrl.u32 s1, $0x3;
	s20 =	sadd.s32 s17, s8;
	s3 =	sadd.s32 s0, s3  }
0x11: {  	s1 =	sadd.s32 s14, s2;
	s14 =	sadd.s32 s15, s14;
	s3 =	sshrl.u32 s3, $0x3  }
0x12: {  	[dreg:$0x8] =	wrdreg s14;
	s14 =	sshrl.u32 s25, $0x3;
	s25 =	sadd.s32 s17, s11  }
0x13: {  	s2 =	sadd.s32 s3, s2;
	s3 =	ssub.s32 s6, s7;
	s6 =	sor.u32 $0x1400, s4  }
0x14: {  	s7 =	sor.u32 $0x2800, s4;
	s14 =	sadd.s32 s5, s14;
	s26 =	sadd.s32 s17, s6  }
0x15: {  	s31 =	sadd.s32 s17, s7;
	[dreg:$0x9] =	wrdreg s14;
	s15 =	sshrl.u32 s26, $0x3  }
0x16: {  	s19 =	sshrl.u32 s31, $0x3;
	s26 =	sadd.s32 s17, s12;
	s18 =	sadd.s32 s5, s15  }
0x17: {  	s31 =	sadd.s32 s17, s13;
	s14 =	sadd.s32 s5, s19;
	[dreg:$0xa] =	wrdreg s18  }
0x18: {  	s15 =	sshrl.u32 s21, $0x3;
	s19 =	sshrl.u32 s31, $0x3;
	[dreg:$0xb] =	wrdreg s14  }
0x19: {  	s14 =	sshrl.u32 s20, $0x3;
	s23 =	sadd.s32 s5, s15;
	s15 =	sshrl.u32 s26, $0x3  }
0x1a: {  	s14 =	sadd.s32 s5, s14;
	[dreg:$0xd] =	wrdreg s23;
	s18 =	sadd.s32 s5, s15  }
0x1b: {  	s15 =	sadd.s32 $0xC800, s4;
	[dreg:$0xc] =	wrdreg s14;
	s14 =	sadd.s32 s5, s24  }
0x1c: {  	s23 =	sadd.s32 $0xF000, s4;
	[dreg:$0xe] =	wrdreg s14;
	s14 =	sshrl.u32 s25, $0x3  }
0x1d: {  	[dreg:$0x10] =	wrdreg s18;
	s18 =	sadd.s32 $0xDC00, s4;
	s14 =	sadd.s32 s5, s14  }
0x1e: {  	[dreg:$0xf] =	wrdreg s14;
	s14 =	sadd.s32 s5, s19;
	s19 =	sadd.s32 s17, s15  }
0x1f: {  	[dreg:$0x11] =	wrdreg s14;
	s14 =	sadd.s32 $0xB400, s4;
	s19 =	sshrl.u32 s19, $0x3  }
0x20: {  	s24 =	sadd.s32 s17, s23;
	s20 =	sadd.s32 s17, s14;
	s21 =	sadd.s32 s5, s19  }
0x21: {  	s16 =	sshrl.u32 s20, $0x3;
	s20 =	sadd.s32 s17, s18;
	[dreg:$0x13] =	wrdreg s21  }
0x22: {  	s16 =	sadd.s32 s5, s16;
	s22 =	sshrl.u32 s20, $0x3;
	s20 =	sshrl.u32 s24, $0x3  }
0x23: {  	[dreg:$0x12] =	wrdreg s16;
	s16 =	sadd.s32 s5, s22;
	s22 =	sadd.s32 $0x10400, s4  }
0x24: {  	s20 =	sadd.s32 s5, s20;
	[dreg:$0x14] =	wrdreg s16;
	s21 =	sadd.s32 s17, s22  }
0x25: {  	[dreg:$0x15] =	wrdreg s20;
	s21 =	sshrl.u32 s21, $0x3  }
0x26: {  	s24 =	sadd.s32 $0x11800, s4;
	s16 =	rddreg [dreg:$0x3];
	s25 =	sadd.s32 s5, s21  }
0x27: {  	s26 =	sadd.s32 s17, s24;
	[dreg:$0x16] =	wrdreg s25;
	s25 =	sadd.s32 $0x12C00, s4  }
0x28: {  	s20 =	rddreg [dreg:$0x4];
	s26 =	sshrl.u32 s26, $0x3;
	s17 =	sadd.s32 s17, s25  }
0x29: {  	s26 =	sadd.s32 s5, s26;
	s21 =	rddreg [dreg:$0x5];
	s17 =	sshrl.u32 s17, $0x3  }
0x2a: {  	[dreg:$0x17] =	wrdreg s26;
	s5 =	sadd.s32 s5, s17  }
0x2b: {  	s4 =	sadd.s32 s4, s20;
	[dreg:$0x18] =	wrdreg s5  }
0x2c: {  	s26 =	sadd.s32 s6, s20;
	_ =	strace $0x80000047;
	[dreg:$0x19] =	wrdreg s4  }
0x2d: {  	s31 =	sadd.s32 s7, s20;
	[dreg:$0x1a] =	wrdreg s26  }
0x2e: {  	s5 =	sadd.s32 s8, s20;
	[dreg:$0x1b] =	wrdreg s31  }
0x2f: {  	s6 =	sadd.s32 s9, s20;
	[dreg:$0x1c] =	wrdreg s5  }
0x30: {  	s7 =	sadd.s32 s10, s20;
	[dreg:$0x1d] =	wrdreg s6  }
0x31: {  	s8 =	sadd.s32 s11, s20;
	[dreg:$0x1e] =	wrdreg s7  }
0x32: {  	s9 =	sadd.s32 s12, s20;
	[dreg:$0x1f] =	wrdreg s8  }
0x33: {  	s10 =	sadd.s32 s13, s20;
	[smem:$0x7ED] =	sst s9  }
0x34: {  	s11 =	sadd.s32 s14, s20;
	[smem:$0x7EE] =	sst s10  }
0x35: {  	s12 =	sadd.s32 s15, s20;
	[smem:$0x7EF] =	sst s11  }
0x36: {  	s13 =	sadd.s32 s18, s20;
	[smem:$0x7F0] =	sst s12  }
0x37: {  	s14 =	sadd.s32 s23, s20;
	[smem:$0x7F1] =	sst s13  }
0x38: {  	s15 =	sadd.s32 s22, s20;
	[smem:$0x7F2] =	sst s14  }
0x39: {  	s17 =	sadd.s32 s24, s20;
	[smem:$0x7F3] =	sst s15  }
0x3a: {  	s18 =	sadd.s32 s25, s20;
	[smem:$0x7F4] =	sst s17  }
0x3b: {  	s19 =	sadd.s32 s0, s29;
	[smem:$0x7F5] =	sst s18  }
0x3c: {  	s22 =	sadd.s32 s0, s16;
	[smem:$0x7F6] =	sst s19  }
0x3d: {  	s0 =	sadd.s32 s0, s21;
	[smem:$0x7F7] =	sst s22  }
0x3e: {  	s23 =	sadd.s32 $0xBA00, s1;
	[smem:$0x7F8] =	sst s0  }
0x3f: {  	s24 =	sadd.s32 $0x66200, s2;
	[smem:$0x7F9] =	sst s23  }
0x40: {  	s25 =	sadd.s32 $0x65800, s2;
	[smem:$0x7FA] =	sst s24  }
0x41: {  	s30 =	simm.s32 $0x9;
	s29 =	simm.s32 $0x13;
	[smem:$0x7FB] =	sst s25  }
0x42: {  	s1 =	simm.s32 $0x1;
	s26 =	smax.u32 s3, $0x1;
	[dreg:$0x7] =	wrdreg s28  }
0x43: {  	s31 =	sadd.s32 $0x4E2, s28;
	s19 =	simm.s32 $0x28;
	s0 =	simm.s32 $0x0  }
0x44: {  	s14 =	simm.s32 $0x11;
	s15 =	simm.s32 $0xD;
	s17 =	simm.s32 $0x8  }
0x45: {  	s28 =	simm.s32 $0xE;
	s22 =	simm.s32 $0x5;
	s25 =	simm.s32 $0xA  }
0x46: {  	s23 =	simm.s32 $0x10;
	s13 =	simm.s32 $0xB270;
	[smem:$0x7FC] =	sst s26  }
0x47: {  	v0 =	vimm.f32 $0.0e+00;
	v1 =	vimm.f32 $1.000000000e+00;
	s12 =	simm.s32 $0xB298;
	[smem:$0x7FD] =	sst s31;
	s26 =	simm.s32 $0x4  }
.LBB2_1:
0x48: {  	[tilespmem:$0xB310] =	vst v0  }
0x49: {  	[tilespmem:$0xB320] =	vst v0  }
0x4a: {  	[tilespmem:$0xB330] =	vst v0  }
0x4b: {  	[tilespmem:$0xB340] =	vst v0  }
0x4c: {  	[tilespmem:$0xB350] =	vst v0  }
0x4d: {  	[tilespmem:$0xB360] =	vst v0  }
0x4e: {  	[tilespmem:$0xB370] =	vst v0  }
0x4f: {  	[tilespmem:$0xB380] =	vst v0  }
0x50: {  	[tilespmem:$0xB390] =	vst v0  }
0x51: {  	[tilespmem:$0xB3A0] =	vst v0  }
0x52: {  	[tilespmem:$0xB3B0] =	vst v0  }
0x53: {  	[tilespmem:$0xB3C0] =	vst v0  }
0x54: {  	[tilespmem:$0xB3D0] =	vst v0  }
0x55: {  	[tilespmem:$0xB3E0] =	vst v0  }
0x56: {  	[tilespmem:$0xB3F0] =	vst v0  }
0x57: {  	[tilespmem:$0xB400] =	vst v0  }
0x58: {  	[tilespmem:$0xB410] =	vst v0  }
0x59: {  	[tilespmem:$0xB420] =	vst v0  }
0x5a: {  	[tilespmem:$0xB430] =	vst v0  }
0x5b: {  	[tilespmem:$0xB440] =	vst v0  }
0x5c: {  	[tilespmem:$0xB450] =	vst v0  }
0x5d: {  	[tilespmem:$0xB460] =	vst v0  }
0x5e: {  	[tilespmem:$0xB470] =	vst v0  }
0x5f: {  	[tilespmem:$0xB480] =	vst v0  }
0x60: {  	[tilespmem:$0xB490] =	vst v0  }
0x61: {  	[tilespmem:$0xB4A0] =	vst v0  }
0x62: {  	[tilespmem:$0xB4B0] =	vst v0  }
0x63: {  	[tilespmem:$0xB4C0] =	vst v0  }
0x64: {  	[tilespmem:$0xB4D0] =	vst v0  }
0x65: {  	[tilespmem:$0xB4E0] =	vst v0  }
0x66: {  	[tilespmem:$0xB4F0] =	vst v0  }
0x67: {  	[tilespmem:$0xB500] =	vst v0  }
0x68: {  	[tilespmem:$0xB510] =	vst v0  }
0x69: {  	[tilespmem:$0xB520] =	vst v0  }
0x6a: {  	[tilespmem:$0xB530] =	vst v0  }
0x6b: {  	[tilespmem:$0xB540] =	vst v0  }
0x6c: {  	[tilespmem:$0xB550] =	vst v0  }
0x6d: {  	[tilespmem:$0xB560] =	vst v0  }
0x6e: {  	[tilespmem:$0xB570] =	vst v0  }
0x6f: {  	[smem:$0x7EC] =	sst s0;
	[tilespmem:$0xB580] =	vst v0;
	s18 =	simm.s32 $0x0;
	s31 =	simm.s32 $0x200  }
.LBB2_2:
0x70: {  	p0 =	sne.s32 s31, $0x4E00;
	[tilespmem:s18+$0x4E90] =	vst v0  }
0x71: {  	[tilespmem:s18+$0x4E20] =	vst v0  }
0x72: {  	[tilespmem:s18+$0x4E30] =	vst v0  }
.Ltmp0:
0x73: {  	[tilespmem:s18+$0x4E40] =	vst v0;
	(pc) =	sbr.rel @p0 .LBB2_2-.Ltmp0, $4  }
0x74: {  	[tilespmem:s18+$0x4E50] =	vst v0  }
0x75: {  	[tilespmem:s18+$0x4E60] =	vst v0  }
0x76: {  	[tilespmem:s18+$0x4E70] =	vst v0  }
0x77: {  	[tilespmem:s18+$0x4E80] =	vst v0;
	s18 =	sshra.s32 s31, $0x2;
	s31 =	sadd.s32 $0x200, s31  }
0x78: {  	[tilespmem:s18+$0x4E90] =	vst v0  }
0x79: {  	[tilespmem:s18+$0x4E20] =	vst v0  }
0x7a: {  	[tilespmem:s18+$0x4E30] =	vst v0  }
0x7b: {  	[tilespmem:s18+$0x4E40] =	vst v0  }
0x7c: {  	[tilespmem:s18+$0x4E50] =	vst v0  }
0x7d: {  	[tilespmem:s18+$0x4E60] =	vst v0  }
0x7e: {  	[tilespmem:s18+$0x4E70] =	vst v0  }
0x7f: {  	[tilespmem:s18+$0x4E80] =	vst v0  }
0x80: {  	s3 =	sld [smem:$0x7F6];
	[tilespmem:$0xB2E8] =	vst v1  }
0x81: {  	[tilespmem:$0xB2F8] =	vst v1  }
0x82: {  	s6 =	simm.s32 $0xB310;
	s2 =	simm.s32 $0x16;
	[tilespmem:$0xB300] =	vst v1  }
0x83: {  	[spmem:s3] =	stream.linear.scatter [tilespmem:s6], [sflag:$0x16], $0x280, $0x38;
	[tilespmem:$0x1FD10] =	vst v63  }
0x84: {  	_ =	swait.ge [sflag:s2], $0x280  }
0x85: {  	s7 =	sld [smem:$0x7F7]  }
0x86: {  	[sflag:s2] =	ssyncset.done $0x0  }
0x87: {  	[sflag:s2] =	ssyncadd.s32 $0xFFFFFD80  }
0x88: {  	[spmem:s7] =	stream.linear.scatter [tilespmem:s6], [sflag:$0x16], $0x280, $0x38;
	[tilespmem:$0x1FD10] =	vst v63  }
0x89: {  	_ =	swait.ge [sflag:s2], $0x280  }
0x8a: {  	[sflag:s2] =	ssyncset.done $0x0  }
0x8b: {  	s0 =	simm.s32 $0x4E20;
	s8 =	rddreg [dreg:$0x19];
	[sflag:s2] =	ssyncadd.s32 $0xFFFFFD80  }
0x8c: {  	[spmem:s8] =	stream.linear.scatter [tilespmem:s0], [sflag:$0x16], $0x1400, $0x38;
	[tilespmem:$0x1FD10] =	vst v63  }
0x8d: {  	_ =	swait.ge [sflag:s2], $0x1400  }
0x8e: {  	[sflag:s2] =	ssyncset.done $0x0  }
0x8f: {  	s9 =	rddreg [dreg:$0x1a];
	[sflag:s2] =	ssyncadd.s32 $0xFFFFEC00  }
0x90: {  	[spmem:s9] =	stream.linear.scatter [tilespmem:s0], [sflag:$0x16], $0x1400, $0x38;
	[tilespmem:$0x1FD10] =	vst v63  }
0x91: {  	_ =	swait.ge [sflag:s2], $0x1400  }
0x92: {  	[sflag:s2] =	ssyncset.done $0x0  }
0x93: {  	s10 =	rddreg [dreg:$0x1b];
	[sflag:s2] =	ssyncadd.s32 $0xFFFFEC00  }
0x94: {  	[spmem:s10] =	stream.linear.scatter [tilespmem:s0], [sflag:$0x16], $0x1400, $0x38;
	[tilespmem:$0x1FD10] =	vst v63  }
0x95: {  	_ =	swait.ge [sflag:s2], $0x1400  }
0x96: {  	[sflag:s2] =	ssyncset.done $0x0  }
0x97: {  	s11 =	rddreg [dreg:$0x1c];
	[sflag:s2] =	ssyncadd.s32 $0xFFFFEC00  }
0x98: {  	[spmem:s11] =	stream.linear.scatter [tilespmem:s0], [sflag:$0x16], $0x1400, $0x38;
	[tilespmem:$0x1FD10] =	vst v63  }
0x99: {  	_ =	swait.ge [sflag:s2], $0x1400  }
0x9a: {  	[sflag:s2] =	ssyncset.done $0x0  }
0x9b: {  	s18 =	rddreg [dreg:$0x1d];
	[sflag:s2] =	ssyncadd.s32 $0xFFFFEC00  }
0x9c: {  	[spmem:s18] =	stream.linear.scatter [tilespmem:s0], [sflag:$0x16], $0x1400, $0x38;
	[tilespmem:$0x1FD10] =	vst v63  }
0x9d: {  	_ =	swait.ge [sflag:s2], $0x1400  }
0x9e: {  	[sflag:s2] =	ssyncset.done $0x0  }
0x9f: {  	s24 =	rddreg [dreg:$0x1e];
	[sflag:s2] =	ssyncadd.s32 $0xFFFFEC00  }
0xa0: {  	[spmem:s24] =	stream.linear.scatter [tilespmem:s0], [sflag:$0x16], $0x1400, $0x38;
	[tilespmem:$0x1FD10] =	vst v63  }
0xa1: {  	_ =	swait.ge [sflag:s2], $0x1400  }
0xa2: {  	[sflag:s2] =	ssyncset.done $0x0  }
0xa3: {  	s31 =	rddreg [dreg:$0x1f];
	[sflag:s2] =	ssyncadd.s32 $0xFFFFEC00  }
0xa4: {  	[spmem:s31] =	stream.linear.scatter [tilespmem:s0], [sflag:$0x16], $0x1400, $0x38;
	[tilespmem:$0x1FD10] =	vst v63  }
0xa5: {  	_ =	swait.ge [sflag:s2], $0x1400  }
0xa6: {  	s4 =	sld [smem:$0x7ED]  }
0xa7: {  	[sflag:s2] =	ssyncset.done $0x0  }
0xa8: {  	[sflag:s2] =	ssyncadd.s32 $0xFFFFEC00  }
0xa9: {  	[spmem:s4] =	stream.linear.scatter [tilespmem:s0], [sflag:$0x16], $0x1400, $0x38;
	[tilespmem:$0x1FD10] =	vst v63  }
0xaa: {  	_ =	swait.ge [sflag:s2], $0x1400  }
0xab: {  	s5 =	sld [smem:$0x7EE]  }
0xac: {  	[sflag:s2] =	ssyncset.done $0x0  }
0xad: {  	[sflag:s2] =	ssyncadd.s32 $0xFFFFEC00  }
0xae: {  	[spmem:s5] =	stream.linear.scatter [tilespmem:s0], [sflag:$0x16], $0x1400, $0x38;
	[tilespmem:$0x1FD10] =	vst v63  }
0xaf: {  	_ =	swait.ge [sflag:s2], $0x1400  }
0xb0: {  	s6 =	sld [smem:$0x7EF]  }
0xb1: {  	[sflag:s2] =	ssyncset.done $0x0  }
0xb2: {  	[sflag:s2] =	ssyncadd.s32 $0xFFFFEC00  }
0xb3: {  	[spmem:s6] =	stream.linear.scatter [tilespmem:s0], [sflag:$0x16], $0x1400, $0x38;
	[tilespmem:$0x1FD10] =	vst v63  }
0xb4: {  	_ =	swait.ge [sflag:s2], $0x1400  }
0xb5: {  	s7 =	sld [smem:$0x7F0]  }
0xb6: {  	[sflag:s2] =	ssyncset.done $0x0  }
0xb7: {  	[sflag:s2] =	ssyncadd.s32 $0xFFFFEC00  }
0xb8: {  	[spmem:s7] =	stream.linear.scatter [tilespmem:s0], [sflag:$0x16], $0x1400, $0x38;
	[tilespmem:$0x1FD10] =	vst v63  }
0xb9: {  	_ =	swait.ge [sflag:s2], $0x1400  }
0xba: {  	s8 =	sld [smem:$0x7F1]  }
0xbb: {  	[sflag:s2] =	ssyncset.done $0x0  }
0xbc: {  	[sflag:s2] =	ssyncadd.s32 $0xFFFFEC00  }
0xbd: {  	[spmem:s8] =	stream.linear.scatter [tilespmem:s0], [sflag:$0x16], $0x1400, $0x38;
	[tilespmem:$0x1FD10] =	vst v63  }
0xbe: {  	_ =	swait.ge [sflag:s2], $0x1400  }
0xbf: {  	s9 =	sld [smem:$0x7F2]  }
0xc0: {  	[sflag:s2] =	ssyncset.done $0x0  }
0xc1: {  	[sflag:s2] =	ssyncadd.s32 $0xFFFFEC00  }
0xc2: {  	[spmem:s9] =	stream.linear.scatter [tilespmem:s0], [sflag:$0x16], $0x1400, $0x38;
	[tilespmem:$0x1FD10] =	vst v63  }
0xc3: {  	_ =	swait.ge [sflag:s2], $0x1400  }
0xc4: {  	s10 =	sld [smem:$0x7F3]  }
0xc5: {  	[sflag:s2] =	ssyncset.done $0x0  }
0xc6: {  	[sflag:s2] =	ssyncadd.s32 $0xFFFFEC00  }
0xc7: {  	[spmem:s10] =	stream.linear.scatter [tilespmem:s0], [sflag:$0x16], $0x1400, $0x38;
	[tilespmem:$0x1FD10] =	vst v63  }
0xc8: {  	_ =	swait.ge [sflag:s2], $0x1400  }
0xc9: {  	s11 =	sld [smem:$0x7F4]  }
0xca: {  	[sflag:s2] =	ssyncset.done $0x0  }
0xcb: {  	[sflag:s2] =	ssyncadd.s32 $0xFFFFEC00  }
0xcc: {  	[spmem:s11] =	stream.linear.scatter [tilespmem:s0], [sflag:$0x16], $0x1400, $0x38;
	[tilespmem:$0x1FD10] =	vst v63  }
0xcd: {  	_ =	swait.ge [sflag:s2], $0x1400  }
0xce: {  	s18 =	sld [smem:$0x7F5]  }
0xcf: {  	[sflag:s2] =	ssyncset.done $0x0  }
0xd0: {  	[sflag:s2] =	ssyncadd.s32 $0xFFFFEC00  }
0xd1: {  	[spmem:s18] =	stream.linear.scatter [tilespmem:s0], [sflag:$0x16], $0x1400, $0x38;
	[tilespmem:$0x1FD10] =	vst v63  }
0xd2: {  	_ =	swait.ge [sflag:s2], $0x1400  }
0xd3: {  	[sflag:s2] =	ssyncset.done $0x0  }
0xd4: {  	[sflag:s2] =	ssyncadd.s32 $0xFFFFEC00  }
0xd5: {  	[bflag:$0x0] =	sbarrier.arrive $0xFFFF  }
0xd6: {  	s31 =	simm.s32 $0x2710;
	s18 =	simm.s32 $0x0;
	s24 =	rddreg [dreg:$0x7]  }
0xd7: {  	[tilespmem:s31], [sflag:$0x16] =	stream.linear.gather [hbm4b:s24+s18], $0x2710, $0x38;
	[tilespmem:$0x1FD10] =	vst v63  }
0xd8: {  	_ =	swait.ge [sflag:s2], $0x2710  }
0xd9: {  	[sflag:s2] =	ssyncset.done $0x0  }
0xda: {  	[sflag:s2] =	ssyncadd.s32 $0xFFFFD8F0  }
0xdb: {  	s2 =	rddreg [dreg:$0x2]  }
0xdc: {  	s0 =	simm.s32 $0xB2E8;
	s5 =	rddreg [dreg:$0x1]  }
.LBB2_4:
0xdd: {  	p0 =	sne.s32 s18, $0x1EA0  }
.Ltmp1:
0xde: {  	_ = 	snop;
	(pc) =	sbr.rel @p0 .LBB2_4-.Ltmp1, $4  }
0xdf: {  	_ = 	snop  }
0xe0: {  	s31 =	sshra.s32 s18, $0x2  }
0xe1: {  	s18 =	sadd.s32 $0xA0, s18;
	s31 =	sadd.s32 $0x2710, s31  }
0xe2: {  	[spmem:s2] =	stream.indirect.scatter.add.f32 [tilespmem:s0], [sflag:$0x1], $0x1, s31, s19, $0xb8;
	[tilespmem:$0x1FD10] =	vst v63  }
0xe3: {  	s18 =	simm.s32 $0x32  }
.LBB2_6:
0xe4: {  	p0 =	sne.s32 s18, $0x1  }
.Ltmp2:
0xe5: {  	_ = 	snop;
	(pc) =	sbr.rel @p0 .LBB2_6-.Ltmp2, $4  }
0xe6: {  	_ = 	snop  }
0xe7: {  	_ =	swait.ge [sflag:s1], $0x28  }
0xe8: {  	[sflag:s1] =	ssyncset.done $0x0  }
0xe9: {  	s18 =	sadd.s32 $0xFFFFFFFF, s18;
	[sflag:s1] =	ssyncadd.s32 $0xFFFFFFD8  }
0xea: {  	s18 =	simm.s32 $0x0  }
.LBB2_8:
0xeb: {  	p0 =	sne.s32 s18, $0x1EA0  }
.Ltmp3:
0xec: {  	_ = 	snop;
	(pc) =	sbr.rel @p0 .LBB2_8-.Ltmp3, $4  }
0xed: {  	_ = 	snop  }
0xee: {  	s31 =	sshra.s32 s18, $0x2  }
0xef: {  	s18 =	sadd.s32 $0xA0, s18;
	s31 =	sadd.s32 $0x2EE0, s31  }
0xf0: {  	[spmem:s2] =	stream.indirect.scatter.add.f32 [tilespmem:s0], [sflag:$0x1], $0x1, s31, s19, $0xb8;
	[tilespmem:$0x1FD10] =	vst v63  }
0xf1: {  	s18 =	simm.s32 $0x32  }
.LBB2_10:
0xf2: {  	p0 =	sne.s32 s18, $0x1  }
.Ltmp4:
0xf3: {  	_ = 	snop;
	(pc) =	sbr.rel @p0 .LBB2_10-.Ltmp4, $4  }
0xf4: {  	_ = 	snop  }
0xf5: {  	_ =	swait.ge [sflag:s1], $0x28  }
0xf6: {  	[sflag:s1] =	ssyncset.done $0x0  }
0xf7: {  	s18 =	sadd.s32 $0xFFFFFFFF, s18;
	[sflag:s1] =	ssyncadd.s32 $0xFFFFFFD8  }
0xf8: {  	s18 =	simm.s32 $0x0  }
.LBB2_12:
0xf9: {  	p0 =	sne.s32 s18, $0x1EA0  }
.Ltmp5:
0xfa: {  	_ = 	snop;
	(pc) =	sbr.rel @p0 .LBB2_12-.Ltmp5, $4  }
0xfb: {  	_ = 	snop  }
0xfc: {  	s31 =	sshra.s32 s18, $0x2  }
0xfd: {  	s18 =	sadd.s32 $0xA0, s18;
	s31 =	sadd.s32 $0x36B0, s31  }
0xfe: {  	[spmem:s2] =	stream.indirect.scatter.add.f32 [tilespmem:s0], [sflag:$0x1], $0x1, s31, s19, $0xb8;
	[tilespmem:$0x1FD10] =	vst v63  }
0xff: {  	s18 =	simm.s32 $0x32  }
.LBB2_14:
0x100: {  	p0 =	sne.s32 s18, $0x1  }
.Ltmp6:
0x101: {  	_ = 	snop;
	(pc) =	sbr.rel @p0 .LBB2_14-.Ltmp6, $4  }
0x102: {  	_ = 	snop  }
0x103: {  	_ =	swait.ge [sflag:s1], $0x28  }
0x104: {  	[sflag:s1] =	ssyncset.done $0x0  }
0x105: {  	s18 =	sadd.s32 $0xFFFFFFFF, s18;
	[sflag:s1] =	ssyncadd.s32 $0xFFFFFFD8  }
0x106: {  	s18 =	simm.s32 $0x0  }
.LBB2_16:
0x107: {  	p0 =	sne.s32 s18, $0x1EA0  }
.Ltmp7:
0x108: {  	_ = 	snop;
	(pc) =	sbr.rel @p0 .LBB2_16-.Ltmp7, $4  }
0x109: {  	_ = 	snop  }
0x10a: {  	s31 =	sshra.s32 s18, $0x2  }
0x10b: {  	s18 =	sadd.s32 $0xA0, s18;
	s31 =	sadd.s32 $0x3E80, s31  }
0x10c: {  	[spmem:s2] =	stream.indirect.scatter.add.f32 [tilespmem:s0], [sflag:$0x1], $0x1, s31, s19, $0xb8;
	[tilespmem:$0x1FD10] =	vst v63  }
0x10d: {  	s18 =	simm.s32 $0x32  }
.LBB2_18:
0x10e: {  	p0 =	sne.s32 s18, $0x1  }
.Ltmp8:
0x10f: {  	_ = 	snop;
	(pc) =	sbr.rel @p0 .LBB2_18-.Ltmp8, $4  }
0x110: {  	_ = 	snop  }
0x111: {  	_ =	swait.ge [sflag:s1], $0x28  }
0x112: {  	[sflag:s1] =	ssyncset.done $0x0  }
0x113: {  	s18 =	sadd.s32 $0xFFFFFFFF, s18;
	[sflag:s1] =	ssyncadd.s32 $0xFFFFFFD8  }
0x114: {  	s18 =	simm.s32 $0x0  }
.LBB2_20:
0x115: {  	p0 =	sne.s32 s18, $0x1EA0  }
.Ltmp9:
0x116: {  	_ = 	snop;
	(pc) =	sbr.rel @p0 .LBB2_20-.Ltmp9, $4  }
0x117: {  	_ = 	snop  }
0x118: {  	s31 =	sshra.s32 s18, $0x2  }
0x119: {  	s18 =	sadd.s32 $0xA0, s18;
	s31 =	sadd.s32 $0x4650, s31  }
0x11a: {  	[spmem:s2] =	stream.indirect.scatter.add.f32 [tilespmem:s0], [sflag:$0x1], $0x1, s31, s19, $0xb8;
	[tilespmem:$0x1FD10] =	vst v63  }
0x11b: {  	_ =	swait.ge [sflag:s1], $0x28  }
0x11c: {  	s18 =	simm.s32 $0x31;
	[sflag:s1] =	ssyncset.done $0x0  }
.LBB2_22:
0x11d: {  	p0 =	sne.s32 s18, $0x1;
	s18 =	sadd.s32 $0xFFFFFFFF, s18;
	[sflag:s1] =	ssyncadd.s32 $0xFFFFFFD8  }
.Ltmp10:
0x11e: {  	(pc) =	sbr.rel @p0 .LBB2_22-.Ltmp10, $3  }
0x11f: {  	_ =	sdelay $0x1  }
0x120: {  	_ =	swait.ge [sflag:s1], $0x28  }
0x121: {  	[sflag:s1] =	ssyncset.done $0x0  }
0x122: {  	s3 =	sld [smem:$0x7FD];
	_ =	sdelay $0x1  }
0x123: {  	[sflag:s1] =	ssyncadd.s32 $0xFFFFFFD8;
	s18 =	simm.s32 $0x0;
	s31 =	simm.s32 $0x2710  }
0x124: {  	[tilespmem:s31], [sflag:$0x16] =	stream.linear.gather [hbm4b:s3+s18], $0x2710, $0x38;
	[tilespmem:$0x1FD10] =	vst v63  }
0x125: {  	s31 =	simm.s32 $0x16  }
0x126: {  	_ =	swait.ge [sflag:s31], $0x2710  }
0x127: {  	[sflag:s31] =	ssyncset.done $0x0  }
0x128: {  	[sflag:s31] =	ssyncadd.s32 $0xFFFFD8F0  }
.LBB2_24:
0x129: {  	p0 =	sne.s32 s18, $0x1EA0  }
.Ltmp11:
0x12a: {  	_ = 	snop;
	(pc) =	sbr.rel @p0 .LBB2_24-.Ltmp11, $4  }
0x12b: {  	_ = 	snop  }
0x12c: {  	s31 =	sshra.s32 s18, $0x2  }
0x12d: {  	s18 =	sadd.s32 $0xA0, s18;
	s31 =	sadd.s32 $0x2710, s31  }
0x12e: {  	[spmem:s2] =	stream.indirect.scatter.add.f32 [tilespmem:s0], [sflag:$0x1], $0x1, s31, s19, $0xb8;
	[tilespmem:$0x1FD10] =	vst v63  }
0x12f: {  	s18 =	simm.s32 $0x32  }
.LBB2_26:
0x130: {  	p0 =	sne.s32 s18, $0x1  }
.Ltmp12:
0x131: {  	_ = 	snop;
	(pc) =	sbr.rel @p0 .LBB2_26-.Ltmp12, $4  }
0x132: {  	_ = 	snop  }
0x133: {  	_ =	swait.ge [sflag:s1], $0x28  }
0x134: {  	[sflag:s1] =	ssyncset.done $0x0  }
0x135: {  	s18 =	sadd.s32 $0xFFFFFFFF, s18;
	[sflag:s1] =	ssyncadd.s32 $0xFFFFFFD8  }
0x136: {  	s18 =	simm.s32 $0x0  }
.LBB2_28:
0x137: {  	p0 =	sne.s32 s18, $0x1EA0  }
.Ltmp13:
0x138: {  	_ = 	snop;
	(pc) =	sbr.rel @p0 .LBB2_28-.Ltmp13, $4  }
0x139: {  	_ = 	snop  }
0x13a: {  	s31 =	sshra.s32 s18, $0x2  }
0x13b: {  	s18 =	sadd.s32 $0xA0, s18;
	s31 =	sadd.s32 $0x2EE0, s31  }
0x13c: {  	[spmem:s2] =	stream.indirect.scatter.add.f32 [tilespmem:s0], [sflag:$0x1], $0x1, s31, s19, $0xb8;
	[tilespmem:$0x1FD10] =	vst v63  }
0x13d: {  	s18 =	simm.s32 $0x32  }
.LBB2_30:
0x13e: {  	p0 =	sne.s32 s18, $0x1  }
.Ltmp14:
0x13f: {  	_ = 	snop;
	(pc) =	sbr.rel @p0 .LBB2_30-.Ltmp14, $4  }
0x140: {  	_ = 	snop  }
0x141: {  	_ =	swait.ge [sflag:s1], $0x28  }
0x142: {  	[sflag:s1] =	ssyncset.done $0x0  }
0x143: {  	s18 =	sadd.s32 $0xFFFFFFFF, s18;
	[sflag:s1] =	ssyncadd.s32 $0xFFFFFFD8  }
0x144: {  	s18 =	simm.s32 $0x0  }
.LBB2_32:
0x145: {  	p0 =	sne.s32 s18, $0x1EA0  }
.Ltmp15:
0x146: {  	_ = 	snop;
	(pc) =	sbr.rel @p0 .LBB2_32-.Ltmp15, $4  }
0x147: {  	_ = 	snop  }
0x148: {  	s31 =	sshra.s32 s18, $0x2  }
0x149: {  	s18 =	sadd.s32 $0xA0, s18;
	s31 =	sadd.s32 $0x36B0, s31  }
0x14a: {  	[spmem:s2] =	stream.indirect.scatter.add.f32 [tilespmem:s0], [sflag:$0x1], $0x1, s31, s19, $0xb8;
	[tilespmem:$0x1FD10] =	vst v63  }
0x14b: {  	s18 =	simm.s32 $0x32  }
.LBB2_34:
0x14c: {  	p0 =	sne.s32 s18, $0x1  }
.Ltmp16:
0x14d: {  	_ = 	snop;
	(pc) =	sbr.rel @p0 .LBB2_34-.Ltmp16, $4  }
0x14e: {  	_ = 	snop  }
0x14f: {  	_ =	swait.ge [sflag:s1], $0x28  }
0x150: {  	[sflag:s1] =	ssyncset.done $0x0  }
0x151: {  	s18 =	sadd.s32 $0xFFFFFFFF, s18;
	[sflag:s1] =	ssyncadd.s32 $0xFFFFFFD8  }
0x152: {  	s18 =	simm.s32 $0x0  }
.LBB2_36:
0x153: {  	p0 =	sne.s32 s18, $0x1EA0  }
.Ltmp17:
0x154: {  	_ = 	snop;
	(pc) =	sbr.rel @p0 .LBB2_36-.Ltmp17, $4  }
0x155: {  	_ = 	snop  }
0x156: {  	s31 =	sshra.s32 s18, $0x2  }
0x157: {  	s18 =	sadd.s32 $0xA0, s18;
	s31 =	sadd.s32 $0x3E80, s31  }
0x158: {  	[spmem:s2] =	stream.indirect.scatter.add.f32 [tilespmem:s0], [sflag:$0x1], $0x1, s31, s19, $0xb8;
	[tilespmem:$0x1FD10] =	vst v63  }
0x159: {  	s18 =	simm.s32 $0x32  }
.LBB2_38:
0x15a: {  	p0 =	sne.s32 s18, $0x1  }
.Ltmp18:
0x15b: {  	_ = 	snop;
	(pc) =	sbr.rel @p0 .LBB2_38-.Ltmp18, $4  }
0x15c: {  	_ = 	snop  }
0x15d: {  	_ =	swait.ge [sflag:s1], $0x28  }
0x15e: {  	[sflag:s1] =	ssyncset.done $0x0  }
0x15f: {  	s18 =	sadd.s32 $0xFFFFFFFF, s18;
	[sflag:s1] =	ssyncadd.s32 $0xFFFFFFD8  }
0x160: {  	s18 =	simm.s32 $0x0  }
.LBB2_40:
0x161: {  	p0 =	sne.s32 s18, $0x1EA0  }
.Ltmp19:
0x162: {  	_ = 	snop;
	(pc) =	sbr.rel @p0 .LBB2_40-.Ltmp19, $4  }
0x163: {  	_ = 	snop  }
0x164: {  	s31 =	sshra.s32 s18, $0x2  }
0x165: {  	s18 =	sadd.s32 $0xA0, s18;
	s31 =	sadd.s32 $0x4650, s31  }
0x166: {  	[spmem:s2] =	stream.indirect.scatter.add.f32 [tilespmem:s0], [sflag:$0x1], $0x1, s31, s19, $0xb8;
	[tilespmem:$0x1FD10] =	vst v63  }
0x167: {  	_ =	swait.ge [sflag:s1], $0x28  }
0x168: {  	s18 =	simm.s32 $0x31;
	[sflag:s1] =	ssyncset.done $0x0  }
.LBB2_42:
0x169: {  	p0 =	sne.s32 s18, $0x1;
	s18 =	sadd.s32 $0xFFFFFFFF, s18;
	[sflag:s1] =	ssyncadd.s32 $0xFFFFFFD8  }
.Ltmp20:
0x16a: {  	(pc) =	sbr.rel @p0 .LBB2_42-.Ltmp20, $3  }
0x16b: {  	_ =	sdelay $0x1  }
0x16c: {  	_ =	swait.ge [sflag:s1], $0x28  }
0x16d: {  	[sflag:s1] =	ssyncset.done $0x0  }
0x16e: {  	[sflag:s1] =	ssyncadd.s32 $0xFFFFFFD8  }
0x16f: {  	[bflag:$0x0] =	sbarrier.arrive $0xFFFF  }
0x170: {  	s3 =	sld [smem:$0x7F6];
	_ =	sdelay $0x1  }
0x171: {  	s18 =	simm.s32 $0xB310;
	s31 =	simm.s32 $0x16  }
0x172: {  	[tilespmem:s18], [sflag:$0x16] =	stream.linear.gather [spmem:s3], $0x280, $0x38;
	[tilespmem:$0x1FD10] =	vst v63  }
0x173: {  	_ =	swait.ge [sflag:s31], $0x280  }
0x174: {  	s2 =	sld [smem:$0x7FA]  }
0x175: {  	[sflag:s31] =	ssyncset.done $0x0  }
0x176: {  	s24 =	simm.s32 $0x0;
	[sflag:s31] =	ssyncadd.s32 $0xFFFFFD80  }
0x177: {  	[hbm4b:s2+s24] =	stream.linear.scatter [tilespmem:s18], [sflag:$0x16], $0x280, $0x38;
	[tilespmem:$0x1FD10] =	vst v63  }
0x178: {  	_ =	swait.ge [sflag:s31], $0x280  }
0x179: {  	[sflag:s31] =	ssyncset.done $0x0  }
0x17a: {  	[sflag:s31] =	ssyncadd.s32 $0xFFFFFD80  }
0x17b: {  	v2 =	vld [tilespmem:$0xB310]  }
0x17c: {  	v3 =	vld [tilespmem:$0xB320]  }
0x17d: {  	v4 =	vld [tilespmem:$0xB330]  }
0x17e: {  	v5 =	vld [tilespmem:$0xB340]  }
0x17f: {  	v6 =	vld [tilespmem:$0xB350]  }
0x180: {  	v7 =	vld [tilespmem:$0xB360];
	v2 =	vmax.f32 v2, $1.000000000e+00  }
0x181: {  	(erf) = vrcp.f32 v2;
	v2 =	vmax.f32 v3, $1.000000000e+00;
	v3 =	vld [tilespmem:$0xB370]  }
0x182: {  	v11 =	vld [tilespmem:$0xB380];
	(erf) = vrcp.f32 v2;
	v2 =	vmax.f32 v4, $1.000000000e+00  }
0x183: {  	v12 =	vld [tilespmem:$0xB390];
	(erf) = vrcp.f32 v2;
	v2 =	vmax.f32 v5, $1.000000000e+00  }
0x184: {  	v13 =	vld [tilespmem:$0xB3A0];
	(erf) = vrcp.f32 v2;
	v2 =	vmax.f32 v6, $1.000000000e+00  }
0x185: {  	v14 =	vld [tilespmem:$0xB3B0];
	(erf) = vrcp.f32 v2;
	v2 =	vmax.f32 v7, $1.000000000e+00  }
0x186: {  	(erf) = vrcp.f32 v2;
	v2 =	vmax.f32 v3, $1.000000000e+00;
	v3 =	vld [tilespmem:$0xB3C0]  }
0x187: {  	v15 =	vld [tilespmem:$0xB3D0];
	(erf) = vrcp.f32 v2;
	v2 =	vmax.f32 v11, $1.000000000e+00  }
0x188: {  	v16 =	vld [tilespmem:$0xB3E0];
	(erf) = vrcp.f32 v2;
	v2 =	vmax.f32 v12, $1.000000000e+00  }
0x189: {  	v17 =	vld [tilespmem:$0xB3F0];
	(erf) = vrcp.f32 v2;
	v2 =	vmax.f32 v13, $1.000000000e+00  }
0x18a: {  	v18 =	vld [tilespmem:$0xB400];
	v8 =	vpop (erf);
	(erf) = vrcp.f32 v2;
	v2 =	vmax.f32 v14, $1.000000000e+00  }
0x18b: {  	v19 =	vpop (erf);
	(erf) = vrcp.f32 v2;
	v2 =	vmax.f32 v3, $1.000000000e+00;
	v3 =	vld [tilespmem:$0xB410]  }
0x18c: {  	v21 =	vld [tilespmem:$0xB420];
	[tilespmem:$0xB310] =	vst v8;
	v20 =	vpop (erf);
	(erf) = vrcp.f32 v2;
	v2 =	vmax.f32 v15, $1.000000000e+00  }
0x18d: {  	v23 =	vld [tilespmem:$0xB430];
	[tilespmem:$0xB320] =	vst v19;
	v22 =	vpop (erf);
	(erf) = vrcp.f32 v2;
	v2 =	vmax.f32 v16, $1.000000000e+00  }
0x18e: {  	v25 =	vld [tilespmem:$0xB440];
	[tilespmem:$0xB330] =	vst v20;
	v24 =	vpop (erf);
	(erf) = vrcp.f32 v2;
	v2 =	vmax.f32 v17, $1.000000000e+00  }
0x18f: {  	v27 =	vld [tilespmem:$0xB450];
	[tilespmem:$0xB340] =	vst v22;
	v26 =	vpop (erf);
	(erf) = vrcp.f32 v2;
	v2 =	vmax.f32 v18, $1.000000000e+00  }
0x190: {  	[tilespmem:$0xB350] =	vst v24;
	v28 =	vpop (erf);
	(erf) = vrcp.f32 v2;
	v2 =	vmax.f32 v3, $1.000000000e+00;
	v3 =	vld [tilespmem:$0xB460]  }
0x191: {  	v30 =	vld [tilespmem:$0xB470];
	[tilespmem:$0xB360] =	vst v26;
	v29 =	vpop (erf);
	(erf) = vrcp.f32 v2;
	v2 =	vmax.f32 v21, $1.000000000e+00  }
0x192: {  	v32 =	vld [tilespmem:$0xB480];
	[tilespmem:$0xB370] =	vst v28;
	v31 =	vpop (erf);
	(erf) = vrcp.f32 v2;
	v2 =	vmax.f32 v23, $1.000000000e+00  }
0x193: {  	v34 =	vld [tilespmem:$0xB490];
	[tilespmem:$0xB380] =	vst v29;
	v33 =	vpop (erf);
	(erf) = vrcp.f32 v2;
	v2 =	vmax.f32 v25, $1.000000000e+00  }
0x194: {  	v36 =	vld [tilespmem:$0xB4A0];
	[tilespmem:$0xB390] =	vst v31;
	v35 =	vpop (erf);
	(erf) = vrcp.f32 v2;
	v2 =	vmax.f32 v27, $1.000000000e+00  }
0x195: {  	[tilespmem:$0xB3A0] =	vst v33;
	v37 =	vpop (erf);
	(erf) = vrcp.f32 v2;
	v2 =	vmax.f32 v3, $1.000000000e+00;
	v3 =	vld [tilespmem:$0xB4B0]  }
0x196: {  	v39 =	vld [tilespmem:$0xB4C0];
	[tilespmem:$0xB3B0] =	vst v35;
	v38 =	vpop (erf);
	(erf) = vrcp.f32 v2;
	v2 =	vmax.f32 v30, $1.000000000e+00  }
0x197: {  	v41 =	vld [tilespmem:$0xB4D0];
	[tilespmem:$0xB3C0] =	vst v37;
	v40 =	vpop (erf);
	(erf) = vrcp.f32 v2;
	v2 =	vmax.f32 v32, $1.000000000e+00  }
0x198: {  	v43 =	vld [tilespmem:$0xB4E0];
	[tilespmem:$0xB3D0] =	vst v38;
	v42 =	vpop (erf);
	(erf) = vrcp.f32 v2;
	v2 =	vmax.f32 v34, $1.000000000e+00  }
0x199: {  	v45 =	vld [tilespmem:$0xB4F0];
	[tilespmem:$0xB3E0] =	vst v40;
	v44 =	vpop (erf);
	(erf) = vrcp.f32 v2;
	v2 =	vmax.f32 v36, $1.000000000e+00  }
0x19a: {  	[tilespmem:$0xB3F0] =	vst v42;
	v46 =	vpop (erf);
	(erf) = vrcp.f32 v2;
	v2 =	vmax.f32 v3, $1.000000000e+00;
	v3 =	vld [tilespmem:$0xB500]  }
0x19b: {  	v48 =	vld [tilespmem:$0xB510];
	[tilespmem:$0xB400] =	vst v44;
	v47 =	vpop (erf);
	(erf) = vrcp.f32 v2;
	v2 =	vmax.f32 v39, $1.000000000e+00  }
0x19c: {  	v50 =	vld [tilespmem:$0xB520];
	[tilespmem:$0xB410] =	vst v46;
	v49 =	vpop (erf);
	(erf) = vrcp.f32 v2;
	v2 =	vmax.f32 v41, $1.000000000e+00  }
0x19d: {  	v52 =	vld [tilespmem:$0xB530];
	[tilespmem:$0xB420] =	vst v47;
	v51 =	vpop (erf);
	(erf) = vrcp.f32 v2;
	v2 =	vmax.f32 v43, $1.000000000e+00  }
0x19e: {  	v54 =	vld [tilespmem:$0xB540];
	[tilespmem:$0xB430] =	vst v49;
	v53 =	vpop (erf);
	(erf) = vrcp.f32 v2;
	v2 =	vmax.f32 v45, $1.000000000e+00  }
0x19f: {  	[tilespmem:$0xB440] =	vst v51;
	v55 =	vpop (erf);
	(erf) = vrcp.f32 v2;
	v2 =	vmax.f32 v3, $1.000000000e+00;
	v3 =	vld [tilespmem:$0xB550]  }
0x1a0: {  	v57 =	vld [tilespmem:$0xB560];
	[tilespmem:$0xB450] =	vst v53;
	v56 =	vpop (erf);
	(erf) = vrcp.f32 v2;
	v2 =	vmax.f32 v48, $1.000000000e+00  }
0x1a1: {  	v59 =	vld [tilespmem:$0xB570];
	[tilespmem:$0xB460] =	vst v55;
	v58 =	vpop (erf);
	(erf) = vrcp.f32 v2;
	v2 =	vmax.f32 v50, $1.000000000e+00  }
0x1a2: {  	v61 =	vld [tilespmem:$0xB580];
	[tilespmem:$0xB470] =	vst v56;
	v60 =	vpop (erf);
	(erf) = vrcp.f32 v2;
	v2 =	vmax.f32 v52, $1.000000000e+00  }
0x1a3: {  	[tilespmem:$0xB480] =	vst v58;
	v62 =	vpop (erf);
	(erf) = vrcp.f32 v2;
	v2 =	vmax.f32 v54, $1.000000000e+00  }
0x1a4: {  	[tilespmem:$0xB490] =	vst v60;
	v63 =	vpop (erf);
	(erf) = vrcp.f32 v2;
	v2 =	vmax.f32 v3, $1.000000000e+00  }
0x1a5: {  	[tilespmem:$0xB4A0] =	vst v62;
	v3 =	vpop (erf);
	(erf) = vrcp.f32 v2;
	v2 =	vmax.f32 v57, $1.000000000e+00  }
0x1a6: {  	[tilespmem:$0xB4C0] =	vst v3;
	v3 =	vpop (erf);
	(erf) = vrcp.f32 v2;
	v2 =	vmax.f32 v59, $1.000000000e+00  }
0x1a7: {  	[tilespmem:$0xB4D0] =	vst v3;
	v3 =	vpop (erf);
	(erf) = vrcp.f32 v2;
	v2 =	vmax.f32 v61, $1.000000000e+00  }
0x1a8: {  	[tilespmem:$0xB4B0] =	vst v63  }
0x1a9: {  	[tilespmem:$0xB4E0] =	vst v3;
	v3 =	vpop (erf);
	(erf) = vrcp.f32 v2  }
0x1aa: {  	[tilespmem:$0xB4F0] =	vst v3;
	v2 =	vpop (erf)  }
0x1ab: {  	v3 =	vpop (erf);
	[tilespmem:$0xB500] =	vst v2  }
0x1ac: {  	v2 =	vpop (erf);
	[tilespmem:$0xB510] =	vst v3  }
0x1ad: {  	v3 =	vpop (erf);
	[tilespmem:$0xB520] =	vst v2  }
0x1ae: {  	v2 =	vpop (erf);
	[tilespmem:$0xB530] =	vst v3  }
0x1af: {  	v3 =	vpop (erf);
	[tilespmem:$0xB540] =	vst v2  }
0x1b0: {  	v2 =	vpop (erf);
	[tilespmem:$0xB550] =	vst v3  }
0x1b1: {  	s4 =	sld [smem:$0x7F8];
	v3 =	vpop (erf);
	[tilespmem:$0xB560] =	vst v2  }
0x1b2: {  	[tilespmem:$0xB570] =	vst v3;
	v2 =	vpop (erf)  }
0x1b3: {  	[tilespmem:$0xB580] =	vst v2  }
0x1b4: {  	[spmem:s4] =	stream.linear.scatter [tilespmem:s18], [sflag:$0x16], $0x280, $0x38;
	[tilespmem:$0x1FD10] =	vst v63  }
0x1b5: {  	_ =	swait.ge [sflag:s31], $0x280  }
0x1b6: {  	[sflag:s31] =	ssyncset.done $0x0  }
0x1b7: {  	[sflag:s31] =	ssyncadd.s32 $0xFFFFFD80  }
0x1b8: {  	[bflag:$0x0] =	sbarrier.arrive $0xFFFF  }
0x1b9: {  	s6 =	sld [smem:$0x7F9];
	_ =	sdelay $0x2  }
0x1ba: {  	[tilespmem:s24], [sflag:$0x16] =	stream.linear.gather [hbm4b:s6+s24], $0x2710, $0x38;
	[tilespmem:$0x1FD10] =	vst v63  }
0x1bb: {  	_ =	swait.ge [sflag:s31], $0x2710  }
0x1bc: {  	[sflag:s31] =	ssyncset.done $0x0  }
0x1bd: {  	s8 =	simm.s32 $0x2710;
	s7 =	rddreg [dreg:$0x8];
	[sflag:s31] =	ssyncadd.s32 $0xFFFFD8F0  }
0x1be: {  	[tilespmem:s8], [sflag:$0x16] =	stream.linear.gather [hbm4b:s7+s24], $0x2710, $0x38;
	[tilespmem:$0x1FD10] =	vst v63  }
0x1bf: {  	_ =	swait.ge [sflag:s31], $0x2710  }
0x1c0: {  	[sflag:s31] =	ssyncset.done $0x0  }
0x1c1: {  	s3 =	simm.s32 $0xB220;
	[sflag:s31] =	ssyncadd.s32 $0xFFFFD8F0  }
0x1c2: {  	[tilespmem:s3], [sflag:$0x2] =	stream.indirect.gather [spmem:s21], $0x1, s8, s19, $0xb8;
	[tilespmem:$0x1FD10] =	vst v63  }
0x1c3: {  	s0 =	simm.s32 $0x4E20  }
0x1c4: {  	[tilespmem:s0], [sflag:$0xC] =	stream.indirect.gather [hbm4b:s5+s19], $0x80, s24, s19, $0xb8;
	[tilespmem:$0x1FD10] =	vst v63  }
0x1c5: {  	s9 =	simm.s32 $0xB248;
	s4 =	simm.s32 $0x2738  }
0x1c6: {  	[tilespmem:s9], [sflag:$0x3] =	stream.indirect.gather [spmem:s21], $0x1, s4, s19, $0xb8;
	[tilespmem:$0x1FD10] =	vst v63  }
0x1c7: {  	s9 =	simm.s32 $0x6220  }
0x1c8: {  	[tilespmem:s9], [sflag:$0xD] =	stream.indirect.gather [hbm4b:s5+s19], $0x80, s19, s19, $0xb8;
	[tilespmem:$0x1FD10] =	vst v63  }
0x1c9: {  	s10 =	simm.s32 $0x2760;
	s11 =	simm.s32 $0xB270  }
0x1ca: {  	[tilespmem:s11], [sflag:$0x4] =	stream.indirect.gather [spmem:s21], $0x1, s10, s19, $0xb8;
	[tilespmem:$0x1FD10] =	vst v63  }
0x1cb: {  	s8 =	simm.s32 $0x7620;
	s24 =	simm.s32 $0x50  }
0x1cc: {  	[tilespmem:s8], [sflag:$0xE] =	stream.indirect.gather [hbm4b:s5+s19], $0x80, s24, s19, $0xb8;
	[tilespmem:$0x1FD10] =	vst v63  }
0x1cd: {  	s1 =	simm.s32 $0x2788;
	s10 =	simm.s32 $0xB298  }
0x1ce: {  	[tilespmem:s10], [sflag:$0x5] =	stream.indirect.gather [spmem:s21], $0x1, s1, s19, $0xb8;
	[tilespmem:$0x1FD10] =	vst v63  }
0x1cf: {  	s2 =	simm.s32 $0x78;
	s7 =	simm.s32 $0x8A20  }
0x1d0: {  	[tilespmem:s7], [sflag:$0xF] =	stream.indirect.gather [hbm4b:s5+s19], $0x80, s2, s19, $0xb8;
	[tilespmem:$0x1FD10] =	vst v63  }
0x1d1: {  	s6 =	simm.s32 $0x27B0;
	s24 =	simm.s32 $0xB2C0  }
0x1d2: {  	[tilespmem:s24], [sflag:$0x6] =	stream.indirect.gather [spmem:s21], $0x1, s6, s19, $0xb8;
	[tilespmem:$0x1FD10] =	vst v63  }
0x1d3: {  	s1 =	simm.s32 $0xA0;
	s2 =	simm.s32 $0x2;
	s6 =	simm.s32 $0x9E20  }
0x1d4: {  	[tilespmem:s6], [sflag:$0x10] =	stream.indirect.gather [hbm4b:s5+s19], $0x80, s1, s19, $0xb8;
	[tilespmem:$0x1FD10] =	vst v63  }
0x1d5: {  	_ =	swait.ge [sflag:s2], $0x28  }
0x1d6: {  	[sflag:s2] =	ssyncset.done $0x0  }
0x1d7: {  	s18 =	simm.s32 $0xC;
	[sflag:s2] =	ssyncadd.s32 $0xFFFFFFD8  }
0x1d8: {  	_ =	swait.ge [sflag:s18], $0x1400  }
0x1d9: {  	[sflag:s18] =	ssyncset.done $0x0  }
0x1da: {  	s1 =	simm.s32 $0x0;
	[sflag:s18] =	ssyncadd.s32 $0xFFFFEC00  }
0x1db: {  	[spmem:s16] =	stream.indirect.scatter.add.f32 [tilespmem:s3], [sflag:$0x7], $0x1, s1, s19, $0xb8;
	[tilespmem:$0x1FD10] =	vst v63  }
0x1dc: {  	s2 =	simm.s32 $0x2710;
	s18 =	simm.s32 $0x7  }
0x1dd: {  	[spmem:s20] =	stream.indirect.scatter.add.f32 [tilespmem:s0], [sflag:$0x11], $0x80, s2, s19, $0xb8;
	[tilespmem:$0x1FD10] =	vst v63  }
0x1de: {  	_ =	swait.ge [sflag:s18], $0x28  }
0x1df: {  	[sflag:s18] =	ssyncset.done $0x0  }
0x1e0: {  	[sflag:s18] =	ssyncadd.s32 $0xFFFFFFD8  }
0x1e1: {  	_ =	swait.ge [sflag:s14], $0x1400  }
0x1e2: {  	[sflag:s14] =	ssyncset.done $0x0  }
0x1e3: {  	s1 =	simm.s32 $0x27D8;
	[sflag:s14] =	ssyncadd.s32 $0xFFFFEC00  }
0x1e4: {  	[tilespmem:s3], [sflag:$0x2] =	stream.indirect.gather [spmem:s21], $0x1, s1, s19, $0xb8;
	[tilespmem:$0x1FD10] =	vst v63  }
0x1e5: {  	s2 =	simm.s32 $0xC8;
	s1 =	simm.s32 $0x3  }
0x1e6: {  	[tilespmem:s0], [sflag:$0xC] =	stream.indirect.gather [hbm4b:s5+s19], $0x80, s2, s19, $0xb8;
	[tilespmem:$0x1FD10] =	vst v63  }
0x1e7: {  	_ =	swait.ge [sflag:s1], $0x28  }
0x1e8: {  	[sflag:s1] =	ssyncset.done $0x0  }
0x1e9: {  	[sflag:s1] =	ssyncadd.s32 $0xFFFFFFD8  }
0x1ea: {  	_ =	swait.ge [sflag:s15], $0x1400  }
0x1eb: {  	[sflag:s15] =	ssyncset.done $0x0  }
0x1ec: {  	s4 =	simm.s32 $0xB248;
	s0 =	simm.s32 $0x28;
	[sflag:s15] =	ssyncadd.s32 $0xFFFFEC00  }
0x1ed: {  	[spmem:s16] =	stream.indirect.scatter.add.f32 [tilespmem:s4], [sflag:$0x8], $0x1, s0, s19, $0xb8;
	[tilespmem:$0x1FD10] =	vst v63  }
0x1ee: {  	s2 =	simm.s32 $0x2738  }
0x1ef: {  	[spmem:s20] =	stream.indirect.scatter.add.f32 [tilespmem:s9], [sflag:$0x12], $0x80, s2, s19, $0xb8;
	[tilespmem:$0x1FD10] =	vst v63  }
0x1f0: {  	_ =	swait.ge [sflag:s17], $0x28  }
0x1f1: {  	[sflag:s17] =	ssyncset.done $0x0  }
0x1f2: {  	s2 =	simm.s32 $0x12;
	[sflag:s17] =	ssyncadd.s32 $0xFFFFFFD8  }
0x1f3: {  	_ =	swait.ge [sflag:s2], $0x1400  }
0x1f4: {  	[sflag:s2] =	ssyncset.done $0x0  }
0x1f5: {  	s0 =	simm.s32 $0x2800;
	[sflag:s2] =	ssyncadd.s32 $0xFFFFEC00  }
0x1f6: {  	[tilespmem:s4], [sflag:$0x3] =	stream.indirect.gather [spmem:s21], $0x1, s0, s19, $0xb8;
	[tilespmem:$0x1FD10] =	vst v63  }
0x1f7: {  	s0 =	simm.s32 $0xF0  }
0x1f8: {  	[tilespmem:s9], [sflag:$0xD] =	stream.indirect.gather [hbm4b:s5+s19], $0x80, s0, s19, $0xb8;
	[tilespmem:$0x1FD10] =	vst v63  }
0x1f9: {  	_ =	swait.ge [sflag:s26], $0x28  }
0x1fa: {  	[sflag:s26] =	ssyncset.done $0x0  }
0x1fb: {  	[sflag:s26] =	ssyncadd.s32 $0xFFFFFFD8  }
0x1fc: {  	_ =	swait.ge [sflag:s28], $0x1400  }
0x1fd: {  	[sflag:s28] =	ssyncset.done $0x0  }
0x1fe: {  	s4 =	simm.s32 $0x50;
	[sflag:s28] =	ssyncadd.s32 $0xFFFFEC00  }
0x1ff: {  	[spmem:s16] =	stream.indirect.scatter.add.f32 [tilespmem:s11], [sflag:$0x9], $0x1, s4, s19, $0xb8;
	[tilespmem:$0x1FD10] =	vst v63  }
0x200: {  	s9 =	simm.s32 $0x2760  }
0x201: {  	[spmem:s20] =	stream.indirect.scatter.add.f32 [tilespmem:s8], [sflag:$0x13], $0x80, s9, s19, $0xb8;
	[tilespmem:$0x1FD10] =	vst v63  }
0x202: {  	_ =	swait.ge [sflag:s30], $0x28  }
0x203: {  	[sflag:s30] =	ssyncset.done $0x0  }
0x204: {  	[sflag:s30] =	ssyncadd.s32 $0xFFFFFFD8  }
0x205: {  	_ =	swait.ge [sflag:s29], $0x1400  }
0x206: {  	[sflag:s29] =	ssyncset.done $0x0  }
0x207: {  	s0 =	simm.s32 $0x2828;
	[sflag:s29] =	ssyncadd.s32 $0xFFFFEC00  }
0x208: {  	[tilespmem:s11], [sflag:$0x4] =	stream.indirect.gather [spmem:s21], $0x1, s0, s19, $0xb8;
	[tilespmem:$0x1FD10] =	vst v63  }
0x209: {  	s4 =	simm.s32 $0x118  }
0x20a: {  	[tilespmem:s8], [sflag:$0xE] =	stream.indirect.gather [hbm4b:s5+s19], $0x80, s4, s19, $0xb8;
	[tilespmem:$0x1FD10] =	vst v63  }
0x20b: {  	_ =	swait.ge [sflag:s22], $0x28  }
0x20c: {  	[sflag:s22] =	ssyncset.done $0x0  }
0x20d: {  	s0 =	simm.s32 $0xF;
	[sflag:s22] =	ssyncadd.s32 $0xFFFFFFD8  }
0x20e: {  	_ =	swait.ge [sflag:s0], $0x1400  }
0x20f: {  	[sflag:s0] =	ssyncset.done $0x0  }
0x210: {  	s8 =	simm.s32 $0x78;
	[sflag:s0] =	ssyncadd.s32 $0xFFFFEC00  }
0x211: {  	[spmem:s16] =	stream.indirect.scatter.add.f32 [tilespmem:s10], [sflag:$0xA], $0x1, s8, s19, $0xb8;
	[tilespmem:$0x1FD10] =	vst v63  }
0x212: {  	s9 =	simm.s32 $0x2788  }
0x213: {  	[spmem:s20] =	stream.indirect.scatter.add.f32 [tilespmem:s7], [sflag:$0x14], $0x80, s9, s19, $0xb8;
	[tilespmem:$0x1FD10] =	vst v63  }
0x214: {  	_ =	swait.ge [sflag:s25], $0x28  }
0x215: {  	[sflag:s25] =	ssyncset.done $0x0  }
0x216: {  	s9 =	simm.s32 $0x14;
	[sflag:s25] =	ssyncadd.s32 $0xFFFFFFD8  }
0x217: {  	_ =	swait.ge [sflag:s9], $0x1400  }
0x218: {  	[sflag:s9] =	ssyncset.done $0x0  }
0x219: {  	s11 =	simm.s32 $0x2850;
	[sflag:s9] =	ssyncadd.s32 $0xFFFFEC00  }
0x21a: {  	[tilespmem:s10], [sflag:$0x5] =	stream.indirect.gather [spmem:s21], $0x1, s11, s19, $0xb8;
	[tilespmem:$0x1FD10] =	vst v63  }
0x21b: {  	s4 =	simm.s32 $0x140  }
0x21c: {  	[tilespmem:s7], [sflag:$0xF] =	stream.indirect.gather [hbm4b:s5+s19], $0x80, s4, s19, $0xb8;
	[tilespmem:$0x1FD10] =	vst v63  }
0x21d: {  	s7 =	simm.s32 $0x6  }
0x21e: {  	_ =	swait.ge [sflag:s7], $0x28  }
0x21f: {  	[sflag:s7] =	ssyncset.done $0x0  }
0x220: {  	[sflag:s7] =	ssyncadd.s32 $0xFFFFFFD8  }
0x221: {  	_ =	swait.ge [sflag:s23], $0x1400  }
0x222: {  	[sflag:s23] =	ssyncset.done $0x0  }
0x223: {  	s8 =	simm.s32 $0xA0;
	[sflag:s23] =	ssyncadd.s32 $0xFFFFEC00  }
0x224: {  	[spmem:s16] =	stream.indirect.scatter.add.f32 [tilespmem:s24], [sflag:$0xB], $0x1, s8, s19, $0xb8;
	[tilespmem:$0x1FD10] =	vst v63  }
0x225: {  	s10 =	simm.s32 $0x27B0  }
0x226: {  	[spmem:s20] =	stream.indirect.scatter.add.f32 [tilespmem:s6], [sflag:$0x15], $0x80, s10, s19, $0xb8;
	[tilespmem:$0x1FD10] =	vst v63  }
0x227: {  	s10 =	simm.s32 $0xB  }
0x228: {  	_ =	swait.ge [sflag:s10], $0x28  }
0x229: {  	[sflag:s10] =	ssyncset.done $0x0  }
0x22a: {  	s8 =	simm.s32 $0x15;
	[sflag:s10] =	ssyncadd.s32 $0xFFFFFFD8  }
0x22b: {  	_ =	swait.ge [sflag:s8], $0x1400  }
0x22c: {  	s31 =	simm.s32 $0x320;
	[sflag:s8] =	ssyncset.done $0x0  }
0x22d: {  	s18 =	simm.s32 $0x168;
	s11 =	simm.s32 $0x2878;
	[sflag:s8] =	ssyncadd.s32 $0xFFFFEC00  }
0x22e: {  	[tilespmem:s24], [sflag:$0x6] =	stream.indirect.gather [spmem:s21], $0x1, s11, s19, $0xb8;
	[tilespmem:$0x1FD10] =	vst v63  }
.LBB2_44:
0x22f: {  	s24 =	simm.s32 $0x9E20  }
0x230: {  	[tilespmem:s24], [sflag:$0x10] =	stream.indirect.gather [hbm4b:s5+s19], $0x80, s18, s19, $0xb8;
	[tilespmem:$0x1FD10] =	vst v63  }
0x231: {  	s4 =	simm.s32 $0x2;
	s18 =	smov.u32 s31  }
0x232: {  	p0 =	sne.s32 s31, $0x9600;
	s31 =	sadd.s32 $0x320, s31;
	_ =	swait.ge [sflag:s4], $0x28  }
0x233: {  	[sflag:s4] =	ssyncset.done $0x0  }
0x234: {  	[sflag:s4] =	ssyncadd.s32 $0xFFFFFFD8;
	s4 =	simm.s32 $0xC  }
0x235: {  	_ =	swait.ge [sflag:s4], $0x1400  }
0x236: {  	[sflag:s4] =	ssyncset.done $0x0  }
0x237: {  	s18 =	sshra.s32 s18, $0x2;
	[sflag:s4] =	ssyncadd.s32 $0xFFFFEC00  }
0x238: {  	[spmem:s16] =	stream.indirect.scatter.add.f32 [tilespmem:s3], [sflag:$0x7], $0x1, s18, s19, $0xb8;
	[tilespmem:$0x1FD10] =	vst v63  }
0x239: {  	s6 =	simm.s32 $0x4E20;
	s4 =	simm.s32 $0xB220;
	s3 =	sadd.s32 $0x2710, s18  }
0x23a: {  	[spmem:s20] =	stream.indirect.scatter.add.f32 [tilespmem:s6], [sflag:$0x11], $0x80, s3, s19, $0xb8;
	[tilespmem:$0x1FD10] =	vst v63  }
0x23b: {  	s3 =	simm.s32 $0x7  }
0x23c: {  	_ =	swait.ge [sflag:s3], $0x28  }
0x23d: {  	[sflag:s3] =	ssyncset.done $0x0  }
0x23e: {  	[sflag:s3] =	ssyncadd.s32 $0xFFFFFFD8  }
0x23f: {  	_ =	swait.ge [sflag:s14], $0x1400  }
0x240: {  	[sflag:s14] =	ssyncset.done $0x0  }
0x241: {  	s3 =	sadd.s32 $0x27D8, s18;
	[sflag:s14] =	ssyncadd.s32 $0xFFFFEC00  }
0x242: {  	[tilespmem:s4], [sflag:$0x2] =	stream.indirect.gather [spmem:s21], $0x1, s3, s19, $0xb8;
	[tilespmem:$0x1FD10] =	vst v63  }
0x243: {  	s4 =	simm.s32 $0xB248  }
0x244: {  	s3 =	sadd.s32 $0xC8, s18  }
0x245: {  	[tilespmem:s6], [sflag:$0xC] =	stream.indirect.gather [hbm4b:s5+s19], $0x80, s3, s19, $0xb8;
	[tilespmem:$0x1FD10] =	vst v63  }
0x246: {  	_ =	swait.ge [sflag:s1], $0x28  }
0x247: {  	[sflag:s1] =	ssyncset.done $0x0  }
0x248: {  	[sflag:s1] =	ssyncadd.s32 $0xFFFFFFD8  }
0x249: {  	_ =	swait.ge [sflag:s15], $0x1400  }
0x24a: {  	[sflag:s15] =	ssyncset.done $0x0  }
0x24b: {  	s3 =	sadd.s32 $0x28, s18;
	[sflag:s15] =	ssyncadd.s32 $0xFFFFEC00  }
0x24c: {  	[spmem:s16] =	stream.indirect.scatter.add.f32 [tilespmem:s4], [sflag:$0x8], $0x1, s3, s19, $0xb8;
	[tilespmem:$0x1FD10] =	vst v63  }
0x24d: {  	s6 =	simm.s32 $0x6220;
	s3 =	sadd.s32 $0x2738, s18  }
0x24e: {  	[spmem:s20] =	stream.indirect.scatter.add.f32 [tilespmem:s6], [sflag:$0x12], $0x80, s3, s19, $0xb8;
	[tilespmem:$0x1FD10] =	vst v63  }
0x24f: {  	_ =	swait.ge [sflag:s17], $0x28  }
0x250: {  	[sflag:s17] =	ssyncset.done $0x0  }
0x251: {  	[sflag:s17] =	ssyncadd.s32 $0xFFFFFFD8  }
0x252: {  	_ =	swait.ge [sflag:s2], $0x1400  }
0x253: {  	[sflag:s2] =	ssyncset.done $0x0  }
0x254: {  	s3 =	sadd.s32 $0x2800, s18;
	[sflag:s2] =	ssyncadd.s32 $0xFFFFEC00  }
0x255: {  	[tilespmem:s4], [sflag:$0x3] =	stream.indirect.gather [spmem:s21], $0x1, s3, s19, $0xb8;
	[tilespmem:$0x1FD10] =	vst v63  }
0x256: {  	s3 =	sadd.s32 $0xF0, s18  }
0x257: {  	[tilespmem:s6], [sflag:$0xD] =	stream.indirect.gather [hbm4b:s5+s19], $0x80, s3, s19, $0xb8;
	[tilespmem:$0x1FD10] =	vst v63  }
0x258: {  	_ =	swait.ge [sflag:s26], $0x28  }
0x259: {  	[sflag:s26] =	ssyncset.done $0x0  }
0x25a: {  	[sflag:s26] =	ssyncadd.s32 $0xFFFFFFD8  }
0x25b: {  	_ =	swait.ge [sflag:s28], $0x1400  }
0x25c: {  	[sflag:s28] =	ssyncset.done $0x0  }
0x25d: {  	s11 =	simm.s32 $0xB270;
	s3 =	sadd.s32 $0x50, s18;
	[sflag:s28] =	ssyncadd.s32 $0xFFFFEC00  }
0x25e: {  	[spmem:s16] =	stream.indirect.scatter.add.f32 [tilespmem:s11], [sflag:$0x9], $0x1, s3, s19, $0xb8;
	[tilespmem:$0x1FD10] =	vst v63  }
0x25f: {  	s6 =	simm.s32 $0x7620;
	s3 =	sadd.s32 $0x2760, s18  }
0x260: {  	[spmem:s20] =	stream.indirect.scatter.add.f32 [tilespmem:s6], [sflag:$0x13], $0x80, s3, s19, $0xb8;
	[tilespmem:$0x1FD10] =	vst v63  }
0x261: {  	_ =	swait.ge [sflag:s30], $0x28  }
0x262: {  	[sflag:s30] =	ssyncset.done $0x0  }
0x263: {  	[sflag:s30] =	ssyncadd.s32 $0xFFFFFFD8  }
0x264: {  	_ =	swait.ge [sflag:s29], $0x1400  }
0x265: {  	[sflag:s29] =	ssyncset.done $0x0  }
0x266: {  	s3 =	sadd.s32 $0x2828, s18;
	[sflag:s29] =	ssyncadd.s32 $0xFFFFEC00  }
0x267: {  	[tilespmem:s11], [sflag:$0x4] =	stream.indirect.gather [spmem:s21], $0x1, s3, s19, $0xb8;
	[tilespmem:$0x1FD10] =	vst v63  }
0x268: {  	s3 =	sadd.s32 $0x118, s18  }
0x269: {  	[tilespmem:s6], [sflag:$0xE] =	stream.indirect.gather [hbm4b:s5+s19], $0x80, s3, s19, $0xb8;
	[tilespmem:$0x1FD10] =	vst v63  }
0x26a: {  	_ =	swait.ge [sflag:s22], $0x28  }
0x26b: {  	[sflag:s22] =	ssyncset.done $0x0  }
0x26c: {  	[sflag:s22] =	ssyncadd.s32 $0xFFFFFFD8  }
0x26d: {  	_ =	swait.ge [sflag:s0], $0x1400  }
0x26e: {  	[sflag:s0] =	ssyncset.done $0x0  }
0x26f: {  	s3 =	sadd.s32 $0x78, s18;
	[sflag:s0] =	ssyncadd.s32 $0xFFFFEC00  }
0x270: {  	[spmem:s16] =	stream.indirect.scatter.add.f32 [tilespmem:s12], [sflag:$0xA], $0x1, s3, s19, $0xb8;
	[tilespmem:$0x1FD10] =	vst v63  }
0x271: {  	s6 =	simm.s32 $0x8A20;
	s3 =	sadd.s32 $0x2788, s18  }
0x272: {  	[spmem:s20] =	stream.indirect.scatter.add.f32 [tilespmem:s6], [sflag:$0x14], $0x80, s3, s19, $0xb8;
	[tilespmem:$0x1FD10] =	vst v63  }
0x273: {  	_ =	swait.ge [sflag:s25], $0x28  }
0x274: {  	[sflag:s25] =	ssyncset.done $0x0  }
0x275: {  	[sflag:s25] =	ssyncadd.s32 $0xFFFFFFD8  }
0x276: {  	_ =	swait.ge [sflag:s9], $0x1400  }
0x277: {  	[sflag:s9] =	ssyncset.done $0x0  }
0x278: {  	s11 =	simm.s32 $0xB298;
	s3 =	sadd.s32 $0x2850, s18;
	[sflag:s9] =	ssyncadd.s32 $0xFFFFEC00  }
0x279: {  	[tilespmem:s12], [sflag:$0x5] =	stream.indirect.gather [spmem:s21], $0x1, s3, s19, $0xb8;
	[tilespmem:$0x1FD10] =	vst v63  }
0x27a: {  	s3 =	sadd.s32 $0x140, s18  }
0x27b: {  	[tilespmem:s6], [sflag:$0xF] =	stream.indirect.gather [hbm4b:s5+s19], $0x80, s3, s19, $0xb8;
	[tilespmem:$0x1FD10] =	vst v63  }
0x27c: {  	_ =	swait.ge [sflag:s7], $0x28  }
0x27d: {  	[sflag:s7] =	ssyncset.done $0x0  }
0x27e: {  	[sflag:s7] =	ssyncadd.s32 $0xFFFFFFD8  }
0x27f: {  	_ =	swait.ge [sflag:s23], $0x1400  }
0x280: {  	[sflag:s23] =	ssyncset.done $0x0  }
0x281: {  	s3 =	sadd.s32 $0xA0, s18;
	s6 =	simm.s32 $0xB2C0;
	[sflag:s23] =	ssyncadd.s32 $0xFFFFEC00  }
0x282: {  	[spmem:s16] =	stream.indirect.scatter.add.f32 [tilespmem:s6], [sflag:$0xB], $0x1, s3, s19, $0xb8;
	[tilespmem:$0x1FD10] =	vst v63  }
0x283: {  	s3 =	sadd.s32 $0x27B0, s18  }
0x284: {  	[spmem:s20] =	stream.indirect.scatter.add.f32 [tilespmem:s24], [sflag:$0x15], $0x80, s3, s19, $0xb8;
	[tilespmem:$0x1FD10] =	vst v63  }
0x285: {  	_ =	swait.ge [sflag:s10], $0x28  }
0x286: {  	[sflag:s10] =	ssyncset.done $0x0  }
0x287: {  	[sflag:s10] =	ssyncadd.s32 $0xFFFFFFD8  }
0x288: {  	_ =	swait.ge [sflag:s8], $0x1400  }
.Ltmp21:
0x289: {  	[sflag:s8] =	ssyncset.done $0x0;
	(pc) =	sbr.rel @p0 .LBB2_44-.Ltmp21, $4  }
0x28a: {  	s3 =	sadd.s32 $0x2878, s18;
	[sflag:s8] =	ssyncadd.s32 $0xFFFFEC00  }
0x28b: {  	[tilespmem:s6], [sflag:$0x6] =	stream.indirect.gather [spmem:s21], $0x1, s3, s19, $0xb8;
	[tilespmem:$0x1FD10] =	vst v63  }
0x28c: {  	s24 =	simm.s32 $0xB2C0;
	s3 =	simm.s32 $0xB220  }
0x28d: {  	s18 =	sadd.s32 $0x168, s18  }
0x28e: {  	s6 =	simm.s32 $0x9E20  }
0x28f: {  	[tilespmem:s6], [sflag:$0x10] =	stream.indirect.gather [hbm4b:s5+s19], $0x80, s18, s19, $0xb8;
	[tilespmem:$0x1FD10] =	vst v63  }
0x290: {  	s18 =	simm.s32 $0x2  }
0x291: {  	_ =	swait.ge [sflag:s18], $0x28  }
0x292: {  	[sflag:s18] =	ssyncset.done $0x0  }
0x293: {  	s31 =	simm.s32 $0xC;
	[sflag:s18] =	ssyncadd.s32 $0xFFFFFFD8  }
0x294: {  	_ =	swait.ge [sflag:s31], $0x1400  }
0x295: {  	[sflag:s31] =	ssyncset.done $0x0  }
0x296: {  	s18 =	simm.s32 $0x2648;
	[sflag:s31] =	ssyncadd.s32 $0xFFFFEC00  }
0x297: {  	[spmem:s16] =	stream.indirect.scatter.add.f32 [tilespmem:s3], [sflag:$0x7], $0x1, s18, s19, $0xb8;
	[tilespmem:$0x1FD10] =	vst v63  }
0x298: {  	s5 =	simm.s32 $0x4E20;
	s31 =	simm.s32 $0x4D58;
	s18 =	simm.s32 $0x7  }
0x299: {  	[spmem:s20] =	stream.indirect.scatter.add.f32 [tilespmem:s5], [sflag:$0x11], $0x80, s31, s19, $0xb8;
	[tilespmem:$0x1FD10] =	vst v63  }
0x29a: {  	_ =	swait.ge [sflag:s18], $0x28  }
0x29b: {  	[sflag:s18] =	ssyncset.done $0x0  }
0x29c: {  	[sflag:s18] =	ssyncadd.s32 $0xFFFFFFD8  }
0x29d: {  	_ =	swait.ge [sflag:s14], $0x1400  }
0x29e: {  	[sflag:s14] =	ssyncset.done $0x0  }
0x29f: {  	[sflag:s14] =	ssyncadd.s32 $0xFFFFEC00  }
0x2a0: {  	_ =	swait.ge [sflag:s1], $0x28  }
0x2a1: {  	[sflag:s1] =	ssyncset.done $0x0  }
0x2a2: {  	[sflag:s1] =	ssyncadd.s32 $0xFFFFFFD8  }
0x2a3: {  	_ =	swait.ge [sflag:s15], $0x1400  }
0x2a4: {  	[sflag:s15] =	ssyncset.done $0x0  }
0x2a5: {  	s31 =	simm.s32 $0x2670;
	[sflag:s15] =	ssyncadd.s32 $0xFFFFEC00  }
0x2a6: {  	[spmem:s16] =	stream.indirect.scatter.add.f32 [tilespmem:s4], [sflag:$0x8], $0x1, s31, s19, $0xb8;
	[tilespmem:$0x1FD10] =	vst v63  }
0x2a7: {  	s3 =	simm.s32 $0x4D80;
	s4 =	simm.s32 $0x6220  }
0x2a8: {  	[spmem:s20] =	stream.indirect.scatter.add.f32 [tilespmem:s4], [sflag:$0x12], $0x80, s3, s19, $0xb8;
	[tilespmem:$0x1FD10] =	vst v63  }
0x2a9: {  	_ =	swait.ge [sflag:s17], $0x28  }
0x2aa: {  	[sflag:s17] =	ssyncset.done $0x0  }
0x2ab: {  	[sflag:s17] =	ssyncadd.s32 $0xFFFFFFD8  }
0x2ac: {  	_ =	swait.ge [sflag:s2], $0x1400  }
0x2ad: {  	[sflag:s2] =	ssyncset.done $0x0  }
0x2ae: {  	[sflag:s2] =	ssyncadd.s32 $0xFFFFEC00  }
0x2af: {  	_ =	swait.ge [sflag:s26], $0x28  }
0x2b0: {  	[sflag:s26] =	ssyncset.done $0x0  }
0x2b1: {  	[sflag:s26] =	ssyncadd.s32 $0xFFFFFFD8  }
0x2b2: {  	_ =	swait.ge [sflag:s28], $0x1400  }
0x2b3: {  	[sflag:s28] =	ssyncset.done $0x0  }
0x2b4: {  	s18 =	simm.s32 $0x2698;
	[sflag:s28] =	ssyncadd.s32 $0xFFFFEC00  }
0x2b5: {  	[spmem:s16] =	stream.indirect.scatter.add.f32 [tilespmem:s13], [sflag:$0x9], $0x1, s18, s19, $0xb8;
	[tilespmem:$0x1FD10] =	vst v63  }
0x2b6: {  	s31 =	simm.s32 $0x4DA8;
	s2 =	simm.s32 $0x7620  }
0x2b7: {  	[spmem:s20] =	stream.indirect.scatter.add.f32 [tilespmem:s2], [sflag:$0x13], $0x80, s31, s19, $0xb8;
	[tilespmem:$0x1FD10] =	vst v63  }
0x2b8: {  	_ =	swait.ge [sflag:s30], $0x28  }
0x2b9: {  	[sflag:s30] =	ssyncset.done $0x0  }
0x2ba: {  	[sflag:s30] =	ssyncadd.s32 $0xFFFFFFD8  }
0x2bb: {  	_ =	swait.ge [sflag:s29], $0x1400  }
0x2bc: {  	[sflag:s29] =	ssyncset.done $0x0  }
0x2bd: {  	[sflag:s29] =	ssyncadd.s32 $0xFFFFEC00  }
0x2be: {  	_ =	swait.ge [sflag:s22], $0x28  }
0x2bf: {  	[sflag:s22] =	ssyncset.done $0x0  }
0x2c0: {  	[sflag:s22] =	ssyncadd.s32 $0xFFFFFFD8  }
0x2c1: {  	_ =	swait.ge [sflag:s0], $0x1400  }
0x2c2: {  	[sflag:s0] =	ssyncset.done $0x0  }
0x2c3: {  	s3 =	simm.s32 $0x26C0;
	[sflag:s0] =	ssyncadd.s32 $0xFFFFEC00  }
0x2c4: {  	[spmem:s16] =	stream.indirect.scatter.add.f32 [tilespmem:s11], [sflag:$0xA], $0x1, s3, s19, $0xb8;
	[tilespmem:$0x1FD10] =	vst v63  }
0x2c5: {  	s1 =	simm.s32 $0x8A20;
	s11 =	simm.s32 $0x4DD0  }
0x2c6: {  	[spmem:s20] =	stream.indirect.scatter.add.f32 [tilespmem:s1], [sflag:$0x14], $0x80, s11, s19, $0xb8;
	[tilespmem:$0x1FD10] =	vst v63  }
0x2c7: {  	_ =	swait.ge [sflag:s25], $0x28  }
0x2c8: {  	[sflag:s25] =	ssyncset.done $0x0  }
0x2c9: {  	[sflag:s25] =	ssyncadd.s32 $0xFFFFFFD8  }
0x2ca: {  	_ =	swait.ge [sflag:s9], $0x1400  }
0x2cb: {  	[sflag:s9] =	ssyncset.done $0x0  }
0x2cc: {  	[sflag:s9] =	ssyncadd.s32 $0xFFFFEC00  }
0x2cd: {  	_ =	swait.ge [sflag:s7], $0x28  }
0x2ce: {  	[sflag:s7] =	ssyncset.done $0x0  }
0x2cf: {  	[sflag:s7] =	ssyncadd.s32 $0xFFFFFFD8  }
0x2d0: {  	_ =	swait.ge [sflag:s23], $0x1400  }
0x2d1: {  	[sflag:s23] =	ssyncset.done $0x0  }
0x2d2: {  	s18 =	simm.s32 $0x26E8;
	[sflag:s23] =	ssyncadd.s32 $0xFFFFEC00  }
0x2d3: {  	[spmem:s16] =	stream.indirect.scatter.add.f32 [tilespmem:s24], [sflag:$0xB], $0x1, s18, s19, $0xb8;
	[tilespmem:$0x1FD10] =	vst v63  }
0x2d4: {  	s31 =	simm.s32 $0x4DF8  }
0x2d5: {  	[spmem:s20] =	stream.indirect.scatter.add.f32 [tilespmem:s6], [sflag:$0x15], $0x80, s31, s19, $0xb8;
	[tilespmem:$0x1FD10] =	vst v63  }
0x2d6: {  	_ =	swait.ge [sflag:s10], $0x28  }
0x2d7: {  	[sflag:s10] =	ssyncset.done $0x0  }
0x2d8: {  	[sflag:s10] =	ssyncadd.s32 $0xFFFFFFD8  }
0x2d9: {  	_ =	swait.ge [sflag:s8], $0x1400  }
0x2da: {  	[sflag:s8] =	ssyncset.done $0x0  }
0x2db: {  	[sflag:s8] =	ssyncadd.s32 $0xFFFFEC00  }
0x2dc: {  	[bflag:$0x0] =	sbarrier.arrive $0xFFFF  }
0x2dd: {  	s0 =	sld [smem:$0x7F7];
	_ =	sdelay $0x1  }
0x2de: {  	s7 =	simm.s32 $0xB310;
	s31 =	simm.s32 $0x16  }
0x2df: {  	[tilespmem:s7], [sflag:$0x16] =	stream.linear.gather [spmem:s0], $0x280, $0x38;
	[tilespmem:$0x1FD10] =	vst v63  }
0x2e0: {  	_ =	swait.ge [sflag:s31], $0x280  }
0x2e1: {  	s8 =	sld [smem:$0x7FB]  }
0x2e2: {  	[sflag:s31] =	ssyncset.done $0x0  }
0x2e3: {  	s3 =	simm.s32 $0x0;
	[sflag:s31] =	ssyncadd.s32 $0xFFFFFD80  }
0x2e4: {  	[hbm4b:s8+s3] =	stream.linear.scatter [tilespmem:s7], [sflag:$0x16], $0x280, $0x38;
	[tilespmem:$0x1FD10] =	vst v63  }
0x2e5: {  	_ =	swait.ge [sflag:s31], $0x280  }
0x2e6: {  	[sflag:s31] =	ssyncset.done $0x0  }
0x2e7: {  	s9 =	rddreg [dreg:$0x19];
	[sflag:s31] =	ssyncadd.s32 $0xFFFFFD80  }
0x2e8: {  	[tilespmem:s5], [sflag:$0x16] =	stream.linear.gather [spmem:s9], $0x1400, $0x38;
	[tilespmem:$0x1FD10] =	vst v63  }
0x2e9: {  	_ =	swait.ge [sflag:s31], $0x1400  }
0x2ea: {  	[sflag:s31] =	ssyncset.done $0x0  }
0x2eb: {  	s10 =	rddreg [dreg:$0x9];
	[sflag:s31] =	ssyncadd.s32 $0xFFFFEC00  }
0x2ec: {  	[hbm4b:s10+s3] =	stream.linear.scatter [tilespmem:s5], [sflag:$0x16], $0x1400, $0x38;
	[tilespmem:$0x1FD10] =	vst v63  }
0x2ed: {  	_ =	swait.ge [sflag:s31], $0x1400  }
0x2ee: {  	[sflag:s31] =	ssyncset.done $0x0  }
0x2ef: {  	s11 =	rddreg [dreg:$0x1a];
	[sflag:s31] =	ssyncadd.s32 $0xFFFFEC00  }
0x2f0: {  	[tilespmem:s4], [sflag:$0x16] =	stream.linear.gather [spmem:s11], $0x1400, $0x38;
	[tilespmem:$0x1FD10] =	vst v63  }
0x2f1: {  	_ =	swait.ge [sflag:s31], $0x1400  }
0x2f2: {  	[sflag:s31] =	ssyncset.done $0x0  }
0x2f3: {  	s24 =	rddreg [dreg:$0xa];
	[sflag:s31] =	ssyncadd.s32 $0xFFFFEC00  }
0x2f4: {  	[hbm4b:s24+s3] =	stream.linear.scatter [tilespmem:s4], [sflag:$0x16], $0x1400, $0x38;
	[tilespmem:$0x1FD10] =	vst v63  }
0x2f5: {  	_ =	swait.ge [sflag:s31], $0x1400  }
0x2f6: {  	[sflag:s31] =	ssyncset.done $0x0  }
0x2f7: {  	s0 =	rddreg [dreg:$0x1b];
	[sflag:s31] =	ssyncadd.s32 $0xFFFFEC00  }
0x2f8: {  	[tilespmem:s2], [sflag:$0x16] =	stream.linear.gather [spmem:s0], $0x1400, $0x38;
	[tilespmem:$0x1FD10] =	vst v63  }
0x2f9: {  	_ =	swait.ge [sflag:s31], $0x1400  }
0x2fa: {  	[sflag:s31] =	ssyncset.done $0x0  }
0x2fb: {  	s7 =	rddreg [dreg:$0xb];
	[sflag:s31] =	ssyncadd.s32 $0xFFFFEC00  }
0x2fc: {  	[hbm4b:s7+s3] =	stream.linear.scatter [tilespmem:s2], [sflag:$0x16], $0x1400, $0x38;
	[tilespmem:$0x1FD10] =	vst v63  }
0x2fd: {  	_ =	swait.ge [sflag:s31], $0x1400  }
0x2fe: {  	[sflag:s31] =	ssyncset.done $0x0  }
0x2ff: {  	s8 =	rddreg [dreg:$0x1c];
	[sflag:s31] =	ssyncadd.s32 $0xFFFFEC00  }
0x300: {  	[tilespmem:s1], [sflag:$0x16] =	stream.linear.gather [spmem:s8], $0x1400, $0x38;
	[tilespmem:$0x1FD10] =	vst v63  }
0x301: {  	_ =	swait.ge [sflag:s31], $0x1400  }
0x302: {  	[sflag:s31] =	ssyncset.done $0x0  }
0x303: {  	s9 =	rddreg [dreg:$0xc];
	[sflag:s31] =	ssyncadd.s32 $0xFFFFEC00  }
0x304: {  	[hbm4b:s9+s3] =	stream.linear.scatter [tilespmem:s1], [sflag:$0x16], $0x1400, $0x38;
	[tilespmem:$0x1FD10] =	vst v63  }
0x305: {  	_ =	swait.ge [sflag:s31], $0x1400  }
0x306: {  	[sflag:s31] =	ssyncset.done $0x0  }
0x307: {  	s10 =	rddreg [dreg:$0x1d];
	[sflag:s31] =	ssyncadd.s32 $0xFFFFEC00  }
0x308: {  	[tilespmem:s6], [sflag:$0x16] =	stream.linear.gather [spmem:s10], $0x1400, $0x38;
	[tilespmem:$0x1FD10] =	vst v63  }
0x309: {  	_ =	swait.ge [sflag:s31], $0x1400  }
0x30a: {  	[sflag:s31] =	ssyncset.done $0x0  }
0x30b: {  	s11 =	rddreg [dreg:$0xd];
	[sflag:s31] =	ssyncadd.s32 $0xFFFFEC00  }
0x30c: {  	[hbm4b:s11+s3] =	stream.linear.scatter [tilespmem:s6], [sflag:$0x16], $0x1400, $0x38;
	[tilespmem:$0x1FD10] =	vst v63  }
0x30d: {  	_ =	swait.ge [sflag:s31], $0x1400  }
0x30e: {  	[sflag:s31] =	ssyncset.done $0x0  }
0x30f: {  	s24 =	rddreg [dreg:$0x1e];
	[sflag:s31] =	ssyncadd.s32 $0xFFFFEC00  }
0x310: {  	[tilespmem:s5], [sflag:$0x16] =	stream.linear.gather [spmem:s24], $0x1400, $0x38;
	[tilespmem:$0x1FD10] =	vst v63  }
0x311: {  	_ =	swait.ge [sflag:s31], $0x1400  }
0x312: {  	[sflag:s31] =	ssyncset.done $0x0  }
0x313: {  	s0 =	rddreg [dreg:$0xe];
	[sflag:s31] =	ssyncadd.s32 $0xFFFFEC00  }
0x314: {  	[hbm4b:s0+s3] =	stream.linear.scatter [tilespmem:s5], [sflag:$0x16], $0x1400, $0x38;
	[tilespmem:$0x1FD10] =	vst v63  }
0x315: {  	_ =	swait.ge [sflag:s31], $0x1400  }
0x316: {  	[sflag:s31] =	ssyncset.done $0x0  }
0x317: {  	s7 =	rddreg [dreg:$0x1f];
	[sflag:s31] =	ssyncadd.s32 $0xFFFFEC00  }
0x318: {  	[tilespmem:s4], [sflag:$0x16] =	stream.linear.gather [spmem:s7], $0x1400, $0x38;
	[tilespmem:$0x1FD10] =	vst v63  }
0x319: {  	_ =	swait.ge [sflag:s31], $0x1400  }
0x31a: {  	[sflag:s31] =	ssyncset.done $0x0  }
0x31b: {  	s8 =	rddreg [dreg:$0xf];
	[sflag:s31] =	ssyncadd.s32 $0xFFFFEC00  }
0x31c: {  	[hbm4b:s8+s3] =	stream.linear.scatter [tilespmem:s4], [sflag:$0x16], $0x1400, $0x38;
	[tilespmem:$0x1FD10] =	vst v63  }
0x31d: {  	_ =	swait.ge [sflag:s31], $0x1400  }
0x31e: {  	s9 =	sld [smem:$0x7ED]  }
0x31f: {  	[sflag:s31] =	ssyncset.done $0x0  }
0x320: {  	[sflag:s31] =	ssyncadd.s32 $0xFFFFEC00  }
0x321: {  	[tilespmem:s2], [sflag:$0x16] =	stream.linear.gather [spmem:s9], $0x1400, $0x38;
	[tilespmem:$0x1FD10] =	vst v63  }
0x322: {  	_ =	swait.ge [sflag:s31], $0x1400  }
0x323: {  	[sflag:s31] =	ssyncset.done $0x0  }
0x324: {  	s10 =	rddreg [dreg:$0x10];
	[sflag:s31] =	ssyncadd.s32 $0xFFFFEC00  }
0x325: {  	[hbm4b:s10+s3] =	stream.linear.scatter [tilespmem:s2], [sflag:$0x16], $0x1400, $0x38;
	[tilespmem:$0x1FD10] =	vst v63  }
0x326: {  	_ =	swait.ge [sflag:s31], $0x1400  }
0x327: {  	s11 =	sld [smem:$0x7EE]  }
0x328: {  	[sflag:s31] =	ssyncset.done $0x0  }
0x329: {  	[sflag:s31] =	ssyncadd.s32 $0xFFFFEC00  }
0x32a: {  	[tilespmem:s1], [sflag:$0x16] =	stream.linear.gather [spmem:s11], $0x1400, $0x38;
	[tilespmem:$0x1FD10] =	vst v63  }
0x32b: {  	_ =	swait.ge [sflag:s31], $0x1400  }
0x32c: {  	[sflag:s31] =	ssyncset.done $0x0  }
0x32d: {  	s24 =	rddreg [dreg:$0x11];
	[sflag:s31] =	ssyncadd.s32 $0xFFFFEC00  }
0x32e: {  	[hbm4b:s24+s3] =	stream.linear.scatter [tilespmem:s1], [sflag:$0x16], $0x1400, $0x38;
	[tilespmem:$0x1FD10] =	vst v63  }
0x32f: {  	_ =	swait.ge [sflag:s31], $0x1400  }
0x330: {  	s0 =	sld [smem:$0x7EF]  }
0x331: {  	[sflag:s31] =	ssyncset.done $0x0  }
0x332: {  	[sflag:s31] =	ssyncadd.s32 $0xFFFFEC00  }
0x333: {  	[tilespmem:s6], [sflag:$0x16] =	stream.linear.gather [spmem:s0], $0x1400, $0x38;
	[tilespmem:$0x1FD10] =	vst v63  }
0x334: {  	_ =	swait.ge [sflag:s31], $0x1400  }
0x335: {  	[sflag:s31] =	ssyncset.done $0x0  }
0x336: {  	s7 =	rddreg [dreg:$0x12];
	[sflag:s31] =	ssyncadd.s32 $0xFFFFEC00  }
0x337: {  	[hbm4b:s7+s3] =	stream.linear.scatter [tilespmem:s6], [sflag:$0x16], $0x1400, $0x38;
	[tilespmem:$0x1FD10] =	vst v63  }
0x338: {  	_ =	swait.ge [sflag:s31], $0x1400  }
0x339: {  	s8 =	sld [smem:$0x7F0]  }
0x33a: {  	[sflag:s31] =	ssyncset.done $0x0  }
0x33b: {  	[sflag:s31] =	ssyncadd.s32 $0xFFFFEC00  }
0x33c: {  	[tilespmem:s5], [sflag:$0x16] =	stream.linear.gather [spmem:s8], $0x1400, $0x38;
	[tilespmem:$0x1FD10] =	vst v63  }
0x33d: {  	_ =	swait.ge [sflag:s31], $0x1400  }
0x33e: {  	[sflag:s31] =	ssyncset.done $0x0  }
0x33f: {  	s9 =	rddreg [dreg:$0x13];
	[sflag:s31] =	ssyncadd.s32 $0xFFFFEC00  }
0x340: {  	[hbm4b:s9+s3] =	stream.linear.scatter [tilespmem:s5], [sflag:$0x16], $0x1400, $0x38;
	[tilespmem:$0x1FD10] =	vst v63  }
0x341: {  	_ =	swait.ge [sflag:s31], $0x1400  }
0x342: {  	s10 =	sld [smem:$0x7F1]  }
0x343: {  	[sflag:s31] =	ssyncset.done $0x0  }
0x344: {  	[sflag:s31] =	ssyncadd.s32 $0xFFFFEC00  }
0x345: {  	[tilespmem:s4], [sflag:$0x16] =	stream.linear.gather [spmem:s10], $0x1400, $0x38;
	[tilespmem:$0x1FD10] =	vst v63  }
0x346: {  	_ =	swait.ge [sflag:s31], $0x1400  }
0x347: {  	[sflag:s31] =	ssyncset.done $0x0  }
0x348: {  	s11 =	rddreg [dreg:$0x14];
	[sflag:s31] =	ssyncadd.s32 $0xFFFFEC00  }
0x349: {  	[hbm4b:s11+s3] =	stream.linear.scatter [tilespmem:s4], [sflag:$0x16], $0x1400, $0x38;
	[tilespmem:$0x1FD10] =	vst v63  }
0x34a: {  	_ =	swait.ge [sflag:s31], $0x1400  }
0x34b: {  	s24 =	sld [smem:$0x7F2]  }
0x34c: {  	[sflag:s31] =	ssyncset.done $0x0  }
0x34d: {  	[sflag:s31] =	ssyncadd.s32 $0xFFFFEC00  }
0x34e: {  	[tilespmem:s2], [sflag:$0x16] =	stream.linear.gather [spmem:s24], $0x1400, $0x38;
	[tilespmem:$0x1FD10] =	vst v63  }
0x34f: {  	_ =	swait.ge [sflag:s31], $0x1400  }
0x350: {  	[sflag:s31] =	ssyncset.done $0x0  }
0x351: {  	s0 =	rddreg [dreg:$0x15];
	[sflag:s31] =	ssyncadd.s32 $0xFFFFEC00  }
0x352: {  	[hbm4b:s0+s3] =	stream.linear.scatter [tilespmem:s2], [sflag:$0x16], $0x1400, $0x38;
	[tilespmem:$0x1FD10] =	vst v63  }
0x353: {  	_ =	swait.ge [sflag:s31], $0x1400  }
0x354: {  	s4 =	sld [smem:$0x7F3]  }
0x355: {  	[sflag:s31] =	ssyncset.done $0x0  }
0x356: {  	[sflag:s31] =	ssyncadd.s32 $0xFFFFEC00  }
0x357: {  	[tilespmem:s1], [sflag:$0x16] =	stream.linear.gather [spmem:s4], $0x1400, $0x38;
	[tilespmem:$0x1FD10] =	vst v63  }
0x358: {  	_ =	swait.ge [sflag:s31], $0x1400  }
0x359: {  	[sflag:s31] =	ssyncset.done $0x0  }
0x35a: {  	s7 =	rddreg [dreg:$0x16];
	[sflag:s31] =	ssyncadd.s32 $0xFFFFEC00  }
0x35b: {  	[hbm4b:s7+s3] =	stream.linear.scatter [tilespmem:s1], [sflag:$0x16], $0x1400, $0x38;
	[tilespmem:$0x1FD10] =	vst v63  }
0x35c: {  	_ =	swait.ge [sflag:s31], $0x1400  }
0x35d: {  	s8 =	sld [smem:$0x7F4]  }
0x35e: {  	[sflag:s31] =	ssyncset.done $0x0  }
0x35f: {  	[sflag:s31] =	ssyncadd.s32 $0xFFFFEC00  }
0x360: {  	[tilespmem:s6], [sflag:$0x16] =	stream.linear.gather [spmem:s8], $0x1400, $0x38;
	[tilespmem:$0x1FD10] =	vst v63  }
0x361: {  	_ =	swait.ge [sflag:s31], $0x1400  }
0x362: {  	[sflag:s31] =	ssyncset.done $0x0  }
0x363: {  	s9 =	rddreg [dreg:$0x17];
	[sflag:s31] =	ssyncadd.s32 $0xFFFFEC00  }
0x364: {  	[hbm4b:s9+s3] =	stream.linear.scatter [tilespmem:s6], [sflag:$0x16], $0x1400, $0x38;
	[tilespmem:$0x1FD10] =	vst v63  }
0x365: {  	_ =	swait.ge [sflag:s31], $0x1400  }
0x366: {  	s10 =	sld [smem:$0x7F5]  }
0x367: {  	[sflag:s31] =	ssyncset.done $0x0  }
0x368: {  	[sflag:s31] =	ssyncadd.s32 $0xFFFFEC00  }
0x369: {  	[tilespmem:s5], [sflag:$0x16] =	stream.linear.gather [spmem:s10], $0x1400, $0x38;
	[tilespmem:$0x1FD10] =	vst v63  }
0x36a: {  	_ =	swait.ge [sflag:s31], $0x1400  }
0x36b: {  	[sflag:s31] =	ssyncset.done $0x0  }
0x36c: {  	s11 =	rddreg [dreg:$0x18];
	[sflag:s31] =	ssyncadd.s32 $0xFFFFEC00  }
0x36d: {  	[hbm4b:s11+s3] =	stream.linear.scatter [tilespmem:s5], [sflag:$0x16], $0x1400, $0x38;
	[tilespmem:$0x1FD10] =	vst v63  }
0x36e: {  	_ =	swait.ge [sflag:s31], $0x1400  }
0x36f: {  	s18 =	sld [smem:$0x7EC]  }
0x370: {  	s24 =	sld [smem:$0x7FC];
	_ =	sdelay $0x1  }
0x371: {  	s0 =	sadd.s32 $0x1, s18  }
0x372: {  	p0 =	sne.s32 s0, s24  }
.Ltmp22:
0x373: {  	_ = 	snop;
	(pc) =	sbr.rel @p0 .LBB2_1-.Ltmp22, $3  }
0x374: {  	_ =	sdelay $0x1  }
0x375: {  	[sflag:s31] =	ssyncset.done $0x0  }
0x376: {  	s1 =	simm.s32 $0x1;
	[sflag:s31] =	ssyncadd.s32 $0xFFFFEC00  }
0x377: {  	_ =	sfence.sel $0x180000  }
0x378: {  	[bflag:$0x0] =	sbarrier.arrive $0xFFFF  }
0x379: {  	_ =	strace $0x90000047  }
0x37a: {  	s0 =	stileid.u32;
	[bflag:$0x2] =	sbarrier.arrive $0xFFFF  }
0x37b: {  	p0 =	sne.s32 s0, $0x0;
	s0 =	rddreg [dreg:$0x6]  }
0x37c: {  	s0 =	sadd.s32 @!p0 $0x100000, s0  }
0x37d: {  	[sflag:s0] =	ssyncadd.tile.s32 @!p0 $0x1;
	_ =	shalt  }
.Lfunc_end2:
_tile_overlayer_lowered:
.L_overlay_start_2:
0x37e: {  	(tag) =	ssettag $0x2  }
0x37f: {  	s0 =	rddreg [dreg:$0x0];
	s2 =	stileid.u32  }
0x380: {  	s1 =	rddreg [dreg:$0x1];
	p0 =	sne.s32 s2, $0x0  }
0x381: {  	s3 =	rddreg [dreg:$0x2];
	[bflag:$0x3] =	sbarrier.arrive $0xFFFF;
	s2 =	simm.s32 @!p0 $0x1C16  }
0x382: {  	[timem:s3], [sflag:s2] =	dma.local @!p0 [hbm:s0], s1  }
0x383: {  	s0 =	simm.s32 @!p0 $0x16  }
0x384: {  	_ =	swait.ge @!p0 [sflag:s0], s1  }
0x385: {  	s1 =	ssub.s32 @!p0 $0x0, s1;
	[sflag:s0] =	ssyncset.done @!p0 $0x0  }
0x386: {  	[sflag:s0] =	ssyncadd.s32 @!p0 s1  }
0x387: {  	[bflag:$0x3] =	sbarrier.arrive $0xFFFF  }
0x388: {  	_ =	shalt  }

</sc_bundles>
